<compile_context>
chip_gen: v7x
topology: tpu7x:2x2x1
jax: 0.10.2.dev20260603
libtpu: 0.0.44.dev20260713+nightly
codegen_flags: <defaults>
</compile_context>

<pallas_src>
import functools

import jax
import jax.numpy as jnp
from jax import lax
from jax.experimental import pallas as pl
from jax.experimental.pallas import tpu as pltpu, tpu_sc as plsc

_NW = 32
_CH = 128
_NB = 4


def _vgather16(x, idx):
    dn = lax.GatherDimensionNumbers(
        offset_dims=(), collapsed_slice_dims=(0,), start_index_map=(0,))
    return lax.gather(x, idx[:, None], dn, (1,),
                      mode=lax.GatherScatterMode.PROMISE_IN_BOUNDS)


def _sc_body(t_total, z2, gt, out, idx_v, data_v, gate_v, gsem, osem):
    nc = 2
    wid = lax.axis_index("s") * nc + lax.axis_index("c")
    rows_per_w = (t_total * 4 * 8) // _NW
    units_per_w = rows_per_w // 64
    u0 = wid * units_per_w
    m = u0 // (t_total // 8)
    ts = (u0 % (t_total // 8)) * 8
    pltpu.sync_copy(gt.at[m, :, pl.ds(ts, units_per_w * 8)], gate_v)
    it16 = lax.broadcasted_iota(jnp.int32, (16,), 0)
    pat_lo = lax.bitwise_and(it16, 7)
    pat_hi = pat_lo + 8
    jpat = lax.shift_right_logical(it16, 3) * 8
    niter = rows_per_w // _CH

    def fire_gather(i):
        buf = i % _NB
        toff = i * 16
        best = gate_v[0, pl.ds(toff, 16)]
        besti = jnp.zeros((16,), jnp.int32)
        for ee in range(1, 8):
            ge = gate_v[ee, pl.ds(toff, 16)]
            gtr = ge > best
            besti = jnp.where(gtr, ee, besti)
            best = jnp.where(gtr, ge, best)
        v16 = m * (t_total * 64) + (ts + toff + it16) * 64 + besti
        dup_lo = _vgather16(v16, pat_lo)
        dup_hi = _vgather16(v16, pat_hi)
        for k in range(8):
            vdup = dup_lo if k < 4 else dup_hi
            idx_v[buf, pl.ds(16 * k, 16)] = vdup + (16 * (k % 4) + jpat)
        pltpu.async_copy(z2.at[idx_v.at[buf]], data_v.at[buf], gsem)

    def wait_gather(i):
        buf = i % _NB
        pltpu.make_async_copy(z2.at[idx_v.at[buf]], data_v.at[buf], gsem).wait()

    def fire_out(i):
        qb = wid * rows_per_w + i * _CH
        pltpu.async_copy(data_v.at[i % _NB], out.at[pl.ds(qb, _CH)], osem)

    def wait_out(i):
        qb = wid * rows_per_w + i * _CH
        pltpu.make_async_copy(data_v.at[i % _NB], out.at[pl.ds(qb, _CH)], osem).wait()

    for p in range(_NB - 1):
        fire_gather(p)
    for i in range(niter):
        if i + _NB - 1 < niter:
            if i >= 1:
                wait_out(i - 1)
            fire_gather(i + _NB - 1)
        wait_gather(i)
        fire_out(i)
    for i in range(max(0, niter - _NB), niter):
        if i >= 1 or niter <= _NB:
            wait_out(i)


def kernel(experts, gate):
    b, t, d, e = experts.shape
    nj = d // 128
    z2 = (experts.transpose(0, 1, 3, 2)
          .reshape(b, t, e, nj, 128)
          .transpose(0, 1, 3, 2, 4)
          .reshape(b * t * nj * e, 128))
    gt = gate.transpose(0, 2, 1)
    mesh = plsc.VectorSubcoreMesh(core_axis_name="c", subcore_axis_name="s")
    run = functools.partial(
        pl.kernel,
        mesh=mesh,
        out_type=jax.ShapeDtypeStruct((b * t * nj, 128), jnp.float32),
        scratch_types=[
            pltpu.VMEM((_NB, _CH), jnp.int32),
            pltpu.VMEM((_NB, _CH, 128), jnp.float32),
            pltpu.VMEM((8, 256), jnp.float32),
            pltpu.SemaphoreType.DMA,
            pltpu.SemaphoreType.DMA,
        ],
    )(functools.partial(_sc_body, t))
    out2 = run(z2, gt)
    return (out2.reshape(b, t // 8, nj, 8, 128)
            .transpose(0, 1, 3, 2, 4)
            .reshape(b, t, d))

# --- scband reference (transcript-rebuilt; emitter-appended) ---
"""Pipeline reference for scband-probabilistic-switch-52046413693048 (READ-ONLY COPY).

The authoritative reference and input builder live on the scoring server;
editing this copy changes nothing except your own understanding.
"""

import jax, jax.numpy as jnp
import numpy as np


def setup_inputs(seed: int = 0) -> dict:
    key = jax.random.key(seed)
    k1, k2 = jax.random.split(key)
    experts = jax.random.normal(k1, (4, 2048, 1024, 8), dtype=jnp.float32)
    gate = jax.random.normal(k2, (4, 2048, 8), dtype=jnp.float32)
    return {"experts": experts, "gate": gate}


def reference(experts, gate):
    # ProbabilisticSwitch: for each (batch m, time t), pick the expert slice
    # experts[m, t, :, argmax(gate[m, t])]. Vectorized via take_along_axis
    # (maps to a SparseCore-friendly gather along the expert axis).
    arg_max = jnp.argmax(gate, axis=-1)  # [B, T] int
    idx = arg_max[..., None, None]       # [B, T, 1, 1]
    out = jnp.take_along_axis(experts, idx, axis=-1)  # [B, T, D, 1]
    return jnp.squeeze(out, axis=-1)     # [B, T, D]

if __name__ == "__main__":
    import jax
    _d = setup_inputs()
    print(jax.jit(kernel)(*tuple(_d.values())))

</pallas_src>

<mosaic_0001>
#map = affine_map<(d0, d1) -> (0, 0)>
#map1 = affine_map<(d0, d1) -> (0, 0, 0)>
module attributes {stable_mosaic.version = 14 : i64} {
  func.func @_sc_body(%arg0: i32, %arg1: i32, %arg2: memref<524288x128xf32, #tpu.memory_space<hbm>>, %arg3: memref<4x8x2048xf32, #tpu.memory_space<hbm>>, %arg4: memref<65536x128xf32, #tpu.memory_space<hbm>>, %arg5: memref<4x128xi32, #tpu.memory_space<vmem>>, %arg6: memref<4x128x128xf32, #tpu.memory_space<vmem>>, %arg7: memref<8x256xf32, #tpu.memory_space<vmem>>, %arg8: memref<!tpu.dma_semaphore, #tpu.memory_space<semaphore_mem>>, %arg9: memref<!tpu.dma_semaphore, #tpu.memory_space<semaphore_mem>>) attributes {dimension_semantics = [#tpu.dimension_semantics<core_parallel>, #tpu.dimension_semantics<subcore_parallel>], iteration_bounds = array<i64: 2, 16>, scalar_prefetch = 0 : i64, scratch_operands = 5 : i64, tpu.core_type = #tpu.core_type<sc_vector_subcore>, window_params = [{transform_indices = #map}, {transform_indices = #map1}, {transform_indices = #map}]} {
    %mul3A = arith.constant 2 : i32
    %mul3A_0 = arith.muli %arg1, %mul3A : i32
    %add3A = arith.addi %mul3A_0, %arg0 : i32
    %mul3A_1 = arith.constant 32 : i32
    %mul3A_2 = arith.muli %add3A, %mul3A_1 : i32
    %jit3A = arith.constant 256 : i32
    %div3A = arith.divsi %mul3A_2, %jit3A : i32
    %sign3A = arith.constant 0 : i32
    %sign3A_3 = arith.cmpi sgt, %mul3A_2, %sign3A : i32
    %sign3A_4 = arith.extui %sign3A_3 : i1 to i32
    %sign3A_5 = arith.constant 0 : i32
    %sign3A_6 = arith.cmpi slt, %mul3A_2, %sign3A_5 : i32
    %sign3A_7 = arith.extui %sign3A_6 : i1 to i32
    %sign3A_8 = arith.subi %sign3A_4, %sign3A_7 : i32
    %sign3A_9 = arith.constant 0 : i32
    %sign3A_10 = arith.cmpi sgt, %jit3A, %sign3A_9 : i32
    %sign3A_11 = arith.extui %sign3A_10 : i1 to i32
    %sign3A_12 = arith.constant 0 : i32
    %sign3A_13 = arith.cmpi slt, %jit3A, %sign3A_12 : i32
    %sign3A_14 = arith.extui %sign3A_13 : i1 to i32
    %sign3A_15 = arith.subi %sign3A_11, %sign3A_14 : i32
    %ne3A = arith.cmpi ne, %sign3A_8, %sign3A_15 : i32
    %rem3A = arith.remsi %mul3A_2, %jit3A : i32
    %ne3A_16 = arith.constant 0 : i32
    %ne3A_17 = arith.cmpi ne, %rem3A, %ne3A_16 : i32
    %and3A = arith.andi %ne3A, %ne3A_17 : i1
    %sub3A = arith.constant 1 : i32
    %sub3A_18 = arith.subi %div3A, %sub3A : i32
    %select_n3A = arith.select %and3A, %sub3A_18, %div3A : i32
    %jit3A_19 = arith.constant 256 : i32
    %eq3A = arith.constant 0 : i32
    %eq3A_20 = arith.cmpi eq, %jit3A_19, %eq3A : i32
    %jit3A_21 = arith.constant 1 : i32
    %select_n3A_22 = arith.select %eq3A_20, %jit3A_21, %jit3A_19 : i32
    %rem3A_23 = arith.remsi %mul3A_2, %select_n3A_22 : i32
    %ne3A_24 = arith.constant 0 : i32
    %ne3A_25 = arith.cmpi ne, %rem3A_23, %ne3A_24 : i32
    %lt3A = arith.constant 0 : i32
    %lt3A_26 = arith.cmpi slt, %rem3A_23, %lt3A : i32
    %lt3A_27 = arith.constant 0 : i32
    %lt3A_28 = arith.cmpi slt, %select_n3A_22, %lt3A_27 : i32
    %ne3A_29 = arith.xori %lt3A_26, %lt3A_28 : i1
    %and3A_30 = arith.andi %ne3A_29, %ne3A_25 : i1
    %add3A_31 = arith.addi %rem3A_23, %select_n3A_22 : i32
    %select_n3A_32 = arith.select %and3A_30, %add3A_31, %rem3A_23 : i32
    %mul3A_33 = arith.constant 8 : i32
    %mul3A_34 = arith.muli %select_n3A_32, %mul3A_33 : i32
    "tpu.region"() ({
      %run_scoped3A = tpu.sem_alloc : memref<!tpu.dma_semaphore, #tpu.memory_space<semaphore_mem>>
      %dma_start3A_3767 = arith.constant 0 : i32
      %dma_start3A_3768 = tpu.memref_slice %arg3[%select_n3A, %dma_start3A_3767, %mul3A_34] : memref<4x8x2048xf32, #tpu.memory_space<hbm>> -> memref<1x8x256xf32, #tpu.memory_space<hbm>>
      %dma_start3A_3769 = tpu.memref_squeeze %dma_start3A_3768 : memref<1x8x256xf32, #tpu.memory_space<hbm>> -> memref<8x256xf32, #tpu.memory_space<hbm>>
      %dma_start3A_3770 = arith.constant 0 : i32
      %dma_start3A_3771 = tpu.memref_slice %arg3[%select_n3A, %dma_start3A_3770, %mul3A_34] : memref<4x8x2048xf32, #tpu.memory_space<hbm>> -> memref<1x8x256xf32, #tpu.memory_space<hbm>>
      %dma_start3A_3772 = tpu.memref_squeeze %dma_start3A_3771 : memref<1x8x256xf32, #tpu.memory_space<hbm>> -> memref<8x256xf32, #tpu.memory_space<hbm>>
      tpu.enqueue_dma source(%dma_start3A_3772 : memref<8x256xf32, #tpu.memory_space<hbm>>) target(%arg7 : memref<8x256xf32, #tpu.memory_space<vmem>>) target_semaphore(%run_scoped3A : memref<!tpu.dma_semaphore, #tpu.memory_space<semaphore_mem>>)
      %dma_wait3A_3773 = arith.constant 0 : i32
      %dma_wait3A_3774 = tpu.memref_slice %arg3[%select_n3A, %dma_wait3A_3773, %mul3A_34] : memref<4x8x2048xf32, #tpu.memory_space<hbm>> -> memref<1x8x256xf32, #tpu.memory_space<hbm>>
      %dma_wait3A_3775 = tpu.memref_squeeze %dma_wait3A_3774 : memref<1x8x256xf32, #tpu.memory_space<hbm>> -> memref<8x256xf32, #tpu.memory_space<hbm>>
      %dma_wait3A_3776 = arith.constant 0 : i32
      %dma_wait3A_3777 = tpu.memref_slice %arg3[%select_n3A, %dma_wait3A_3776, %mul3A_34] : memref<4x8x2048xf32, #tpu.memory_space<hbm>> -> memref<1x8x256xf32, #tpu.memory_space<hbm>>
      %dma_wait3A_3778 = tpu.memref_squeeze %dma_wait3A_3777 : memref<1x8x256xf32, #tpu.memory_space<hbm>> -> memref<8x256xf32, #tpu.memory_space<hbm>>
      tpu.wait_dma2 semaphore(%run_scoped3A : memref<!tpu.dma_semaphore, #tpu.memory_space<semaphore_mem>>) src(%dma_wait3A_3778 : memref<8x256xf32, #tpu.memory_space<hbm>>) dst(%arg7 : memref<8x256xf32, #tpu.memory_space<vmem>>)
      tpu.yield
    }) : () -> ()
    %iota3A = tpu.iota {dimensions = array<i32: 0>} : vector<16xi32>
    %and3A_35 = arith.constant 7 : i32
    %and3A_36 = vector.broadcast %and3A_35 : i32 to vector<16xi32>
    %and3A_37 = arith.andi %iota3A, %and3A_36 : vector<16xi32>
    %add3A_38 = arith.constant 8 : i32
    %add3A_39 = vector.broadcast %add3A_38 : i32 to vector<16xi32>
    %add3A_40 = arith.addi %and3A_37, %add3A_39 : vector<16xi32>
    %shift_right_logical3A = arith.constant 3 : i32
    %shift_right_logical3A_41 = vector.broadcast %shift_right_logical3A : i32 to vector<16xi32>
    %shift_right_logical3A_42 = arith.shrui %iota3A, %shift_right_logical3A_41 : vector<16xi32>
    %mul3A_43 = arith.constant 8 : i32
    %mul3A_44 = vector.broadcast %mul3A_43 : i32 to vector<16xi32>
    %mul3A_45 = arith.muli %shift_right_logical3A_42, %mul3A_44 : vector<16xi32>
    %get3A = arith.constant 0 : i32
    %get3A_46 = arith.index_cast %get3A : i32 to index
    %get3A_47 = arith.constant 0 : index
    %get3A_48 = tpu.vector_load %arg7[%get3A_46, %get3A_47] {strides = array<i32>} : memref<8x256xf32, #tpu.memory_space<vmem>>, vector<1x16xf32>,
    %get3A_49 = vector.shape_cast %get3A_48 : vector<1x16xf32> to vector<16xf32>
    %broadcast_in_dim3A = arith.constant 0 : i32
    %broadcast_in_dim3A_50 = vector.broadcast %broadcast_in_dim3A : i32 to vector<16xi32>
    %get3A_51 = arith.constant 1 : i32
    %get3A_52 = arith.index_cast %get3A_51 : i32 to index
    %get3A_53 = arith.constant 0 : index
    %get3A_54 = tpu.vector_load %arg7[%get3A_52, %get3A_53] {strides = array<i32>} : memref<8x256xf32, #tpu.memory_space<vmem>>, vector<1x16xf32>,
    %get3A_55 = vector.shape_cast %get3A_54 : vector<1x16xf32> to vector<16xf32>
    %gt3A = arith.cmpf ogt, %get3A_55, %get3A_49 : vector<16xf32>
    %jit3A_56 = arith.constant 1 : i32
    %broadcast_in_dim3A_57 = vector.broadcast %jit3A_56 : i32 to vector<16xi32>
    %select_n3A_58 = arith.select %gt3A, %broadcast_in_dim3A_57, %broadcast_in_dim3A_50 : vector<16xi1>, vector<16xi32>
    %select_n3A_59 = arith.select %gt3A, %get3A_55, %get3A_49 : vector<16xi1>, vector<16xf32>
    %get3A_60 = arith.constant 2 : i32
    %get3A_61 = arith.index_cast %get3A_60 : i32 to index
    %get3A_62 = arith.constant 0 : index
    %get3A_63 = tpu.vector_load %arg7[%get3A_61, %get3A_62] {strides = array<i32>} : memref<8x256xf32, #tpu.memory_space<vmem>>, vector<1x16xf32>,
    %get3A_64 = vector.shape_cast %get3A_63 : vector<1x16xf32> to vector<16xf32>
    %gt3A_65 = arith.cmpf ogt, %get3A_64, %select_n3A_59 : vector<16xf32>
    %jit3A_66 = arith.constant 2 : i32
    %broadcast_in_dim3A_67 = vector.broadcast %jit3A_66 : i32 to vector<16xi32>
    %select_n3A_68 = arith.select %gt3A_65, %broadcast_in_dim3A_67, %select_n3A_58 : vector<16xi1>, vector<16xi32>
    %select_n3A_69 = arith.select %gt3A_65, %get3A_64, %select_n3A_59 : vector<16xi1>, vector<16xf32>
    %get3A_70 = arith.constant 3 : i32
    %get3A_71 = arith.index_cast %get3A_70 : i32 to index
    %get3A_72 = arith.constant 0 : index
    %get3A_73 = tpu.vector_load %arg7[%get3A_71, %get3A_72] {strides = array<i32>} : memref<8x256xf32, #tpu.memory_space<vmem>>, vector<1x16xf32>,
    %get3A_74 = vector.shape_cast %get3A_73 : vector<1x16xf32> to vector<16xf32>
    %gt3A_75 = arith.cmpf ogt, %get3A_74, %select_n3A_69 : vector<16xf32>
    %jit3A_76 = arith.constant 3 : i32
    %broadcast_in_dim3A_77 = vector.broadcast %jit3A_76 : i32 to vector<16xi32>
    %select_n3A_78 = arith.select %gt3A_75, %broadcast_in_dim3A_77, %select_n3A_68 : vector<16xi1>, vector<16xi32>
    %select_n3A_79 = arith.select %gt3A_75, %get3A_74, %select_n3A_69 : vector<16xi1>, vector<16xf32>
    %get3A_80 = arith.constant 4 : i32
    %get3A_81 = arith.index_cast %get3A_80 : i32 to index
    %get3A_82 = arith.constant 0 : index
    %get3A_83 = tpu.vector_load %arg7[%get3A_81, %get3A_82] {strides = array<i32>} : memref<8x256xf32, #tpu.memory_space<vmem>>, vector<1x16xf32>,
    %get3A_84 = vector.shape_cast %get3A_83 : vector<1x16xf32> to vector<16xf32>
    %gt3A_85 = arith.cmpf ogt, %get3A_84, %select_n3A_79 : vector<16xf32>
    %jit3A_86 = arith.constant 4 : i32
    %broadcast_in_dim3A_87 = vector.broadcast %jit3A_86 : i32 to vector<16xi32>
    %select_n3A_88 = arith.select %gt3A_85, %broadcast_in_dim3A_87, %select_n3A_78 : vector<16xi1>, vector<16xi32>
    %select_n3A_89 = arith.select %gt3A_85, %get3A_84, %select_n3A_79 : vector<16xi1>, vector<16xf32>
    %get3A_90 = arith.constant 5 : i32
    %get3A_91 = arith.index_cast %get3A_90 : i32 to index
    %get3A_92 = arith.constant 0 : index
    %get3A_93 = tpu.vector_load %arg7[%get3A_91, %get3A_92] {strides = array<i32>} : memref<8x256xf32, #tpu.memory_space<vmem>>, vector<1x16xf32>,
    %get3A_94 = vector.shape_cast %get3A_93 : vector<1x16xf32> to vector<16xf32>
    %gt3A_95 = arith.cmpf ogt, %get3A_94, %select_n3A_89 : vector<16xf32>
    %jit3A_96 = arith.constant 5 : i32
    %broadcast_in_dim3A_97 = vector.broadcast %jit3A_96 : i32 to vector<16xi32>
    %select_n3A_98 = arith.select %gt3A_95, %broadcast_in_dim3A_97, %select_n3A_88 : vector<16xi1>, vector<16xi32>
    %select_n3A_99 = arith.select %gt3A_95, %get3A_94, %select_n3A_89 : vector<16xi1>, vector<16xf32>
    %get3A_100 = arith.constant 6 : i32
    %get3A_101 = arith.index_cast %get3A_100 : i32 to index
    %get3A_102 = arith.constant 0 : index
    %get3A_103 = tpu.vector_load %arg7[%get3A_101, %get3A_102] {strides = array<i32>} : memref<8x256xf32, #tpu.memory_space<vmem>>, vector<1x16xf32>,
    %get3A_104 = vector.shape_cast %get3A_103 : vector<1x16xf32> to vector<16xf32>
    %gt3A_105 = arith.cmpf ogt, %get3A_104, %select_n3A_99 : vector<16xf32>
    %jit3A_106 = arith.constant 6 : i32
    %broadcast_in_dim3A_107 = vector.broadcast %jit3A_106 : i32 to vector<16xi32>
    %select_n3A_108 = arith.select %gt3A_105, %broadcast_in_dim3A_107, %select_n3A_98 : vector<16xi1>, vector<16xi32>
    %select_n3A_109 = arith.select %gt3A_105, %get3A_104, %select_n3A_99 : vector<16xi1>, vector<16xf32>
    %get3A_110 = arith.constant 7 : i32
    %get3A_111 = arith.index_cast %get3A_110 : i32 to index
    %get3A_112 = arith.constant 0 : index
    %get3A_113 = tpu.vector_load %arg7[%get3A_111, %get3A_112] {strides = array<i32>} : memref<8x256xf32, #tpu.memory_space<vmem>>, vector<1x16xf32>,
    %get3A_114 = vector.shape_cast %get3A_113 : vector<1x16xf32> to vector<16xf32>
    %gt3A_115 = arith.cmpf ogt, %get3A_114, %select_n3A_109 : vector<16xf32>
    %jit3A_116 = arith.constant 7 : i32
    %broadcast_in_dim3A_117 = vector.broadcast %jit3A_116 : i32 to vector<16xi32>
    %select_n3A_118 = arith.select %gt3A_115, %broadcast_in_dim3A_117, %select_n3A_108 : vector<16xi1>, vector<16xi32>
    %select_n3A_119 = arith.select %gt3A_115, %get3A_114, %select_n3A_109 : vector<16xi1>, vector<16xf32>
    %mul3A_120 = arith.constant 131072 : i32
    %mul3A_121 = arith.muli %select_n3A, %mul3A_120 : i32
    %add3A_122 = arith.constant 0 : i32
    %add3A_123 = arith.addi %mul3A_34, %add3A_122 : i32
    %add3A_124 = vector.broadcast %add3A_123 : i32 to vector<16xi32>
    %add3A_125 = arith.addi %add3A_124, %iota3A : vector<16xi32>
    %mul3A_126 = arith.constant 64 : i32
    %mul3A_127 = vector.broadcast %mul3A_126 : i32 to vector<16xi32>
    %mul3A_128 = arith.muli %add3A_125, %mul3A_127 : vector<16xi32>
    %add3A_129 = vector.broadcast %mul3A_121 : i32 to vector<16xi32>
    %add3A_130 = arith.addi %add3A_129, %mul3A_128 : vector<16xi32>
    %add3A_131 = arith.addi %add3A_130, %select_n3A_118 : vector<16xi32>
    %broadcast_in_dim3A_132 = vector.shape_cast %and3A_37 : vector<16xi32> to vector<16x1xi32>
    %gather3A = vector.shape_cast %broadcast_in_dim3A_132 : vector<16x1xi32> to vector<16xi32>
    %gather3A_133 = tpu.dynamic_gather %add3A_131[%gather3A] in [0] : vector<16xi32>, vector<16xi32> -> vector<16xi32>
    %broadcast_in_dim3A_134 = vector.shape_cast %add3A_40 : vector<16xi32> to vector<16x1xi32>
    %gather3A_135 = vector.shape_cast %broadcast_in_dim3A_134 : vector<16x1xi32> to vector<16xi32>
    %gather3A_136 = tpu.dynamic_gather %add3A_131[%gather3A_135] in [0] : vector<16xi32>, vector<16xi32> -> vector<16xi32>
    %add3A_137 = arith.constant 0 : i32
    %add3A_138 = vector.broadcast %add3A_137 : i32 to vector<16xi32>
    %add3A_139 = arith.addi %add3A_138, %mul3A_45 : vector<16xi32>
    %add3A_140 = arith.addi %gather3A_133, %add3A_139 : vector<16xi32>
    %swap3A = arith.constant 0 : i32
    %swap3A_141 = arith.index_cast %swap3A : i32 to index
    %swap3A_142 = arith.constant 0 : index
    %swap3A_143 = tpu.vector_load %arg5[%swap3A_141, %swap3A_142] {strides = array<i32>} : memref<4x128xi32, #tpu.memory_space<vmem>>, vector<1x16xi32>,
    %swap3A_144 = vector.shape_cast %swap3A_143 : vector<1x16xi32> to vector<16xi32>
    %swap3A_145 = vector.shape_cast %add3A_140 : vector<16xi32> to vector<1x16xi32>
    tpu.vector_store %arg5[%swap3A_141, %swap3A_142], %swap3A_145 {strides = array<i32>} : memref<4x128xi32, #tpu.memory_space<vmem>>, vector<1x16xi32>,
    %add3A_146 = arith.constant 16 : i32
    %add3A_147 = vector.broadcast %add3A_146 : i32 to vector<16xi32>
    %add3A_148 = arith.addi %add3A_147, %mul3A_45 : vector<16xi32>
    %add3A_149 = arith.addi %gather3A_133, %add3A_148 : vector<16xi32>
    %swap3A_150 = arith.constant 0 : i32
    %swap3A_151 = arith.index_cast %swap3A_150 : i32 to index
    %swap3A_152 = arith.constant 16 : index
    %swap3A_153 = tpu.vector_load %arg5[%swap3A_151, %swap3A_152] {strides = array<i32>} : memref<4x128xi32, #tpu.memory_space<vmem>>, vector<1x16xi32>,
    %swap3A_154 = vector.shape_cast %swap3A_153 : vector<1x16xi32> to vector<16xi32>
    %swap3A_155 = vector.shape_cast %add3A_149 : vector<16xi32> to vector<1x16xi32>
    tpu.vector_store %arg5[%swap3A_151, %swap3A_152], %swap3A_155 {strides = array<i32>} : memref<4x128xi32, #tpu.memory_space<vmem>>, vector<1x16xi32>,
    %add3A_156 = arith.constant 32 : i32
    %add3A_157 = vector.broadcast %add3A_156 : i32 to vector<16xi32>
    %add3A_158 = arith.addi %add3A_157, %mul3A_45 : vector<16xi32>
    %add3A_159 = arith.addi %gather3A_133, %add3A_158 : vector<16xi32>
    %swap3A_160 = arith.constant 0 : i32
    %swap3A_161 = arith.index_cast %swap3A_160 : i32 to index
    %swap3A_162 = arith.constant 32 : index
    %swap3A_163 = tpu.vector_load %arg5[%swap3A_161, %swap3A_162] {strides = array<i32>} : memref<4x128xi32, #tpu.memory_space<vmem>>, vector<1x16xi32>,
    %swap3A_164 = vector.shape_cast %swap3A_163 : vector<1x16xi32> to vector<16xi32>
    %swap3A_165 = vector.shape_cast %add3A_159 : vector<16xi32> to vector<1x16xi32>
    tpu.vector_store %arg5[%swap3A_161, %swap3A_162], %swap3A_165 {strides = array<i32>} : memref<4x128xi32, #tpu.memory_space<vmem>>, vector<1x16xi32>,
    %add3A_166 = arith.constant 48 : i32
    %add3A_167 = vector.broadcast %add3A_166 : i32 to vector<16xi32>
    %add3A_168 = arith.addi %add3A_167, %mul3A_45 : vector<16xi32>
    %add3A_169 = arith.addi %gather3A_133, %add3A_168 : vector<16xi32>
    %swap3A_170 = arith.constant 0 : i32
    %swap3A_171 = arith.index_cast %swap3A_170 : i32 to index
    %swap3A_172 = arith.constant 48 : index
    %swap3A_173 = tpu.vector_load %arg5[%swap3A_171, %swap3A_172] {strides = array<i32>} : memref<4x128xi32, #tpu.memory_space<vmem>>, vector<1x16xi32>,
    %swap3A_174 = vector.shape_cast %swap3A_173 : vector<1x16xi32> to vector<16xi32>
    %swap3A_175 = vector.shape_cast %add3A_169 : vector<16xi32> to vector<1x16xi32>
    tpu.vector_store %arg5[%swap3A_171, %swap3A_172], %swap3A_175 {strides = array<i32>} : memref<4x128xi32, #tpu.memory_space<vmem>>, vector<1x16xi32>,
    %add3A_176 = arith.constant 0 : i32
    %add3A_177 = vector.broadcast %add3A_176 : i32 to vector<16xi32>
    %add3A_178 = arith.addi %add3A_177, %mul3A_45 : vector<16xi32>
    %add3A_179 = arith.addi %gather3A_136, %add3A_178 : vector<16xi32>
    %swap3A_180 = arith.constant 0 : i32
    %swap3A_181 = arith.index_cast %swap3A_180 : i32 to index
    %swap3A_182 = arith.constant 64 : index
    %swap3A_183 = tpu.vector_load %arg5[%swap3A_181, %swap3A_182] {strides = array<i32>} : memref<4x128xi32, #tpu.memory_space<vmem>>, vector<1x16xi32>,
    %swap3A_184 = vector.shape_cast %swap3A_183 : vector<1x16xi32> to vector<16xi32>
    %swap3A_185 = vector.shape_cast %add3A_179 : vector<16xi32> to vector<1x16xi32>
    tpu.vector_store %arg5[%swap3A_181, %swap3A_182], %swap3A_185 {strides = array<i32>} : memref<4x128xi32, #tpu.memory_space<vmem>>, vector<1x16xi32>,
    %add3A_186 = arith.constant 16 : i32
    %add3A_187 = vector.broadcast %add3A_186 : i32 to vector<16xi32>
    %add3A_188 = arith.addi %add3A_187, %mul3A_45 : vector<16xi32>
    %add3A_189 = arith.addi %gather3A_136, %add3A_188 : vector<16xi32>
    %swap3A_190 = arith.constant 0 : i32
    %swap3A_191 = arith.index_cast %swap3A_190 : i32 to index
    %swap3A_192 = arith.constant 80 : index
    %swap3A_193 = tpu.vector_load %arg5[%swap3A_191, %swap3A_192] {strides = array<i32>} : memref<4x128xi32, #tpu.memory_space<vmem>>, vector<1x16xi32>,
    %swap3A_194 = vector.shape_cast %swap3A_193 : vector<1x16xi32> to vector<16xi32>
    %swap3A_195 = vector.shape_cast %add3A_189 : vector<16xi32> to vector<1x16xi32>
    tpu.vector_store %arg5[%swap3A_191, %swap3A_192], %swap3A_195 {strides = array<i32>} : memref<4x128xi32, #tpu.memory_space<vmem>>, vector<1x16xi32>,
    %add3A_196 = arith.constant 32 : i32
    %add3A_197 = vector.broadcast %add3A_196 : i32 to vector<16xi32>
    %add3A_198 = arith.addi %add3A_197, %mul3A_45 : vector<16xi32>
    %add3A_199 = arith.addi %gather3A_136, %add3A_198 : vector<16xi32>
    %swap3A_200 = arith.constant 0 : i32
    %swap3A_201 = arith.index_cast %swap3A_200 : i32 to index
    %swap3A_202 = arith.constant 96 : index
    %swap3A_203 = tpu.vector_load %arg5[%swap3A_201, %swap3A_202] {strides = array<i32>} : memref<4x128xi32, #tpu.memory_space<vmem>>, vector<1x16xi32>,
    %swap3A_204 = vector.shape_cast %swap3A_203 : vector<1x16xi32> to vector<16xi32>
    %swap3A_205 = vector.shape_cast %add3A_199 : vector<16xi32> to vector<1x16xi32>
    tpu.vector_store %arg5[%swap3A_201, %swap3A_202], %swap3A_205 {strides = array<i32>} : memref<4x128xi32, #tpu.memory_space<vmem>>, vector<1x16xi32>,
    %add3A_206 = arith.constant 48 : i32
    %add3A_207 = vector.broadcast %add3A_206 : i32 to vector<16xi32>
    %add3A_208 = arith.addi %add3A_207, %mul3A_45 : vector<16xi32>
    %add3A_209 = arith.addi %gather3A_136, %add3A_208 : vector<16xi32>
    %swap3A_210 = arith.constant 0 : i32
    %swap3A_211 = arith.index_cast %swap3A_210 : i32 to index
    %swap3A_212 = arith.constant 112 : index
    %swap3A_213 = tpu.vector_load %arg5[%swap3A_211, %swap3A_212] {strides = array<i32>} : memref<4x128xi32, #tpu.memory_space<vmem>>, vector<1x16xi32>,
    %swap3A_214 = vector.shape_cast %swap3A_213 : vector<1x16xi32> to vector<16xi32>
    %swap3A_215 = vector.shape_cast %add3A_209 : vector<16xi32> to vector<1x16xi32>
    tpu.vector_store %arg5[%swap3A_211, %swap3A_212], %swap3A_215 {strides = array<i32>} : memref<4x128xi32, #tpu.memory_space<vmem>>, vector<1x16xi32>,
    %dma_start3A = arith.constant 0 : i32
    %dma_start3A_216 = arith.constant 0 : i32
    %dma_start3A_217 = arith.constant 0 : i32
    %dma_start3A_218 = arith.constant 0 : i32
    %dma_start3A_219 = tpu.memref_slice %arg6[%dma_start3A_216, %dma_start3A_217, %dma_start3A_218] : memref<4x128x128xf32, #tpu.memory_space<vmem>> -> memref<1x128x128xf32, #tpu.memory_space<vmem>>
    %dma_start3A_220 = tpu.memref_squeeze %dma_start3A_219 : memref<1x128x128xf32, #tpu.memory_space<vmem>> -> memref<128x128xf32, #tpu.memory_space<vmem>>
    %dma_start3A_221 = arith.constant 0 : i32
    %dma_start3A_222 = tpu.memref_slice %arg5[%dma_start3A, %dma_start3A_221] : memref<4x128xi32, #tpu.memory_space<vmem>> -> memref<1x128xi32, #tpu.memory_space<vmem>>
    %dma_start3A_223 = tpu.memref_squeeze %dma_start3A_222 : memref<1x128xi32, #tpu.memory_space<vmem>> -> memref<128xi32, #tpu.memory_space<vmem>>
    %dma_start3A_224 = arith.constant 0 : i32
    %dma_start3A_225 = arith.constant 0 : i32
    %dma_start3A_226 = tpu.memref_slice %arg2[%dma_start3A_224, %dma_start3A_225] : memref<524288x128xf32, #tpu.memory_space<hbm>> -> memref<524288x128xf32, #tpu.memory_space<hbm>>
    tpu.enqueue_indirect_dma source(%dma_start3A_226 : memref<524288x128xf32, #tpu.memory_space<hbm>>) target(%dma_start3A_220 : memref<128x128xf32, #tpu.memory_space<vmem>>) offsets(%dma_start3A_223 : memref<128xi32, #tpu.memory_space<vmem>>) semaphore(%arg8 : memref<!tpu.dma_semaphore, #tpu.memory_space<semaphore_mem>>)
    %get3A_227 = arith.constant 0 : i32
    %get3A_228 = arith.index_cast %get3A_227 : i32 to index
    %get3A_229 = arith.constant 16 : index
    %get3A_230 = tpu.vector_load %arg7[%get3A_228, %get3A_229] {strides = array<i32>} : memref<8x256xf32, #tpu.memory_space<vmem>>, vector<1x16xf32>,
    %get3A_231 = vector.shape_cast %get3A_230 : vector<1x16xf32> to vector<16xf32>
    %broadcast_in_dim3A_232 = arith.constant 0 : i32
    %broadcast_in_dim3A_233 = vector.broadcast %broadcast_in_dim3A_232 : i32 to vector<16xi32>
    %get3A_234 = arith.constant 1 : i32
    %get3A_235 = arith.index_cast %get3A_234 : i32 to index
    %get3A_236 = arith.constant 16 : index
    %get3A_237 = tpu.vector_load %arg7[%get3A_235, %get3A_236] {strides = array<i32>} : memref<8x256xf32, #tpu.memory_space<vmem>>, vector<1x16xf32>,
    %get3A_238 = vector.shape_cast %get3A_237 : vector<1x16xf32> to vector<16xf32>
    %gt3A_239 = arith.cmpf ogt, %get3A_238, %get3A_231 : vector<16xf32>
    %jit3A_240 = arith.constant 1 : i32
    %broadcast_in_dim3A_241 = vector.broadcast %jit3A_240 : i32 to vector<16xi32>
    %select_n3A_242 = arith.select %gt3A_239, %broadcast_in_dim3A_241, %broadcast_in_dim3A_233 : vector<16xi1>, vector<16xi32>
    %select_n3A_243 = arith.select %gt3A_239, %get3A_238, %get3A_231 : vector<16xi1>, vector<16xf32>
    %get3A_244 = arith.constant 2 : i32
    %get3A_245 = arith.index_cast %get3A_244 : i32 to index
    %get3A_246 = arith.constant 16 : index
    %get3A_247 = tpu.vector_load %arg7[%get3A_245, %get3A_246] {strides = array<i32>} : memref<8x256xf32, #tpu.memory_space<vmem>>, vector<1x16xf32>,
    %get3A_248 = vector.shape_cast %get3A_247 : vector<1x16xf32> to vector<16xf32>
    %gt3A_249 = arith.cmpf ogt, %get3A_248, %select_n3A_243 : vector<16xf32>
    %jit3A_250 = arith.constant 2 : i32
    %broadcast_in_dim3A_251 = vector.broadcast %jit3A_250 : i32 to vector<16xi32>
    %select_n3A_252 = arith.select %gt3A_249, %broadcast_in_dim3A_251, %select_n3A_242 : vector<16xi1>, vector<16xi32>
    %select_n3A_253 = arith.select %gt3A_249, %get3A_248, %select_n3A_243 : vector<16xi1>, vector<16xf32>
    %get3A_254 = arith.constant 3 : i32
    %get3A_255 = arith.index_cast %get3A_254 : i32 to index
    %get3A_256 = arith.constant 16 : index
    %get3A_257 = tpu.vector_load %arg7[%get3A_255, %get3A_256] {strides = array<i32>} : memref<8x256xf32, #tpu.memory_space<vmem>>, vector<1x16xf32>,
    %get3A_258 = vector.shape_cast %get3A_257 : vector<1x16xf32> to vector<16xf32>
    %gt3A_259 = arith.cmpf ogt, %get3A_258, %select_n3A_253 : vector<16xf32>
    %jit3A_260 = arith.constant 3 : i32
    %broadcast_in_dim3A_261 = vector.broadcast %jit3A_260 : i32 to vector<16xi32>
    %select_n3A_262 = arith.select %gt3A_259, %broadcast_in_dim3A_261, %select_n3A_252 : vector<16xi1>, vector<16xi32>
    %select_n3A_263 = arith.select %gt3A_259, %get3A_258, %select_n3A_253 : vector<16xi1>, vector<16xf32>
    %get3A_264 = arith.constant 4 : i32
    %get3A_265 = arith.index_cast %get3A_264 : i32 to index
    %get3A_266 = arith.constant 16 : index
    %get3A_267 = tpu.vector_load %arg7[%get3A_265, %get3A_266] {strides = array<i32>} : memref<8x256xf32, #tpu.memory_space<vmem>>, vector<1x16xf32>,
    %get3A_268 = vector.shape_cast %get3A_267 : vector<1x16xf32> to vector<16xf32>
    %gt3A_269 = arith.cmpf ogt, %get3A_268, %select_n3A_263 : vector<16xf32>
    %jit3A_270 = arith.constant 4 : i32
    %broadcast_in_dim3A_271 = vector.broadcast %jit3A_270 : i32 to vector<16xi32>
    %select_n3A_272 = arith.select %gt3A_269, %broadcast_in_dim3A_271, %select_n3A_262 : vector<16xi1>, vector<16xi32>
    %select_n3A_273 = arith.select %gt3A_269, %get3A_268, %select_n3A_263 : vector<16xi1>, vector<16xf32>
    %get3A_274 = arith.constant 5 : i32
    %get3A_275 = arith.index_cast %get3A_274 : i32 to index
    %get3A_276 = arith.constant 16 : index
    %get3A_277 = tpu.vector_load %arg7[%get3A_275, %get3A_276] {strides = array<i32>} : memref<8x256xf32, #tpu.memory_space<vmem>>, vector<1x16xf32>,
    %get3A_278 = vector.shape_cast %get3A_277 : vector<1x16xf32> to vector<16xf32>
    %gt3A_279 = arith.cmpf ogt, %get3A_278, %select_n3A_273 : vector<16xf32>
    %jit3A_280 = arith.constant 5 : i32
    %broadcast_in_dim3A_281 = vector.broadcast %jit3A_280 : i32 to vector<16xi32>
    %select_n3A_282 = arith.select %gt3A_279, %broadcast_in_dim3A_281, %select_n3A_272 : vector<16xi1>, vector<16xi32>
    %select_n3A_283 = arith.select %gt3A_279, %get3A_278, %select_n3A_273 : vector<16xi1>, vector<16xf32>
    %get3A_284 = arith.constant 6 : i32
    %get3A_285 = arith.index_cast %get3A_284 : i32 to index
    %get3A_286 = arith.constant 16 : index
    %get3A_287 = tpu.vector_load %arg7[%get3A_285, %get3A_286] {strides = array<i32>} : memref<8x256xf32, #tpu.memory_space<vmem>>, vector<1x16xf32>,
    %get3A_288 = vector.shape_cast %get3A_287 : vector<1x16xf32> to vector<16xf32>
    %gt3A_289 = arith.cmpf ogt, %get3A_288, %select_n3A_283 : vector<16xf32>
    %jit3A_290 = arith.constant 6 : i32
    %broadcast_in_dim3A_291 = vector.broadcast %jit3A_290 : i32 to vector<16xi32>
    %select_n3A_292 = arith.select %gt3A_289, %broadcast_in_dim3A_291, %select_n3A_282 : vector<16xi1>, vector<16xi32>
    %select_n3A_293 = arith.select %gt3A_289, %get3A_288, %select_n3A_283 : vector<16xi1>, vector<16xf32>
    %get3A_294 = arith.constant 7 : i32
    %get3A_295 = arith.index_cast %get3A_294 : i32 to index
    %get3A_296 = arith.constant 16 : index
    %get3A_297 = tpu.vector_load %arg7[%get3A_295, %get3A_296] {strides = array<i32>} : memref<8x256xf32, #tpu.memory_space<vmem>>, vector<1x16xf32>,
    %get3A_298 = vector.shape_cast %get3A_297 : vector<1x16xf32> to vector<16xf32>
    %gt3A_299 = arith.cmpf ogt, %get3A_298, %select_n3A_293 : vector<16xf32>
    %jit3A_300 = arith.constant 7 : i32
    %broadcast_in_dim3A_301 = vector.broadcast %jit3A_300 : i32 to vector<16xi32>
    %select_n3A_302 = arith.select %gt3A_299, %broadcast_in_dim3A_301, %select_n3A_292 : vector<16xi1>, vector<16xi32>
    %select_n3A_303 = arith.select %gt3A_299, %get3A_298, %select_n3A_293 : vector<16xi1>, vector<16xf32>
    %mul3A_304 = arith.constant 131072 : i32
    %mul3A_305 = arith.muli %select_n3A, %mul3A_304 : i32
    %add3A_306 = arith.constant 16 : i32
    %add3A_307 = arith.addi %mul3A_34, %add3A_306 : i32
    %add3A_308 = vector.broadcast %add3A_307 : i32 to vector<16xi32>
    %add3A_309 = arith.addi %add3A_308, %iota3A : vector<16xi32>
    %mul3A_310 = arith.constant 64 : i32
    %mul3A_311 = vector.broadcast %mul3A_310 : i32 to vector<16xi32>
    %mul3A_312 = arith.muli %add3A_309, %mul3A_311 : vector<16xi32>
    %add3A_313 = vector.broadcast %mul3A_305 : i32 to vector<16xi32>
    %add3A_314 = arith.addi %add3A_313, %mul3A_312 : vector<16xi32>
    %add3A_315 = arith.addi %add3A_314, %select_n3A_302 : vector<16xi32>
    %broadcast_in_dim3A_316 = vector.shape_cast %and3A_37 : vector<16xi32> to vector<16x1xi32>
    %gather3A_317 = vector.shape_cast %broadcast_in_dim3A_316 : vector<16x1xi32> to vector<16xi32>
    %gather3A_318 = tpu.dynamic_gather %add3A_315[%gather3A_317] in [0] : vector<16xi32>, vector<16xi32> -> vector<16xi32>
    %broadcast_in_dim3A_319 = vector.shape_cast %add3A_40 : vector<16xi32> to vector<16x1xi32>
    %gather3A_320 = vector.shape_cast %broadcast_in_dim3A_319 : vector<16x1xi32> to vector<16xi32>
    %gather3A_321 = tpu.dynamic_gather %add3A_315[%gather3A_320] in [0] : vector<16xi32>, vector<16xi32> -> vector<16xi32>
    %add3A_322 = arith.constant 0 : i32
    %add3A_323 = vector.broadcast %add3A_322 : i32 to vector<16xi32>
    %add3A_324 = arith.addi %add3A_323, %mul3A_45 : vector<16xi32>
    %add3A_325 = arith.addi %gather3A_318, %add3A_324 : vector<16xi32>
    %swap3A_326 = arith.constant 1 : i32
    %swap3A_327 = arith.index_cast %swap3A_326 : i32 to index
    %swap3A_328 = arith.constant 0 : index
    %swap3A_329 = tpu.vector_load %arg5[%swap3A_327, %swap3A_328] {strides = array<i32>} : memref<4x128xi32, #tpu.memory_space<vmem>>, vector<1x16xi32>,
    %swap3A_330 = vector.shape_cast %swap3A_329 : vector<1x16xi32> to vector<16xi32>
    %swap3A_331 = vector.shape_cast %add3A_325 : vector<16xi32> to vector<1x16xi32>
    tpu.vector_store %arg5[%swap3A_327, %swap3A_328], %swap3A_331 {strides = array<i32>} : memref<4x128xi32, #tpu.memory_space<vmem>>, vector<1x16xi32>,
    %add3A_332 = arith.constant 16 : i32
    %add3A_333 = vector.broadcast %add3A_332 : i32 to vector<16xi32>
    %add3A_334 = arith.addi %add3A_333, %mul3A_45 : vector<16xi32>
    %add3A_335 = arith.addi %gather3A_318, %add3A_334 : vector<16xi32>
    %swap3A_336 = arith.constant 1 : i32
    %swap3A_337 = arith.index_cast %swap3A_336 : i32 to index
    %swap3A_338 = arith.constant 16 : index
    %swap3A_339 = tpu.vector_load %arg5[%swap3A_337, %swap3A_338] {strides = array<i32>} : memref<4x128xi32, #tpu.memory_space<vmem>>, vector<1x16xi32>,
    %swap3A_340 = vector.shape_cast %swap3A_339 : vector<1x16xi32> to vector<16xi32>
    %swap3A_341 = vector.shape_cast %add3A_335 : vector<16xi32> to vector<1x16xi32>
    tpu.vector_store %arg5[%swap3A_337, %swap3A_338], %swap3A_341 {strides = array<i32>} : memref<4x128xi32, #tpu.memory_space<vmem>>, vector<1x16xi32>,
    %add3A_342 = arith.constant 32 : i32
    %add3A_343 = vector.broadcast %add3A_342 : i32 to vector<16xi32>
    %add3A_344 = arith.addi %add3A_343, %mul3A_45 : vector<16xi32>
    %add3A_345 = arith.addi %gather3A_318, %add3A_344 : vector<16xi32>
    %swap3A_346 = arith.constant 1 : i32
    %swap3A_347 = arith.index_cast %swap3A_346 : i32 to index
    %swap3A_348 = arith.constant 32 : index
    %swap3A_349 = tpu.vector_load %arg5[%swap3A_347, %swap3A_348] {strides = array<i32>} : memref<4x128xi32, #tpu.memory_space<vmem>>, vector<1x16xi32>,
    %swap3A_350 = vector.shape_cast %swap3A_349 : vector<1x16xi32> to vector<16xi32>
    %swap3A_351 = vector.shape_cast %add3A_345 : vector<16xi32> to vector<1x16xi32>
    tpu.vector_store %arg5[%swap3A_347, %swap3A_348], %swap3A_351 {strides = array<i32>} : memref<4x128xi32, #tpu.memory_space<vmem>>, vector<1x16xi32>,
    %add3A_352 = arith.constant 48 : i32
    %add3A_353 = vector.broadcast %add3A_352 : i32 to vector<16xi32>
    %add3A_354 = arith.addi %add3A_353, %mul3A_45 : vector<16xi32>
    %add3A_355 = arith.addi %gather3A_318, %add3A_354 : vector<16xi32>
    %swap3A_356 = arith.constant 1 : i32
    %swap3A_357 = arith.index_cast %swap3A_356 : i32 to index
    %swap3A_358 = arith.constant 48 : index
    %swap3A_359 = tpu.vector_load %arg5[%swap3A_357, %swap3A_358] {strides = array<i32>} : memref<4x128xi32, #tpu.memory_space<vmem>>, vector<1x16xi32>,
    %swap3A_360 = vector.shape_cast %swap3A_359 : vector<1x16xi32> to vector<16xi32>
    %swap3A_361 = vector.shape_cast %add3A_355 : vector<16xi32> to vector<1x16xi32>
    tpu.vector_store %arg5[%swap3A_357, %swap3A_358], %swap3A_361 {strides = array<i32>} : memref<4x128xi32, #tpu.memory_space<vmem>>, vector<1x16xi32>,
    %add3A_362 = arith.constant 0 : i32
    %add3A_363 = vector.broadcast %add3A_362 : i32 to vector<16xi32>
    %add3A_364 = arith.addi %add3A_363, %mul3A_45 : vector<16xi32>
    %add3A_365 = arith.addi %gather3A_321, %add3A_364 : vector<16xi32>
    %swap3A_366 = arith.constant 1 : i32
    %swap3A_367 = arith.index_cast %swap3A_366 : i32 to index
    %swap3A_368 = arith.constant 64 : index
    %swap3A_369 = tpu.vector_load %arg5[%swap3A_367, %swap3A_368] {strides = array<i32>} : memref<4x128xi32, #tpu.memory_space<vmem>>, vector<1x16xi32>,
    %swap3A_370 = vector.shape_cast %swap3A_369 : vector<1x16xi32> to vector<16xi32>
    %swap3A_371 = vector.shape_cast %add3A_365 : vector<16xi32> to vector<1x16xi32>
    tpu.vector_store %arg5[%swap3A_367, %swap3A_368], %swap3A_371 {strides = array<i32>} : memref<4x128xi32, #tpu.memory_space<vmem>>, vector<1x16xi32>,
    %add3A_372 = arith.constant 16 : i32
    %add3A_373 = vector.broadcast %add3A_372 : i32 to vector<16xi32>
    %add3A_374 = arith.addi %add3A_373, %mul3A_45 : vector<16xi32>
    %add3A_375 = arith.addi %gather3A_321, %add3A_374 : vector<16xi32>
    %swap3A_376 = arith.constant 1 : i32
    %swap3A_377 = arith.index_cast %swap3A_376 : i32 to index
    %swap3A_378 = arith.constant 80 : index
    %swap3A_379 = tpu.vector_load %arg5[%swap3A_377, %swap3A_378] {strides = array<i32>} : memref<4x128xi32, #tpu.memory_space<vmem>>, vector<1x16xi32>,
    %swap3A_380 = vector.shape_cast %swap3A_379 : vector<1x16xi32> to vector<16xi32>
    %swap3A_381 = vector.shape_cast %add3A_375 : vector<16xi32> to vector<1x16xi32>
    tpu.vector_store %arg5[%swap3A_377, %swap3A_378], %swap3A_381 {strides = array<i32>} : memref<4x128xi32, #tpu.memory_space<vmem>>, vector<1x16xi32>,
    %add3A_382 = arith.constant 32 : i32
    %add3A_383 = vector.broadcast %add3A_382 : i32 to vector<16xi32>
    %add3A_384 = arith.addi %add3A_383, %mul3A_45 : vector<16xi32>
    %add3A_385 = arith.addi %gather3A_321, %add3A_384 : vector<16xi32>
    %swap3A_386 = arith.constant 1 : i32
    %swap3A_387 = arith.index_cast %swap3A_386 : i32 to index
    %swap3A_388 = arith.constant 96 : index
    %swap3A_389 = tpu.vector_load %arg5[%swap3A_387, %swap3A_388] {strides = array<i32>} : memref<4x128xi32, #tpu.memory_space<vmem>>, vector<1x16xi32>,
    %swap3A_390 = vector.shape_cast %swap3A_389 : vector<1x16xi32> to vector<16xi32>
    %swap3A_391 = vector.shape_cast %add3A_385 : vector<16xi32> to vector<1x16xi32>
    tpu.vector_store %arg5[%swap3A_387, %swap3A_388], %swap3A_391 {strides = array<i32>} : memref<4x128xi32, #tpu.memory_space<vmem>>, vector<1x16xi32>,
    %add3A_392 = arith.constant 48 : i32
    %add3A_393 = vector.broadcast %add3A_392 : i32 to vector<16xi32>
    %add3A_394 = arith.addi %add3A_393, %mul3A_45 : vector<16xi32>
    %add3A_395 = arith.addi %gather3A_321, %add3A_394 : vector<16xi32>
    %swap3A_396 = arith.constant 1 : i32
    %swap3A_397 = arith.index_cast %swap3A_396 : i32 to index
    %swap3A_398 = arith.constant 112 : index
    %swap3A_399 = tpu.vector_load %arg5[%swap3A_397, %swap3A_398] {strides = array<i32>} : memref<4x128xi32, #tpu.memory_space<vmem>>, vector<1x16xi32>,
    %swap3A_400 = vector.shape_cast %swap3A_399 : vector<1x16xi32> to vector<16xi32>
    %swap3A_401 = vector.shape_cast %add3A_395 : vector<16xi32> to vector<1x16xi32>
    tpu.vector_store %arg5[%swap3A_397, %swap3A_398], %swap3A_401 {strides = array<i32>} : memref<4x128xi32, #tpu.memory_space<vmem>>, vector<1x16xi32>,
    %dma_start3A_402 = arith.constant 1 : i32
    %dma_start3A_403 = arith.constant 1 : i32
    %dma_start3A_404 = arith.constant 0 : i32
    %dma_start3A_405 = arith.constant 0 : i32
    %dma_start3A_406 = tpu.memref_slice %arg6[%dma_start3A_403, %dma_start3A_404, %dma_start3A_405] : memref<4x128x128xf32, #tpu.memory_space<vmem>> -> memref<1x128x128xf32, #tpu.memory_space<vmem>>
    %dma_start3A_407 = tpu.memref_squeeze %dma_start3A_406 : memref<1x128x128xf32, #tpu.memory_space<vmem>> -> memref<128x128xf32, #tpu.memory_space<vmem>>
    %dma_start3A_408 = arith.constant 0 : i32
    %dma_start3A_409 = tpu.memref_slice %arg5[%dma_start3A_402, %dma_start3A_408] : memref<4x128xi32, #tpu.memory_space<vmem>> -> memref<1x128xi32, #tpu.memory_space<vmem>>
    %dma_start3A_410 = tpu.memref_squeeze %dma_start3A_409 : memref<1x128xi32, #tpu.memory_space<vmem>> -> memref<128xi32, #tpu.memory_space<vmem>>
    %dma_start3A_411 = arith.constant 0 : i32
    %dma_start3A_412 = arith.constant 0 : i32
    %dma_start3A_413 = tpu.memref_slice %arg2[%dma_start3A_411, %dma_start3A_412] : memref<524288x128xf32, #tpu.memory_space<hbm>> -> memref<524288x128xf32, #tpu.memory_space<hbm>>
    tpu.enqueue_indirect_dma source(%dma_start3A_413 : memref<524288x128xf32, #tpu.memory_space<hbm>>) target(%dma_start3A_407 : memref<128x128xf32, #tpu.memory_space<vmem>>) offsets(%dma_start3A_410 : memref<128xi32, #tpu.memory_space<vmem>>) semaphore(%arg8 : memref<!tpu.dma_semaphore, #tpu.memory_space<semaphore_mem>>)
    %get3A_414 = arith.constant 0 : i32
    %get3A_415 = arith.index_cast %get3A_414 : i32 to index
    %get3A_416 = arith.constant 32 : index
    %get3A_417 = tpu.vector_load %arg7[%get3A_415, %get3A_416] {strides = array<i32>} : memref<8x256xf32, #tpu.memory_space<vmem>>, vector<1x16xf32>,
    %get3A_418 = vector.shape_cast %get3A_417 : vector<1x16xf32> to vector<16xf32>
    %broadcast_in_dim3A_419 = arith.constant 0 : i32
    %broadcast_in_dim3A_420 = vector.broadcast %broadcast_in_dim3A_419 : i32 to vector<16xi32>
    %get3A_421 = arith.constant 1 : i32
    %get3A_422 = arith.index_cast %get3A_421 : i32 to index
    %get3A_423 = arith.constant 32 : index
    %get3A_424 = tpu.vector_load %arg7[%get3A_422, %get3A_423] {strides = array<i32>} : memref<8x256xf32, #tpu.memory_space<vmem>>, vector<1x16xf32>,
    %get3A_425 = vector.shape_cast %get3A_424 : vector<1x16xf32> to vector<16xf32>
    %gt3A_426 = arith.cmpf ogt, %get3A_425, %get3A_418 : vector<16xf32>
    %jit3A_427 = arith.constant 1 : i32
    %broadcast_in_dim3A_428 = vector.broadcast %jit3A_427 : i32 to vector<16xi32>
    %select_n3A_429 = arith.select %gt3A_426, %broadcast_in_dim3A_428, %broadcast_in_dim3A_420 : vector<16xi1>, vector<16xi32>
    %select_n3A_430 = arith.select %gt3A_426, %get3A_425, %get3A_418 : vector<16xi1>, vector<16xf32>
    %get3A_431 = arith.constant 2 : i32
    %get3A_432 = arith.index_cast %get3A_431 : i32 to index
    %get3A_433 = arith.constant 32 : index
    %get3A_434 = tpu.vector_load %arg7[%get3A_432, %get3A_433] {strides = array<i32>} : memref<8x256xf32, #tpu.memory_space<vmem>>, vector<1x16xf32>,
    %get3A_435 = vector.shape_cast %get3A_434 : vector<1x16xf32> to vector<16xf32>
    %gt3A_436 = arith.cmpf ogt, %get3A_435, %select_n3A_430 : vector<16xf32>
    %jit3A_437 = arith.constant 2 : i32
    %broadcast_in_dim3A_438 = vector.broadcast %jit3A_437 : i32 to vector<16xi32>
    %select_n3A_439 = arith.select %gt3A_436, %broadcast_in_dim3A_438, %select_n3A_429 : vector<16xi1>, vector<16xi32>
    %select_n3A_440 = arith.select %gt3A_436, %get3A_435, %select_n3A_430 : vector<16xi1>, vector<16xf32>
    %get3A_441 = arith.constant 3 : i32
    %get3A_442 = arith.index_cast %get3A_441 : i32 to index
    %get3A_443 = arith.constant 32 : index
    %get3A_444 = tpu.vector_load %arg7[%get3A_442, %get3A_443] {strides = array<i32>} : memref<8x256xf32, #tpu.memory_space<vmem>>, vector<1x16xf32>,
    %get3A_445 = vector.shape_cast %get3A_444 : vector<1x16xf32> to vector<16xf32>
    %gt3A_446 = arith.cmpf ogt, %get3A_445, %select_n3A_440 : vector<16xf32>
    %jit3A_447 = arith.constant 3 : i32
    %broadcast_in_dim3A_448 = vector.broadcast %jit3A_447 : i32 to vector<16xi32>
    %select_n3A_449 = arith.select %gt3A_446, %broadcast_in_dim3A_448, %select_n3A_439 : vector<16xi1>, vector<16xi32>
    %select_n3A_450 = arith.select %gt3A_446, %get3A_445, %select_n3A_440 : vector<16xi1>, vector<16xf32>
    %get3A_451 = arith.constant 4 : i32
    %get3A_452 = arith.index_cast %get3A_451 : i32 to index
    %get3A_453 = arith.constant 32 : index
    %get3A_454 = tpu.vector_load %arg7[%get3A_452, %get3A_453] {strides = array<i32>} : memref<8x256xf32, #tpu.memory_space<vmem>>, vector<1x16xf32>,
    %get3A_455 = vector.shape_cast %get3A_454 : vector<1x16xf32> to vector<16xf32>
    %gt3A_456 = arith.cmpf ogt, %get3A_455, %select_n3A_450 : vector<16xf32>
    %jit3A_457 = arith.constant 4 : i32
    %broadcast_in_dim3A_458 = vector.broadcast %jit3A_457 : i32 to vector<16xi32>
    %select_n3A_459 = arith.select %gt3A_456, %broadcast_in_dim3A_458, %select_n3A_449 : vector<16xi1>, vector<16xi32>
    %select_n3A_460 = arith.select %gt3A_456, %get3A_455, %select_n3A_450 : vector<16xi1>, vector<16xf32>
    %get3A_461 = arith.constant 5 : i32
    %get3A_462 = arith.index_cast %get3A_461 : i32 to index
    %get3A_463 = arith.constant 32 : index
    %get3A_464 = tpu.vector_load %arg7[%get3A_462, %get3A_463] {strides = array<i32>} : memref<8x256xf32, #tpu.memory_space<vmem>>, vector<1x16xf32>,
    %get3A_465 = vector.shape_cast %get3A_464 : vector<1x16xf32> to vector<16xf32>
    %gt3A_466 = arith.cmpf ogt, %get3A_465, %select_n3A_460 : vector<16xf32>
    %jit3A_467 = arith.constant 5 : i32
    %broadcast_in_dim3A_468 = vector.broadcast %jit3A_467 : i32 to vector<16xi32>
    %select_n3A_469 = arith.select %gt3A_466, %broadcast_in_dim3A_468, %select_n3A_459 : vector<16xi1>, vector<16xi32>
    %select_n3A_470 = arith.select %gt3A_466, %get3A_465, %select_n3A_460 : vector<16xi1>, vector<16xf32>
    %get3A_471 = arith.constant 6 : i32
    %get3A_472 = arith.index_cast %get3A_471 : i32 to index
    %get3A_473 = arith.constant 32 : index
    %get3A_474 = tpu.vector_load %arg7[%get3A_472, %get3A_473] {strides = array<i32>} : memref<8x256xf32, #tpu.memory_space<vmem>>, vector<1x16xf32>,
    %get3A_475 = vector.shape_cast %get3A_474 : vector<1x16xf32> to vector<16xf32>
    %gt3A_476 = arith.cmpf ogt, %get3A_475, %select_n3A_470 : vector<16xf32>
    %jit3A_477 = arith.constant 6 : i32
    %broadcast_in_dim3A_478 = vector.broadcast %jit3A_477 : i32 to vector<16xi32>
    %select_n3A_479 = arith.select %gt3A_476, %broadcast_in_dim3A_478, %select_n3A_469 : vector<16xi1>, vector<16xi32>
    %select_n3A_480 = arith.select %gt3A_476, %get3A_475, %select_n3A_470 : vector<16xi1>, vector<16xf32>
    %get3A_481 = arith.constant 7 : i32
    %get3A_482 = arith.index_cast %get3A_481 : i32 to index
    %get3A_483 = arith.constant 32 : index
    %get3A_484 = tpu.vector_load %arg7[%get3A_482, %get3A_483] {strides = array<i32>} : memref<8x256xf32, #tpu.memory_space<vmem>>, vector<1x16xf32>,
    %get3A_485 = vector.shape_cast %get3A_484 : vector<1x16xf32> to vector<16xf32>
    %gt3A_486 = arith.cmpf ogt, %get3A_485, %select_n3A_480 : vector<16xf32>
    %jit3A_487 = arith.constant 7 : i32
    %broadcast_in_dim3A_488 = vector.broadcast %jit3A_487 : i32 to vector<16xi32>
    %select_n3A_489 = arith.select %gt3A_486, %broadcast_in_dim3A_488, %select_n3A_479 : vector<16xi1>, vector<16xi32>
    %select_n3A_490 = arith.select %gt3A_486, %get3A_485, %select_n3A_480 : vector<16xi1>, vector<16xf32>
    %mul3A_491 = arith.constant 131072 : i32
    %mul3A_492 = arith.muli %select_n3A, %mul3A_491 : i32
    %add3A_493 = arith.constant 32 : i32
    %add3A_494 = arith.addi %mul3A_34, %add3A_493 : i32
    %add3A_495 = vector.broadcast %add3A_494 : i32 to vector<16xi32>
    %add3A_496 = arith.addi %add3A_495, %iota3A : vector<16xi32>
    %mul3A_497 = arith.constant 64 : i32
    %mul3A_498 = vector.broadcast %mul3A_497 : i32 to vector<16xi32>
    %mul3A_499 = arith.muli %add3A_496, %mul3A_498 : vector<16xi32>
    %add3A_500 = vector.broadcast %mul3A_492 : i32 to vector<16xi32>
    %add3A_501 = arith.addi %add3A_500, %mul3A_499 : vector<16xi32>
    %add3A_502 = arith.addi %add3A_501, %select_n3A_489 : vector<16xi32>
    %broadcast_in_dim3A_503 = vector.shape_cast %and3A_37 : vector<16xi32> to vector<16x1xi32>
    %gather3A_504 = vector.shape_cast %broadcast_in_dim3A_503 : vector<16x1xi32> to vector<16xi32>
    %gather3A_505 = tpu.dynamic_gather %add3A_502[%gather3A_504] in [0] : vector<16xi32>, vector<16xi32> -> vector<16xi32>
    %broadcast_in_dim3A_506 = vector.shape_cast %add3A_40 : vector<16xi32> to vector<16x1xi32>
    %gather3A_507 = vector.shape_cast %broadcast_in_dim3A_506 : vector<16x1xi32> to vector<16xi32>
    %gather3A_508 = tpu.dynamic_gather %add3A_502[%gather3A_507] in [0] : vector<16xi32>, vector<16xi32> -> vector<16xi32>
    %add3A_509 = arith.constant 0 : i32
    %add3A_510 = vector.broadcast %add3A_509 : i32 to vector<16xi32>
    %add3A_511 = arith.addi %add3A_510, %mul3A_45 : vector<16xi32>
    %add3A_512 = arith.addi %gather3A_505, %add3A_511 : vector<16xi32>
    %swap3A_513 = arith.constant 2 : i32
    %swap3A_514 = arith.index_cast %swap3A_513 : i32 to index
    %swap3A_515 = arith.constant 0 : index
    %swap3A_516 = tpu.vector_load %arg5[%swap3A_514, %swap3A_515] {strides = array<i32>} : memref<4x128xi32, #tpu.memory_space<vmem>>, vector<1x16xi32>,
    %swap3A_517 = vector.shape_cast %swap3A_516 : vector<1x16xi32> to vector<16xi32>
    %swap3A_518 = vector.shape_cast %add3A_512 : vector<16xi32> to vector<1x16xi32>
    tpu.vector_store %arg5[%swap3A_514, %swap3A_515], %swap3A_518 {strides = array<i32>} : memref<4x128xi32, #tpu.memory_space<vmem>>, vector<1x16xi32>,
    %add3A_519 = arith.constant 16 : i32
    %add3A_520 = vector.broadcast %add3A_519 : i32 to vector<16xi32>
    %add3A_521 = arith.addi %add3A_520, %mul3A_45 : vector<16xi32>
    %add3A_522 = arith.addi %gather3A_505, %add3A_521 : vector<16xi32>
    %swap3A_523 = arith.constant 2 : i32
    %swap3A_524 = arith.index_cast %swap3A_523 : i32 to index
    %swap3A_525 = arith.constant 16 : index
    %swap3A_526 = tpu.vector_load %arg5[%swap3A_524, %swap3A_525] {strides = array<i32>} : memref<4x128xi32, #tpu.memory_space<vmem>>, vector<1x16xi32>,
    %swap3A_527 = vector.shape_cast %swap3A_526 : vector<1x16xi32> to vector<16xi32>
    %swap3A_528 = vector.shape_cast %add3A_522 : vector<16xi32> to vector<1x16xi32>
    tpu.vector_store %arg5[%swap3A_524, %swap3A_525], %swap3A_528 {strides = array<i32>} : memref<4x128xi32, #tpu.memory_space<vmem>>, vector<1x16xi32>,
    %add3A_529 = arith.constant 32 : i32
    %add3A_530 = vector.broadcast %add3A_529 : i32 to vector<16xi32>
    %add3A_531 = arith.addi %add3A_530, %mul3A_45 : vector<16xi32>
    %add3A_532 = arith.addi %gather3A_505, %add3A_531 : vector<16xi32>
    %swap3A_533 = arith.constant 2 : i32
    %swap3A_534 = arith.index_cast %swap3A_533 : i32 to index
    %swap3A_535 = arith.constant 32 : index
    %swap3A_536 = tpu.vector_load %arg5[%swap3A_534, %swap3A_535] {strides = array<i32>} : memref<4x128xi32, #tpu.memory_space<vmem>>, vector<1x16xi32>,
    %swap3A_537 = vector.shape_cast %swap3A_536 : vector<1x16xi32> to vector<16xi32>
    %swap3A_538 = vector.shape_cast %add3A_532 : vector<16xi32> to vector<1x16xi32>
    tpu.vector_store %arg5[%swap3A_534, %swap3A_535], %swap3A_538 {strides = array<i32>} : memref<4x128xi32, #tpu.memory_space<vmem>>, vector<1x16xi32>,
    %add3A_539 = arith.constant 48 : i32
    %add3A_540 = vector.broadcast %add3A_539 : i32 to vector<16xi32>
    %add3A_541 = arith.addi %add3A_540, %mul3A_45 : vector<16xi32>
    %add3A_542 = arith.addi %gather3A_505, %add3A_541 : vector<16xi32>
    %swap3A_543 = arith.constant 2 : i32
    %swap3A_544 = arith.index_cast %swap3A_543 : i32 to index
    %swap3A_545 = arith.constant 48 : index
    %swap3A_546 = tpu.vector_load %arg5[%swap3A_544, %swap3A_545] {strides = array<i32>} : memref<4x128xi32, #tpu.memory_space<vmem>>, vector<1x16xi32>,
    %swap3A_547 = vector.shape_cast %swap3A_546 : vector<1x16xi32> to vector<16xi32>
    %swap3A_548 = vector.shape_cast %add3A_542 : vector<16xi32> to vector<1x16xi32>
    tpu.vector_store %arg5[%swap3A_544, %swap3A_545], %swap3A_548 {strides = array<i32>} : memref<4x128xi32, #tpu.memory_space<vmem>>, vector<1x16xi32>,
    %add3A_549 = arith.constant 0 : i32
    %add3A_550 = vector.broadcast %add3A_549 : i32 to vector<16xi32>
    %add3A_551 = arith.addi %add3A_550, %mul3A_45 : vector<16xi32>
    %add3A_552 = arith.addi %gather3A_508, %add3A_551 : vector<16xi32>
    %swap3A_553 = arith.constant 2 : i32
    %swap3A_554 = arith.index_cast %swap3A_553 : i32 to index
    %swap3A_555 = arith.constant 64 : index
    %swap3A_556 = tpu.vector_load %arg5[%swap3A_554, %swap3A_555] {strides = array<i32>} : memref<4x128xi32, #tpu.memory_space<vmem>>, vector<1x16xi32>,
    %swap3A_557 = vector.shape_cast %swap3A_556 : vector<1x16xi32> to vector<16xi32>
    %swap3A_558 = vector.shape_cast %add3A_552 : vector<16xi32> to vector<1x16xi32>
    tpu.vector_store %arg5[%swap3A_554, %swap3A_555], %swap3A_558 {strides = array<i32>} : memref<4x128xi32, #tpu.memory_space<vmem>>, vector<1x16xi32>,
    %add3A_559 = arith.constant 16 : i32
    %add3A_560 = vector.broadcast %add3A_559 : i32 to vector<16xi32>
    %add3A_561 = arith.addi %add3A_560, %mul3A_45 : vector<16xi32>
    %add3A_562 = arith.addi %gather3A_508, %add3A_561 : vector<16xi32>
    %swap3A_563 = arith.constant 2 : i32
    %swap3A_564 = arith.index_cast %swap3A_563 : i32 to index
    %swap3A_565 = arith.constant 80 : index
    %swap3A_566 = tpu.vector_load %arg5[%swap3A_564, %swap3A_565] {strides = array<i32>} : memref<4x128xi32, #tpu.memory_space<vmem>>, vector<1x16xi32>,
    %swap3A_567 = vector.shape_cast %swap3A_566 : vector<1x16xi32> to vector<16xi32>
    %swap3A_568 = vector.shape_cast %add3A_562 : vector<16xi32> to vector<1x16xi32>
    tpu.vector_store %arg5[%swap3A_564, %swap3A_565], %swap3A_568 {strides = array<i32>} : memref<4x128xi32, #tpu.memory_space<vmem>>, vector<1x16xi32>,
    %add3A_569 = arith.constant 32 : i32
    %add3A_570 = vector.broadcast %add3A_569 : i32 to vector<16xi32>
    %add3A_571 = arith.addi %add3A_570, %mul3A_45 : vector<16xi32>
    %add3A_572 = arith.addi %gather3A_508, %add3A_571 : vector<16xi32>
    %swap3A_573 = arith.constant 2 : i32
    %swap3A_574 = arith.index_cast %swap3A_573 : i32 to index
    %swap3A_575 = arith.constant 96 : index
    %swap3A_576 = tpu.vector_load %arg5[%swap3A_574, %swap3A_575] {strides = array<i32>} : memref<4x128xi32, #tpu.memory_space<vmem>>, vector<1x16xi32>,
    %swap3A_577 = vector.shape_cast %swap3A_576 : vector<1x16xi32> to vector<16xi32>
    %swap3A_578 = vector.shape_cast %add3A_572 : vector<16xi32> to vector<1x16xi32>
    tpu.vector_store %arg5[%swap3A_574, %swap3A_575], %swap3A_578 {strides = array<i32>} : memref<4x128xi32, #tpu.memory_space<vmem>>, vector<1x16xi32>,
    %add3A_579 = arith.constant 48 : i32
    %add3A_580 = vector.broadcast %add3A_579 : i32 to vector<16xi32>
    %add3A_581 = arith.addi %add3A_580, %mul3A_45 : vector<16xi32>
    %add3A_582 = arith.addi %gather3A_508, %add3A_581 : vector<16xi32>
    %swap3A_583 = arith.constant 2 : i32
    %swap3A_584 = arith.index_cast %swap3A_583 : i32 to index
    %swap3A_585 = arith.constant 112 : index
    %swap3A_586 = tpu.vector_load %arg5[%swap3A_584, %swap3A_585] {strides = array<i32>} : memref<4x128xi32, #tpu.memory_space<vmem>>, vector<1x16xi32>,
    %swap3A_587 = vector.shape_cast %swap3A_586 : vector<1x16xi32> to vector<16xi32>
    %swap3A_588 = vector.shape_cast %add3A_582 : vector<16xi32> to vector<1x16xi32>
    tpu.vector_store %arg5[%swap3A_584, %swap3A_585], %swap3A_588 {strides = array<i32>} : memref<4x128xi32, #tpu.memory_space<vmem>>, vector<1x16xi32>,
    %dma_start3A_589 = arith.constant 2 : i32
    %dma_start3A_590 = arith.constant 2 : i32
    %dma_start3A_591 = arith.constant 0 : i32
    %dma_start3A_592 = arith.constant 0 : i32
    %dma_start3A_593 = tpu.memref_slice %arg6[%dma_start3A_590, %dma_start3A_591, %dma_start3A_592] : memref<4x128x128xf32, #tpu.memory_space<vmem>> -> memref<1x128x128xf32, #tpu.memory_space<vmem>>
    %dma_start3A_594 = tpu.memref_squeeze %dma_start3A_593 : memref<1x128x128xf32, #tpu.memory_space<vmem>> -> memref<128x128xf32, #tpu.memory_space<vmem>>
    %dma_start3A_595 = arith.constant 0 : i32
    %dma_start3A_596 = tpu.memref_slice %arg5[%dma_start3A_589, %dma_start3A_595] : memref<4x128xi32, #tpu.memory_space<vmem>> -> memref<1x128xi32, #tpu.memory_space<vmem>>
    %dma_start3A_597 = tpu.memref_squeeze %dma_start3A_596 : memref<1x128xi32, #tpu.memory_space<vmem>> -> memref<128xi32, #tpu.memory_space<vmem>>
    %dma_start3A_598 = arith.constant 0 : i32
    %dma_start3A_599 = arith.constant 0 : i32
    %dma_start3A_600 = tpu.memref_slice %arg2[%dma_start3A_598, %dma_start3A_599] : memref<524288x128xf32, #tpu.memory_space<hbm>> -> memref<524288x128xf32, #tpu.memory_space<hbm>>
    tpu.enqueue_indirect_dma source(%dma_start3A_600 : memref<524288x128xf32, #tpu.memory_space<hbm>>) target(%dma_start3A_594 : memref<128x128xf32, #tpu.memory_space<vmem>>) offsets(%dma_start3A_597 : memref<128xi32, #tpu.memory_space<vmem>>) semaphore(%arg8 : memref<!tpu.dma_semaphore, #tpu.memory_space<semaphore_mem>>)
    %get3A_601 = arith.constant 0 : i32
    %get3A_602 = arith.index_cast %get3A_601 : i32 to index
    %get3A_603 = arith.constant 48 : index
    %get3A_604 = tpu.vector_load %arg7[%get3A_602, %get3A_603] {strides = array<i32>} : memref<8x256xf32, #tpu.memory_space<vmem>>, vector<1x16xf32>,
    %get3A_605 = vector.shape_cast %get3A_604 : vector<1x16xf32> to vector<16xf32>
    %broadcast_in_dim3A_606 = arith.constant 0 : i32
    %broadcast_in_dim3A_607 = vector.broadcast %broadcast_in_dim3A_606 : i32 to vector<16xi32>
    %get3A_608 = arith.constant 1 : i32
    %get3A_609 = arith.index_cast %get3A_608 : i32 to index
    %get3A_610 = arith.constant 48 : index
    %get3A_611 = tpu.vector_load %arg7[%get3A_609, %get3A_610] {strides = array<i32>} : memref<8x256xf32, #tpu.memory_space<vmem>>, vector<1x16xf32>,
    %get3A_612 = vector.shape_cast %get3A_611 : vector<1x16xf32> to vector<16xf32>
    %gt3A_613 = arith.cmpf ogt, %get3A_612, %get3A_605 : vector<16xf32>
    %jit3A_614 = arith.constant 1 : i32
    %broadcast_in_dim3A_615 = vector.broadcast %jit3A_614 : i32 to vector<16xi32>
    %select_n3A_616 = arith.select %gt3A_613, %broadcast_in_dim3A_615, %broadcast_in_dim3A_607 : vector<16xi1>, vector<16xi32>
    %select_n3A_617 = arith.select %gt3A_613, %get3A_612, %get3A_605 : vector<16xi1>, vector<16xf32>
    %get3A_618 = arith.constant 2 : i32
    %get3A_619 = arith.index_cast %get3A_618 : i32 to index
    %get3A_620 = arith.constant 48 : index
    %get3A_621 = tpu.vector_load %arg7[%get3A_619, %get3A_620] {strides = array<i32>} : memref<8x256xf32, #tpu.memory_space<vmem>>, vector<1x16xf32>,
    %get3A_622 = vector.shape_cast %get3A_621 : vector<1x16xf32> to vector<16xf32>
    %gt3A_623 = arith.cmpf ogt, %get3A_622, %select_n3A_617 : vector<16xf32>
    %jit3A_624 = arith.constant 2 : i32
    %broadcast_in_dim3A_625 = vector.broadcast %jit3A_624 : i32 to vector<16xi32>
    %select_n3A_626 = arith.select %gt3A_623, %broadcast_in_dim3A_625, %select_n3A_616 : vector<16xi1>, vector<16xi32>
    %select_n3A_627 = arith.select %gt3A_623, %get3A_622, %select_n3A_617 : vector<16xi1>, vector<16xf32>
    %get3A_628 = arith.constant 3 : i32
    %get3A_629 = arith.index_cast %get3A_628 : i32 to index
    %get3A_630 = arith.constant 48 : index
    %get3A_631 = tpu.vector_load %arg7[%get3A_629, %get3A_630] {strides = array<i32>} : memref<8x256xf32, #tpu.memory_space<vmem>>, vector<1x16xf32>,
    %get3A_632 = vector.shape_cast %get3A_631 : vector<1x16xf32> to vector<16xf32>
    %gt3A_633 = arith.cmpf ogt, %get3A_632, %select_n3A_627 : vector<16xf32>
    %jit3A_634 = arith.constant 3 : i32
    %broadcast_in_dim3A_635 = vector.broadcast %jit3A_634 : i32 to vector<16xi32>
    %select_n3A_636 = arith.select %gt3A_633, %broadcast_in_dim3A_635, %select_n3A_626 : vector<16xi1>, vector<16xi32>
    %select_n3A_637 = arith.select %gt3A_633, %get3A_632, %select_n3A_627 : vector<16xi1>, vector<16xf32>
    %get3A_638 = arith.constant 4 : i32
    %get3A_639 = arith.index_cast %get3A_638 : i32 to index
    %get3A_640 = arith.constant 48 : index
    %get3A_641 = tpu.vector_load %arg7[%get3A_639, %get3A_640] {strides = array<i32>} : memref<8x256xf32, #tpu.memory_space<vmem>>, vector<1x16xf32>,
    %get3A_642 = vector.shape_cast %get3A_641 : vector<1x16xf32> to vector<16xf32>
    %gt3A_643 = arith.cmpf ogt, %get3A_642, %select_n3A_637 : vector<16xf32>
    %jit3A_644 = arith.constant 4 : i32
    %broadcast_in_dim3A_645 = vector.broadcast %jit3A_644 : i32 to vector<16xi32>
    %select_n3A_646 = arith.select %gt3A_643, %broadcast_in_dim3A_645, %select_n3A_636 : vector<16xi1>, vector<16xi32>
    %select_n3A_647 = arith.select %gt3A_643, %get3A_642, %select_n3A_637 : vector<16xi1>, vector<16xf32>
    %get3A_648 = arith.constant 5 : i32
    %get3A_649 = arith.index_cast %get3A_648 : i32 to index
    %get3A_650 = arith.constant 48 : index
    %get3A_651 = tpu.vector_load %arg7[%get3A_649, %get3A_650] {strides = array<i32>} : memref<8x256xf32, #tpu.memory_space<vmem>>, vector<1x16xf32>,
    %get3A_652 = vector.shape_cast %get3A_651 : vector<1x16xf32> to vector<16xf32>
    %gt3A_653 = arith.cmpf ogt, %get3A_652, %select_n3A_647 : vector<16xf32>
    %jit3A_654 = arith.constant 5 : i32
    %broadcast_in_dim3A_655 = vector.broadcast %jit3A_654 : i32 to vector<16xi32>
    %select_n3A_656 = arith.select %gt3A_653, %broadcast_in_dim3A_655, %select_n3A_646 : vector<16xi1>, vector<16xi32>
    %select_n3A_657 = arith.select %gt3A_653, %get3A_652, %select_n3A_647 : vector<16xi1>, vector<16xf32>
    %get3A_658 = arith.constant 6 : i32
    %get3A_659 = arith.index_cast %get3A_658 : i32 to index
    %get3A_660 = arith.constant 48 : index
    %get3A_661 = tpu.vector_load %arg7[%get3A_659, %get3A_660] {strides = array<i32>} : memref<8x256xf32, #tpu.memory_space<vmem>>, vector<1x16xf32>,
    %get3A_662 = vector.shape_cast %get3A_661 : vector<1x16xf32> to vector<16xf32>
    %gt3A_663 = arith.cmpf ogt, %get3A_662, %select_n3A_657 : vector<16xf32>
    %jit3A_664 = arith.constant 6 : i32
    %broadcast_in_dim3A_665 = vector.broadcast %jit3A_664 : i32 to vector<16xi32>
    %select_n3A_666 = arith.select %gt3A_663, %broadcast_in_dim3A_665, %select_n3A_656 : vector<16xi1>, vector<16xi32>
    %select_n3A_667 = arith.select %gt3A_663, %get3A_662, %select_n3A_657 : vector<16xi1>, vector<16xf32>
    %get3A_668 = arith.constant 7 : i32
    %get3A_669 = arith.index_cast %get3A_668 : i32 to index
    %get3A_670 = arith.constant 48 : index
    %get3A_671 = tpu.vector_load %arg7[%get3A_669, %get3A_670] {strides = array<i32>} : memref<8x256xf32, #tpu.memory_space<vmem>>, vector<1x16xf32>,
    %get3A_672 = vector.shape_cast %get3A_671 : vector<1x16xf32> to vector<16xf32>
    %gt3A_673 = arith.cmpf ogt, %get3A_672, %select_n3A_667 : vector<16xf32>
    %jit3A_674 = arith.constant 7 : i32
    %broadcast_in_dim3A_675 = vector.broadcast %jit3A_674 : i32 to vector<16xi32>
    %select_n3A_676 = arith.select %gt3A_673, %broadcast_in_dim3A_675, %select_n3A_666 : vector<16xi1>, vector<16xi32>
    %select_n3A_677 = arith.select %gt3A_673, %get3A_672, %select_n3A_667 : vector<16xi1>, vector<16xf32>
    %mul3A_678 = arith.constant 131072 : i32
    %mul3A_679 = arith.muli %select_n3A, %mul3A_678 : i32
    %add3A_680 = arith.constant 48 : i32
    %add3A_681 = arith.addi %mul3A_34, %add3A_680 : i32
    %add3A_682 = vector.broadcast %add3A_681 : i32 to vector<16xi32>
    %add3A_683 = arith.addi %add3A_682, %iota3A : vector<16xi32>
    %mul3A_684 = arith.constant 64 : i32
    %mul3A_685 = vector.broadcast %mul3A_684 : i32 to vector<16xi32>
    %mul3A_686 = arith.muli %add3A_683, %mul3A_685 : vector<16xi32>
    %add3A_687 = vector.broadcast %mul3A_679 : i32 to vector<16xi32>
    %add3A_688 = arith.addi %add3A_687, %mul3A_686 : vector<16xi32>
    %add3A_689 = arith.addi %add3A_688, %select_n3A_676 : vector<16xi32>
    %broadcast_in_dim3A_690 = vector.shape_cast %and3A_37 : vector<16xi32> to vector<16x1xi32>
    %gather3A_691 = vector.shape_cast %broadcast_in_dim3A_690 : vector<16x1xi32> to vector<16xi32>
    %gather3A_692 = tpu.dynamic_gather %add3A_689[%gather3A_691] in [0] : vector<16xi32>, vector<16xi32> -> vector<16xi32>
    %broadcast_in_dim3A_693 = vector.shape_cast %add3A_40 : vector<16xi32> to vector<16x1xi32>
    %gather3A_694 = vector.shape_cast %broadcast_in_dim3A_693 : vector<16x1xi32> to vector<16xi32>
    %gather3A_695 = tpu.dynamic_gather %add3A_689[%gather3A_694] in [0] : vector<16xi32>, vector<16xi32> -> vector<16xi32>
    %add3A_696 = arith.constant 0 : i32
    %add3A_697 = vector.broadcast %add3A_696 : i32 to vector<16xi32>
    %add3A_698 = arith.addi %add3A_697, %mul3A_45 : vector<16xi32>
    %add3A_699 = arith.addi %gather3A_692, %add3A_698 : vector<16xi32>
    %swap3A_700 = arith.constant 3 : i32
    %swap3A_701 = arith.index_cast %swap3A_700 : i32 to index
    %swap3A_702 = arith.constant 0 : index
    %swap3A_703 = tpu.vector_load %arg5[%swap3A_701, %swap3A_702] {strides = array<i32>} : memref<4x128xi32, #tpu.memory_space<vmem>>, vector<1x16xi32>,
    %swap3A_704 = vector.shape_cast %swap3A_703 : vector<1x16xi32> to vector<16xi32>
    %swap3A_705 = vector.shape_cast %add3A_699 : vector<16xi32> to vector<1x16xi32>
    tpu.vector_store %arg5[%swap3A_701, %swap3A_702], %swap3A_705 {strides = array<i32>} : memref<4x128xi32, #tpu.memory_space<vmem>>, vector<1x16xi32>,
    %add3A_706 = arith.constant 16 : i32
    %add3A_707 = vector.broadcast %add3A_706 : i32 to vector<16xi32>
    %add3A_708 = arith.addi %add3A_707, %mul3A_45 : vector<16xi32>
    %add3A_709 = arith.addi %gather3A_692, %add3A_708 : vector<16xi32>
    %swap3A_710 = arith.constant 3 : i32
    %swap3A_711 = arith.index_cast %swap3A_710 : i32 to index
    %swap3A_712 = arith.constant 16 : index
    %swap3A_713 = tpu.vector_load %arg5[%swap3A_711, %swap3A_712] {strides = array<i32>} : memref<4x128xi32, #tpu.memory_space<vmem>>, vector<1x16xi32>,
    %swap3A_714 = vector.shape_cast %swap3A_713 : vector<1x16xi32> to vector<16xi32>
    %swap3A_715 = vector.shape_cast %add3A_709 : vector<16xi32> to vector<1x16xi32>
    tpu.vector_store %arg5[%swap3A_711, %swap3A_712], %swap3A_715 {strides = array<i32>} : memref<4x128xi32, #tpu.memory_space<vmem>>, vector<1x16xi32>,
    %add3A_716 = arith.constant 32 : i32
    %add3A_717 = vector.broadcast %add3A_716 : i32 to vector<16xi32>
    %add3A_718 = arith.addi %add3A_717, %mul3A_45 : vector<16xi32>
    %add3A_719 = arith.addi %gather3A_692, %add3A_718 : vector<16xi32>
    %swap3A_720 = arith.constant 3 : i32
    %swap3A_721 = arith.index_cast %swap3A_720 : i32 to index
    %swap3A_722 = arith.constant 32 : index
    %swap3A_723 = tpu.vector_load %arg5[%swap3A_721, %swap3A_722] {strides = array<i32>} : memref<4x128xi32, #tpu.memory_space<vmem>>, vector<1x16xi32>,
    %swap3A_724 = vector.shape_cast %swap3A_723 : vector<1x16xi32> to vector<16xi32>
    %swap3A_725 = vector.shape_cast %add3A_719 : vector<16xi32> to vector<1x16xi32>
    tpu.vector_store %arg5[%swap3A_721, %swap3A_722], %swap3A_725 {strides = array<i32>} : memref<4x128xi32, #tpu.memory_space<vmem>>, vector<1x16xi32>,
    %add3A_726 = arith.constant 48 : i32
    %add3A_727 = vector.broadcast %add3A_726 : i32 to vector<16xi32>
    %add3A_728 = arith.addi %add3A_727, %mul3A_45 : vector<16xi32>
    %add3A_729 = arith.addi %gather3A_692, %add3A_728 : vector<16xi32>
    %swap3A_730 = arith.constant 3 : i32
    %swap3A_731 = arith.index_cast %swap3A_730 : i32 to index
    %swap3A_732 = arith.constant 48 : index
    %swap3A_733 = tpu.vector_load %arg5[%swap3A_731, %swap3A_732] {strides = array<i32>} : memref<4x128xi32, #tpu.memory_space<vmem>>, vector<1x16xi32>,
    %swap3A_734 = vector.shape_cast %swap3A_733 : vector<1x16xi32> to vector<16xi32>
    %swap3A_735 = vector.shape_cast %add3A_729 : vector<16xi32> to vector<1x16xi32>
    tpu.vector_store %arg5[%swap3A_731, %swap3A_732], %swap3A_735 {strides = array<i32>} : memref<4x128xi32, #tpu.memory_space<vmem>>, vector<1x16xi32>,
    %add3A_736 = arith.constant 0 : i32
    %add3A_737 = vector.broadcast %add3A_736 : i32 to vector<16xi32>
    %add3A_738 = arith.addi %add3A_737, %mul3A_45 : vector<16xi32>
    %add3A_739 = arith.addi %gather3A_695, %add3A_738 : vector<16xi32>
    %swap3A_740 = arith.constant 3 : i32
    %swap3A_741 = arith.index_cast %swap3A_740 : i32 to index
    %swap3A_742 = arith.constant 64 : index
    %swap3A_743 = tpu.vector_load %arg5[%swap3A_741, %swap3A_742] {strides = array<i32>} : memref<4x128xi32, #tpu.memory_space<vmem>>, vector<1x16xi32>,
    %swap3A_744 = vector.shape_cast %swap3A_743 : vector<1x16xi32> to vector<16xi32>
    %swap3A_745 = vector.shape_cast %add3A_739 : vector<16xi32> to vector<1x16xi32>
    tpu.vector_store %arg5[%swap3A_741, %swap3A_742], %swap3A_745 {strides = array<i32>} : memref<4x128xi32, #tpu.memory_space<vmem>>, vector<1x16xi32>,
    %add3A_746 = arith.constant 16 : i32
    %add3A_747 = vector.broadcast %add3A_746 : i32 to vector<16xi32>
    %add3A_748 = arith.addi %add3A_747, %mul3A_45 : vector<16xi32>
    %add3A_749 = arith.addi %gather3A_695, %add3A_748 : vector<16xi32>
    %swap3A_750 = arith.constant 3 : i32
    %swap3A_751 = arith.index_cast %swap3A_750 : i32 to index
    %swap3A_752 = arith.constant 80 : index
    %swap3A_753 = tpu.vector_load %arg5[%swap3A_751, %swap3A_752] {strides = array<i32>} : memref<4x128xi32, #tpu.memory_space<vmem>>, vector<1x16xi32>,
    %swap3A_754 = vector.shape_cast %swap3A_753 : vector<1x16xi32> to vector<16xi32>
    %swap3A_755 = vector.shape_cast %add3A_749 : vector<16xi32> to vector<1x16xi32>
    tpu.vector_store %arg5[%swap3A_751, %swap3A_752], %swap3A_755 {strides = array<i32>} : memref<4x128xi32, #tpu.memory_space<vmem>>, vector<1x16xi32>,
    %add3A_756 = arith.constant 32 : i32
    %add3A_757 = vector.broadcast %add3A_756 : i32 to vector<16xi32>
    %add3A_758 = arith.addi %add3A_757, %mul3A_45 : vector<16xi32>
    %add3A_759 = arith.addi %gather3A_695, %add3A_758 : vector<16xi32>
    %swap3A_760 = arith.constant 3 : i32
    %swap3A_761 = arith.index_cast %swap3A_760 : i32 to index
    %swap3A_762 = arith.constant 96 : index
    %swap3A_763 = tpu.vector_load %arg5[%swap3A_761, %swap3A_762] {strides = array<i32>} : memref<4x128xi32, #tpu.memory_space<vmem>>, vector<1x16xi32>,
    %swap3A_764 = vector.shape_cast %swap3A_763 : vector<1x16xi32> to vector<16xi32>
    %swap3A_765 = vector.shape_cast %add3A_759 : vector<16xi32> to vector<1x16xi32>
    tpu.vector_store %arg5[%swap3A_761, %swap3A_762], %swap3A_765 {strides = array<i32>} : memref<4x128xi32, #tpu.memory_space<vmem>>, vector<1x16xi32>,
    %add3A_766 = arith.constant 48 : i32
    %add3A_767 = vector.broadcast %add3A_766 : i32 to vector<16xi32>
    %add3A_768 = arith.addi %add3A_767, %mul3A_45 : vector<16xi32>
    %add3A_769 = arith.addi %gather3A_695, %add3A_768 : vector<16xi32>
    %swap3A_770 = arith.constant 3 : i32
    %swap3A_771 = arith.index_cast %swap3A_770 : i32 to index
    %swap3A_772 = arith.constant 112 : index
    %swap3A_773 = tpu.vector_load %arg5[%swap3A_771, %swap3A_772] {strides = array<i32>} : memref<4x128xi32, #tpu.memory_space<vmem>>, vector<1x16xi32>,
    %swap3A_774 = vector.shape_cast %swap3A_773 : vector<1x16xi32> to vector<16xi32>
    %swap3A_775 = vector.shape_cast %add3A_769 : vector<16xi32> to vector<1x16xi32>
    tpu.vector_store %arg5[%swap3A_771, %swap3A_772], %swap3A_775 {strides = array<i32>} : memref<4x128xi32, #tpu.memory_space<vmem>>, vector<1x16xi32>,
    %dma_start3A_776 = arith.constant 3 : i32
    %dma_start3A_777 = arith.constant 3 : i32
    %dma_start3A_778 = arith.constant 0 : i32
    %dma_start3A_779 = arith.constant 0 : i32
    %dma_start3A_780 = tpu.memref_slice %arg6[%dma_start3A_777, %dma_start3A_778, %dma_start3A_779] : memref<4x128x128xf32, #tpu.memory_space<vmem>> -> memref<1x128x128xf32, #tpu.memory_space<vmem>>
    %dma_start3A_781 = tpu.memref_squeeze %dma_start3A_780 : memref<1x128x128xf32, #tpu.memory_space<vmem>> -> memref<128x128xf32, #tpu.memory_space<vmem>>
    %dma_start3A_782 = arith.constant 0 : i32
    %dma_start3A_783 = tpu.memref_slice %arg5[%dma_start3A_776, %dma_start3A_782] : memref<4x128xi32, #tpu.memory_space<vmem>> -> memref<1x128xi32, #tpu.memory_space<vmem>>
    %dma_start3A_784 = tpu.memref_squeeze %dma_start3A_783 : memref<1x128xi32, #tpu.memory_space<vmem>> -> memref<128xi32, #tpu.memory_space<vmem>>
    %dma_start3A_785 = arith.constant 0 : i32
    %dma_start3A_786 = arith.constant 0 : i32
    %dma_start3A_787 = tpu.memref_slice %arg2[%dma_start3A_785, %dma_start3A_786] : memref<524288x128xf32, #tpu.memory_space<hbm>> -> memref<524288x128xf32, #tpu.memory_space<hbm>>
    tpu.enqueue_indirect_dma source(%dma_start3A_787 : memref<524288x128xf32, #tpu.memory_space<hbm>>) target(%dma_start3A_781 : memref<128x128xf32, #tpu.memory_space<vmem>>) offsets(%dma_start3A_784 : memref<128xi32, #tpu.memory_space<vmem>>) semaphore(%arg8 : memref<!tpu.dma_semaphore, #tpu.memory_space<semaphore_mem>>)
    %dma_wait3A = arith.constant 0 : i32
    %dma_wait3A_788 = arith.constant 0 : i32
    %dma_wait3A_789 = arith.constant 0 : i32
    %dma_wait3A_790 = arith.constant 0 : i32
    %dma_wait3A_791 = tpu.memref_slice %arg6[%dma_wait3A_788, %dma_wait3A_789, %dma_wait3A_790] : memref<4x128x128xf32, #tpu.memory_space<vmem>> -> memref<1x128x128xf32, #tpu.memory_space<vmem>>
    %dma_wait3A_792 = tpu.memref_squeeze %dma_wait3A_791 : memref<1x128x128xf32, #tpu.memory_space<vmem>> -> memref<128x128xf32, #tpu.memory_space<vmem>>
    %dma_wait3A_793 = arith.constant 0 : i32
    %dma_wait3A_794 = tpu.memref_slice %arg5[%dma_wait3A, %dma_wait3A_793] : memref<4x128xi32, #tpu.memory_space<vmem>> -> memref<1x128xi32, #tpu.memory_space<vmem>>
    %dma_wait3A_795 = tpu.memref_squeeze %dma_wait3A_794 : memref<1x128xi32, #tpu.memory_space<vmem>> -> memref<128xi32, #tpu.memory_space<vmem>>
    %dma_wait3A_796 = arith.constant 0 : i32
    %dma_wait3A_797 = arith.constant 0 : i32
    %dma_wait3A_798 = tpu.memref_slice %arg2[%dma_wait3A_796, %dma_wait3A_797] : memref<524288x128xf32, #tpu.memory_space<hbm>> -> memref<524288x128xf32, #tpu.memory_space<hbm>>
    tpu.wait_indirect_dma semaphore(%arg8 : memref<!tpu.dma_semaphore, #tpu.memory_space<semaphore_mem>>) src(%dma_wait3A_798 : memref<524288x128xf32, #tpu.memory_space<hbm>>) dst(%dma_wait3A_792 : memref<128x128xf32, #tpu.memory_space<vmem>>)
    %mul3A_799 = arith.constant 2048 : i32
    %mul3A_800 = arith.muli %add3A, %mul3A_799 : i32
    %add3A_801 = arith.constant 0 : i32
    %add3A_802 = arith.addi %mul3A_800, %add3A_801 : i32
    %dma_start3A_803 = arith.constant 0 : i32
    %dma_start3A_804 = arith.constant 0 : i32
    %dma_start3A_805 = arith.constant 0 : i32
    %dma_start3A_806 = tpu.memref_slice %arg6[%dma_start3A_803, %dma_start3A_804, %dma_start3A_805] : memref<4x128x128xf32, #tpu.memory_space<vmem>> -> memref<1x128x128xf32, #tpu.memory_space<vmem>>
    %dma_start3A_807 = tpu.memref_squeeze %dma_start3A_806 : memref<1x128x128xf32, #tpu.memory_space<vmem>> -> memref<128x128xf32, #tpu.memory_space<vmem>>
    %dma_start3A_808 = arith.constant 0 : i32
    %dma_start3A_809 = tpu.memref_slice %arg4[%add3A_802, %dma_start3A_808] : memref<65536x128xf32, #tpu.memory_space<hbm>> -> memref<128x128xf32, #tpu.memory_space<hbm>>
    %dma_start3A_810 = arith.constant 0 : i32
    %dma_start3A_811 = tpu.memref_slice %arg4[%add3A_802, %dma_start3A_810] : memref<65536x128xf32, #tpu.memory_space<hbm>> -> memref<128x128xf32, #tpu.memory_space<hbm>>
    %dma_start3A_812 = arith.constant 0 : i32
    %dma_start3A_813 = arith.constant 0 : i32
    %dma_start3A_814 = tpu.memref_slice %arg6[%dma_start3A_803, %dma_start3A_812, %dma_start3A_813] : memref<4x128x128xf32, #tpu.memory_space<vmem>> -> memref<1x128x128xf32, #tpu.memory_space<vmem>>
    %dma_start3A_815 = tpu.memref_squeeze %dma_start3A_814 : memref<1x128x128xf32, #tpu.memory_space<vmem>> -> memref<128x128xf32, #tpu.memory_space<vmem>>
    tpu.enqueue_dma source(%dma_start3A_815 : memref<128x128xf32, #tpu.memory_space<vmem>>) target(%dma_start3A_811 : memref<128x128xf32, #tpu.memory_space<hbm>>) target_semaphore(%arg9 : memref<!tpu.dma_semaphore, #tpu.memory_space<semaphore_mem>>)
    %mul3A_816 = arith.constant 2048 : i32
    %mul3A_817 = arith.muli %add3A, %mul3A_816 : i32
    %add3A_818 = arith.constant 0 : i32
    %add3A_819 = arith.addi %mul3A_817, %add3A_818 : i32
    %dma_wait3A_820 = arith.constant 0 : i32
    %dma_wait3A_821 = arith.constant 0 : i32
    %dma_wait3A_822 = arith.constant 0 : i32
    %dma_wait3A_823 = tpu.memref_slice %arg6[%dma_wait3A_820, %dma_wait3A_821, %dma_wait3A_822] : memref<4x128x128xf32, #tpu.memory_space<vmem>> -> memref<1x128x128xf32, #tpu.memory_space<vmem>>
    %dma_wait3A_824 = tpu.memref_squeeze %dma_wait3A_823 : memref<1x128x128xf32, #tpu.memory_space<vmem>> -> memref<128x128xf32, #tpu.memory_space<vmem>>
    %dma_wait3A_825 = arith.constant 0 : i32
    %dma_wait3A_826 = tpu.memref_slice %arg4[%add3A_819, %dma_wait3A_825] : memref<65536x128xf32, #tpu.memory_space<hbm>> -> memref<128x128xf32, #tpu.memory_space<hbm>>
    %dma_wait3A_827 = arith.constant 0 : i32
    %dma_wait3A_828 = tpu.memref_slice %arg4[%add3A_819, %dma_wait3A_827] : memref<65536x128xf32, #tpu.memory_space<hbm>> -> memref<128x128xf32, #tpu.memory_space<hbm>>
    %dma_wait3A_829 = arith.constant 0 : i32
    %dma_wait3A_830 = arith.constant 0 : i32
    %dma_wait3A_831 = tpu.memref_slice %arg6[%dma_wait3A_820, %dma_wait3A_829, %dma_wait3A_830] : memref<4x128x128xf32, #tpu.memory_space<vmem>> -> memref<1x128x128xf32, #tpu.memory_space<vmem>>
    %dma_wait3A_832 = tpu.memref_squeeze %dma_wait3A_831 : memref<1x128x128xf32, #tpu.memory_space<vmem>> -> memref<128x128xf32, #tpu.memory_space<vmem>>
    tpu.wait_dma2 semaphore(%arg9 : memref<!tpu.dma_semaphore, #tpu.memory_space<semaphore_mem>>) src(%dma_wait3A_832 : memref<128x128xf32, #tpu.memory_space<vmem>>) dst(%dma_wait3A_828 : memref<128x128xf32, #tpu.memory_space<hbm>>)
    %get3A_833 = arith.constant 0 : i32
    %get3A_834 = arith.index_cast %get3A_833 : i32 to index
    %get3A_835 = arith.constant 64 : index
    %get3A_836 = tpu.vector_load %arg7[%get3A_834, %get3A_835] {strides = array<i32>} : memref<8x256xf32, #tpu.memory_space<vmem>>, vector<1x16xf32>,
    %get3A_837 = vector.shape_cast %get3A_836 : vector<1x16xf32> to vector<16xf32>
    %broadcast_in_dim3A_838 = arith.constant 0 : i32
    %broadcast_in_dim3A_839 = vector.broadcast %broadcast_in_dim3A_838 : i32 to vector<16xi32>
    %get3A_840 = arith.constant 1 : i32
    %get3A_841 = arith.index_cast %get3A_840 : i32 to index
    %get3A_842 = arith.constant 64 : index
    %get3A_843 = tpu.vector_load %arg7[%get3A_841, %get3A_842] {strides = array<i32>} : memref<8x256xf32, #tpu.memory_space<vmem>>, vector<1x16xf32>,
    %get3A_844 = vector.shape_cast %get3A_843 : vector<1x16xf32> to vector<16xf32>
    %gt3A_845 = arith.cmpf ogt, %get3A_844, %get3A_837 : vector<16xf32>
    %jit3A_846 = arith.constant 1 : i32
    %broadcast_in_dim3A_847 = vector.broadcast %jit3A_846 : i32 to vector<16xi32>
    %select_n3A_848 = arith.select %gt3A_845, %broadcast_in_dim3A_847, %broadcast_in_dim3A_839 : vector<16xi1>, vector<16xi32>
    %select_n3A_849 = arith.select %gt3A_845, %get3A_844, %get3A_837 : vector<16xi1>, vector<16xf32>
    %get3A_850 = arith.constant 2 : i32
    %get3A_851 = arith.index_cast %get3A_850 : i32 to index
    %get3A_852 = arith.constant 64 : index
    %get3A_853 = tpu.vector_load %arg7[%get3A_851, %get3A_852] {strides = array<i32>} : memref<8x256xf32, #tpu.memory_space<vmem>>, vector<1x16xf32>,
    %get3A_854 = vector.shape_cast %get3A_853 : vector<1x16xf32> to vector<16xf32>
    %gt3A_855 = arith.cmpf ogt, %get3A_854, %select_n3A_849 : vector<16xf32>
    %jit3A_856 = arith.constant 2 : i32
    %broadcast_in_dim3A_857 = vector.broadcast %jit3A_856 : i32 to vector<16xi32>
    %select_n3A_858 = arith.select %gt3A_855, %broadcast_in_dim3A_857, %select_n3A_848 : vector<16xi1>, vector<16xi32>
    %select_n3A_859 = arith.select %gt3A_855, %get3A_854, %select_n3A_849 : vector<16xi1>, vector<16xf32>
    %get3A_860 = arith.constant 3 : i32
    %get3A_861 = arith.index_cast %get3A_860 : i32 to index
    %get3A_862 = arith.constant 64 : index
    %get3A_863 = tpu.vector_load %arg7[%get3A_861, %get3A_862] {strides = array<i32>} : memref<8x256xf32, #tpu.memory_space<vmem>>, vector<1x16xf32>,
    %get3A_864 = vector.shape_cast %get3A_863 : vector<1x16xf32> to vector<16xf32>
    %gt3A_865 = arith.cmpf ogt, %get3A_864, %select_n3A_859 : vector<16xf32>
    %jit3A_866 = arith.constant 3 : i32
    %broadcast_in_dim3A_867 = vector.broadcast %jit3A_866 : i32 to vector<16xi32>
    %select_n3A_868 = arith.select %gt3A_865, %broadcast_in_dim3A_867, %select_n3A_858 : vector<16xi1>, vector<16xi32>
    %select_n3A_869 = arith.select %gt3A_865, %get3A_864, %select_n3A_859 : vector<16xi1>, vector<16xf32>
    %get3A_870 = arith.constant 4 : i32
    %get3A_871 = arith.index_cast %get3A_870 : i32 to index
    %get3A_872 = arith.constant 64 : index
    %get3A_873 = tpu.vector_load %arg7[%get3A_871, %get3A_872] {strides = array<i32>} : memref<8x256xf32, #tpu.memory_space<vmem>>, vector<1x16xf32>,
    %get3A_874 = vector.shape_cast %get3A_873 : vector<1x16xf32> to vector<16xf32>
    %gt3A_875 = arith.cmpf ogt, %get3A_874, %select_n3A_869 : vector<16xf32>
    %jit3A_876 = arith.constant 4 : i32
    %broadcast_in_dim3A_877 = vector.broadcast %jit3A_876 : i32 to vector<16xi32>
    %select_n3A_878 = arith.select %gt3A_875, %broadcast_in_dim3A_877, %select_n3A_868 : vector<16xi1>, vector<16xi32>
    %select_n3A_879 = arith.select %gt3A_875, %get3A_874, %select_n3A_869 : vector<16xi1>, vector<16xf32>
    %get3A_880 = arith.constant 5 : i32
    %get3A_881 = arith.index_cast %get3A_880 : i32 to index
    %get3A_882 = arith.constant 64 : index
    %get3A_883 = tpu.vector_load %arg7[%get3A_881, %get3A_882] {strides = array<i32>} : memref<8x256xf32, #tpu.memory_space<vmem>>, vector<1x16xf32>,
    %get3A_884 = vector.shape_cast %get3A_883 : vector<1x16xf32> to vector<16xf32>
    %gt3A_885 = arith.cmpf ogt, %get3A_884, %select_n3A_879 : vector<16xf32>
    %jit3A_886 = arith.constant 5 : i32
    %broadcast_in_dim3A_887 = vector.broadcast %jit3A_886 : i32 to vector<16xi32>
    %select_n3A_888 = arith.select %gt3A_885, %broadcast_in_dim3A_887, %select_n3A_878 : vector<16xi1>, vector<16xi32>
    %select_n3A_889 = arith.select %gt3A_885, %get3A_884, %select_n3A_879 : vector<16xi1>, vector<16xf32>
    %get3A_890 = arith.constant 6 : i32
    %get3A_891 = arith.index_cast %get3A_890 : i32 to index
    %get3A_892 = arith.constant 64 : index
    %get3A_893 = tpu.vector_load %arg7[%get3A_891, %get3A_892] {strides = array<i32>} : memref<8x256xf32, #tpu.memory_space<vmem>>, vector<1x16xf32>,
    %get3A_894 = vector.shape_cast %get3A_893 : vector<1x16xf32> to vector<16xf32>
    %gt3A_895 = arith.cmpf ogt, %get3A_894, %select_n3A_889 : vector<16xf32>
    %jit3A_896 = arith.constant 6 : i32
    %broadcast_in_dim3A_897 = vector.broadcast %jit3A_896 : i32 to vector<16xi32>
    %select_n3A_898 = arith.select %gt3A_895, %broadcast_in_dim3A_897, %select_n3A_888 : vector<16xi1>, vector<16xi32>
    %select_n3A_899 = arith.select %gt3A_895, %get3A_894, %select_n3A_889 : vector<16xi1>, vector<16xf32>
    %get3A_900 = arith.constant 7 : i32
    %get3A_901 = arith.index_cast %get3A_900 : i32 to index
    %get3A_902 = arith.constant 64 : index
    %get3A_903 = tpu.vector_load %arg7[%get3A_901, %get3A_902] {strides = array<i32>} : memref<8x256xf32, #tpu.memory_space<vmem>>, vector<1x16xf32>,
    %get3A_904 = vector.shape_cast %get3A_903 : vector<1x16xf32> to vector<16xf32>
    %gt3A_905 = arith.cmpf ogt, %get3A_904, %select_n3A_899 : vector<16xf32>
    %jit3A_906 = arith.constant 7 : i32
    %broadcast_in_dim3A_907 = vector.broadcast %jit3A_906 : i32 to vector<16xi32>
    %select_n3A_908 = arith.select %gt3A_905, %broadcast_in_dim3A_907, %select_n3A_898 : vector<16xi1>, vector<16xi32>
    %select_n3A_909 = arith.select %gt3A_905, %get3A_904, %select_n3A_899 : vector<16xi1>, vector<16xf32>
    %mul3A_910 = arith.constant 131072 : i32
    %mul3A_911 = arith.muli %select_n3A, %mul3A_910 : i32
    %add3A_912 = arith.constant 64 : i32
    %add3A_913 = arith.addi %mul3A_34, %add3A_912 : i32
    %add3A_914 = vector.broadcast %add3A_913 : i32 to vector<16xi32>
    %add3A_915 = arith.addi %add3A_914, %iota3A : vector<16xi32>
    %mul3A_916 = arith.constant 64 : i32
    %mul3A_917 = vector.broadcast %mul3A_916 : i32 to vector<16xi32>
    %mul3A_918 = arith.muli %add3A_915, %mul3A_917 : vector<16xi32>
    %add3A_919 = vector.broadcast %mul3A_911 : i32 to vector<16xi32>
    %add3A_920 = arith.addi %add3A_919, %mul3A_918 : vector<16xi32>
    %add3A_921 = arith.addi %add3A_920, %select_n3A_908 : vector<16xi32>
    %broadcast_in_dim3A_922 = vector.shape_cast %and3A_37 : vector<16xi32> to vector<16x1xi32>
    %gather3A_923 = vector.shape_cast %broadcast_in_dim3A_922 : vector<16x1xi32> to vector<16xi32>
    %gather3A_924 = tpu.dynamic_gather %add3A_921[%gather3A_923] in [0] : vector<16xi32>, vector<16xi32> -> vector<16xi32>
    %broadcast_in_dim3A_925 = vector.shape_cast %add3A_40 : vector<16xi32> to vector<16x1xi32>
    %gather3A_926 = vector.shape_cast %broadcast_in_dim3A_925 : vector<16x1xi32> to vector<16xi32>
    %gather3A_927 = tpu.dynamic_gather %add3A_921[%gather3A_926] in [0] : vector<16xi32>, vector<16xi32> -> vector<16xi32>
    %add3A_928 = arith.constant 0 : i32
    %add3A_929 = vector.broadcast %add3A_928 : i32 to vector<16xi32>
    %add3A_930 = arith.addi %add3A_929, %mul3A_45 : vector<16xi32>
    %add3A_931 = arith.addi %gather3A_924, %add3A_930 : vector<16xi32>
    %swap3A_932 = arith.constant 0 : i32
    %swap3A_933 = arith.index_cast %swap3A_932 : i32 to index
    %swap3A_934 = arith.constant 0 : index
    %swap3A_935 = tpu.vector_load %arg5[%swap3A_933, %swap3A_934] {strides = array<i32>} : memref<4x128xi32, #tpu.memory_space<vmem>>, vector<1x16xi32>,
    %swap3A_936 = vector.shape_cast %swap3A_935 : vector<1x16xi32> to vector<16xi32>
    %swap3A_937 = vector.shape_cast %add3A_931 : vector<16xi32> to vector<1x16xi32>
    tpu.vector_store %arg5[%swap3A_933, %swap3A_934], %swap3A_937 {strides = array<i32>} : memref<4x128xi32, #tpu.memory_space<vmem>>, vector<1x16xi32>,
    %add3A_938 = arith.constant 16 : i32
    %add3A_939 = vector.broadcast %add3A_938 : i32 to vector<16xi32>
    %add3A_940 = arith.addi %add3A_939, %mul3A_45 : vector<16xi32>
    %add3A_941 = arith.addi %gather3A_924, %add3A_940 : vector<16xi32>
    %swap3A_942 = arith.constant 0 : i32
    %swap3A_943 = arith.index_cast %swap3A_942 : i32 to index
    %swap3A_944 = arith.constant 16 : index
    %swap3A_945 = tpu.vector_load %arg5[%swap3A_943, %swap3A_944] {strides = array<i32>} : memref<4x128xi32, #tpu.memory_space<vmem>>, vector<1x16xi32>,
    %swap3A_946 = vector.shape_cast %swap3A_945 : vector<1x16xi32> to vector<16xi32>
    %swap3A_947 = vector.shape_cast %add3A_941 : vector<16xi32> to vector<1x16xi32>
    tpu.vector_store %arg5[%swap3A_943, %swap3A_944], %swap3A_947 {strides = array<i32>} : memref<4x128xi32, #tpu.memory_space<vmem>>, vector<1x16xi32>,
    %add3A_948 = arith.constant 32 : i32
    %add3A_949 = vector.broadcast %add3A_948 : i32 to vector<16xi32>
    %add3A_950 = arith.addi %add3A_949, %mul3A_45 : vector<16xi32>
    %add3A_951 = arith.addi %gather3A_924, %add3A_950 : vector<16xi32>
    %swap3A_952 = arith.constant 0 : i32
    %swap3A_953 = arith.index_cast %swap3A_952 : i32 to index
    %swap3A_954 = arith.constant 32 : index
    %swap3A_955 = tpu.vector_load %arg5[%swap3A_953, %swap3A_954] {strides = array<i32>} : memref<4x128xi32, #tpu.memory_space<vmem>>, vector<1x16xi32>,
    %swap3A_956 = vector.shape_cast %swap3A_955 : vector<1x16xi32> to vector<16xi32>
    %swap3A_957 = vector.shape_cast %add3A_951 : vector<16xi32> to vector<1x16xi32>
    tpu.vector_store %arg5[%swap3A_953, %swap3A_954], %swap3A_957 {strides = array<i32>} : memref<4x128xi32, #tpu.memory_space<vmem>>, vector<1x16xi32>,
    %add3A_958 = arith.constant 48 : i32
    %add3A_959 = vector.broadcast %add3A_958 : i32 to vector<16xi32>
    %add3A_960 = arith.addi %add3A_959, %mul3A_45 : vector<16xi32>
    %add3A_961 = arith.addi %gather3A_924, %add3A_960 : vector<16xi32>
    %swap3A_962 = arith.constant 0 : i32
    %swap3A_963 = arith.index_cast %swap3A_962 : i32 to index
    %swap3A_964 = arith.constant 48 : index
    %swap3A_965 = tpu.vector_load %arg5[%swap3A_963, %swap3A_964] {strides = array<i32>} : memref<4x128xi32, #tpu.memory_space<vmem>>, vector<1x16xi32>,
    %swap3A_966 = vector.shape_cast %swap3A_965 : vector<1x16xi32> to vector<16xi32>
    %swap3A_967 = vector.shape_cast %add3A_961 : vector<16xi32> to vector<1x16xi32>
    tpu.vector_store %arg5[%swap3A_963, %swap3A_964], %swap3A_967 {strides = array<i32>} : memref<4x128xi32, #tpu.memory_space<vmem>>, vector<1x16xi32>,
    %add3A_968 = arith.constant 0 : i32
    %add3A_969 = vector.broadcast %add3A_968 : i32 to vector<16xi32>
    %add3A_970 = arith.addi %add3A_969, %mul3A_45 : vector<16xi32>
    %add3A_971 = arith.addi %gather3A_927, %add3A_970 : vector<16xi32>
    %swap3A_972 = arith.constant 0 : i32
    %swap3A_973 = arith.index_cast %swap3A_972 : i32 to index
    %swap3A_974 = arith.constant 64 : index
    %swap3A_975 = tpu.vector_load %arg5[%swap3A_973, %swap3A_974] {strides = array<i32>} : memref<4x128xi32, #tpu.memory_space<vmem>>, vector<1x16xi32>,
    %swap3A_976 = vector.shape_cast %swap3A_975 : vector<1x16xi32> to vector<16xi32>
    %swap3A_977 = vector.shape_cast %add3A_971 : vector<16xi32> to vector<1x16xi32>
    tpu.vector_store %arg5[%swap3A_973, %swap3A_974], %swap3A_977 {strides = array<i32>} : memref<4x128xi32, #tpu.memory_space<vmem>>, vector<1x16xi32>,
    %add3A_978 = arith.constant 16 : i32
    %add3A_979 = vector.broadcast %add3A_978 : i32 to vector<16xi32>
    %add3A_980 = arith.addi %add3A_979, %mul3A_45 : vector<16xi32>
    %add3A_981 = arith.addi %gather3A_927, %add3A_980 : vector<16xi32>
    %swap3A_982 = arith.constant 0 : i32
    %swap3A_983 = arith.index_cast %swap3A_982 : i32 to index
    %swap3A_984 = arith.constant 80 : index
    %swap3A_985 = tpu.vector_load %arg5[%swap3A_983, %swap3A_984] {strides = array<i32>} : memref<4x128xi32, #tpu.memory_space<vmem>>, vector<1x16xi32>,
    %swap3A_986 = vector.shape_cast %swap3A_985 : vector<1x16xi32> to vector<16xi32>
    %swap3A_987 = vector.shape_cast %add3A_981 : vector<16xi32> to vector<1x16xi32>
    tpu.vector_store %arg5[%swap3A_983, %swap3A_984], %swap3A_987 {strides = array<i32>} : memref<4x128xi32, #tpu.memory_space<vmem>>, vector<1x16xi32>,
    %add3A_988 = arith.constant 32 : i32
    %add3A_989 = vector.broadcast %add3A_988 : i32 to vector<16xi32>
    %add3A_990 = arith.addi %add3A_989, %mul3A_45 : vector<16xi32>
    %add3A_991 = arith.addi %gather3A_927, %add3A_990 : vector<16xi32>
    %swap3A_992 = arith.constant 0 : i32
    %swap3A_993 = arith.index_cast %swap3A_992 : i32 to index
    %swap3A_994 = arith.constant 96 : index
    %swap3A_995 = tpu.vector_load %arg5[%swap3A_993, %swap3A_994] {strides = array<i32>} : memref<4x128xi32, #tpu.memory_space<vmem>>, vector<1x16xi32>,
    %swap3A_996 = vector.shape_cast %swap3A_995 : vector<1x16xi32> to vector<16xi32>
    %swap3A_997 = vector.shape_cast %add3A_991 : vector<16xi32> to vector<1x16xi32>
    tpu.vector_store %arg5[%swap3A_993, %swap3A_994], %swap3A_997 {strides = array<i32>} : memref<4x128xi32, #tpu.memory_space<vmem>>, vector<1x16xi32>,
    %add3A_998 = arith.constant 48 : i32
    %add3A_999 = vector.broadcast %add3A_998 : i32 to vector<16xi32>
    %add3A_1000 = arith.addi %add3A_999, %mul3A_45 : vector<16xi32>
    %add3A_1001 = arith.addi %gather3A_927, %add3A_1000 : vector<16xi32>
    %swap3A_1002 = arith.constant 0 : i32
    %swap3A_1003 = arith.index_cast %swap3A_1002 : i32 to index
    %swap3A_1004 = arith.constant 112 : index
    %swap3A_1005 = tpu.vector_load %arg5[%swap3A_1003, %swap3A_1004] {strides = array<i32>} : memref<4x128xi32, #tpu.memory_space<vmem>>, vector<1x16xi32>,
    %swap3A_1006 = vector.shape_cast %swap3A_1005 : vector<1x16xi32> to vector<16xi32>
    %swap3A_1007 = vector.shape_cast %add3A_1001 : vector<16xi32> to vector<1x16xi32>
    tpu.vector_store %arg5[%swap3A_1003, %swap3A_1004], %swap3A_1007 {strides = array<i32>} : memref<4x128xi32, #tpu.memory_space<vmem>>, vector<1x16xi32>,
    %dma_start3A_1008 = arith.constant 0 : i32
    %dma_start3A_1009 = arith.constant 0 : i32
    %dma_start3A_1010 = arith.constant 0 : i32
    %dma_start3A_1011 = arith.constant 0 : i32
    %dma_start3A_1012 = tpu.memref_slice %arg6[%dma_start3A_1009, %dma_start3A_1010, %dma_start3A_1011] : memref<4x128x128xf32, #tpu.memory_space<vmem>> -> memref<1x128x128xf32, #tpu.memory_space<vmem>>
    %dma_start3A_1013 = tpu.memref_squeeze %dma_start3A_1012 : memref<1x128x128xf32, #tpu.memory_space<vmem>> -> memref<128x128xf32, #tpu.memory_space<vmem>>
    %dma_start3A_1014 = arith.constant 0 : i32
    %dma_start3A_1015 = tpu.memref_slice %arg5[%dma_start3A_1008, %dma_start3A_1014] : memref<4x128xi32, #tpu.memory_space<vmem>> -> memref<1x128xi32, #tpu.memory_space<vmem>>
    %dma_start3A_1016 = tpu.memref_squeeze %dma_start3A_1015 : memref<1x128xi32, #tpu.memory_space<vmem>> -> memref<128xi32, #tpu.memory_space<vmem>>
    %dma_start3A_1017 = arith.constant 0 : i32
    %dma_start3A_1018 = arith.constant 0 : i32
    %dma_start3A_1019 = tpu.memref_slice %arg2[%dma_start3A_1017, %dma_start3A_1018] : memref<524288x128xf32, #tpu.memory_space<hbm>> -> memref<524288x128xf32, #tpu.memory_space<hbm>>
    tpu.enqueue_indirect_dma source(%dma_start3A_1019 : memref<524288x128xf32, #tpu.memory_space<hbm>>) target(%dma_start3A_1013 : memref<128x128xf32, #tpu.memory_space<vmem>>) offsets(%dma_start3A_1016 : memref<128xi32, #tpu.memory_space<vmem>>) semaphore(%arg8 : memref<!tpu.dma_semaphore, #tpu.memory_space<semaphore_mem>>)
    %dma_wait3A_1020 = arith.constant 1 : i32
    %dma_wait3A_1021 = arith.constant 1 : i32
    %dma_wait3A_1022 = arith.constant 0 : i32
    %dma_wait3A_1023 = arith.constant 0 : i32
    %dma_wait3A_1024 = tpu.memref_slice %arg6[%dma_wait3A_1021, %dma_wait3A_1022, %dma_wait3A_1023] : memref<4x128x128xf32, #tpu.memory_space<vmem>> -> memref<1x128x128xf32, #tpu.memory_space<vmem>>
    %dma_wait3A_1025 = tpu.memref_squeeze %dma_wait3A_1024 : memref<1x128x128xf32, #tpu.memory_space<vmem>> -> memref<128x128xf32, #tpu.memory_space<vmem>>
    %dma_wait3A_1026 = arith.constant 0 : i32
    %dma_wait3A_1027 = tpu.memref_slice %arg5[%dma_wait3A_1020, %dma_wait3A_1026] : memref<4x128xi32, #tpu.memory_space<vmem>> -> memref<1x128xi32, #tpu.memory_space<vmem>>
    %dma_wait3A_1028 = tpu.memref_squeeze %dma_wait3A_1027 : memref<1x128xi32, #tpu.memory_space<vmem>> -> memref<128xi32, #tpu.memory_space<vmem>>
    %dma_wait3A_1029 = arith.constant 0 : i32
    %dma_wait3A_1030 = arith.constant 0 : i32
    %dma_wait3A_1031 = tpu.memref_slice %arg2[%dma_wait3A_1029, %dma_wait3A_1030] : memref<524288x128xf32, #tpu.memory_space<hbm>> -> memref<524288x128xf32, #tpu.memory_space<hbm>>
    tpu.wait_indirect_dma semaphore(%arg8 : memref<!tpu.dma_semaphore, #tpu.memory_space<semaphore_mem>>) src(%dma_wait3A_1031 : memref<524288x128xf32, #tpu.memory_space<hbm>>) dst(%dma_wait3A_1025 : memref<128x128xf32, #tpu.memory_space<vmem>>)
    %mul3A_1032 = arith.constant 2048 : i32
    %mul3A_1033 = arith.muli %add3A, %mul3A_1032 : i32
    %add3A_1034 = arith.constant 128 : i32
    %add3A_1035 = arith.addi %mul3A_1033, %add3A_1034 : i32
    %dma_start3A_1036 = arith.constant 1 : i32
    %dma_start3A_1037 = arith.constant 0 : i32
    %dma_start3A_1038 = arith.constant 0 : i32
    %dma_start3A_1039 = tpu.memref_slice %arg6[%dma_start3A_1036, %dma_start3A_1037, %dma_start3A_1038] : memref<4x128x128xf32, #tpu.memory_space<vmem>> -> memref<1x128x128xf32, #tpu.memory_space<vmem>>
    %dma_start3A_1040 = tpu.memref_squeeze %dma_start3A_1039 : memref<1x128x128xf32, #tpu.memory_space<vmem>> -> memref<128x128xf32, #tpu.memory_space<vmem>>
    %dma_start3A_1041 = arith.constant 0 : i32
    %dma_start3A_1042 = tpu.memref_slice %arg4[%add3A_1035, %dma_start3A_1041] : memref<65536x128xf32, #tpu.memory_space<hbm>> -> memref<128x128xf32, #tpu.memory_space<hbm>>
    %dma_start3A_1043 = arith.constant 0 : i32
    %dma_start3A_1044 = tpu.memref_slice %arg4[%add3A_1035, %dma_start3A_1043] : memref<65536x128xf32, #tpu.memory_space<hbm>> -> memref<128x128xf32, #tpu.memory_space<hbm>>
    %dma_start3A_1045 = arith.constant 0 : i32
    %dma_start3A_1046 = arith.constant 0 : i32
    %dma_start3A_1047 = tpu.memref_slice %arg6[%dma_start3A_1036, %dma_start3A_1045, %dma_start3A_1046] : memref<4x128x128xf32, #tpu.memory_space<vmem>> -> memref<1x128x128xf32, #tpu.memory_space<vmem>>
    %dma_start3A_1048 = tpu.memref_squeeze %dma_start3A_1047 : memref<1x128x128xf32, #tpu.memory_space<vmem>> -> memref<128x128xf32, #tpu.memory_space<vmem>>
    tpu.enqueue_dma source(%dma_start3A_1048 : memref<128x128xf32, #tpu.memory_space<vmem>>) target(%dma_start3A_1044 : memref<128x128xf32, #tpu.memory_space<hbm>>) target_semaphore(%arg9 : memref<!tpu.dma_semaphore, #tpu.memory_space<semaphore_mem>>)
    %mul3A_1049 = arith.constant 2048 : i32
    %mul3A_1050 = arith.muli %add3A, %mul3A_1049 : i32
    %add3A_1051 = arith.constant 128 : i32
    %add3A_1052 = arith.addi %mul3A_1050, %add3A_1051 : i32
    %dma_wait3A_1053 = arith.constant 1 : i32
    %dma_wait3A_1054 = arith.constant 0 : i32
    %dma_wait3A_1055 = arith.constant 0 : i32
    %dma_wait3A_1056 = tpu.memref_slice %arg6[%dma_wait3A_1053, %dma_wait3A_1054, %dma_wait3A_1055] : memref<4x128x128xf32, #tpu.memory_space<vmem>> -> memref<1x128x128xf32, #tpu.memory_space<vmem>>
    %dma_wait3A_1057 = tpu.memref_squeeze %dma_wait3A_1056 : memref<1x128x128xf32, #tpu.memory_space<vmem>> -> memref<128x128xf32, #tpu.memory_space<vmem>>
    %dma_wait3A_1058 = arith.constant 0 : i32
    %dma_wait3A_1059 = tpu.memref_slice %arg4[%add3A_1052, %dma_wait3A_1058] : memref<65536x128xf32, #tpu.memory_space<hbm>> -> memref<128x128xf32, #tpu.memory_space<hbm>>
    %dma_wait3A_1060 = arith.constant 0 : i32
    %dma_wait3A_1061 = tpu.memref_slice %arg4[%add3A_1052, %dma_wait3A_1060] : memref<65536x128xf32, #tpu.memory_space<hbm>> -> memref<128x128xf32, #tpu.memory_space<hbm>>
    %dma_wait3A_1062 = arith.constant 0 : i32
    %dma_wait3A_1063 = arith.constant 0 : i32
    %dma_wait3A_1064 = tpu.memref_slice %arg6[%dma_wait3A_1053, %dma_wait3A_1062, %dma_wait3A_1063] : memref<4x128x128xf32, #tpu.memory_space<vmem>> -> memref<1x128x128xf32, #tpu.memory_space<vmem>>
    %dma_wait3A_1065 = tpu.memref_squeeze %dma_wait3A_1064 : memref<1x128x128xf32, #tpu.memory_space<vmem>> -> memref<128x128xf32, #tpu.memory_space<vmem>>
    tpu.wait_dma2 semaphore(%arg9 : memref<!tpu.dma_semaphore, #tpu.memory_space<semaphore_mem>>) src(%dma_wait3A_1065 : memref<128x128xf32, #tpu.memory_space<vmem>>) dst(%dma_wait3A_1061 : memref<128x128xf32, #tpu.memory_space<hbm>>)
    %get3A_1066 = arith.constant 0 : i32
    %get3A_1067 = arith.index_cast %get3A_1066 : i32 to index
    %get3A_1068 = arith.constant 80 : index
    %get3A_1069 = tpu.vector_load %arg7[%get3A_1067, %get3A_1068] {strides = array<i32>} : memref<8x256xf32, #tpu.memory_space<vmem>>, vector<1x16xf32>,
    %get3A_1070 = vector.shape_cast %get3A_1069 : vector<1x16xf32> to vector<16xf32>
    %broadcast_in_dim3A_1071 = arith.constant 0 : i32
    %broadcast_in_dim3A_1072 = vector.broadcast %broadcast_in_dim3A_1071 : i32 to vector<16xi32>
    %get3A_1073 = arith.constant 1 : i32
    %get3A_1074 = arith.index_cast %get3A_1073 : i32 to index
    %get3A_1075 = arith.constant 80 : index
    %get3A_1076 = tpu.vector_load %arg7[%get3A_1074, %get3A_1075] {strides = array<i32>} : memref<8x256xf32, #tpu.memory_space<vmem>>, vector<1x16xf32>,
    %get3A_1077 = vector.shape_cast %get3A_1076 : vector<1x16xf32> to vector<16xf32>
    %gt3A_1078 = arith.cmpf ogt, %get3A_1077, %get3A_1070 : vector<16xf32>
    %jit3A_1079 = arith.constant 1 : i32
    %broadcast_in_dim3A_1080 = vector.broadcast %jit3A_1079 : i32 to vector<16xi32>
    %select_n3A_1081 = arith.select %gt3A_1078, %broadcast_in_dim3A_1080, %broadcast_in_dim3A_1072 : vector<16xi1>, vector<16xi32>
    %select_n3A_1082 = arith.select %gt3A_1078, %get3A_1077, %get3A_1070 : vector<16xi1>, vector<16xf32>
    %get3A_1083 = arith.constant 2 : i32
    %get3A_1084 = arith.index_cast %get3A_1083 : i32 to index
    %get3A_1085 = arith.constant 80 : index
    %get3A_1086 = tpu.vector_load %arg7[%get3A_1084, %get3A_1085] {strides = array<i32>} : memref<8x256xf32, #tpu.memory_space<vmem>>, vector<1x16xf32>,
    %get3A_1087 = vector.shape_cast %get3A_1086 : vector<1x16xf32> to vector<16xf32>
    %gt3A_1088 = arith.cmpf ogt, %get3A_1087, %select_n3A_1082 : vector<16xf32>
    %jit3A_1089 = arith.constant 2 : i32
    %broadcast_in_dim3A_1090 = vector.broadcast %jit3A_1089 : i32 to vector<16xi32>
    %select_n3A_1091 = arith.select %gt3A_1088, %broadcast_in_dim3A_1090, %select_n3A_1081 : vector<16xi1>, vector<16xi32>
    %select_n3A_1092 = arith.select %gt3A_1088, %get3A_1087, %select_n3A_1082 : vector<16xi1>, vector<16xf32>
    %get3A_1093 = arith.constant 3 : i32
    %get3A_1094 = arith.index_cast %get3A_1093 : i32 to index
    %get3A_1095 = arith.constant 80 : index
    %get3A_1096 = tpu.vector_load %arg7[%get3A_1094, %get3A_1095] {strides = array<i32>} : memref<8x256xf32, #tpu.memory_space<vmem>>, vector<1x16xf32>,
    %get3A_1097 = vector.shape_cast %get3A_1096 : vector<1x16xf32> to vector<16xf32>
    %gt3A_1098 = arith.cmpf ogt, %get3A_1097, %select_n3A_1092 : vector<16xf32>
    %jit3A_1099 = arith.constant 3 : i32
    %broadcast_in_dim3A_1100 = vector.broadcast %jit3A_1099 : i32 to vector<16xi32>
    %select_n3A_1101 = arith.select %gt3A_1098, %broadcast_in_dim3A_1100, %select_n3A_1091 : vector<16xi1>, vector<16xi32>
    %select_n3A_1102 = arith.select %gt3A_1098, %get3A_1097, %select_n3A_1092 : vector<16xi1>, vector<16xf32>
    %get3A_1103 = arith.constant 4 : i32
    %get3A_1104 = arith.index_cast %get3A_1103 : i32 to index
    %get3A_1105 = arith.constant 80 : index
    %get3A_1106 = tpu.vector_load %arg7[%get3A_1104, %get3A_1105] {strides = array<i32>} : memref<8x256xf32, #tpu.memory_space<vmem>>, vector<1x16xf32>,
    %get3A_1107 = vector.shape_cast %get3A_1106 : vector<1x16xf32> to vector<16xf32>
    %gt3A_1108 = arith.cmpf ogt, %get3A_1107, %select_n3A_1102 : vector<16xf32>
    %jit3A_1109 = arith.constant 4 : i32
    %broadcast_in_dim3A_1110 = vector.broadcast %jit3A_1109 : i32 to vector<16xi32>
    %select_n3A_1111 = arith.select %gt3A_1108, %broadcast_in_dim3A_1110, %select_n3A_1101 : vector<16xi1>, vector<16xi32>
    %select_n3A_1112 = arith.select %gt3A_1108, %get3A_1107, %select_n3A_1102 : vector<16xi1>, vector<16xf32>
    %get3A_1113 = arith.constant 5 : i32
    %get3A_1114 = arith.index_cast %get3A_1113 : i32 to index
    %get3A_1115 = arith.constant 80 : index
    %get3A_1116 = tpu.vector_load %arg7[%get3A_1114, %get3A_1115] {strides = array<i32>} : memref<8x256xf32, #tpu.memory_space<vmem>>, vector<1x16xf32>,
    %get3A_1117 = vector.shape_cast %get3A_1116 : vector<1x16xf32> to vector<16xf32>
    %gt3A_1118 = arith.cmpf ogt, %get3A_1117, %select_n3A_1112 : vector<16xf32>
    %jit3A_1119 = arith.constant 5 : i32
    %broadcast_in_dim3A_1120 = vector.broadcast %jit3A_1119 : i32 to vector<16xi32>
    %select_n3A_1121 = arith.select %gt3A_1118, %broadcast_in_dim3A_1120, %select_n3A_1111 : vector<16xi1>, vector<16xi32>
    %select_n3A_1122 = arith.select %gt3A_1118, %get3A_1117, %select_n3A_1112 : vector<16xi1>, vector<16xf32>
    %get3A_1123 = arith.constant 6 : i32
    %get3A_1124 = arith.index_cast %get3A_1123 : i32 to index
    %get3A_1125 = arith.constant 80 : index
    %get3A_1126 = tpu.vector_load %arg7[%get3A_1124, %get3A_1125] {strides = array<i32>} : memref<8x256xf32, #tpu.memory_space<vmem>>, vector<1x16xf32>,
    %get3A_1127 = vector.shape_cast %get3A_1126 : vector<1x16xf32> to vector<16xf32>
    %gt3A_1128 = arith.cmpf ogt, %get3A_1127, %select_n3A_1122 : vector<16xf32>
    %jit3A_1129 = arith.constant 6 : i32
    %broadcast_in_dim3A_1130 = vector.broadcast %jit3A_1129 : i32 to vector<16xi32>
    %select_n3A_1131 = arith.select %gt3A_1128, %broadcast_in_dim3A_1130, %select_n3A_1121 : vector<16xi1>, vector<16xi32>
    %select_n3A_1132 = arith.select %gt3A_1128, %get3A_1127, %select_n3A_1122 : vector<16xi1>, vector<16xf32>
    %get3A_1133 = arith.constant 7 : i32
    %get3A_1134 = arith.index_cast %get3A_1133 : i32 to index
    %get3A_1135 = arith.constant 80 : index
    %get3A_1136 = tpu.vector_load %arg7[%get3A_1134, %get3A_1135] {strides = array<i32>} : memref<8x256xf32, #tpu.memory_space<vmem>>, vector<1x16xf32>,
    %get3A_1137 = vector.shape_cast %get3A_1136 : vector<1x16xf32> to vector<16xf32>
    %gt3A_1138 = arith.cmpf ogt, %get3A_1137, %select_n3A_1132 : vector<16xf32>
    %jit3A_1139 = arith.constant 7 : i32
    %broadcast_in_dim3A_1140 = vector.broadcast %jit3A_1139 : i32 to vector<16xi32>
    %select_n3A_1141 = arith.select %gt3A_1138, %broadcast_in_dim3A_1140, %select_n3A_1131 : vector<16xi1>, vector<16xi32>
    %select_n3A_1142 = arith.select %gt3A_1138, %get3A_1137, %select_n3A_1132 : vector<16xi1>, vector<16xf32>
    %mul3A_1143 = arith.constant 131072 : i32
    %mul3A_1144 = arith.muli %select_n3A, %mul3A_1143 : i32
    %add3A_1145 = arith.constant 80 : i32
    %add3A_1146 = arith.addi %mul3A_34, %add3A_1145 : i32
    %add3A_1147 = vector.broadcast %add3A_1146 : i32 to vector<16xi32>
    %add3A_1148 = arith.addi %add3A_1147, %iota3A : vector<16xi32>
    %mul3A_1149 = arith.constant 64 : i32
    %mul3A_1150 = vector.broadcast %mul3A_1149 : i32 to vector<16xi32>
    %mul3A_1151 = arith.muli %add3A_1148, %mul3A_1150 : vector<16xi32>
    %add3A_1152 = vector.broadcast %mul3A_1144 : i32 to vector<16xi32>
    %add3A_1153 = arith.addi %add3A_1152, %mul3A_1151 : vector<16xi32>
    %add3A_1154 = arith.addi %add3A_1153, %select_n3A_1141 : vector<16xi32>
    %broadcast_in_dim3A_1155 = vector.shape_cast %and3A_37 : vector<16xi32> to vector<16x1xi32>
    %gather3A_1156 = vector.shape_cast %broadcast_in_dim3A_1155 : vector<16x1xi32> to vector<16xi32>
    %gather3A_1157 = tpu.dynamic_gather %add3A_1154[%gather3A_1156] in [0] : vector<16xi32>, vector<16xi32> -> vector<16xi32>
    %broadcast_in_dim3A_1158 = vector.shape_cast %add3A_40 : vector<16xi32> to vector<16x1xi32>
    %gather3A_1159 = vector.shape_cast %broadcast_in_dim3A_1158 : vector<16x1xi32> to vector<16xi32>
    %gather3A_1160 = tpu.dynamic_gather %add3A_1154[%gather3A_1159] in [0] : vector<16xi32>, vector<16xi32> -> vector<16xi32>
    %add3A_1161 = arith.constant 0 : i32
    %add3A_1162 = vector.broadcast %add3A_1161 : i32 to vector<16xi32>
    %add3A_1163 = arith.addi %add3A_1162, %mul3A_45 : vector<16xi32>
    %add3A_1164 = arith.addi %gather3A_1157, %add3A_1163 : vector<16xi32>
    %swap3A_1165 = arith.constant 1 : i32
    %swap3A_1166 = arith.index_cast %swap3A_1165 : i32 to index
    %swap3A_1167 = arith.constant 0 : index
    %swap3A_1168 = tpu.vector_load %arg5[%swap3A_1166, %swap3A_1167] {strides = array<i32>} : memref<4x128xi32, #tpu.memory_space<vmem>>, vector<1x16xi32>,
    %swap3A_1169 = vector.shape_cast %swap3A_1168 : vector<1x16xi32> to vector<16xi32>
    %swap3A_1170 = vector.shape_cast %add3A_1164 : vector<16xi32> to vector<1x16xi32>
    tpu.vector_store %arg5[%swap3A_1166, %swap3A_1167], %swap3A_1170 {strides = array<i32>} : memref<4x128xi32, #tpu.memory_space<vmem>>, vector<1x16xi32>,
    %add3A_1171 = arith.constant 16 : i32
    %add3A_1172 = vector.broadcast %add3A_1171 : i32 to vector<16xi32>
    %add3A_1173 = arith.addi %add3A_1172, %mul3A_45 : vector<16xi32>
    %add3A_1174 = arith.addi %gather3A_1157, %add3A_1173 : vector<16xi32>
    %swap3A_1175 = arith.constant 1 : i32
    %swap3A_1176 = arith.index_cast %swap3A_1175 : i32 to index
    %swap3A_1177 = arith.constant 16 : index
    %swap3A_1178 = tpu.vector_load %arg5[%swap3A_1176, %swap3A_1177] {strides = array<i32>} : memref<4x128xi32, #tpu.memory_space<vmem>>, vector<1x16xi32>,
    %swap3A_1179 = vector.shape_cast %swap3A_1178 : vector<1x16xi32> to vector<16xi32>
    %swap3A_1180 = vector.shape_cast %add3A_1174 : vector<16xi32> to vector<1x16xi32>
    tpu.vector_store %arg5[%swap3A_1176, %swap3A_1177], %swap3A_1180 {strides = array<i32>} : memref<4x128xi32, #tpu.memory_space<vmem>>, vector<1x16xi32>,
    %add3A_1181 = arith.constant 32 : i32
    %add3A_1182 = vector.broadcast %add3A_1181 : i32 to vector<16xi32>
    %add3A_1183 = arith.addi %add3A_1182, %mul3A_45 : vector<16xi32>
    %add3A_1184 = arith.addi %gather3A_1157, %add3A_1183 : vector<16xi32>
    %swap3A_1185 = arith.constant 1 : i32
    %swap3A_1186 = arith.index_cast %swap3A_1185 : i32 to index
    %swap3A_1187 = arith.constant 32 : index
    %swap3A_1188 = tpu.vector_load %arg5[%swap3A_1186, %swap3A_1187] {strides = array<i32>} : memref<4x128xi32, #tpu.memory_space<vmem>>, vector<1x16xi32>,
    %swap3A_1189 = vector.shape_cast %swap3A_1188 : vector<1x16xi32> to vector<16xi32>
    %swap3A_1190 = vector.shape_cast %add3A_1184 : vector<16xi32> to vector<1x16xi32>
    tpu.vector_store %arg5[%swap3A_1186, %swap3A_1187], %swap3A_1190 {strides = array<i32>} : memref<4x128xi32, #tpu.memory_space<vmem>>, vector<1x16xi32>,
    %add3A_1191 = arith.constant 48 : i32
    %add3A_1192 = vector.broadcast %add3A_1191 : i32 to vector<16xi32>
    %add3A_1193 = arith.addi %add3A_1192, %mul3A_45 : vector<16xi32>
    %add3A_1194 = arith.addi %gather3A_1157, %add3A_1193 : vector<16xi32>
    %swap3A_1195 = arith.constant 1 : i32
    %swap3A_1196 = arith.index_cast %swap3A_1195 : i32 to index
    %swap3A_1197 = arith.constant 48 : index
    %swap3A_1198 = tpu.vector_load %arg5[%swap3A_1196, %swap3A_1197] {strides = array<i32>} : memref<4x128xi32, #tpu.memory_space<vmem>>, vector<1x16xi32>,
    %swap3A_1199 = vector.shape_cast %swap3A_1198 : vector<1x16xi32> to vector<16xi32>
    %swap3A_1200 = vector.shape_cast %add3A_1194 : vector<16xi32> to vector<1x16xi32>
    tpu.vector_store %arg5[%swap3A_1196, %swap3A_1197], %swap3A_1200 {strides = array<i32>} : memref<4x128xi32, #tpu.memory_space<vmem>>, vector<1x16xi32>,
    %add3A_1201 = arith.constant 0 : i32
    %add3A_1202 = vector.broadcast %add3A_1201 : i32 to vector<16xi32>
    %add3A_1203 = arith.addi %add3A_1202, %mul3A_45 : vector<16xi32>
    %add3A_1204 = arith.addi %gather3A_1160, %add3A_1203 : vector<16xi32>
    %swap3A_1205 = arith.constant 1 : i32
    %swap3A_1206 = arith.index_cast %swap3A_1205 : i32 to index
    %swap3A_1207 = arith.constant 64 : index
    %swap3A_1208 = tpu.vector_load %arg5[%swap3A_1206, %swap3A_1207] {strides = array<i32>} : memref<4x128xi32, #tpu.memory_space<vmem>>, vector<1x16xi32>,
    %swap3A_1209 = vector.shape_cast %swap3A_1208 : vector<1x16xi32> to vector<16xi32>
    %swap3A_1210 = vector.shape_cast %add3A_1204 : vector<16xi32> to vector<1x16xi32>
    tpu.vector_store %arg5[%swap3A_1206, %swap3A_1207], %swap3A_1210 {strides = array<i32>} : memref<4x128xi32, #tpu.memory_space<vmem>>, vector<1x16xi32>,
    %add3A_1211 = arith.constant 16 : i32
    %add3A_1212 = vector.broadcast %add3A_1211 : i32 to vector<16xi32>
    %add3A_1213 = arith.addi %add3A_1212, %mul3A_45 : vector<16xi32>
    %add3A_1214 = arith.addi %gather3A_1160, %add3A_1213 : vector<16xi32>
    %swap3A_1215 = arith.constant 1 : i32
    %swap3A_1216 = arith.index_cast %swap3A_1215 : i32 to index
    %swap3A_1217 = arith.constant 80 : index
    %swap3A_1218 = tpu.vector_load %arg5[%swap3A_1216, %swap3A_1217] {strides = array<i32>} : memref<4x128xi32, #tpu.memory_space<vmem>>, vector<1x16xi32>,
    %swap3A_1219 = vector.shape_cast %swap3A_1218 : vector<1x16xi32> to vector<16xi32>
    %swap3A_1220 = vector.shape_cast %add3A_1214 : vector<16xi32> to vector<1x16xi32>
    tpu.vector_store %arg5[%swap3A_1216, %swap3A_1217], %swap3A_1220 {strides = array<i32>} : memref<4x128xi32, #tpu.memory_space<vmem>>, vector<1x16xi32>,
    %add3A_1221 = arith.constant 32 : i32
    %add3A_1222 = vector.broadcast %add3A_1221 : i32 to vector<16xi32>
    %add3A_1223 = arith.addi %add3A_1222, %mul3A_45 : vector<16xi32>
    %add3A_1224 = arith.addi %gather3A_1160, %add3A_1223 : vector<16xi32>
    %swap3A_1225 = arith.constant 1 : i32
    %swap3A_1226 = arith.index_cast %swap3A_1225 : i32 to index
    %swap3A_1227 = arith.constant 96 : index
    %swap3A_1228 = tpu.vector_load %arg5[%swap3A_1226, %swap3A_1227] {strides = array<i32>} : memref<4x128xi32, #tpu.memory_space<vmem>>, vector<1x16xi32>,
    %swap3A_1229 = vector.shape_cast %swap3A_1228 : vector<1x16xi32> to vector<16xi32>
    %swap3A_1230 = vector.shape_cast %add3A_1224 : vector<16xi32> to vector<1x16xi32>
    tpu.vector_store %arg5[%swap3A_1226, %swap3A_1227], %swap3A_1230 {strides = array<i32>} : memref<4x128xi32, #tpu.memory_space<vmem>>, vector<1x16xi32>,
    %add3A_1231 = arith.constant 48 : i32
    %add3A_1232 = vector.broadcast %add3A_1231 : i32 to vector<16xi32>
    %add3A_1233 = arith.addi %add3A_1232, %mul3A_45 : vector<16xi32>
    %add3A_1234 = arith.addi %gather3A_1160, %add3A_1233 : vector<16xi32>
    %swap3A_1235 = arith.constant 1 : i32
    %swap3A_1236 = arith.index_cast %swap3A_1235 : i32 to index
    %swap3A_1237 = arith.constant 112 : index
    %swap3A_1238 = tpu.vector_load %arg5[%swap3A_1236, %swap3A_1237] {strides = array<i32>} : memref<4x128xi32, #tpu.memory_space<vmem>>, vector<1x16xi32>,
    %swap3A_1239 = vector.shape_cast %swap3A_1238 : vector<1x16xi32> to vector<16xi32>
    %swap3A_1240 = vector.shape_cast %add3A_1234 : vector<16xi32> to vector<1x16xi32>
    tpu.vector_store %arg5[%swap3A_1236, %swap3A_1237], %swap3A_1240 {strides = array<i32>} : memref<4x128xi32, #tpu.memory_space<vmem>>, vector<1x16xi32>,
    %dma_start3A_1241 = arith.constant 1 : i32
    %dma_start3A_1242 = arith.constant 1 : i32
    %dma_start3A_1243 = arith.constant 0 : i32
    %dma_start3A_1244 = arith.constant 0 : i32
    %dma_start3A_1245 = tpu.memref_slice %arg6[%dma_start3A_1242, %dma_start3A_1243, %dma_start3A_1244] : memref<4x128x128xf32, #tpu.memory_space<vmem>> -> memref<1x128x128xf32, #tpu.memory_space<vmem>>
    %dma_start3A_1246 = tpu.memref_squeeze %dma_start3A_1245 : memref<1x128x128xf32, #tpu.memory_space<vmem>> -> memref<128x128xf32, #tpu.memory_space<vmem>>
    %dma_start3A_1247 = arith.constant 0 : i32
    %dma_start3A_1248 = tpu.memref_slice %arg5[%dma_start3A_1241, %dma_start3A_1247] : memref<4x128xi32, #tpu.memory_space<vmem>> -> memref<1x128xi32, #tpu.memory_space<vmem>>
    %dma_start3A_1249 = tpu.memref_squeeze %dma_start3A_1248 : memref<1x128xi32, #tpu.memory_space<vmem>> -> memref<128xi32, #tpu.memory_space<vmem>>
    %dma_start3A_1250 = arith.constant 0 : i32
    %dma_start3A_1251 = arith.constant 0 : i32
    %dma_start3A_1252 = tpu.memref_slice %arg2[%dma_start3A_1250, %dma_start3A_1251] : memref<524288x128xf32, #tpu.memory_space<hbm>> -> memref<524288x128xf32, #tpu.memory_space<hbm>>
    tpu.enqueue_indirect_dma source(%dma_start3A_1252 : memref<524288x128xf32, #tpu.memory_space<hbm>>) target(%dma_start3A_1246 : memref<128x128xf32, #tpu.memory_space<vmem>>) offsets(%dma_start3A_1249 : memref<128xi32, #tpu.memory_space<vmem>>) semaphore(%arg8 : memref<!tpu.dma_semaphore, #tpu.memory_space<semaphore_mem>>)
    %dma_wait3A_1253 = arith.constant 2 : i32
    %dma_wait3A_1254 = arith.constant 2 : i32
    %dma_wait3A_1255 = arith.constant 0 : i32
    %dma_wait3A_1256 = arith.constant 0 : i32
    %dma_wait3A_1257 = tpu.memref_slice %arg6[%dma_wait3A_1254, %dma_wait3A_1255, %dma_wait3A_1256] : memref<4x128x128xf32, #tpu.memory_space<vmem>> -> memref<1x128x128xf32, #tpu.memory_space<vmem>>
    %dma_wait3A_1258 = tpu.memref_squeeze %dma_wait3A_1257 : memref<1x128x128xf32, #tpu.memory_space<vmem>> -> memref<128x128xf32, #tpu.memory_space<vmem>>
    %dma_wait3A_1259 = arith.constant 0 : i32
    %dma_wait3A_1260 = tpu.memref_slice %arg5[%dma_wait3A_1253, %dma_wait3A_1259] : memref<4x128xi32, #tpu.memory_space<vmem>> -> memref<1x128xi32, #tpu.memory_space<vmem>>
    %dma_wait3A_1261 = tpu.memref_squeeze %dma_wait3A_1260 : memref<1x128xi32, #tpu.memory_space<vmem>> -> memref<128xi32, #tpu.memory_space<vmem>>
    %dma_wait3A_1262 = arith.constant 0 : i32
    %dma_wait3A_1263 = arith.constant 0 : i32
    %dma_wait3A_1264 = tpu.memref_slice %arg2[%dma_wait3A_1262, %dma_wait3A_1263] : memref<524288x128xf32, #tpu.memory_space<hbm>> -> memref<524288x128xf32, #tpu.memory_space<hbm>>
    tpu.wait_indirect_dma semaphore(%arg8 : memref<!tpu.dma_semaphore, #tpu.memory_space<semaphore_mem>>) src(%dma_wait3A_1264 : memref<524288x128xf32, #tpu.memory_space<hbm>>) dst(%dma_wait3A_1258 : memref<128x128xf32, #tpu.memory_space<vmem>>)
    %mul3A_1265 = arith.constant 2048 : i32
    %mul3A_1266 = arith.muli %add3A, %mul3A_1265 : i32
    %add3A_1267 = arith.constant 256 : i32
    %add3A_1268 = arith.addi %mul3A_1266, %add3A_1267 : i32
    %dma_start3A_1269 = arith.constant 2 : i32
    %dma_start3A_1270 = arith.constant 0 : i32
    %dma_start3A_1271 = arith.constant 0 : i32
    %dma_start3A_1272 = tpu.memref_slice %arg6[%dma_start3A_1269, %dma_start3A_1270, %dma_start3A_1271] : memref<4x128x128xf32, #tpu.memory_space<vmem>> -> memref<1x128x128xf32, #tpu.memory_space<vmem>>
    %dma_start3A_1273 = tpu.memref_squeeze %dma_start3A_1272 : memref<1x128x128xf32, #tpu.memory_space<vmem>> -> memref<128x128xf32, #tpu.memory_space<vmem>>
    %dma_start3A_1274 = arith.constant 0 : i32
    %dma_start3A_1275 = tpu.memref_slice %arg4[%add3A_1268, %dma_start3A_1274] : memref<65536x128xf32, #tpu.memory_space<hbm>> -> memref<128x128xf32, #tpu.memory_space<hbm>>
    %dma_start3A_1276 = arith.constant 0 : i32
    %dma_start3A_1277 = tpu.memref_slice %arg4[%add3A_1268, %dma_start3A_1276] : memref<65536x128xf32, #tpu.memory_space<hbm>> -> memref<128x128xf32, #tpu.memory_space<hbm>>
    %dma_start3A_1278 = arith.constant 0 : i32
    %dma_start3A_1279 = arith.constant 0 : i32
    %dma_start3A_1280 = tpu.memref_slice %arg6[%dma_start3A_1269, %dma_start3A_1278, %dma_start3A_1279] : memref<4x128x128xf32, #tpu.memory_space<vmem>> -> memref<1x128x128xf32, #tpu.memory_space<vmem>>
    %dma_start3A_1281 = tpu.memref_squeeze %dma_start3A_1280 : memref<1x128x128xf32, #tpu.memory_space<vmem>> -> memref<128x128xf32, #tpu.memory_space<vmem>>
    tpu.enqueue_dma source(%dma_start3A_1281 : memref<128x128xf32, #tpu.memory_space<vmem>>) target(%dma_start3A_1277 : memref<128x128xf32, #tpu.memory_space<hbm>>) target_semaphore(%arg9 : memref<!tpu.dma_semaphore, #tpu.memory_space<semaphore_mem>>)
    %mul3A_1282 = arith.constant 2048 : i32
    %mul3A_1283 = arith.muli %add3A, %mul3A_1282 : i32
    %add3A_1284 = arith.constant 256 : i32
    %add3A_1285 = arith.addi %mul3A_1283, %add3A_1284 : i32
    %dma_wait3A_1286 = arith.constant 2 : i32
    %dma_wait3A_1287 = arith.constant 0 : i32
    %dma_wait3A_1288 = arith.constant 0 : i32
    %dma_wait3A_1289 = tpu.memref_slice %arg6[%dma_wait3A_1286, %dma_wait3A_1287, %dma_wait3A_1288] : memref<4x128x128xf32, #tpu.memory_space<vmem>> -> memref<1x128x128xf32, #tpu.memory_space<vmem>>
    %dma_wait3A_1290 = tpu.memref_squeeze %dma_wait3A_1289 : memref<1x128x128xf32, #tpu.memory_space<vmem>> -> memref<128x128xf32, #tpu.memory_space<vmem>>
    %dma_wait3A_1291 = arith.constant 0 : i32
    %dma_wait3A_1292 = tpu.memref_slice %arg4[%add3A_1285, %dma_wait3A_1291] : memref<65536x128xf32, #tpu.memory_space<hbm>> -> memref<128x128xf32, #tpu.memory_space<hbm>>
    %dma_wait3A_1293 = arith.constant 0 : i32
    %dma_wait3A_1294 = tpu.memref_slice %arg4[%add3A_1285, %dma_wait3A_1293] : memref<65536x128xf32, #tpu.memory_space<hbm>> -> memref<128x128xf32, #tpu.memory_space<hbm>>
    %dma_wait3A_1295 = arith.constant 0 : i32
    %dma_wait3A_1296 = arith.constant 0 : i32
    %dma_wait3A_1297 = tpu.memref_slice %arg6[%dma_wait3A_1286, %dma_wait3A_1295, %dma_wait3A_1296] : memref<4x128x128xf32, #tpu.memory_space<vmem>> -> memref<1x128x128xf32, #tpu.memory_space<vmem>>
    %dma_wait3A_1298 = tpu.memref_squeeze %dma_wait3A_1297 : memref<1x128x128xf32, #tpu.memory_space<vmem>> -> memref<128x128xf32, #tpu.memory_space<vmem>>
    tpu.wait_dma2 semaphore(%arg9 : memref<!tpu.dma_semaphore, #tpu.memory_space<semaphore_mem>>) src(%dma_wait3A_1298 : memref<128x128xf32, #tpu.memory_space<vmem>>) dst(%dma_wait3A_1294 : memref<128x128xf32, #tpu.memory_space<hbm>>)
    %get3A_1299 = arith.constant 0 : i32
    %get3A_1300 = arith.index_cast %get3A_1299 : i32 to index
    %get3A_1301 = arith.constant 96 : index
    %get3A_1302 = tpu.vector_load %arg7[%get3A_1300, %get3A_1301] {strides = array<i32>} : memref<8x256xf32, #tpu.memory_space<vmem>>, vector<1x16xf32>,
    %get3A_1303 = vector.shape_cast %get3A_1302 : vector<1x16xf32> to vector<16xf32>
    %broadcast_in_dim3A_1304 = arith.constant 0 : i32
    %broadcast_in_dim3A_1305 = vector.broadcast %broadcast_in_dim3A_1304 : i32 to vector<16xi32>
    %get3A_1306 = arith.constant 1 : i32
    %get3A_1307 = arith.index_cast %get3A_1306 : i32 to index
    %get3A_1308 = arith.constant 96 : index
    %get3A_1309 = tpu.vector_load %arg7[%get3A_1307, %get3A_1308] {strides = array<i32>} : memref<8x256xf32, #tpu.memory_space<vmem>>, vector<1x16xf32>,
    %get3A_1310 = vector.shape_cast %get3A_1309 : vector<1x16xf32> to vector<16xf32>
    %gt3A_1311 = arith.cmpf ogt, %get3A_1310, %get3A_1303 : vector<16xf32>
    %jit3A_1312 = arith.constant 1 : i32
    %broadcast_in_dim3A_1313 = vector.broadcast %jit3A_1312 : i32 to vector<16xi32>
    %select_n3A_1314 = arith.select %gt3A_1311, %broadcast_in_dim3A_1313, %broadcast_in_dim3A_1305 : vector<16xi1>, vector<16xi32>
    %select_n3A_1315 = arith.select %gt3A_1311, %get3A_1310, %get3A_1303 : vector<16xi1>, vector<16xf32>
    %get3A_1316 = arith.constant 2 : i32
    %get3A_1317 = arith.index_cast %get3A_1316 : i32 to index
    %get3A_1318 = arith.constant 96 : index
    %get3A_1319 = tpu.vector_load %arg7[%get3A_1317, %get3A_1318] {strides = array<i32>} : memref<8x256xf32, #tpu.memory_space<vmem>>, vector<1x16xf32>,
    %get3A_1320 = vector.shape_cast %get3A_1319 : vector<1x16xf32> to vector<16xf32>
    %gt3A_1321 = arith.cmpf ogt, %get3A_1320, %select_n3A_1315 : vector<16xf32>
    %jit3A_1322 = arith.constant 2 : i32
    %broadcast_in_dim3A_1323 = vector.broadcast %jit3A_1322 : i32 to vector<16xi32>
    %select_n3A_1324 = arith.select %gt3A_1321, %broadcast_in_dim3A_1323, %select_n3A_1314 : vector<16xi1>, vector<16xi32>
    %select_n3A_1325 = arith.select %gt3A_1321, %get3A_1320, %select_n3A_1315 : vector<16xi1>, vector<16xf32>
    %get3A_1326 = arith.constant 3 : i32
    %get3A_1327 = arith.index_cast %get3A_1326 : i32 to index
    %get3A_1328 = arith.constant 96 : index
    %get3A_1329 = tpu.vector_load %arg7[%get3A_1327, %get3A_1328] {strides = array<i32>} : memref<8x256xf32, #tpu.memory_space<vmem>>, vector<1x16xf32>,
    %get3A_1330 = vector.shape_cast %get3A_1329 : vector<1x16xf32> to vector<16xf32>
    %gt3A_1331 = arith.cmpf ogt, %get3A_1330, %select_n3A_1325 : vector<16xf32>
    %jit3A_1332 = arith.constant 3 : i32
    %broadcast_in_dim3A_1333 = vector.broadcast %jit3A_1332 : i32 to vector<16xi32>
    %select_n3A_1334 = arith.select %gt3A_1331, %broadcast_in_dim3A_1333, %select_n3A_1324 : vector<16xi1>, vector<16xi32>
    %select_n3A_1335 = arith.select %gt3A_1331, %get3A_1330, %select_n3A_1325 : vector<16xi1>, vector<16xf32>
    %get3A_1336 = arith.constant 4 : i32
    %get3A_1337 = arith.index_cast %get3A_1336 : i32 to index
    %get3A_1338 = arith.constant 96 : index
    %get3A_1339 = tpu.vector_load %arg7[%get3A_1337, %get3A_1338] {strides = array<i32>} : memref<8x256xf32, #tpu.memory_space<vmem>>, vector<1x16xf32>,
    %get3A_1340 = vector.shape_cast %get3A_1339 : vector<1x16xf32> to vector<16xf32>
    %gt3A_1341 = arith.cmpf ogt, %get3A_1340, %select_n3A_1335 : vector<16xf32>
    %jit3A_1342 = arith.constant 4 : i32
    %broadcast_in_dim3A_1343 = vector.broadcast %jit3A_1342 : i32 to vector<16xi32>
    %select_n3A_1344 = arith.select %gt3A_1341, %broadcast_in_dim3A_1343, %select_n3A_1334 : vector<16xi1>, vector<16xi32>
    %select_n3A_1345 = arith.select %gt3A_1341, %get3A_1340, %select_n3A_1335 : vector<16xi1>, vector<16xf32>
    %get3A_1346 = arith.constant 5 : i32
    %get3A_1347 = arith.index_cast %get3A_1346 : i32 to index
    %get3A_1348 = arith.constant 96 : index
    %get3A_1349 = tpu.vector_load %arg7[%get3A_1347, %get3A_1348] {strides = array<i32>} : memref<8x256xf32, #tpu.memory_space<vmem>>, vector<1x16xf32>,
    %get3A_1350 = vector.shape_cast %get3A_1349 : vector<1x16xf32> to vector<16xf32>
    %gt3A_1351 = arith.cmpf ogt, %get3A_1350, %select_n3A_1345 : vector<16xf32>
    %jit3A_1352 = arith.constant 5 : i32
    %broadcast_in_dim3A_1353 = vector.broadcast %jit3A_1352 : i32 to vector<16xi32>
    %select_n3A_1354 = arith.select %gt3A_1351, %broadcast_in_dim3A_1353, %select_n3A_1344 : vector<16xi1>, vector<16xi32>
    %select_n3A_1355 = arith.select %gt3A_1351, %get3A_1350, %select_n3A_1345 : vector<16xi1>, vector<16xf32>
    %get3A_1356 = arith.constant 6 : i32
    %get3A_1357 = arith.index_cast %get3A_1356 : i32 to index
    %get3A_1358 = arith.constant 96 : index
    %get3A_1359 = tpu.vector_load %arg7[%get3A_1357, %get3A_1358] {strides = array<i32>} : memref<8x256xf32, #tpu.memory_space<vmem>>, vector<1x16xf32>,
    %get3A_1360 = vector.shape_cast %get3A_1359 : vector<1x16xf32> to vector<16xf32>
    %gt3A_1361 = arith.cmpf ogt, %get3A_1360, %select_n3A_1355 : vector<16xf32>
    %jit3A_1362 = arith.constant 6 : i32
    %broadcast_in_dim3A_1363 = vector.broadcast %jit3A_1362 : i32 to vector<16xi32>
    %select_n3A_1364 = arith.select %gt3A_1361, %broadcast_in_dim3A_1363, %select_n3A_1354 : vector<16xi1>, vector<16xi32>
    %select_n3A_1365 = arith.select %gt3A_1361, %get3A_1360, %select_n3A_1355 : vector<16xi1>, vector<16xf32>
    %get3A_1366 = arith.constant 7 : i32
    %get3A_1367 = arith.index_cast %get3A_1366 : i32 to index
    %get3A_1368 = arith.constant 96 : index
    %get3A_1369 = tpu.vector_load %arg7[%get3A_1367, %get3A_1368] {strides = array<i32>} : memref<8x256xf32, #tpu.memory_space<vmem>>, vector<1x16xf32>,
    %get3A_1370 = vector.shape_cast %get3A_1369 : vector<1x16xf32> to vector<16xf32>
    %gt3A_1371 = arith.cmpf ogt, %get3A_1370, %select_n3A_1365 : vector<16xf32>
    %jit3A_1372 = arith.constant 7 : i32
    %broadcast_in_dim3A_1373 = vector.broadcast %jit3A_1372 : i32 to vector<16xi32>
    %select_n3A_1374 = arith.select %gt3A_1371, %broadcast_in_dim3A_1373, %select_n3A_1364 : vector<16xi1>, vector<16xi32>
    %select_n3A_1375 = arith.select %gt3A_1371, %get3A_1370, %select_n3A_1365 : vector<16xi1>, vector<16xf32>
    %mul3A_1376 = arith.constant 131072 : i32
    %mul3A_1377 = arith.muli %select_n3A, %mul3A_1376 : i32
    %add3A_1378 = arith.constant 96 : i32
    %add3A_1379 = arith.addi %mul3A_34, %add3A_1378 : i32
    %add3A_1380 = vector.broadcast %add3A_1379 : i32 to vector<16xi32>
    %add3A_1381 = arith.addi %add3A_1380, %iota3A : vector<16xi32>
    %mul3A_1382 = arith.constant 64 : i32
    %mul3A_1383 = vector.broadcast %mul3A_1382 : i32 to vector<16xi32>
    %mul3A_1384 = arith.muli %add3A_1381, %mul3A_1383 : vector<16xi32>
    %add3A_1385 = vector.broadcast %mul3A_1377 : i32 to vector<16xi32>
    %add3A_1386 = arith.addi %add3A_1385, %mul3A_1384 : vector<16xi32>
    %add3A_1387 = arith.addi %add3A_1386, %select_n3A_1374 : vector<16xi32>
    %broadcast_in_dim3A_1388 = vector.shape_cast %and3A_37 : vector<16xi32> to vector<16x1xi32>
    %gather3A_1389 = vector.shape_cast %broadcast_in_dim3A_1388 : vector<16x1xi32> to vector<16xi32>
    %gather3A_1390 = tpu.dynamic_gather %add3A_1387[%gather3A_1389] in [0] : vector<16xi32>, vector<16xi32> -> vector<16xi32>
    %broadcast_in_dim3A_1391 = vector.shape_cast %add3A_40 : vector<16xi32> to vector<16x1xi32>
    %gather3A_1392 = vector.shape_cast %broadcast_in_dim3A_1391 : vector<16x1xi32> to vector<16xi32>
    %gather3A_1393 = tpu.dynamic_gather %add3A_1387[%gather3A_1392] in [0] : vector<16xi32>, vector<16xi32> -> vector<16xi32>
    %add3A_1394 = arith.constant 0 : i32
    %add3A_1395 = vector.broadcast %add3A_1394 : i32 to vector<16xi32>
    %add3A_1396 = arith.addi %add3A_1395, %mul3A_45 : vector<16xi32>
    %add3A_1397 = arith.addi %gather3A_1390, %add3A_1396 : vector<16xi32>
    %swap3A_1398 = arith.constant 2 : i32
    %swap3A_1399 = arith.index_cast %swap3A_1398 : i32 to index
    %swap3A_1400 = arith.constant 0 : index
    %swap3A_1401 = tpu.vector_load %arg5[%swap3A_1399, %swap3A_1400] {strides = array<i32>} : memref<4x128xi32, #tpu.memory_space<vmem>>, vector<1x16xi32>,
    %swap3A_1402 = vector.shape_cast %swap3A_1401 : vector<1x16xi32> to vector<16xi32>
    %swap3A_1403 = vector.shape_cast %add3A_1397 : vector<16xi32> to vector<1x16xi32>
    tpu.vector_store %arg5[%swap3A_1399, %swap3A_1400], %swap3A_1403 {strides = array<i32>} : memref<4x128xi32, #tpu.memory_space<vmem>>, vector<1x16xi32>,
    %add3A_1404 = arith.constant 16 : i32
    %add3A_1405 = vector.broadcast %add3A_1404 : i32 to vector<16xi32>
    %add3A_1406 = arith.addi %add3A_1405, %mul3A_45 : vector<16xi32>
    %add3A_1407 = arith.addi %gather3A_1390, %add3A_1406 : vector<16xi32>
    %swap3A_1408 = arith.constant 2 : i32
    %swap3A_1409 = arith.index_cast %swap3A_1408 : i32 to index
    %swap3A_1410 = arith.constant 16 : index
    %swap3A_1411 = tpu.vector_load %arg5[%swap3A_1409, %swap3A_1410] {strides = array<i32>} : memref<4x128xi32, #tpu.memory_space<vmem>>, vector<1x16xi32>,
    %swap3A_1412 = vector.shape_cast %swap3A_1411 : vector<1x16xi32> to vector<16xi32>
    %swap3A_1413 = vector.shape_cast %add3A_1407 : vector<16xi32> to vector<1x16xi32>
    tpu.vector_store %arg5[%swap3A_1409, %swap3A_1410], %swap3A_1413 {strides = array<i32>} : memref<4x128xi32, #tpu.memory_space<vmem>>, vector<1x16xi32>,
    %add3A_1414 = arith.constant 32 : i32
    %add3A_1415 = vector.broadcast %add3A_1414 : i32 to vector<16xi32>
    %add3A_1416 = arith.addi %add3A_1415, %mul3A_45 : vector<16xi32>
    %add3A_1417 = arith.addi %gather3A_1390, %add3A_1416 : vector<16xi32>
    %swap3A_1418 = arith.constant 2 : i32
    %swap3A_1419 = arith.index_cast %swap3A_1418 : i32 to index
    %swap3A_1420 = arith.constant 32 : index
    %swap3A_1421 = tpu.vector_load %arg5[%swap3A_1419, %swap3A_1420] {strides = array<i32>} : memref<4x128xi32, #tpu.memory_space<vmem>>, vector<1x16xi32>,
    %swap3A_1422 = vector.shape_cast %swap3A_1421 : vector<1x16xi32> to vector<16xi32>
    %swap3A_1423 = vector.shape_cast %add3A_1417 : vector<16xi32> to vector<1x16xi32>
    tpu.vector_store %arg5[%swap3A_1419, %swap3A_1420], %swap3A_1423 {strides = array<i32>} : memref<4x128xi32, #tpu.memory_space<vmem>>, vector<1x16xi32>,
    %add3A_1424 = arith.constant 48 : i32
    %add3A_1425 = vector.broadcast %add3A_1424 : i32 to vector<16xi32>
    %add3A_1426 = arith.addi %add3A_1425, %mul3A_45 : vector<16xi32>
    %add3A_1427 = arith.addi %gather3A_1390, %add3A_1426 : vector<16xi32>
    %swap3A_1428 = arith.constant 2 : i32
    %swap3A_1429 = arith.index_cast %swap3A_1428 : i32 to index
    %swap3A_1430 = arith.constant 48 : index
    %swap3A_1431 = tpu.vector_load %arg5[%swap3A_1429, %swap3A_1430] {strides = array<i32>} : memref<4x128xi32, #tpu.memory_space<vmem>>, vector<1x16xi32>,
    %swap3A_1432 = vector.shape_cast %swap3A_1431 : vector<1x16xi32> to vector<16xi32>
    %swap3A_1433 = vector.shape_cast %add3A_1427 : vector<16xi32> to vector<1x16xi32>
    tpu.vector_store %arg5[%swap3A_1429, %swap3A_1430], %swap3A_1433 {strides = array<i32>} : memref<4x128xi32, #tpu.memory_space<vmem>>, vector<1x16xi32>,
    %add3A_1434 = arith.constant 0 : i32
    %add3A_1435 = vector.broadcast %add3A_1434 : i32 to vector<16xi32>
    %add3A_1436 = arith.addi %add3A_1435, %mul3A_45 : vector<16xi32>
    %add3A_1437 = arith.addi %gather3A_1393, %add3A_1436 : vector<16xi32>
    %swap3A_1438 = arith.constant 2 : i32
    %swap3A_1439 = arith.index_cast %swap3A_1438 : i32 to index
    %swap3A_1440 = arith.constant 64 : index
    %swap3A_1441 = tpu.vector_load %arg5[%swap3A_1439, %swap3A_1440] {strides = array<i32>} : memref<4x128xi32, #tpu.memory_space<vmem>>, vector<1x16xi32>,
    %swap3A_1442 = vector.shape_cast %swap3A_1441 : vector<1x16xi32> to vector<16xi32>
    %swap3A_1443 = vector.shape_cast %add3A_1437 : vector<16xi32> to vector<1x16xi32>
    tpu.vector_store %arg5[%swap3A_1439, %swap3A_1440], %swap3A_1443 {strides = array<i32>} : memref<4x128xi32, #tpu.memory_space<vmem>>, vector<1x16xi32>,
    %add3A_1444 = arith.constant 16 : i32
    %add3A_1445 = vector.broadcast %add3A_1444 : i32 to vector<16xi32>
    %add3A_1446 = arith.addi %add3A_1445, %mul3A_45 : vector<16xi32>
    %add3A_1447 = arith.addi %gather3A_1393, %add3A_1446 : vector<16xi32>
    %swap3A_1448 = arith.constant 2 : i32
    %swap3A_1449 = arith.index_cast %swap3A_1448 : i32 to index
    %swap3A_1450 = arith.constant 80 : index
    %swap3A_1451 = tpu.vector_load %arg5[%swap3A_1449, %swap3A_1450] {strides = array<i32>} : memref<4x128xi32, #tpu.memory_space<vmem>>, vector<1x16xi32>,
    %swap3A_1452 = vector.shape_cast %swap3A_1451 : vector<1x16xi32> to vector<16xi32>
    %swap3A_1453 = vector.shape_cast %add3A_1447 : vector<16xi32> to vector<1x16xi32>
    tpu.vector_store %arg5[%swap3A_1449, %swap3A_1450], %swap3A_1453 {strides = array<i32>} : memref<4x128xi32, #tpu.memory_space<vmem>>, vector<1x16xi32>,
    %add3A_1454 = arith.constant 32 : i32
    %add3A_1455 = vector.broadcast %add3A_1454 : i32 to vector<16xi32>
    %add3A_1456 = arith.addi %add3A_1455, %mul3A_45 : vector<16xi32>
    %add3A_1457 = arith.addi %gather3A_1393, %add3A_1456 : vector<16xi32>
    %swap3A_1458 = arith.constant 2 : i32
    %swap3A_1459 = arith.index_cast %swap3A_1458 : i32 to index
    %swap3A_1460 = arith.constant 96 : index
    %swap3A_1461 = tpu.vector_load %arg5[%swap3A_1459, %swap3A_1460] {strides = array<i32>} : memref<4x128xi32, #tpu.memory_space<vmem>>, vector<1x16xi32>,
    %swap3A_1462 = vector.shape_cast %swap3A_1461 : vector<1x16xi32> to vector<16xi32>
    %swap3A_1463 = vector.shape_cast %add3A_1457 : vector<16xi32> to vector<1x16xi32>
    tpu.vector_store %arg5[%swap3A_1459, %swap3A_1460], %swap3A_1463 {strides = array<i32>} : memref<4x128xi32, #tpu.memory_space<vmem>>, vector<1x16xi32>,
    %add3A_1464 = arith.constant 48 : i32
    %add3A_1465 = vector.broadcast %add3A_1464 : i32 to vector<16xi32>
    %add3A_1466 = arith.addi %add3A_1465, %mul3A_45 : vector<16xi32>
    %add3A_1467 = arith.addi %gather3A_1393, %add3A_1466 : vector<16xi32>
    %swap3A_1468 = arith.constant 2 : i32
    %swap3A_1469 = arith.index_cast %swap3A_1468 : i32 to index
    %swap3A_1470 = arith.constant 112 : index
    %swap3A_1471 = tpu.vector_load %arg5[%swap3A_1469, %swap3A_1470] {strides = array<i32>} : memref<4x128xi32, #tpu.memory_space<vmem>>, vector<1x16xi32>,
    %swap3A_1472 = vector.shape_cast %swap3A_1471 : vector<1x16xi32> to vector<16xi32>
    %swap3A_1473 = vector.shape_cast %add3A_1467 : vector<16xi32> to vector<1x16xi32>
    tpu.vector_store %arg5[%swap3A_1469, %swap3A_1470], %swap3A_1473 {strides = array<i32>} : memref<4x128xi32, #tpu.memory_space<vmem>>, vector<1x16xi32>,
    %dma_start3A_1474 = arith.constant 2 : i32
    %dma_start3A_1475 = arith.constant 2 : i32
    %dma_start3A_1476 = arith.constant 0 : i32
    %dma_start3A_1477 = arith.constant 0 : i32
    %dma_start3A_1478 = tpu.memref_slice %arg6[%dma_start3A_1475, %dma_start3A_1476, %dma_start3A_1477] : memref<4x128x128xf32, #tpu.memory_space<vmem>> -> memref<1x128x128xf32, #tpu.memory_space<vmem>>
    %dma_start3A_1479 = tpu.memref_squeeze %dma_start3A_1478 : memref<1x128x128xf32, #tpu.memory_space<vmem>> -> memref<128x128xf32, #tpu.memory_space<vmem>>
    %dma_start3A_1480 = arith.constant 0 : i32
    %dma_start3A_1481 = tpu.memref_slice %arg5[%dma_start3A_1474, %dma_start3A_1480] : memref<4x128xi32, #tpu.memory_space<vmem>> -> memref<1x128xi32, #tpu.memory_space<vmem>>
    %dma_start3A_1482 = tpu.memref_squeeze %dma_start3A_1481 : memref<1x128xi32, #tpu.memory_space<vmem>> -> memref<128xi32, #tpu.memory_space<vmem>>
    %dma_start3A_1483 = arith.constant 0 : i32
    %dma_start3A_1484 = arith.constant 0 : i32
    %dma_start3A_1485 = tpu.memref_slice %arg2[%dma_start3A_1483, %dma_start3A_1484] : memref<524288x128xf32, #tpu.memory_space<hbm>> -> memref<524288x128xf32, #tpu.memory_space<hbm>>
    tpu.enqueue_indirect_dma source(%dma_start3A_1485 : memref<524288x128xf32, #tpu.memory_space<hbm>>) target(%dma_start3A_1479 : memref<128x128xf32, #tpu.memory_space<vmem>>) offsets(%dma_start3A_1482 : memref<128xi32, #tpu.memory_space<vmem>>) semaphore(%arg8 : memref<!tpu.dma_semaphore, #tpu.memory_space<semaphore_mem>>)
    %dma_wait3A_1486 = arith.constant 3 : i32
    %dma_wait3A_1487 = arith.constant 3 : i32
    %dma_wait3A_1488 = arith.constant 0 : i32
    %dma_wait3A_1489 = arith.constant 0 : i32
    %dma_wait3A_1490 = tpu.memref_slice %arg6[%dma_wait3A_1487, %dma_wait3A_1488, %dma_wait3A_1489] : memref<4x128x128xf32, #tpu.memory_space<vmem>> -> memref<1x128x128xf32, #tpu.memory_space<vmem>>
    %dma_wait3A_1491 = tpu.memref_squeeze %dma_wait3A_1490 : memref<1x128x128xf32, #tpu.memory_space<vmem>> -> memref<128x128xf32, #tpu.memory_space<vmem>>
    %dma_wait3A_1492 = arith.constant 0 : i32
    %dma_wait3A_1493 = tpu.memref_slice %arg5[%dma_wait3A_1486, %dma_wait3A_1492] : memref<4x128xi32, #tpu.memory_space<vmem>> -> memref<1x128xi32, #tpu.memory_space<vmem>>
    %dma_wait3A_1494 = tpu.memref_squeeze %dma_wait3A_1493 : memref<1x128xi32, #tpu.memory_space<vmem>> -> memref<128xi32, #tpu.memory_space<vmem>>
    %dma_wait3A_1495 = arith.constant 0 : i32
    %dma_wait3A_1496 = arith.constant 0 : i32
    %dma_wait3A_1497 = tpu.memref_slice %arg2[%dma_wait3A_1495, %dma_wait3A_1496] : memref<524288x128xf32, #tpu.memory_space<hbm>> -> memref<524288x128xf32, #tpu.memory_space<hbm>>
    tpu.wait_indirect_dma semaphore(%arg8 : memref<!tpu.dma_semaphore, #tpu.memory_space<semaphore_mem>>) src(%dma_wait3A_1497 : memref<524288x128xf32, #tpu.memory_space<hbm>>) dst(%dma_wait3A_1491 : memref<128x128xf32, #tpu.memory_space<vmem>>)
    %mul3A_1498 = arith.constant 2048 : i32
    %mul3A_1499 = arith.muli %add3A, %mul3A_1498 : i32
    %add3A_1500 = arith.constant 384 : i32
    %add3A_1501 = arith.addi %mul3A_1499, %add3A_1500 : i32
    %dma_start3A_1502 = arith.constant 3 : i32
    %dma_start3A_1503 = arith.constant 0 : i32
    %dma_start3A_1504 = arith.constant 0 : i32
    %dma_start3A_1505 = tpu.memref_slice %arg6[%dma_start3A_1502, %dma_start3A_1503, %dma_start3A_1504] : memref<4x128x128xf32, #tpu.memory_space<vmem>> -> memref<1x128x128xf32, #tpu.memory_space<vmem>>
    %dma_start3A_1506 = tpu.memref_squeeze %dma_start3A_1505 : memref<1x128x128xf32, #tpu.memory_space<vmem>> -> memref<128x128xf32, #tpu.memory_space<vmem>>
    %dma_start3A_1507 = arith.constant 0 : i32
    %dma_start3A_1508 = tpu.memref_slice %arg4[%add3A_1501, %dma_start3A_1507] : memref<65536x128xf32, #tpu.memory_space<hbm>> -> memref<128x128xf32, #tpu.memory_space<hbm>>
    %dma_start3A_1509 = arith.constant 0 : i32
    %dma_start3A_1510 = tpu.memref_slice %arg4[%add3A_1501, %dma_start3A_1509] : memref<65536x128xf32, #tpu.memory_space<hbm>> -> memref<128x128xf32, #tpu.memory_space<hbm>>
    %dma_start3A_1511 = arith.constant 0 : i32
    %dma_start3A_1512 = arith.constant 0 : i32
    %dma_start3A_1513 = tpu.memref_slice %arg6[%dma_start3A_1502, %dma_start3A_1511, %dma_start3A_1512] : memref<4x128x128xf32, #tpu.memory_space<vmem>> -> memref<1x128x128xf32, #tpu.memory_space<vmem>>
    %dma_start3A_1514 = tpu.memref_squeeze %dma_start3A_1513 : memref<1x128x128xf32, #tpu.memory_space<vmem>> -> memref<128x128xf32, #tpu.memory_space<vmem>>
    tpu.enqueue_dma source(%dma_start3A_1514 : memref<128x128xf32, #tpu.memory_space<vmem>>) target(%dma_start3A_1510 : memref<128x128xf32, #tpu.memory_space<hbm>>) target_semaphore(%arg9 : memref<!tpu.dma_semaphore, #tpu.memory_space<semaphore_mem>>)
    %mul3A_1515 = arith.constant 2048 : i32
    %mul3A_1516 = arith.muli %add3A, %mul3A_1515 : i32
    %add3A_1517 = arith.constant 384 : i32
    %add3A_1518 = arith.addi %mul3A_1516, %add3A_1517 : i32
    %dma_wait3A_1519 = arith.constant 3 : i32
    %dma_wait3A_1520 = arith.constant 0 : i32
    %dma_wait3A_1521 = arith.constant 0 : i32
    %dma_wait3A_1522 = tpu.memref_slice %arg6[%dma_wait3A_1519, %dma_wait3A_1520, %dma_wait3A_1521] : memref<4x128x128xf32, #tpu.memory_space<vmem>> -> memref<1x128x128xf32, #tpu.memory_space<vmem>>
    %dma_wait3A_1523 = tpu.memref_squeeze %dma_wait3A_1522 : memref<1x128x128xf32, #tpu.memory_space<vmem>> -> memref<128x128xf32, #tpu.memory_space<vmem>>
    %dma_wait3A_1524 = arith.constant 0 : i32
    %dma_wait3A_1525 = tpu.memref_slice %arg4[%add3A_1518, %dma_wait3A_1524] : memref<65536x128xf32, #tpu.memory_space<hbm>> -> memref<128x128xf32, #tpu.memory_space<hbm>>
    %dma_wait3A_1526 = arith.constant 0 : i32
    %dma_wait3A_1527 = tpu.memref_slice %arg4[%add3A_1518, %dma_wait3A_1526] : memref<65536x128xf32, #tpu.memory_space<hbm>> -> memref<128x128xf32, #tpu.memory_space<hbm>>
    %dma_wait3A_1528 = arith.constant 0 : i32
    %dma_wait3A_1529 = arith.constant 0 : i32
    %dma_wait3A_1530 = tpu.memref_slice %arg6[%dma_wait3A_1519, %dma_wait3A_1528, %dma_wait3A_1529] : memref<4x128x128xf32, #tpu.memory_space<vmem>> -> memref<1x128x128xf32, #tpu.memory_space<vmem>>
    %dma_wait3A_1531 = tpu.memref_squeeze %dma_wait3A_1530 : memref<1x128x128xf32, #tpu.memory_space<vmem>> -> memref<128x128xf32, #tpu.memory_space<vmem>>
    tpu.wait_dma2 semaphore(%arg9 : memref<!tpu.dma_semaphore, #tpu.memory_space<semaphore_mem>>) src(%dma_wait3A_1531 : memref<128x128xf32, #tpu.memory_space<vmem>>) dst(%dma_wait3A_1527 : memref<128x128xf32, #tpu.memory_space<hbm>>)
    %get3A_1532 = arith.constant 0 : i32
    %get3A_1533 = arith.index_cast %get3A_1532 : i32 to index
    %get3A_1534 = arith.constant 112 : index
    %get3A_1535 = tpu.vector_load %arg7[%get3A_1533, %get3A_1534] {strides = array<i32>} : memref<8x256xf32, #tpu.memory_space<vmem>>, vector<1x16xf32>,
    %get3A_1536 = vector.shape_cast %get3A_1535 : vector<1x16xf32> to vector<16xf32>
    %broadcast_in_dim3A_1537 = arith.constant 0 : i32
    %broadcast_in_dim3A_1538 = vector.broadcast %broadcast_in_dim3A_1537 : i32 to vector<16xi32>
    %get3A_1539 = arith.constant 1 : i32
    %get3A_1540 = arith.index_cast %get3A_1539 : i32 to index
    %get3A_1541 = arith.constant 112 : index
    %get3A_1542 = tpu.vector_load %arg7[%get3A_1540, %get3A_1541] {strides = array<i32>} : memref<8x256xf32, #tpu.memory_space<vmem>>, vector<1x16xf32>,
    %get3A_1543 = vector.shape_cast %get3A_1542 : vector<1x16xf32> to vector<16xf32>
    %gt3A_1544 = arith.cmpf ogt, %get3A_1543, %get3A_1536 : vector<16xf32>
    %jit3A_1545 = arith.constant 1 : i32
    %broadcast_in_dim3A_1546 = vector.broadcast %jit3A_1545 : i32 to vector<16xi32>
    %select_n3A_1547 = arith.select %gt3A_1544, %broadcast_in_dim3A_1546, %broadcast_in_dim3A_1538 : vector<16xi1>, vector<16xi32>
    %select_n3A_1548 = arith.select %gt3A_1544, %get3A_1543, %get3A_1536 : vector<16xi1>, vector<16xf32>
    %get3A_1549 = arith.constant 2 : i32
    %get3A_1550 = arith.index_cast %get3A_1549 : i32 to index
    %get3A_1551 = arith.constant 112 : index
    %get3A_1552 = tpu.vector_load %arg7[%get3A_1550, %get3A_1551] {strides = array<i32>} : memref<8x256xf32, #tpu.memory_space<vmem>>, vector<1x16xf32>,
    %get3A_1553 = vector.shape_cast %get3A_1552 : vector<1x16xf32> to vector<16xf32>
    %gt3A_1554 = arith.cmpf ogt, %get3A_1553, %select_n3A_1548 : vector<16xf32>
    %jit3A_1555 = arith.constant 2 : i32
    %broadcast_in_dim3A_1556 = vector.broadcast %jit3A_1555 : i32 to vector<16xi32>
    %select_n3A_1557 = arith.select %gt3A_1554, %broadcast_in_dim3A_1556, %select_n3A_1547 : vector<16xi1>, vector<16xi32>
    %select_n3A_1558 = arith.select %gt3A_1554, %get3A_1553, %select_n3A_1548 : vector<16xi1>, vector<16xf32>
    %get3A_1559 = arith.constant 3 : i32
    %get3A_1560 = arith.index_cast %get3A_1559 : i32 to index
    %get3A_1561 = arith.constant 112 : index
    %get3A_1562 = tpu.vector_load %arg7[%get3A_1560, %get3A_1561] {strides = array<i32>} : memref<8x256xf32, #tpu.memory_space<vmem>>, vector<1x16xf32>,
    %get3A_1563 = vector.shape_cast %get3A_1562 : vector<1x16xf32> to vector<16xf32>
    %gt3A_1564 = arith.cmpf ogt, %get3A_1563, %select_n3A_1558 : vector<16xf32>
    %jit3A_1565 = arith.constant 3 : i32
    %broadcast_in_dim3A_1566 = vector.broadcast %jit3A_1565 : i32 to vector<16xi32>
    %select_n3A_1567 = arith.select %gt3A_1564, %broadcast_in_dim3A_1566, %select_n3A_1557 : vector<16xi1>, vector<16xi32>
    %select_n3A_1568 = arith.select %gt3A_1564, %get3A_1563, %select_n3A_1558 : vector<16xi1>, vector<16xf32>
    %get3A_1569 = arith.constant 4 : i32
    %get3A_1570 = arith.index_cast %get3A_1569 : i32 to index
    %get3A_1571 = arith.constant 112 : index
    %get3A_1572 = tpu.vector_load %arg7[%get3A_1570, %get3A_1571] {strides = array<i32>} : memref<8x256xf32, #tpu.memory_space<vmem>>, vector<1x16xf32>,
    %get3A_1573 = vector.shape_cast %get3A_1572 : vector<1x16xf32> to vector<16xf32>
    %gt3A_1574 = arith.cmpf ogt, %get3A_1573, %select_n3A_1568 : vector<16xf32>
    %jit3A_1575 = arith.constant 4 : i32
    %broadcast_in_dim3A_1576 = vector.broadcast %jit3A_1575 : i32 to vector<16xi32>
    %select_n3A_1577 = arith.select %gt3A_1574, %broadcast_in_dim3A_1576, %select_n3A_1567 : vector<16xi1>, vector<16xi32>
    %select_n3A_1578 = arith.select %gt3A_1574, %get3A_1573, %select_n3A_1568 : vector<16xi1>, vector<16xf32>
    %get3A_1579 = arith.constant 5 : i32
    %get3A_1580 = arith.index_cast %get3A_1579 : i32 to index
    %get3A_1581 = arith.constant 112 : index
    %get3A_1582 = tpu.vector_load %arg7[%get3A_1580, %get3A_1581] {strides = array<i32>} : memref<8x256xf32, #tpu.memory_space<vmem>>, vector<1x16xf32>,
    %get3A_1583 = vector.shape_cast %get3A_1582 : vector<1x16xf32> to vector<16xf32>
    %gt3A_1584 = arith.cmpf ogt, %get3A_1583, %select_n3A_1578 : vector<16xf32>
    %jit3A_1585 = arith.constant 5 : i32
    %broadcast_in_dim3A_1586 = vector.broadcast %jit3A_1585 : i32 to vector<16xi32>
    %select_n3A_1587 = arith.select %gt3A_1584, %broadcast_in_dim3A_1586, %select_n3A_1577 : vector<16xi1>, vector<16xi32>
    %select_n3A_1588 = arith.select %gt3A_1584, %get3A_1583, %select_n3A_1578 : vector<16xi1>, vector<16xf32>
    %get3A_1589 = arith.constant 6 : i32
    %get3A_1590 = arith.index_cast %get3A_1589 : i32 to index
    %get3A_1591 = arith.constant 112 : index
    %get3A_1592 = tpu.vector_load %arg7[%get3A_1590, %get3A_1591] {strides = array<i32>} : memref<8x256xf32, #tpu.memory_space<vmem>>, vector<1x16xf32>,
    %get3A_1593 = vector.shape_cast %get3A_1592 : vector<1x16xf32> to vector<16xf32>
    %gt3A_1594 = arith.cmpf ogt, %get3A_1593, %select_n3A_1588 : vector<16xf32>
    %jit3A_1595 = arith.constant 6 : i32
    %broadcast_in_dim3A_1596 = vector.broadcast %jit3A_1595 : i32 to vector<16xi32>
    %select_n3A_1597 = arith.select %gt3A_1594, %broadcast_in_dim3A_1596, %select_n3A_1587 : vector<16xi1>, vector<16xi32>
    %select_n3A_1598 = arith.select %gt3A_1594, %get3A_1593, %select_n3A_1588 : vector<16xi1>, vector<16xf32>
    %get3A_1599 = arith.constant 7 : i32
    %get3A_1600 = arith.index_cast %get3A_1599 : i32 to index
    %get3A_1601 = arith.constant 112 : index
    %get3A_1602 = tpu.vector_load %arg7[%get3A_1600, %get3A_1601] {strides = array<i32>} : memref<8x256xf32, #tpu.memory_space<vmem>>, vector<1x16xf32>,
    %get3A_1603 = vector.shape_cast %get3A_1602 : vector<1x16xf32> to vector<16xf32>
    %gt3A_1604 = arith.cmpf ogt, %get3A_1603, %select_n3A_1598 : vector<16xf32>
    %jit3A_1605 = arith.constant 7 : i32
    %broadcast_in_dim3A_1606 = vector.broadcast %jit3A_1605 : i32 to vector<16xi32>
    %select_n3A_1607 = arith.select %gt3A_1604, %broadcast_in_dim3A_1606, %select_n3A_1597 : vector<16xi1>, vector<16xi32>
    %select_n3A_1608 = arith.select %gt3A_1604, %get3A_1603, %select_n3A_1598 : vector<16xi1>, vector<16xf32>
    %mul3A_1609 = arith.constant 131072 : i32
    %mul3A_1610 = arith.muli %select_n3A, %mul3A_1609 : i32
    %add3A_1611 = arith.constant 112 : i32
    %add3A_1612 = arith.addi %mul3A_34, %add3A_1611 : i32
    %add3A_1613 = vector.broadcast %add3A_1612 : i32 to vector<16xi32>
    %add3A_1614 = arith.addi %add3A_1613, %iota3A : vector<16xi32>
    %mul3A_1615 = arith.constant 64 : i32
    %mul3A_1616 = vector.broadcast %mul3A_1615 : i32 to vector<16xi32>
    %mul3A_1617 = arith.muli %add3A_1614, %mul3A_1616 : vector<16xi32>
    %add3A_1618 = vector.broadcast %mul3A_1610 : i32 to vector<16xi32>
    %add3A_1619 = arith.addi %add3A_1618, %mul3A_1617 : vector<16xi32>
    %add3A_1620 = arith.addi %add3A_1619, %select_n3A_1607 : vector<16xi32>
    %broadcast_in_dim3A_1621 = vector.shape_cast %and3A_37 : vector<16xi32> to vector<16x1xi32>
    %gather3A_1622 = vector.shape_cast %broadcast_in_dim3A_1621 : vector<16x1xi32> to vector<16xi32>
    %gather3A_1623 = tpu.dynamic_gather %add3A_1620[%gather3A_1622] in [0] : vector<16xi32>, vector<16xi32> -> vector<16xi32>
    %broadcast_in_dim3A_1624 = vector.shape_cast %add3A_40 : vector<16xi32> to vector<16x1xi32>
    %gather3A_1625 = vector.shape_cast %broadcast_in_dim3A_1624 : vector<16x1xi32> to vector<16xi32>
    %gather3A_1626 = tpu.dynamic_gather %add3A_1620[%gather3A_1625] in [0] : vector<16xi32>, vector<16xi32> -> vector<16xi32>
    %add3A_1627 = arith.constant 0 : i32
    %add3A_1628 = vector.broadcast %add3A_1627 : i32 to vector<16xi32>
    %add3A_1629 = arith.addi %add3A_1628, %mul3A_45 : vector<16xi32>
    %add3A_1630 = arith.addi %gather3A_1623, %add3A_1629 : vector<16xi32>
    %swap3A_1631 = arith.constant 3 : i32
    %swap3A_1632 = arith.index_cast %swap3A_1631 : i32 to index
    %swap3A_1633 = arith.constant 0 : index
    %swap3A_1634 = tpu.vector_load %arg5[%swap3A_1632, %swap3A_1633] {strides = array<i32>} : memref<4x128xi32, #tpu.memory_space<vmem>>, vector<1x16xi32>,
    %swap3A_1635 = vector.shape_cast %swap3A_1634 : vector<1x16xi32> to vector<16xi32>
    %swap3A_1636 = vector.shape_cast %add3A_1630 : vector<16xi32> to vector<1x16xi32>
    tpu.vector_store %arg5[%swap3A_1632, %swap3A_1633], %swap3A_1636 {strides = array<i32>} : memref<4x128xi32, #tpu.memory_space<vmem>>, vector<1x16xi32>,
    %add3A_1637 = arith.constant 16 : i32
    %add3A_1638 = vector.broadcast %add3A_1637 : i32 to vector<16xi32>
    %add3A_1639 = arith.addi %add3A_1638, %mul3A_45 : vector<16xi32>
    %add3A_1640 = arith.addi %gather3A_1623, %add3A_1639 : vector<16xi32>
    %swap3A_1641 = arith.constant 3 : i32
    %swap3A_1642 = arith.index_cast %swap3A_1641 : i32 to index
    %swap3A_1643 = arith.constant 16 : index
    %swap3A_1644 = tpu.vector_load %arg5[%swap3A_1642, %swap3A_1643] {strides = array<i32>} : memref<4x128xi32, #tpu.memory_space<vmem>>, vector<1x16xi32>,
    %swap3A_1645 = vector.shape_cast %swap3A_1644 : vector<1x16xi32> to vector<16xi32>
    %swap3A_1646 = vector.shape_cast %add3A_1640 : vector<16xi32> to vector<1x16xi32>
    tpu.vector_store %arg5[%swap3A_1642, %swap3A_1643], %swap3A_1646 {strides = array<i32>} : memref<4x128xi32, #tpu.memory_space<vmem>>, vector<1x16xi32>,
    %add3A_1647 = arith.constant 32 : i32
    %add3A_1648 = vector.broadcast %add3A_1647 : i32 to vector<16xi32>
    %add3A_1649 = arith.addi %add3A_1648, %mul3A_45 : vector<16xi32>
    %add3A_1650 = arith.addi %gather3A_1623, %add3A_1649 : vector<16xi32>
    %swap3A_1651 = arith.constant 3 : i32
    %swap3A_1652 = arith.index_cast %swap3A_1651 : i32 to index
    %swap3A_1653 = arith.constant 32 : index
    %swap3A_1654 = tpu.vector_load %arg5[%swap3A_1652, %swap3A_1653] {strides = array<i32>} : memref<4x128xi32, #tpu.memory_space<vmem>>, vector<1x16xi32>,
    %swap3A_1655 = vector.shape_cast %swap3A_1654 : vector<1x16xi32> to vector<16xi32>
    %swap3A_1656 = vector.shape_cast %add3A_1650 : vector<16xi32> to vector<1x16xi32>
    tpu.vector_store %arg5[%swap3A_1652, %swap3A_1653], %swap3A_1656 {strides = array<i32>} : memref<4x128xi32, #tpu.memory_space<vmem>>, vector<1x16xi32>,
    %add3A_1657 = arith.constant 48 : i32
    %add3A_1658 = vector.broadcast %add3A_1657 : i32 to vector<16xi32>
    %add3A_1659 = arith.addi %add3A_1658, %mul3A_45 : vector<16xi32>
    %add3A_1660 = arith.addi %gather3A_1623, %add3A_1659 : vector<16xi32>
    %swap3A_1661 = arith.constant 3 : i32
    %swap3A_1662 = arith.index_cast %swap3A_1661 : i32 to index
    %swap3A_1663 = arith.constant 48 : index
    %swap3A_1664 = tpu.vector_load %arg5[%swap3A_1662, %swap3A_1663] {strides = array<i32>} : memref<4x128xi32, #tpu.memory_space<vmem>>, vector<1x16xi32>,
    %swap3A_1665 = vector.shape_cast %swap3A_1664 : vector<1x16xi32> to vector<16xi32>
    %swap3A_1666 = vector.shape_cast %add3A_1660 : vector<16xi32> to vector<1x16xi32>
    tpu.vector_store %arg5[%swap3A_1662, %swap3A_1663], %swap3A_1666 {strides = array<i32>} : memref<4x128xi32, #tpu.memory_space<vmem>>, vector<1x16xi32>,
    %add3A_1667 = arith.constant 0 : i32
    %add3A_1668 = vector.broadcast %add3A_1667 : i32 to vector<16xi32>
    %add3A_1669 = arith.addi %add3A_1668, %mul3A_45 : vector<16xi32>
    %add3A_1670 = arith.addi %gather3A_1626, %add3A_1669 : vector<16xi32>
    %swap3A_1671 = arith.constant 3 : i32
    %swap3A_1672 = arith.index_cast %swap3A_1671 : i32 to index
    %swap3A_1673 = arith.constant 64 : index
    %swap3A_1674 = tpu.vector_load %arg5[%swap3A_1672, %swap3A_1673] {strides = array<i32>} : memref<4x128xi32, #tpu.memory_space<vmem>>, vector<1x16xi32>,
    %swap3A_1675 = vector.shape_cast %swap3A_1674 : vector<1x16xi32> to vector<16xi32>
    %swap3A_1676 = vector.shape_cast %add3A_1670 : vector<16xi32> to vector<1x16xi32>
    tpu.vector_store %arg5[%swap3A_1672, %swap3A_1673], %swap3A_1676 {strides = array<i32>} : memref<4x128xi32, #tpu.memory_space<vmem>>, vector<1x16xi32>,
    %add3A_1677 = arith.constant 16 : i32
    %add3A_1678 = vector.broadcast %add3A_1677 : i32 to vector<16xi32>
    %add3A_1679 = arith.addi %add3A_1678, %mul3A_45 : vector<16xi32>
    %add3A_1680 = arith.addi %gather3A_1626, %add3A_1679 : vector<16xi32>
    %swap3A_1681 = arith.constant 3 : i32
    %swap3A_1682 = arith.index_cast %swap3A_1681 : i32 to index
    %swap3A_1683 = arith.constant 80 : index
    %swap3A_1684 = tpu.vector_load %arg5[%swap3A_1682, %swap3A_1683] {strides = array<i32>} : memref<4x128xi32, #tpu.memory_space<vmem>>, vector<1x16xi32>,
    %swap3A_1685 = vector.shape_cast %swap3A_1684 : vector<1x16xi32> to vector<16xi32>
    %swap3A_1686 = vector.shape_cast %add3A_1680 : vector<16xi32> to vector<1x16xi32>
    tpu.vector_store %arg5[%swap3A_1682, %swap3A_1683], %swap3A_1686 {strides = array<i32>} : memref<4x128xi32, #tpu.memory_space<vmem>>, vector<1x16xi32>,
    %add3A_1687 = arith.constant 32 : i32
    %add3A_1688 = vector.broadcast %add3A_1687 : i32 to vector<16xi32>
    %add3A_1689 = arith.addi %add3A_1688, %mul3A_45 : vector<16xi32>
    %add3A_1690 = arith.addi %gather3A_1626, %add3A_1689 : vector<16xi32>
    %swap3A_1691 = arith.constant 3 : i32
    %swap3A_1692 = arith.index_cast %swap3A_1691 : i32 to index
    %swap3A_1693 = arith.constant 96 : index
    %swap3A_1694 = tpu.vector_load %arg5[%swap3A_1692, %swap3A_1693] {strides = array<i32>} : memref<4x128xi32, #tpu.memory_space<vmem>>, vector<1x16xi32>,
    %swap3A_1695 = vector.shape_cast %swap3A_1694 : vector<1x16xi32> to vector<16xi32>
    %swap3A_1696 = vector.shape_cast %add3A_1690 : vector<16xi32> to vector<1x16xi32>
    tpu.vector_store %arg5[%swap3A_1692, %swap3A_1693], %swap3A_1696 {strides = array<i32>} : memref<4x128xi32, #tpu.memory_space<vmem>>, vector<1x16xi32>,
    %add3A_1697 = arith.constant 48 : i32
    %add3A_1698 = vector.broadcast %add3A_1697 : i32 to vector<16xi32>
    %add3A_1699 = arith.addi %add3A_1698, %mul3A_45 : vector<16xi32>
    %add3A_1700 = arith.addi %gather3A_1626, %add3A_1699 : vector<16xi32>
    %swap3A_1701 = arith.constant 3 : i32
    %swap3A_1702 = arith.index_cast %swap3A_1701 : i32 to index
    %swap3A_1703 = arith.constant 112 : index
    %swap3A_1704 = tpu.vector_load %arg5[%swap3A_1702, %swap3A_1703] {strides = array<i32>} : memref<4x128xi32, #tpu.memory_space<vmem>>, vector<1x16xi32>,
    %swap3A_1705 = vector.shape_cast %swap3A_1704 : vector<1x16xi32> to vector<16xi32>
    %swap3A_1706 = vector.shape_cast %add3A_1700 : vector<16xi32> to vector<1x16xi32>
    tpu.vector_store %arg5[%swap3A_1702, %swap3A_1703], %swap3A_1706 {strides = array<i32>} : memref<4x128xi32, #tpu.memory_space<vmem>>, vector<1x16xi32>,
    %dma_start3A_1707 = arith.constant 3 : i32
    %dma_start3A_1708 = arith.constant 3 : i32
    %dma_start3A_1709 = arith.constant 0 : i32
    %dma_start3A_1710 = arith.constant 0 : i32
    %dma_start3A_1711 = tpu.memref_slice %arg6[%dma_start3A_1708, %dma_start3A_1709, %dma_start3A_1710] : memref<4x128x128xf32, #tpu.memory_space<vmem>> -> memref<1x128x128xf32, #tpu.memory_space<vmem>>
    %dma_start3A_1712 = tpu.memref_squeeze %dma_start3A_1711 : memref<1x128x128xf32, #tpu.memory_space<vmem>> -> memref<128x128xf32, #tpu.memory_space<vmem>>
    %dma_start3A_1713 = arith.constant 0 : i32
    %dma_start3A_1714 = tpu.memref_slice %arg5[%dma_start3A_1707, %dma_start3A_1713] : memref<4x128xi32, #tpu.memory_space<vmem>> -> memref<1x128xi32, #tpu.memory_space<vmem>>
    %dma_start3A_1715 = tpu.memref_squeeze %dma_start3A_1714 : memref<1x128xi32, #tpu.memory_space<vmem>> -> memref<128xi32, #tpu.memory_space<vmem>>
    %dma_start3A_1716 = arith.constant 0 : i32
    %dma_start3A_1717 = arith.constant 0 : i32
    %dma_start3A_1718 = tpu.memref_slice %arg2[%dma_start3A_1716, %dma_start3A_1717] : memref<524288x128xf32, #tpu.memory_space<hbm>> -> memref<524288x128xf32, #tpu.memory_space<hbm>>
    tpu.enqueue_indirect_dma source(%dma_start3A_1718 : memref<524288x128xf32, #tpu.memory_space<hbm>>) target(%dma_start3A_1712 : memref<128x128xf32, #tpu.memory_space<vmem>>) offsets(%dma_start3A_1715 : memref<128xi32, #tpu.memory_space<vmem>>) semaphore(%arg8 : memref<!tpu.dma_semaphore, #tpu.memory_space<semaphore_mem>>)
    %dma_wait3A_1719 = arith.constant 0 : i32
    %dma_wait3A_1720 = arith.constant 0 : i32
    %dma_wait3A_1721 = arith.constant 0 : i32
    %dma_wait3A_1722 = arith.constant 0 : i32
    %dma_wait3A_1723 = tpu.memref_slice %arg6[%dma_wait3A_1720, %dma_wait3A_1721, %dma_wait3A_1722] : memref<4x128x128xf32, #tpu.memory_space<vmem>> -> memref<1x128x128xf32, #tpu.memory_space<vmem>>
    %dma_wait3A_1724 = tpu.memref_squeeze %dma_wait3A_1723 : memref<1x128x128xf32, #tpu.memory_space<vmem>> -> memref<128x128xf32, #tpu.memory_space<vmem>>
    %dma_wait3A_1725 = arith.constant 0 : i32
    %dma_wait3A_1726 = tpu.memref_slice %arg5[%dma_wait3A_1719, %dma_wait3A_1725] : memref<4x128xi32, #tpu.memory_space<vmem>> -> memref<1x128xi32, #tpu.memory_space<vmem>>
    %dma_wait3A_1727 = tpu.memref_squeeze %dma_wait3A_1726 : memref<1x128xi32, #tpu.memory_space<vmem>> -> memref<128xi32, #tpu.memory_space<vmem>>
    %dma_wait3A_1728 = arith.constant 0 : i32
    %dma_wait3A_1729 = arith.constant 0 : i32
    %dma_wait3A_1730 = tpu.memref_slice %arg2[%dma_wait3A_1728, %dma_wait3A_1729] : memref<524288x128xf32, #tpu.memory_space<hbm>> -> memref<524288x128xf32, #tpu.memory_space<hbm>>
    tpu.wait_indirect_dma semaphore(%arg8 : memref<!tpu.dma_semaphore, #tpu.memory_space<semaphore_mem>>) src(%dma_wait3A_1730 : memref<524288x128xf32, #tpu.memory_space<hbm>>) dst(%dma_wait3A_1724 : memref<128x128xf32, #tpu.memory_space<vmem>>)
    %mul3A_1731 = arith.constant 2048 : i32
    %mul3A_1732 = arith.muli %add3A, %mul3A_1731 : i32
    %add3A_1733 = arith.constant 512 : i32
    %add3A_1734 = arith.addi %mul3A_1732, %add3A_1733 : i32
    %dma_start3A_1735 = arith.constant 0 : i32
    %dma_start3A_1736 = arith.constant 0 : i32
    %dma_start3A_1737 = arith.constant 0 : i32
    %dma_start3A_1738 = tpu.memref_slice %arg6[%dma_start3A_1735, %dma_start3A_1736, %dma_start3A_1737] : memref<4x128x128xf32, #tpu.memory_space<vmem>> -> memref<1x128x128xf32, #tpu.memory_space<vmem>>
    %dma_start3A_1739 = tpu.memref_squeeze %dma_start3A_1738 : memref<1x128x128xf32, #tpu.memory_space<vmem>> -> memref<128x128xf32, #tpu.memory_space<vmem>>
    %dma_start3A_1740 = arith.constant 0 : i32
    %dma_start3A_1741 = tpu.memref_slice %arg4[%add3A_1734, %dma_start3A_1740] : memref<65536x128xf32, #tpu.memory_space<hbm>> -> memref<128x128xf32, #tpu.memory_space<hbm>>
    %dma_start3A_1742 = arith.constant 0 : i32
    %dma_start3A_1743 = tpu.memref_slice %arg4[%add3A_1734, %dma_start3A_1742] : memref<65536x128xf32, #tpu.memory_space<hbm>> -> memref<128x128xf32, #tpu.memory_space<hbm>>
    %dma_start3A_1744 = arith.constant 0 : i32
    %dma_start3A_1745 = arith.constant 0 : i32
    %dma_start3A_1746 = tpu.memref_slice %arg6[%dma_start3A_1735, %dma_start3A_1744, %dma_start3A_1745] : memref<4x128x128xf32, #tpu.memory_space<vmem>> -> memref<1x128x128xf32, #tpu.memory_space<vmem>>
    %dma_start3A_1747 = tpu.memref_squeeze %dma_start3A_1746 : memref<1x128x128xf32, #tpu.memory_space<vmem>> -> memref<128x128xf32, #tpu.memory_space<vmem>>
    tpu.enqueue_dma source(%dma_start3A_1747 : memref<128x128xf32, #tpu.memory_space<vmem>>) target(%dma_start3A_1743 : memref<128x128xf32, #tpu.memory_space<hbm>>) target_semaphore(%arg9 : memref<!tpu.dma_semaphore, #tpu.memory_space<semaphore_mem>>)
    %mul3A_1748 = arith.constant 2048 : i32
    %mul3A_1749 = arith.muli %add3A, %mul3A_1748 : i32
    %add3A_1750 = arith.constant 512 : i32
    %add3A_1751 = arith.addi %mul3A_1749, %add3A_1750 : i32
    %dma_wait3A_1752 = arith.constant 0 : i32
    %dma_wait3A_1753 = arith.constant 0 : i32
    %dma_wait3A_1754 = arith.constant 0 : i32
    %dma_wait3A_1755 = tpu.memref_slice %arg6[%dma_wait3A_1752, %dma_wait3A_1753, %dma_wait3A_1754] : memref<4x128x128xf32, #tpu.memory_space<vmem>> -> memref<1x128x128xf32, #tpu.memory_space<vmem>>
    %dma_wait3A_1756 = tpu.memref_squeeze %dma_wait3A_1755 : memref<1x128x128xf32, #tpu.memory_space<vmem>> -> memref<128x128xf32, #tpu.memory_space<vmem>>
    %dma_wait3A_1757 = arith.constant 0 : i32
    %dma_wait3A_1758 = tpu.memref_slice %arg4[%add3A_1751, %dma_wait3A_1757] : memref<65536x128xf32, #tpu.memory_space<hbm>> -> memref<128x128xf32, #tpu.memory_space<hbm>>
    %dma_wait3A_1759 = arith.constant 0 : i32
    %dma_wait3A_1760 = tpu.memref_slice %arg4[%add3A_1751, %dma_wait3A_1759] : memref<65536x128xf32, #tpu.memory_space<hbm>> -> memref<128x128xf32, #tpu.memory_space<hbm>>
    %dma_wait3A_1761 = arith.constant 0 : i32
    %dma_wait3A_1762 = arith.constant 0 : i32
    %dma_wait3A_1763 = tpu.memref_slice %arg6[%dma_wait3A_1752, %dma_wait3A_1761, %dma_wait3A_1762] : memref<4x128x128xf32, #tpu.memory_space<vmem>> -> memref<1x128x128xf32, #tpu.memory_space<vmem>>
    %dma_wait3A_1764 = tpu.memref_squeeze %dma_wait3A_1763 : memref<1x128x128xf32, #tpu.memory_space<vmem>> -> memref<128x128xf32, #tpu.memory_space<vmem>>
    tpu.wait_dma2 semaphore(%arg9 : memref<!tpu.dma_semaphore, #tpu.memory_space<semaphore_mem>>) src(%dma_wait3A_1764 : memref<128x128xf32, #tpu.memory_space<vmem>>) dst(%dma_wait3A_1760 : memref<128x128xf32, #tpu.memory_space<hbm>>)
    %get3A_1765 = arith.constant 0 : i32
    %get3A_1766 = arith.index_cast %get3A_1765 : i32 to index
    %get3A_1767 = arith.constant 128 : index
    %get3A_1768 = tpu.vector_load %arg7[%get3A_1766, %get3A_1767] {strides = array<i32>} : memref<8x256xf32, #tpu.memory_space<vmem>>, vector<1x16xf32>,
    %get3A_1769 = vector.shape_cast %get3A_1768 : vector<1x16xf32> to vector<16xf32>
    %broadcast_in_dim3A_1770 = arith.constant 0 : i32
    %broadcast_in_dim3A_1771 = vector.broadcast %broadcast_in_dim3A_1770 : i32 to vector<16xi32>
    %get3A_1772 = arith.constant 1 : i32
    %get3A_1773 = arith.index_cast %get3A_1772 : i32 to index
    %get3A_1774 = arith.constant 128 : index
    %get3A_1775 = tpu.vector_load %arg7[%get3A_1773, %get3A_1774] {strides = array<i32>} : memref<8x256xf32, #tpu.memory_space<vmem>>, vector<1x16xf32>,
    %get3A_1776 = vector.shape_cast %get3A_1775 : vector<1x16xf32> to vector<16xf32>
    %gt3A_1777 = arith.cmpf ogt, %get3A_1776, %get3A_1769 : vector<16xf32>
    %jit3A_1778 = arith.constant 1 : i32
    %broadcast_in_dim3A_1779 = vector.broadcast %jit3A_1778 : i32 to vector<16xi32>
    %select_n3A_1780 = arith.select %gt3A_1777, %broadcast_in_dim3A_1779, %broadcast_in_dim3A_1771 : vector<16xi1>, vector<16xi32>
    %select_n3A_1781 = arith.select %gt3A_1777, %get3A_1776, %get3A_1769 : vector<16xi1>, vector<16xf32>
    %get3A_1782 = arith.constant 2 : i32
    %get3A_1783 = arith.index_cast %get3A_1782 : i32 to index
    %get3A_1784 = arith.constant 128 : index
    %get3A_1785 = tpu.vector_load %arg7[%get3A_1783, %get3A_1784] {strides = array<i32>} : memref<8x256xf32, #tpu.memory_space<vmem>>, vector<1x16xf32>,
    %get3A_1786 = vector.shape_cast %get3A_1785 : vector<1x16xf32> to vector<16xf32>
    %gt3A_1787 = arith.cmpf ogt, %get3A_1786, %select_n3A_1781 : vector<16xf32>
    %jit3A_1788 = arith.constant 2 : i32
    %broadcast_in_dim3A_1789 = vector.broadcast %jit3A_1788 : i32 to vector<16xi32>
    %select_n3A_1790 = arith.select %gt3A_1787, %broadcast_in_dim3A_1789, %select_n3A_1780 : vector<16xi1>, vector<16xi32>
    %select_n3A_1791 = arith.select %gt3A_1787, %get3A_1786, %select_n3A_1781 : vector<16xi1>, vector<16xf32>
    %get3A_1792 = arith.constant 3 : i32
    %get3A_1793 = arith.index_cast %get3A_1792 : i32 to index
    %get3A_1794 = arith.constant 128 : index
    %get3A_1795 = tpu.vector_load %arg7[%get3A_1793, %get3A_1794] {strides = array<i32>} : memref<8x256xf32, #tpu.memory_space<vmem>>, vector<1x16xf32>,
    %get3A_1796 = vector.shape_cast %get3A_1795 : vector<1x16xf32> to vector<16xf32>
    %gt3A_1797 = arith.cmpf ogt, %get3A_1796, %select_n3A_1791 : vector<16xf32>
    %jit3A_1798 = arith.constant 3 : i32
    %broadcast_in_dim3A_1799 = vector.broadcast %jit3A_1798 : i32 to vector<16xi32>
    %select_n3A_1800 = arith.select %gt3A_1797, %broadcast_in_dim3A_1799, %select_n3A_1790 : vector<16xi1>, vector<16xi32>
    %select_n3A_1801 = arith.select %gt3A_1797, %get3A_1796, %select_n3A_1791 : vector<16xi1>, vector<16xf32>
    %get3A_1802 = arith.constant 4 : i32
    %get3A_1803 = arith.index_cast %get3A_1802 : i32 to index
    %get3A_1804 = arith.constant 128 : index
    %get3A_1805 = tpu.vector_load %arg7[%get3A_1803, %get3A_1804] {strides = array<i32>} : memref<8x256xf32, #tpu.memory_space<vmem>>, vector<1x16xf32>,
    %get3A_1806 = vector.shape_cast %get3A_1805 : vector<1x16xf32> to vector<16xf32>
    %gt3A_1807 = arith.cmpf ogt, %get3A_1806, %select_n3A_1801 : vector<16xf32>
    %jit3A_1808 = arith.constant 4 : i32
    %broadcast_in_dim3A_1809 = vector.broadcast %jit3A_1808 : i32 to vector<16xi32>
    %select_n3A_1810 = arith.select %gt3A_1807, %broadcast_in_dim3A_1809, %select_n3A_1800 : vector<16xi1>, vector<16xi32>
    %select_n3A_1811 = arith.select %gt3A_1807, %get3A_1806, %select_n3A_1801 : vector<16xi1>, vector<16xf32>
    %get3A_1812 = arith.constant 5 : i32
    %get3A_1813 = arith.index_cast %get3A_1812 : i32 to index
    %get3A_1814 = arith.constant 128 : index
    %get3A_1815 = tpu.vector_load %arg7[%get3A_1813, %get3A_1814] {strides = array<i32>} : memref<8x256xf32, #tpu.memory_space<vmem>>, vector<1x16xf32>,
    %get3A_1816 = vector.shape_cast %get3A_1815 : vector<1x16xf32> to vector<16xf32>
    %gt3A_1817 = arith.cmpf ogt, %get3A_1816, %select_n3A_1811 : vector<16xf32>
    %jit3A_1818 = arith.constant 5 : i32
    %broadcast_in_dim3A_1819 = vector.broadcast %jit3A_1818 : i32 to vector<16xi32>
    %select_n3A_1820 = arith.select %gt3A_1817, %broadcast_in_dim3A_1819, %select_n3A_1810 : vector<16xi1>, vector<16xi32>
    %select_n3A_1821 = arith.select %gt3A_1817, %get3A_1816, %select_n3A_1811 : vector<16xi1>, vector<16xf32>
    %get3A_1822 = arith.constant 6 : i32
    %get3A_1823 = arith.index_cast %get3A_1822 : i32 to index
    %get3A_1824 = arith.constant 128 : index
    %get3A_1825 = tpu.vector_load %arg7[%get3A_1823, %get3A_1824] {strides = array<i32>} : memref<8x256xf32, #tpu.memory_space<vmem>>, vector<1x16xf32>,
    %get3A_1826 = vector.shape_cast %get3A_1825 : vector<1x16xf32> to vector<16xf32>
    %gt3A_1827 = arith.cmpf ogt, %get3A_1826, %select_n3A_1821 : vector<16xf32>
    %jit3A_1828 = arith.constant 6 : i32
    %broadcast_in_dim3A_1829 = vector.broadcast %jit3A_1828 : i32 to vector<16xi32>
    %select_n3A_1830 = arith.select %gt3A_1827, %broadcast_in_dim3A_1829, %select_n3A_1820 : vector<16xi1>, vector<16xi32>
    %select_n3A_1831 = arith.select %gt3A_1827, %get3A_1826, %select_n3A_1821 : vector<16xi1>, vector<16xf32>
    %get3A_1832 = arith.constant 7 : i32
    %get3A_1833 = arith.index_cast %get3A_1832 : i32 to index
    %get3A_1834 = arith.constant 128 : index
    %get3A_1835 = tpu.vector_load %arg7[%get3A_1833, %get3A_1834] {strides = array<i32>} : memref<8x256xf32, #tpu.memory_space<vmem>>, vector<1x16xf32>,
    %get3A_1836 = vector.shape_cast %get3A_1835 : vector<1x16xf32> to vector<16xf32>
    %gt3A_1837 = arith.cmpf ogt, %get3A_1836, %select_n3A_1831 : vector<16xf32>
    %jit3A_1838 = arith.constant 7 : i32
    %broadcast_in_dim3A_1839 = vector.broadcast %jit3A_1838 : i32 to vector<16xi32>
    %select_n3A_1840 = arith.select %gt3A_1837, %broadcast_in_dim3A_1839, %select_n3A_1830 : vector<16xi1>, vector<16xi32>
    %select_n3A_1841 = arith.select %gt3A_1837, %get3A_1836, %select_n3A_1831 : vector<16xi1>, vector<16xf32>
    %mul3A_1842 = arith.constant 131072 : i32
    %mul3A_1843 = arith.muli %select_n3A, %mul3A_1842 : i32
    %add3A_1844 = arith.constant 128 : i32
    %add3A_1845 = arith.addi %mul3A_34, %add3A_1844 : i32
    %add3A_1846 = vector.broadcast %add3A_1845 : i32 to vector<16xi32>
    %add3A_1847 = arith.addi %add3A_1846, %iota3A : vector<16xi32>
    %mul3A_1848 = arith.constant 64 : i32
    %mul3A_1849 = vector.broadcast %mul3A_1848 : i32 to vector<16xi32>
    %mul3A_1850 = arith.muli %add3A_1847, %mul3A_1849 : vector<16xi32>
    %add3A_1851 = vector.broadcast %mul3A_1843 : i32 to vector<16xi32>
    %add3A_1852 = arith.addi %add3A_1851, %mul3A_1850 : vector<16xi32>
    %add3A_1853 = arith.addi %add3A_1852, %select_n3A_1840 : vector<16xi32>
    %broadcast_in_dim3A_1854 = vector.shape_cast %and3A_37 : vector<16xi32> to vector<16x1xi32>
    %gather3A_1855 = vector.shape_cast %broadcast_in_dim3A_1854 : vector<16x1xi32> to vector<16xi32>
    %gather3A_1856 = tpu.dynamic_gather %add3A_1853[%gather3A_1855] in [0] : vector<16xi32>, vector<16xi32> -> vector<16xi32>
    %broadcast_in_dim3A_1857 = vector.shape_cast %add3A_40 : vector<16xi32> to vector<16x1xi32>
    %gather3A_1858 = vector.shape_cast %broadcast_in_dim3A_1857 : vector<16x1xi32> to vector<16xi32>
    %gather3A_1859 = tpu.dynamic_gather %add3A_1853[%gather3A_1858] in [0] : vector<16xi32>, vector<16xi32> -> vector<16xi32>
    %add3A_1860 = arith.constant 0 : i32
    %add3A_1861 = vector.broadcast %add3A_1860 : i32 to vector<16xi32>
    %add3A_1862 = arith.addi %add3A_1861, %mul3A_45 : vector<16xi32>
    %add3A_1863 = arith.addi %gather3A_1856, %add3A_1862 : vector<16xi32>
    %swap3A_1864 = arith.constant 0 : i32
    %swap3A_1865 = arith.index_cast %swap3A_1864 : i32 to index
    %swap3A_1866 = arith.constant 0 : index
    %swap3A_1867 = tpu.vector_load %arg5[%swap3A_1865, %swap3A_1866] {strides = array<i32>} : memref<4x128xi32, #tpu.memory_space<vmem>>, vector<1x16xi32>,
    %swap3A_1868 = vector.shape_cast %swap3A_1867 : vector<1x16xi32> to vector<16xi32>
    %swap3A_1869 = vector.shape_cast %add3A_1863 : vector<16xi32> to vector<1x16xi32>
    tpu.vector_store %arg5[%swap3A_1865, %swap3A_1866], %swap3A_1869 {strides = array<i32>} : memref<4x128xi32, #tpu.memory_space<vmem>>, vector<1x16xi32>,
    %add3A_1870 = arith.constant 16 : i32
    %add3A_1871 = vector.broadcast %add3A_1870 : i32 to vector<16xi32>
    %add3A_1872 = arith.addi %add3A_1871, %mul3A_45 : vector<16xi32>
    %add3A_1873 = arith.addi %gather3A_1856, %add3A_1872 : vector<16xi32>
    %swap3A_1874 = arith.constant 0 : i32
    %swap3A_1875 = arith.index_cast %swap3A_1874 : i32 to index
    %swap3A_1876 = arith.constant 16 : index
    %swap3A_1877 = tpu.vector_load %arg5[%swap3A_1875, %swap3A_1876] {strides = array<i32>} : memref<4x128xi32, #tpu.memory_space<vmem>>, vector<1x16xi32>,
    %swap3A_1878 = vector.shape_cast %swap3A_1877 : vector<1x16xi32> to vector<16xi32>
    %swap3A_1879 = vector.shape_cast %add3A_1873 : vector<16xi32> to vector<1x16xi32>
    tpu.vector_store %arg5[%swap3A_1875, %swap3A_1876], %swap3A_1879 {strides = array<i32>} : memref<4x128xi32, #tpu.memory_space<vmem>>, vector<1x16xi32>,
    %add3A_1880 = arith.constant 32 : i32
    %add3A_1881 = vector.broadcast %add3A_1880 : i32 to vector<16xi32>
    %add3A_1882 = arith.addi %add3A_1881, %mul3A_45 : vector<16xi32>
    %add3A_1883 = arith.addi %gather3A_1856, %add3A_1882 : vector<16xi32>
    %swap3A_1884 = arith.constant 0 : i32
    %swap3A_1885 = arith.index_cast %swap3A_1884 : i32 to index
    %swap3A_1886 = arith.constant 32 : index
    %swap3A_1887 = tpu.vector_load %arg5[%swap3A_1885, %swap3A_1886] {strides = array<i32>} : memref<4x128xi32, #tpu.memory_space<vmem>>, vector<1x16xi32>,
    %swap3A_1888 = vector.shape_cast %swap3A_1887 : vector<1x16xi32> to vector<16xi32>
    %swap3A_1889 = vector.shape_cast %add3A_1883 : vector<16xi32> to vector<1x16xi32>
    tpu.vector_store %arg5[%swap3A_1885, %swap3A_1886], %swap3A_1889 {strides = array<i32>} : memref<4x128xi32, #tpu.memory_space<vmem>>, vector<1x16xi32>,
    %add3A_1890 = arith.constant 48 : i32
    %add3A_1891 = vector.broadcast %add3A_1890 : i32 to vector<16xi32>
    %add3A_1892 = arith.addi %add3A_1891, %mul3A_45 : vector<16xi32>
    %add3A_1893 = arith.addi %gather3A_1856, %add3A_1892 : vector<16xi32>
    %swap3A_1894 = arith.constant 0 : i32
    %swap3A_1895 = arith.index_cast %swap3A_1894 : i32 to index
    %swap3A_1896 = arith.constant 48 : index
    %swap3A_1897 = tpu.vector_load %arg5[%swap3A_1895, %swap3A_1896] {strides = array<i32>} : memref<4x128xi32, #tpu.memory_space<vmem>>, vector<1x16xi32>,
    %swap3A_1898 = vector.shape_cast %swap3A_1897 : vector<1x16xi32> to vector<16xi32>
    %swap3A_1899 = vector.shape_cast %add3A_1893 : vector<16xi32> to vector<1x16xi32>
    tpu.vector_store %arg5[%swap3A_1895, %swap3A_1896], %swap3A_1899 {strides = array<i32>} : memref<4x128xi32, #tpu.memory_space<vmem>>, vector<1x16xi32>,
    %add3A_1900 = arith.constant 0 : i32
    %add3A_1901 = vector.broadcast %add3A_1900 : i32 to vector<16xi32>
    %add3A_1902 = arith.addi %add3A_1901, %mul3A_45 : vector<16xi32>
    %add3A_1903 = arith.addi %gather3A_1859, %add3A_1902 : vector<16xi32>
    %swap3A_1904 = arith.constant 0 : i32
    %swap3A_1905 = arith.index_cast %swap3A_1904 : i32 to index
    %swap3A_1906 = arith.constant 64 : index
    %swap3A_1907 = tpu.vector_load %arg5[%swap3A_1905, %swap3A_1906] {strides = array<i32>} : memref<4x128xi32, #tpu.memory_space<vmem>>, vector<1x16xi32>,
    %swap3A_1908 = vector.shape_cast %swap3A_1907 : vector<1x16xi32> to vector<16xi32>
    %swap3A_1909 = vector.shape_cast %add3A_1903 : vector<16xi32> to vector<1x16xi32>
    tpu.vector_store %arg5[%swap3A_1905, %swap3A_1906], %swap3A_1909 {strides = array<i32>} : memref<4x128xi32, #tpu.memory_space<vmem>>, vector<1x16xi32>,
    %add3A_1910 = arith.constant 16 : i32
    %add3A_1911 = vector.broadcast %add3A_1910 : i32 to vector<16xi32>
    %add3A_1912 = arith.addi %add3A_1911, %mul3A_45 : vector<16xi32>
    %add3A_1913 = arith.addi %gather3A_1859, %add3A_1912 : vector<16xi32>
    %swap3A_1914 = arith.constant 0 : i32
    %swap3A_1915 = arith.index_cast %swap3A_1914 : i32 to index
    %swap3A_1916 = arith.constant 80 : index
    %swap3A_1917 = tpu.vector_load %arg5[%swap3A_1915, %swap3A_1916] {strides = array<i32>} : memref<4x128xi32, #tpu.memory_space<vmem>>, vector<1x16xi32>,
    %swap3A_1918 = vector.shape_cast %swap3A_1917 : vector<1x16xi32> to vector<16xi32>
    %swap3A_1919 = vector.shape_cast %add3A_1913 : vector<16xi32> to vector<1x16xi32>
    tpu.vector_store %arg5[%swap3A_1915, %swap3A_1916], %swap3A_1919 {strides = array<i32>} : memref<4x128xi32, #tpu.memory_space<vmem>>, vector<1x16xi32>,
    %add3A_1920 = arith.constant 32 : i32
    %add3A_1921 = vector.broadcast %add3A_1920 : i32 to vector<16xi32>
    %add3A_1922 = arith.addi %add3A_1921, %mul3A_45 : vector<16xi32>
    %add3A_1923 = arith.addi %gather3A_1859, %add3A_1922 : vector<16xi32>
    %swap3A_1924 = arith.constant 0 : i32
    %swap3A_1925 = arith.index_cast %swap3A_1924 : i32 to index
    %swap3A_1926 = arith.constant 96 : index
    %swap3A_1927 = tpu.vector_load %arg5[%swap3A_1925, %swap3A_1926] {strides = array<i32>} : memref<4x128xi32, #tpu.memory_space<vmem>>, vector<1x16xi32>,
    %swap3A_1928 = vector.shape_cast %swap3A_1927 : vector<1x16xi32> to vector<16xi32>
    %swap3A_1929 = vector.shape_cast %add3A_1923 : vector<16xi32> to vector<1x16xi32>
    tpu.vector_store %arg5[%swap3A_1925, %swap3A_1926], %swap3A_1929 {strides = array<i32>} : memref<4x128xi32, #tpu.memory_space<vmem>>, vector<1x16xi32>,
    %add3A_1930 = arith.constant 48 : i32
    %add3A_1931 = vector.broadcast %add3A_1930 : i32 to vector<16xi32>
    %add3A_1932 = arith.addi %add3A_1931, %mul3A_45 : vector<16xi32>
    %add3A_1933 = arith.addi %gather3A_1859, %add3A_1932 : vector<16xi32>
    %swap3A_1934 = arith.constant 0 : i32
    %swap3A_1935 = arith.index_cast %swap3A_1934 : i32 to index
    %swap3A_1936 = arith.constant 112 : index
    %swap3A_1937 = tpu.vector_load %arg5[%swap3A_1935, %swap3A_1936] {strides = array<i32>} : memref<4x128xi32, #tpu.memory_space<vmem>>, vector<1x16xi32>,
    %swap3A_1938 = vector.shape_cast %swap3A_1937 : vector<1x16xi32> to vector<16xi32>
    %swap3A_1939 = vector.shape_cast %add3A_1933 : vector<16xi32> to vector<1x16xi32>
    tpu.vector_store %arg5[%swap3A_1935, %swap3A_1936], %swap3A_1939 {strides = array<i32>} : memref<4x128xi32, #tpu.memory_space<vmem>>, vector<1x16xi32>,
    %dma_start3A_1940 = arith.constant 0 : i32
    %dma_start3A_1941 = arith.constant 0 : i32
    %dma_start3A_1942 = arith.constant 0 : i32
    %dma_start3A_1943 = arith.constant 0 : i32
    %dma_start3A_1944 = tpu.memref_slice %arg6[%dma_start3A_1941, %dma_start3A_1942, %dma_start3A_1943] : memref<4x128x128xf32, #tpu.memory_space<vmem>> -> memref<1x128x128xf32, #tpu.memory_space<vmem>>
    %dma_start3A_1945 = tpu.memref_squeeze %dma_start3A_1944 : memref<1x128x128xf32, #tpu.memory_space<vmem>> -> memref<128x128xf32, #tpu.memory_space<vmem>>
    %dma_start3A_1946 = arith.constant 0 : i32
    %dma_start3A_1947 = tpu.memref_slice %arg5[%dma_start3A_1940, %dma_start3A_1946] : memref<4x128xi32, #tpu.memory_space<vmem>> -> memref<1x128xi32, #tpu.memory_space<vmem>>
    %dma_start3A_1948 = tpu.memref_squeeze %dma_start3A_1947 : memref<1x128xi32, #tpu.memory_space<vmem>> -> memref<128xi32, #tpu.memory_space<vmem>>
    %dma_start3A_1949 = arith.constant 0 : i32
    %dma_start3A_1950 = arith.constant 0 : i32
    %dma_start3A_1951 = tpu.memref_slice %arg2[%dma_start3A_1949, %dma_start3A_1950] : memref<524288x128xf32, #tpu.memory_space<hbm>> -> memref<524288x128xf32, #tpu.memory_space<hbm>>
    tpu.enqueue_indirect_dma source(%dma_start3A_1951 : memref<524288x128xf32, #tpu.memory_space<hbm>>) target(%dma_start3A_1945 : memref<128x128xf32, #tpu.memory_space<vmem>>) offsets(%dma_start3A_1948 : memref<128xi32, #tpu.memory_space<vmem>>) semaphore(%arg8 : memref<!tpu.dma_semaphore, #tpu.memory_space<semaphore_mem>>)
    %dma_wait3A_1952 = arith.constant 1 : i32
    %dma_wait3A_1953 = arith.constant 1 : i32
    %dma_wait3A_1954 = arith.constant 0 : i32
    %dma_wait3A_1955 = arith.constant 0 : i32
    %dma_wait3A_1956 = tpu.memref_slice %arg6[%dma_wait3A_1953, %dma_wait3A_1954, %dma_wait3A_1955] : memref<4x128x128xf32, #tpu.memory_space<vmem>> -> memref<1x128x128xf32, #tpu.memory_space<vmem>>
    %dma_wait3A_1957 = tpu.memref_squeeze %dma_wait3A_1956 : memref<1x128x128xf32, #tpu.memory_space<vmem>> -> memref<128x128xf32, #tpu.memory_space<vmem>>
    %dma_wait3A_1958 = arith.constant 0 : i32
    %dma_wait3A_1959 = tpu.memref_slice %arg5[%dma_wait3A_1952, %dma_wait3A_1958] : memref<4x128xi32, #tpu.memory_space<vmem>> -> memref<1x128xi32, #tpu.memory_space<vmem>>
    %dma_wait3A_1960 = tpu.memref_squeeze %dma_wait3A_1959 : memref<1x128xi32, #tpu.memory_space<vmem>> -> memref<128xi32, #tpu.memory_space<vmem>>
    %dma_wait3A_1961 = arith.constant 0 : i32
    %dma_wait3A_1962 = arith.constant 0 : i32
    %dma_wait3A_1963 = tpu.memref_slice %arg2[%dma_wait3A_1961, %dma_wait3A_1962] : memref<524288x128xf32, #tpu.memory_space<hbm>> -> memref<524288x128xf32, #tpu.memory_space<hbm>>
    tpu.wait_indirect_dma semaphore(%arg8 : memref<!tpu.dma_semaphore, #tpu.memory_space<semaphore_mem>>) src(%dma_wait3A_1963 : memref<524288x128xf32, #tpu.memory_space<hbm>>) dst(%dma_wait3A_1957 : memref<128x128xf32, #tpu.memory_space<vmem>>)
    %mul3A_1964 = arith.constant 2048 : i32
    %mul3A_1965 = arith.muli %add3A, %mul3A_1964 : i32
    %add3A_1966 = arith.constant 640 : i32
    %add3A_1967 = arith.addi %mul3A_1965, %add3A_1966 : i32
    %dma_start3A_1968 = arith.constant 1 : i32
    %dma_start3A_1969 = arith.constant 0 : i32
    %dma_start3A_1970 = arith.constant 0 : i32
    %dma_start3A_1971 = tpu.memref_slice %arg6[%dma_start3A_1968, %dma_start3A_1969, %dma_start3A_1970] : memref<4x128x128xf32, #tpu.memory_space<vmem>> -> memref<1x128x128xf32, #tpu.memory_space<vmem>>
    %dma_start3A_1972 = tpu.memref_squeeze %dma_start3A_1971 : memref<1x128x128xf32, #tpu.memory_space<vmem>> -> memref<128x128xf32, #tpu.memory_space<vmem>>
    %dma_start3A_1973 = arith.constant 0 : i32
    %dma_start3A_1974 = tpu.memref_slice %arg4[%add3A_1967, %dma_start3A_1973] : memref<65536x128xf32, #tpu.memory_space<hbm>> -> memref<128x128xf32, #tpu.memory_space<hbm>>
    %dma_start3A_1975 = arith.constant 0 : i32
    %dma_start3A_1976 = tpu.memref_slice %arg4[%add3A_1967, %dma_start3A_1975] : memref<65536x128xf32, #tpu.memory_space<hbm>> -> memref<128x128xf32, #tpu.memory_space<hbm>>
    %dma_start3A_1977 = arith.constant 0 : i32
    %dma_start3A_1978 = arith.constant 0 : i32
    %dma_start3A_1979 = tpu.memref_slice %arg6[%dma_start3A_1968, %dma_start3A_1977, %dma_start3A_1978] : memref<4x128x128xf32, #tpu.memory_space<vmem>> -> memref<1x128x128xf32, #tpu.memory_space<vmem>>
    %dma_start3A_1980 = tpu.memref_squeeze %dma_start3A_1979 : memref<1x128x128xf32, #tpu.memory_space<vmem>> -> memref<128x128xf32, #tpu.memory_space<vmem>>
    tpu.enqueue_dma source(%dma_start3A_1980 : memref<128x128xf32, #tpu.memory_space<vmem>>) target(%dma_start3A_1976 : memref<128x128xf32, #tpu.memory_space<hbm>>) target_semaphore(%arg9 : memref<!tpu.dma_semaphore, #tpu.memory_space<semaphore_mem>>)
    %mul3A_1981 = arith.constant 2048 : i32
    %mul3A_1982 = arith.muli %add3A, %mul3A_1981 : i32
    %add3A_1983 = arith.constant 640 : i32
    %add3A_1984 = arith.addi %mul3A_1982, %add3A_1983 : i32
    %dma_wait3A_1985 = arith.constant 1 : i32
    %dma_wait3A_1986 = arith.constant 0 : i32
    %dma_wait3A_1987 = arith.constant 0 : i32
    %dma_wait3A_1988 = tpu.memref_slice %arg6[%dma_wait3A_1985, %dma_wait3A_1986, %dma_wait3A_1987] : memref<4x128x128xf32, #tpu.memory_space<vmem>> -> memref<1x128x128xf32, #tpu.memory_space<vmem>>
    %dma_wait3A_1989 = tpu.memref_squeeze %dma_wait3A_1988 : memref<1x128x128xf32, #tpu.memory_space<vmem>> -> memref<128x128xf32, #tpu.memory_space<vmem>>
    %dma_wait3A_1990 = arith.constant 0 : i32
    %dma_wait3A_1991 = tpu.memref_slice %arg4[%add3A_1984, %dma_wait3A_1990] : memref<65536x128xf32, #tpu.memory_space<hbm>> -> memref<128x128xf32, #tpu.memory_space<hbm>>
    %dma_wait3A_1992 = arith.constant 0 : i32
    %dma_wait3A_1993 = tpu.memref_slice %arg4[%add3A_1984, %dma_wait3A_1992] : memref<65536x128xf32, #tpu.memory_space<hbm>> -> memref<128x128xf32, #tpu.memory_space<hbm>>
    %dma_wait3A_1994 = arith.constant 0 : i32
    %dma_wait3A_1995 = arith.constant 0 : i32
    %dma_wait3A_1996 = tpu.memref_slice %arg6[%dma_wait3A_1985, %dma_wait3A_1994, %dma_wait3A_1995] : memref<4x128x128xf32, #tpu.memory_space<vmem>> -> memref<1x128x128xf32, #tpu.memory_space<vmem>>
    %dma_wait3A_1997 = tpu.memref_squeeze %dma_wait3A_1996 : memref<1x128x128xf32, #tpu.memory_space<vmem>> -> memref<128x128xf32, #tpu.memory_space<vmem>>
    tpu.wait_dma2 semaphore(%arg9 : memref<!tpu.dma_semaphore, #tpu.memory_space<semaphore_mem>>) src(%dma_wait3A_1997 : memref<128x128xf32, #tpu.memory_space<vmem>>) dst(%dma_wait3A_1993 : memref<128x128xf32, #tpu.memory_space<hbm>>)
    %get3A_1998 = arith.constant 0 : i32
    %get3A_1999 = arith.index_cast %get3A_1998 : i32 to index
    %get3A_2000 = arith.constant 144 : index
    %get3A_2001 = tpu.vector_load %arg7[%get3A_1999, %get3A_2000] {strides = array<i32>} : memref<8x256xf32, #tpu.memory_space<vmem>>, vector<1x16xf32>,
    %get3A_2002 = vector.shape_cast %get3A_2001 : vector<1x16xf32> to vector<16xf32>
    %broadcast_in_dim3A_2003 = arith.constant 0 : i32
    %broadcast_in_dim3A_2004 = vector.broadcast %broadcast_in_dim3A_2003 : i32 to vector<16xi32>
    %get3A_2005 = arith.constant 1 : i32
    %get3A_2006 = arith.index_cast %get3A_2005 : i32 to index
    %get3A_2007 = arith.constant 144 : index
    %get3A_2008 = tpu.vector_load %arg7[%get3A_2006, %get3A_2007] {strides = array<i32>} : memref<8x256xf32, #tpu.memory_space<vmem>>, vector<1x16xf32>,
    %get3A_2009 = vector.shape_cast %get3A_2008 : vector<1x16xf32> to vector<16xf32>
    %gt3A_2010 = arith.cmpf ogt, %get3A_2009, %get3A_2002 : vector<16xf32>
    %jit3A_2011 = arith.constant 1 : i32
    %broadcast_in_dim3A_2012 = vector.broadcast %jit3A_2011 : i32 to vector<16xi32>
    %select_n3A_2013 = arith.select %gt3A_2010, %broadcast_in_dim3A_2012, %broadcast_in_dim3A_2004 : vector<16xi1>, vector<16xi32>
    %select_n3A_2014 = arith.select %gt3A_2010, %get3A_2009, %get3A_2002 : vector<16xi1>, vector<16xf32>
    %get3A_2015 = arith.constant 2 : i32
    %get3A_2016 = arith.index_cast %get3A_2015 : i32 to index
    %get3A_2017 = arith.constant 144 : index
    %get3A_2018 = tpu.vector_load %arg7[%get3A_2016, %get3A_2017] {strides = array<i32>} : memref<8x256xf32, #tpu.memory_space<vmem>>, vector<1x16xf32>,
    %get3A_2019 = vector.shape_cast %get3A_2018 : vector<1x16xf32> to vector<16xf32>
    %gt3A_2020 = arith.cmpf ogt, %get3A_2019, %select_n3A_2014 : vector<16xf32>
    %jit3A_2021 = arith.constant 2 : i32
    %broadcast_in_dim3A_2022 = vector.broadcast %jit3A_2021 : i32 to vector<16xi32>
    %select_n3A_2023 = arith.select %gt3A_2020, %broadcast_in_dim3A_2022, %select_n3A_2013 : vector<16xi1>, vector<16xi32>
    %select_n3A_2024 = arith.select %gt3A_2020, %get3A_2019, %select_n3A_2014 : vector<16xi1>, vector<16xf32>
    %get3A_2025 = arith.constant 3 : i32
    %get3A_2026 = arith.index_cast %get3A_2025 : i32 to index
    %get3A_2027 = arith.constant 144 : index
    %get3A_2028 = tpu.vector_load %arg7[%get3A_2026, %get3A_2027] {strides = array<i32>} : memref<8x256xf32, #tpu.memory_space<vmem>>, vector<1x16xf32>,
    %get3A_2029 = vector.shape_cast %get3A_2028 : vector<1x16xf32> to vector<16xf32>
    %gt3A_2030 = arith.cmpf ogt, %get3A_2029, %select_n3A_2024 : vector<16xf32>
    %jit3A_2031 = arith.constant 3 : i32
    %broadcast_in_dim3A_2032 = vector.broadcast %jit3A_2031 : i32 to vector<16xi32>
    %select_n3A_2033 = arith.select %gt3A_2030, %broadcast_in_dim3A_2032, %select_n3A_2023 : vector<16xi1>, vector<16xi32>
    %select_n3A_2034 = arith.select %gt3A_2030, %get3A_2029, %select_n3A_2024 : vector<16xi1>, vector<16xf32>
    %get3A_2035 = arith.constant 4 : i32
    %get3A_2036 = arith.index_cast %get3A_2035 : i32 to index
    %get3A_2037 = arith.constant 144 : index
    %get3A_2038 = tpu.vector_load %arg7[%get3A_2036, %get3A_2037] {strides = array<i32>} : memref<8x256xf32, #tpu.memory_space<vmem>>, vector<1x16xf32>,
    %get3A_2039 = vector.shape_cast %get3A_2038 : vector<1x16xf32> to vector<16xf32>
    %gt3A_2040 = arith.cmpf ogt, %get3A_2039, %select_n3A_2034 : vector<16xf32>
    %jit3A_2041 = arith.constant 4 : i32
    %broadcast_in_dim3A_2042 = vector.broadcast %jit3A_2041 : i32 to vector<16xi32>
    %select_n3A_2043 = arith.select %gt3A_2040, %broadcast_in_dim3A_2042, %select_n3A_2033 : vector<16xi1>, vector<16xi32>
    %select_n3A_2044 = arith.select %gt3A_2040, %get3A_2039, %select_n3A_2034 : vector<16xi1>, vector<16xf32>
    %get3A_2045 = arith.constant 5 : i32
    %get3A_2046 = arith.index_cast %get3A_2045 : i32 to index
    %get3A_2047 = arith.constant 144 : index
    %get3A_2048 = tpu.vector_load %arg7[%get3A_2046, %get3A_2047] {strides = array<i32>} : memref<8x256xf32, #tpu.memory_space<vmem>>, vector<1x16xf32>,
    %get3A_2049 = vector.shape_cast %get3A_2048 : vector<1x16xf32> to vector<16xf32>
    %gt3A_2050 = arith.cmpf ogt, %get3A_2049, %select_n3A_2044 : vector<16xf32>
    %jit3A_2051 = arith.constant 5 : i32
    %broadcast_in_dim3A_2052 = vector.broadcast %jit3A_2051 : i32 to vector<16xi32>
    %select_n3A_2053 = arith.select %gt3A_2050, %broadcast_in_dim3A_2052, %select_n3A_2043 : vector<16xi1>, vector<16xi32>
    %select_n3A_2054 = arith.select %gt3A_2050, %get3A_2049, %select_n3A_2044 : vector<16xi1>, vector<16xf32>
    %get3A_2055 = arith.constant 6 : i32
    %get3A_2056 = arith.index_cast %get3A_2055 : i32 to index
    %get3A_2057 = arith.constant 144 : index
    %get3A_2058 = tpu.vector_load %arg7[%get3A_2056, %get3A_2057] {strides = array<i32>} : memref<8x256xf32, #tpu.memory_space<vmem>>, vector<1x16xf32>,
    %get3A_2059 = vector.shape_cast %get3A_2058 : vector<1x16xf32> to vector<16xf32>
    %gt3A_2060 = arith.cmpf ogt, %get3A_2059, %select_n3A_2054 : vector<16xf32>
    %jit3A_2061 = arith.constant 6 : i32
    %broadcast_in_dim3A_2062 = vector.broadcast %jit3A_2061 : i32 to vector<16xi32>
    %select_n3A_2063 = arith.select %gt3A_2060, %broadcast_in_dim3A_2062, %select_n3A_2053 : vector<16xi1>, vector<16xi32>
    %select_n3A_2064 = arith.select %gt3A_2060, %get3A_2059, %select_n3A_2054 : vector<16xi1>, vector<16xf32>
    %get3A_2065 = arith.constant 7 : i32
    %get3A_2066 = arith.index_cast %get3A_2065 : i32 to index
    %get3A_2067 = arith.constant 144 : index
    %get3A_2068 = tpu.vector_load %arg7[%get3A_2066, %get3A_2067] {strides = array<i32>} : memref<8x256xf32, #tpu.memory_space<vmem>>, vector<1x16xf32>,
    %get3A_2069 = vector.shape_cast %get3A_2068 : vector<1x16xf32> to vector<16xf32>
    %gt3A_2070 = arith.cmpf ogt, %get3A_2069, %select_n3A_2064 : vector<16xf32>
    %jit3A_2071 = arith.constant 7 : i32
    %broadcast_in_dim3A_2072 = vector.broadcast %jit3A_2071 : i32 to vector<16xi32>
    %select_n3A_2073 = arith.select %gt3A_2070, %broadcast_in_dim3A_2072, %select_n3A_2063 : vector<16xi1>, vector<16xi32>
    %select_n3A_2074 = arith.select %gt3A_2070, %get3A_2069, %select_n3A_2064 : vector<16xi1>, vector<16xf32>
    %mul3A_2075 = arith.constant 131072 : i32
    %mul3A_2076 = arith.muli %select_n3A, %mul3A_2075 : i32
    %add3A_2077 = arith.constant 144 : i32
    %add3A_2078 = arith.addi %mul3A_34, %add3A_2077 : i32
    %add3A_2079 = vector.broadcast %add3A_2078 : i32 to vector<16xi32>
    %add3A_2080 = arith.addi %add3A_2079, %iota3A : vector<16xi32>
    %mul3A_2081 = arith.constant 64 : i32
    %mul3A_2082 = vector.broadcast %mul3A_2081 : i32 to vector<16xi32>
    %mul3A_2083 = arith.muli %add3A_2080, %mul3A_2082 : vector<16xi32>
    %add3A_2084 = vector.broadcast %mul3A_2076 : i32 to vector<16xi32>
    %add3A_2085 = arith.addi %add3A_2084, %mul3A_2083 : vector<16xi32>
    %add3A_2086 = arith.addi %add3A_2085, %select_n3A_2073 : vector<16xi32>
    %broadcast_in_dim3A_2087 = vector.shape_cast %and3A_37 : vector<16xi32> to vector<16x1xi32>
    %gather3A_2088 = vector.shape_cast %broadcast_in_dim3A_2087 : vector<16x1xi32> to vector<16xi32>
    %gather3A_2089 = tpu.dynamic_gather %add3A_2086[%gather3A_2088] in [0] : vector<16xi32>, vector<16xi32> -> vector<16xi32>
    %broadcast_in_dim3A_2090 = vector.shape_cast %add3A_40 : vector<16xi32> to vector<16x1xi32>
    %gather3A_2091 = vector.shape_cast %broadcast_in_dim3A_2090 : vector<16x1xi32> to vector<16xi32>
    %gather3A_2092 = tpu.dynamic_gather %add3A_2086[%gather3A_2091] in [0] : vector<16xi32>, vector<16xi32> -> vector<16xi32>
    %add3A_2093 = arith.constant 0 : i32
    %add3A_2094 = vector.broadcast %add3A_2093 : i32 to vector<16xi32>
    %add3A_2095 = arith.addi %add3A_2094, %mul3A_45 : vector<16xi32>
    %add3A_2096 = arith.addi %gather3A_2089, %add3A_2095 : vector<16xi32>
    %swap3A_2097 = arith.constant 1 : i32
    %swap3A_2098 = arith.index_cast %swap3A_2097 : i32 to index
    %swap3A_2099 = arith.constant 0 : index
    %swap3A_2100 = tpu.vector_load %arg5[%swap3A_2098, %swap3A_2099] {strides = array<i32>} : memref<4x128xi32, #tpu.memory_space<vmem>>, vector<1x16xi32>,
    %swap3A_2101 = vector.shape_cast %swap3A_2100 : vector<1x16xi32> to vector<16xi32>
    %swap3A_2102 = vector.shape_cast %add3A_2096 : vector<16xi32> to vector<1x16xi32>
    tpu.vector_store %arg5[%swap3A_2098, %swap3A_2099], %swap3A_2102 {strides = array<i32>} : memref<4x128xi32, #tpu.memory_space<vmem>>, vector<1x16xi32>,
    %add3A_2103 = arith.constant 16 : i32
    %add3A_2104 = vector.broadcast %add3A_2103 : i32 to vector<16xi32>
    %add3A_2105 = arith.addi %add3A_2104, %mul3A_45 : vector<16xi32>
    %add3A_2106 = arith.addi %gather3A_2089, %add3A_2105 : vector<16xi32>
    %swap3A_2107 = arith.constant 1 : i32
    %swap3A_2108 = arith.index_cast %swap3A_2107 : i32 to index
    %swap3A_2109 = arith.constant 16 : index
    %swap3A_2110 = tpu.vector_load %arg5[%swap3A_2108, %swap3A_2109] {strides = array<i32>} : memref<4x128xi32, #tpu.memory_space<vmem>>, vector<1x16xi32>,
    %swap3A_2111 = vector.shape_cast %swap3A_2110 : vector<1x16xi32> to vector<16xi32>
    %swap3A_2112 = vector.shape_cast %add3A_2106 : vector<16xi32> to vector<1x16xi32>
    tpu.vector_store %arg5[%swap3A_2108, %swap3A_2109], %swap3A_2112 {strides = array<i32>} : memref<4x128xi32, #tpu.memory_space<vmem>>, vector<1x16xi32>,
    %add3A_2113 = arith.constant 32 : i32
    %add3A_2114 = vector.broadcast %add3A_2113 : i32 to vector<16xi32>
    %add3A_2115 = arith.addi %add3A_2114, %mul3A_45 : vector<16xi32>
    %add3A_2116 = arith.addi %gather3A_2089, %add3A_2115 : vector<16xi32>
    %swap3A_2117 = arith.constant 1 : i32
    %swap3A_2118 = arith.index_cast %swap3A_2117 : i32 to index
    %swap3A_2119 = arith.constant 32 : index
    %swap3A_2120 = tpu.vector_load %arg5[%swap3A_2118, %swap3A_2119] {strides = array<i32>} : memref<4x128xi32, #tpu.memory_space<vmem>>, vector<1x16xi32>,
    %swap3A_2121 = vector.shape_cast %swap3A_2120 : vector<1x16xi32> to vector<16xi32>
    %swap3A_2122 = vector.shape_cast %add3A_2116 : vector<16xi32> to vector<1x16xi32>
    tpu.vector_store %arg5[%swap3A_2118, %swap3A_2119], %swap3A_2122 {strides = array<i32>} : memref<4x128xi32, #tpu.memory_space<vmem>>, vector<1x16xi32>,
    %add3A_2123 = arith.constant 48 : i32
    %add3A_2124 = vector.broadcast %add3A_2123 : i32 to vector<16xi32>
    %add3A_2125 = arith.addi %add3A_2124, %mul3A_45 : vector<16xi32>
    %add3A_2126 = arith.addi %gather3A_2089, %add3A_2125 : vector<16xi32>
    %swap3A_2127 = arith.constant 1 : i32
    %swap3A_2128 = arith.index_cast %swap3A_2127 : i32 to index
    %swap3A_2129 = arith.constant 48 : index
    %swap3A_2130 = tpu.vector_load %arg5[%swap3A_2128, %swap3A_2129] {strides = array<i32>} : memref<4x128xi32, #tpu.memory_space<vmem>>, vector<1x16xi32>,
    %swap3A_2131 = vector.shape_cast %swap3A_2130 : vector<1x16xi32> to vector<16xi32>
    %swap3A_2132 = vector.shape_cast %add3A_2126 : vector<16xi32> to vector<1x16xi32>
    tpu.vector_store %arg5[%swap3A_2128, %swap3A_2129], %swap3A_2132 {strides = array<i32>} : memref<4x128xi32, #tpu.memory_space<vmem>>, vector<1x16xi32>,
    %add3A_2133 = arith.constant 0 : i32
    %add3A_2134 = vector.broadcast %add3A_2133 : i32 to vector<16xi32>
    %add3A_2135 = arith.addi %add3A_2134, %mul3A_45 : vector<16xi32>
    %add3A_2136 = arith.addi %gather3A_2092, %add3A_2135 : vector<16xi32>
    %swap3A_2137 = arith.constant 1 : i32
    %swap3A_2138 = arith.index_cast %swap3A_2137 : i32 to index
    %swap3A_2139 = arith.constant 64 : index
    %swap3A_2140 = tpu.vector_load %arg5[%swap3A_2138, %swap3A_2139] {strides = array<i32>} : memref<4x128xi32, #tpu.memory_space<vmem>>, vector<1x16xi32>,
    %swap3A_2141 = vector.shape_cast %swap3A_2140 : vector<1x16xi32> to vector<16xi32>
    %swap3A_2142 = vector.shape_cast %add3A_2136 : vector<16xi32> to vector<1x16xi32>
    tpu.vector_store %arg5[%swap3A_2138, %swap3A_2139], %swap3A_2142 {strides = array<i32>} : memref<4x128xi32, #tpu.memory_space<vmem>>, vector<1x16xi32>,
    %add3A_2143 = arith.constant 16 : i32
    %add3A_2144 = vector.broadcast %add3A_2143 : i32 to vector<16xi32>
    %add3A_2145 = arith.addi %add3A_2144, %mul3A_45 : vector<16xi32>
    %add3A_2146 = arith.addi %gather3A_2092, %add3A_2145 : vector<16xi32>
    %swap3A_2147 = arith.constant 1 : i32
    %swap3A_2148 = arith.index_cast %swap3A_2147 : i32 to index
    %swap3A_2149 = arith.constant 80 : index
    %swap3A_2150 = tpu.vector_load %arg5[%swap3A_2148, %swap3A_2149] {strides = array<i32>} : memref<4x128xi32, #tpu.memory_space<vmem>>, vector<1x16xi32>,
    %swap3A_2151 = vector.shape_cast %swap3A_2150 : vector<1x16xi32> to vector<16xi32>
    %swap3A_2152 = vector.shape_cast %add3A_2146 : vector<16xi32> to vector<1x16xi32>
    tpu.vector_store %arg5[%swap3A_2148, %swap3A_2149], %swap3A_2152 {strides = array<i32>} : memref<4x128xi32, #tpu.memory_space<vmem>>, vector<1x16xi32>,
    %add3A_2153 = arith.constant 32 : i32
    %add3A_2154 = vector.broadcast %add3A_2153 : i32 to vector<16xi32>
    %add3A_2155 = arith.addi %add3A_2154, %mul3A_45 : vector<16xi32>
    %add3A_2156 = arith.addi %gather3A_2092, %add3A_2155 : vector<16xi32>
    %swap3A_2157 = arith.constant 1 : i32
    %swap3A_2158 = arith.index_cast %swap3A_2157 : i32 to index
    %swap3A_2159 = arith.constant 96 : index
    %swap3A_2160 = tpu.vector_load %arg5[%swap3A_2158, %swap3A_2159] {strides = array<i32>} : memref<4x128xi32, #tpu.memory_space<vmem>>, vector<1x16xi32>,
    %swap3A_2161 = vector.shape_cast %swap3A_2160 : vector<1x16xi32> to vector<16xi32>
    %swap3A_2162 = vector.shape_cast %add3A_2156 : vector<16xi32> to vector<1x16xi32>
    tpu.vector_store %arg5[%swap3A_2158, %swap3A_2159], %swap3A_2162 {strides = array<i32>} : memref<4x128xi32, #tpu.memory_space<vmem>>, vector<1x16xi32>,
    %add3A_2163 = arith.constant 48 : i32
    %add3A_2164 = vector.broadcast %add3A_2163 : i32 to vector<16xi32>
    %add3A_2165 = arith.addi %add3A_2164, %mul3A_45 : vector<16xi32>
    %add3A_2166 = arith.addi %gather3A_2092, %add3A_2165 : vector<16xi32>
    %swap3A_2167 = arith.constant 1 : i32
    %swap3A_2168 = arith.index_cast %swap3A_2167 : i32 to index
    %swap3A_2169 = arith.constant 112 : index
    %swap3A_2170 = tpu.vector_load %arg5[%swap3A_2168, %swap3A_2169] {strides = array<i32>} : memref<4x128xi32, #tpu.memory_space<vmem>>, vector<1x16xi32>,
    %swap3A_2171 = vector.shape_cast %swap3A_2170 : vector<1x16xi32> to vector<16xi32>
    %swap3A_2172 = vector.shape_cast %add3A_2166 : vector<16xi32> to vector<1x16xi32>
    tpu.vector_store %arg5[%swap3A_2168, %swap3A_2169], %swap3A_2172 {strides = array<i32>} : memref<4x128xi32, #tpu.memory_space<vmem>>, vector<1x16xi32>,
    %dma_start3A_2173 = arith.constant 1 : i32
    %dma_start3A_2174 = arith.constant 1 : i32
    %dma_start3A_2175 = arith.constant 0 : i32
    %dma_start3A_2176 = arith.constant 0 : i32
    %dma_start3A_2177 = tpu.memref_slice %arg6[%dma_start3A_2174, %dma_start3A_2175, %dma_start3A_2176] : memref<4x128x128xf32, #tpu.memory_space<vmem>> -> memref<1x128x128xf32, #tpu.memory_space<vmem>>
    %dma_start3A_2178 = tpu.memref_squeeze %dma_start3A_2177 : memref<1x128x128xf32, #tpu.memory_space<vmem>> -> memref<128x128xf32, #tpu.memory_space<vmem>>
    %dma_start3A_2179 = arith.constant 0 : i32
    %dma_start3A_2180 = tpu.memref_slice %arg5[%dma_start3A_2173, %dma_start3A_2179] : memref<4x128xi32, #tpu.memory_space<vmem>> -> memref<1x128xi32, #tpu.memory_space<vmem>>
    %dma_start3A_2181 = tpu.memref_squeeze %dma_start3A_2180 : memref<1x128xi32, #tpu.memory_space<vmem>> -> memref<128xi32, #tpu.memory_space<vmem>>
    %dma_start3A_2182 = arith.constant 0 : i32
    %dma_start3A_2183 = arith.constant 0 : i32
    %dma_start3A_2184 = tpu.memref_slice %arg2[%dma_start3A_2182, %dma_start3A_2183] : memref<524288x128xf32, #tpu.memory_space<hbm>> -> memref<524288x128xf32, #tpu.memory_space<hbm>>
    tpu.enqueue_indirect_dma source(%dma_start3A_2184 : memref<524288x128xf32, #tpu.memory_space<hbm>>) target(%dma_start3A_2178 : memref<128x128xf32, #tpu.memory_space<vmem>>) offsets(%dma_start3A_2181 : memref<128xi32, #tpu.memory_space<vmem>>) semaphore(%arg8 : memref<!tpu.dma_semaphore, #tpu.memory_space<semaphore_mem>>)
    %dma_wait3A_2185 = arith.constant 2 : i32
    %dma_wait3A_2186 = arith.constant 2 : i32
    %dma_wait3A_2187 = arith.constant 0 : i32
    %dma_wait3A_2188 = arith.constant 0 : i32
    %dma_wait3A_2189 = tpu.memref_slice %arg6[%dma_wait3A_2186, %dma_wait3A_2187, %dma_wait3A_2188] : memref<4x128x128xf32, #tpu.memory_space<vmem>> -> memref<1x128x128xf32, #tpu.memory_space<vmem>>
    %dma_wait3A_2190 = tpu.memref_squeeze %dma_wait3A_2189 : memref<1x128x128xf32, #tpu.memory_space<vmem>> -> memref<128x128xf32, #tpu.memory_space<vmem>>
    %dma_wait3A_2191 = arith.constant 0 : i32
    %dma_wait3A_2192 = tpu.memref_slice %arg5[%dma_wait3A_2185, %dma_wait3A_2191] : memref<4x128xi32, #tpu.memory_space<vmem>> -> memref<1x128xi32, #tpu.memory_space<vmem>>
    %dma_wait3A_2193 = tpu.memref_squeeze %dma_wait3A_2192 : memref<1x128xi32, #tpu.memory_space<vmem>> -> memref<128xi32, #tpu.memory_space<vmem>>
    %dma_wait3A_2194 = arith.constant 0 : i32
    %dma_wait3A_2195 = arith.constant 0 : i32
    %dma_wait3A_2196 = tpu.memref_slice %arg2[%dma_wait3A_2194, %dma_wait3A_2195] : memref<524288x128xf32, #tpu.memory_space<hbm>> -> memref<524288x128xf32, #tpu.memory_space<hbm>>
    tpu.wait_indirect_dma semaphore(%arg8 : memref<!tpu.dma_semaphore, #tpu.memory_space<semaphore_mem>>) src(%dma_wait3A_2196 : memref<524288x128xf32, #tpu.memory_space<hbm>>) dst(%dma_wait3A_2190 : memref<128x128xf32, #tpu.memory_space<vmem>>)
    %mul3A_2197 = arith.constant 2048 : i32
    %mul3A_2198 = arith.muli %add3A, %mul3A_2197 : i32
    %add3A_2199 = arith.constant 768 : i32
    %add3A_2200 = arith.addi %mul3A_2198, %add3A_2199 : i32
    %dma_start3A_2201 = arith.constant 2 : i32
    %dma_start3A_2202 = arith.constant 0 : i32
    %dma_start3A_2203 = arith.constant 0 : i32
    %dma_start3A_2204 = tpu.memref_slice %arg6[%dma_start3A_2201, %dma_start3A_2202, %dma_start3A_2203] : memref<4x128x128xf32, #tpu.memory_space<vmem>> -> memref<1x128x128xf32, #tpu.memory_space<vmem>>
    %dma_start3A_2205 = tpu.memref_squeeze %dma_start3A_2204 : memref<1x128x128xf32, #tpu.memory_space<vmem>> -> memref<128x128xf32, #tpu.memory_space<vmem>>
    %dma_start3A_2206 = arith.constant 0 : i32
    %dma_start3A_2207 = tpu.memref_slice %arg4[%add3A_2200, %dma_start3A_2206] : memref<65536x128xf32, #tpu.memory_space<hbm>> -> memref<128x128xf32, #tpu.memory_space<hbm>>
    %dma_start3A_2208 = arith.constant 0 : i32
    %dma_start3A_2209 = tpu.memref_slice %arg4[%add3A_2200, %dma_start3A_2208] : memref<65536x128xf32, #tpu.memory_space<hbm>> -> memref<128x128xf32, #tpu.memory_space<hbm>>
    %dma_start3A_2210 = arith.constant 0 : i32
    %dma_start3A_2211 = arith.constant 0 : i32
    %dma_start3A_2212 = tpu.memref_slice %arg6[%dma_start3A_2201, %dma_start3A_2210, %dma_start3A_2211] : memref<4x128x128xf32, #tpu.memory_space<vmem>> -> memref<1x128x128xf32, #tpu.memory_space<vmem>>
    %dma_start3A_2213 = tpu.memref_squeeze %dma_start3A_2212 : memref<1x128x128xf32, #tpu.memory_space<vmem>> -> memref<128x128xf32, #tpu.memory_space<vmem>>
    tpu.enqueue_dma source(%dma_start3A_2213 : memref<128x128xf32, #tpu.memory_space<vmem>>) target(%dma_start3A_2209 : memref<128x128xf32, #tpu.memory_space<hbm>>) target_semaphore(%arg9 : memref<!tpu.dma_semaphore, #tpu.memory_space<semaphore_mem>>)
    %mul3A_2214 = arith.constant 2048 : i32
    %mul3A_2215 = arith.muli %add3A, %mul3A_2214 : i32
    %add3A_2216 = arith.constant 768 : i32
    %add3A_2217 = arith.addi %mul3A_2215, %add3A_2216 : i32
    %dma_wait3A_2218 = arith.constant 2 : i32
    %dma_wait3A_2219 = arith.constant 0 : i32
    %dma_wait3A_2220 = arith.constant 0 : i32
    %dma_wait3A_2221 = tpu.memref_slice %arg6[%dma_wait3A_2218, %dma_wait3A_2219, %dma_wait3A_2220] : memref<4x128x128xf32, #tpu.memory_space<vmem>> -> memref<1x128x128xf32, #tpu.memory_space<vmem>>
    %dma_wait3A_2222 = tpu.memref_squeeze %dma_wait3A_2221 : memref<1x128x128xf32, #tpu.memory_space<vmem>> -> memref<128x128xf32, #tpu.memory_space<vmem>>
    %dma_wait3A_2223 = arith.constant 0 : i32
    %dma_wait3A_2224 = tpu.memref_slice %arg4[%add3A_2217, %dma_wait3A_2223] : memref<65536x128xf32, #tpu.memory_space<hbm>> -> memref<128x128xf32, #tpu.memory_space<hbm>>
    %dma_wait3A_2225 = arith.constant 0 : i32
    %dma_wait3A_2226 = tpu.memref_slice %arg4[%add3A_2217, %dma_wait3A_2225] : memref<65536x128xf32, #tpu.memory_space<hbm>> -> memref<128x128xf32, #tpu.memory_space<hbm>>
    %dma_wait3A_2227 = arith.constant 0 : i32
    %dma_wait3A_2228 = arith.constant 0 : i32
    %dma_wait3A_2229 = tpu.memref_slice %arg6[%dma_wait3A_2218, %dma_wait3A_2227, %dma_wait3A_2228] : memref<4x128x128xf32, #tpu.memory_space<vmem>> -> memref<1x128x128xf32, #tpu.memory_space<vmem>>
    %dma_wait3A_2230 = tpu.memref_squeeze %dma_wait3A_2229 : memref<1x128x128xf32, #tpu.memory_space<vmem>> -> memref<128x128xf32, #tpu.memory_space<vmem>>
    tpu.wait_dma2 semaphore(%arg9 : memref<!tpu.dma_semaphore, #tpu.memory_space<semaphore_mem>>) src(%dma_wait3A_2230 : memref<128x128xf32, #tpu.memory_space<vmem>>) dst(%dma_wait3A_2226 : memref<128x128xf32, #tpu.memory_space<hbm>>)
    %get3A_2231 = arith.constant 0 : i32
    %get3A_2232 = arith.index_cast %get3A_2231 : i32 to index
    %get3A_2233 = arith.constant 160 : index
    %get3A_2234 = tpu.vector_load %arg7[%get3A_2232, %get3A_2233] {strides = array<i32>} : memref<8x256xf32, #tpu.memory_space<vmem>>, vector<1x16xf32>,
    %get3A_2235 = vector.shape_cast %get3A_2234 : vector<1x16xf32> to vector<16xf32>
    %broadcast_in_dim3A_2236 = arith.constant 0 : i32
    %broadcast_in_dim3A_2237 = vector.broadcast %broadcast_in_dim3A_2236 : i32 to vector<16xi32>
    %get3A_2238 = arith.constant 1 : i32
    %get3A_2239 = arith.index_cast %get3A_2238 : i32 to index
    %get3A_2240 = arith.constant 160 : index
    %get3A_2241 = tpu.vector_load %arg7[%get3A_2239, %get3A_2240] {strides = array<i32>} : memref<8x256xf32, #tpu.memory_space<vmem>>, vector<1x16xf32>,
    %get3A_2242 = vector.shape_cast %get3A_2241 : vector<1x16xf32> to vector<16xf32>
    %gt3A_2243 = arith.cmpf ogt, %get3A_2242, %get3A_2235 : vector<16xf32>
    %jit3A_2244 = arith.constant 1 : i32
    %broadcast_in_dim3A_2245 = vector.broadcast %jit3A_2244 : i32 to vector<16xi32>
    %select_n3A_2246 = arith.select %gt3A_2243, %broadcast_in_dim3A_2245, %broadcast_in_dim3A_2237 : vector<16xi1>, vector<16xi32>
    %select_n3A_2247 = arith.select %gt3A_2243, %get3A_2242, %get3A_2235 : vector<16xi1>, vector<16xf32>
    %get3A_2248 = arith.constant 2 : i32
    %get3A_2249 = arith.index_cast %get3A_2248 : i32 to index
    %get3A_2250 = arith.constant 160 : index
    %get3A_2251 = tpu.vector_load %arg7[%get3A_2249, %get3A_2250] {strides = array<i32>} : memref<8x256xf32, #tpu.memory_space<vmem>>, vector<1x16xf32>,
    %get3A_2252 = vector.shape_cast %get3A_2251 : vector<1x16xf32> to vector<16xf32>
    %gt3A_2253 = arith.cmpf ogt, %get3A_2252, %select_n3A_2247 : vector<16xf32>
    %jit3A_2254 = arith.constant 2 : i32
    %broadcast_in_dim3A_2255 = vector.broadcast %jit3A_2254 : i32 to vector<16xi32>
    %select_n3A_2256 = arith.select %gt3A_2253, %broadcast_in_dim3A_2255, %select_n3A_2246 : vector<16xi1>, vector<16xi32>
    %select_n3A_2257 = arith.select %gt3A_2253, %get3A_2252, %select_n3A_2247 : vector<16xi1>, vector<16xf32>
    %get3A_2258 = arith.constant 3 : i32
    %get3A_2259 = arith.index_cast %get3A_2258 : i32 to index
    %get3A_2260 = arith.constant 160 : index
    %get3A_2261 = tpu.vector_load %arg7[%get3A_2259, %get3A_2260] {strides = array<i32>} : memref<8x256xf32, #tpu.memory_space<vmem>>, vector<1x16xf32>,
    %get3A_2262 = vector.shape_cast %get3A_2261 : vector<1x16xf32> to vector<16xf32>
    %gt3A_2263 = arith.cmpf ogt, %get3A_2262, %select_n3A_2257 : vector<16xf32>
    %jit3A_2264 = arith.constant 3 : i32
    %broadcast_in_dim3A_2265 = vector.broadcast %jit3A_2264 : i32 to vector<16xi32>
    %select_n3A_2266 = arith.select %gt3A_2263, %broadcast_in_dim3A_2265, %select_n3A_2256 : vector<16xi1>, vector<16xi32>
    %select_n3A_2267 = arith.select %gt3A_2263, %get3A_2262, %select_n3A_2257 : vector<16xi1>, vector<16xf32>
    %get3A_2268 = arith.constant 4 : i32
    %get3A_2269 = arith.index_cast %get3A_2268 : i32 to index
    %get3A_2270 = arith.constant 160 : index
    %get3A_2271 = tpu.vector_load %arg7[%get3A_2269, %get3A_2270] {strides = array<i32>} : memref<8x256xf32, #tpu.memory_space<vmem>>, vector<1x16xf32>,
    %get3A_2272 = vector.shape_cast %get3A_2271 : vector<1x16xf32> to vector<16xf32>
    %gt3A_2273 = arith.cmpf ogt, %get3A_2272, %select_n3A_2267 : vector<16xf32>
    %jit3A_2274 = arith.constant 4 : i32
    %broadcast_in_dim3A_2275 = vector.broadcast %jit3A_2274 : i32 to vector<16xi32>
    %select_n3A_2276 = arith.select %gt3A_2273, %broadcast_in_dim3A_2275, %select_n3A_2266 : vector<16xi1>, vector<16xi32>
    %select_n3A_2277 = arith.select %gt3A_2273, %get3A_2272, %select_n3A_2267 : vector<16xi1>, vector<16xf32>
    %get3A_2278 = arith.constant 5 : i32
    %get3A_2279 = arith.index_cast %get3A_2278 : i32 to index
    %get3A_2280 = arith.constant 160 : index
    %get3A_2281 = tpu.vector_load %arg7[%get3A_2279, %get3A_2280] {strides = array<i32>} : memref<8x256xf32, #tpu.memory_space<vmem>>, vector<1x16xf32>,
    %get3A_2282 = vector.shape_cast %get3A_2281 : vector<1x16xf32> to vector<16xf32>
    %gt3A_2283 = arith.cmpf ogt, %get3A_2282, %select_n3A_2277 : vector<16xf32>
    %jit3A_2284 = arith.constant 5 : i32
    %broadcast_in_dim3A_2285 = vector.broadcast %jit3A_2284 : i32 to vector<16xi32>
    %select_n3A_2286 = arith.select %gt3A_2283, %broadcast_in_dim3A_2285, %select_n3A_2276 : vector<16xi1>, vector<16xi32>
    %select_n3A_2287 = arith.select %gt3A_2283, %get3A_2282, %select_n3A_2277 : vector<16xi1>, vector<16xf32>
    %get3A_2288 = arith.constant 6 : i32
    %get3A_2289 = arith.index_cast %get3A_2288 : i32 to index
    %get3A_2290 = arith.constant 160 : index
    %get3A_2291 = tpu.vector_load %arg7[%get3A_2289, %get3A_2290] {strides = array<i32>} : memref<8x256xf32, #tpu.memory_space<vmem>>, vector<1x16xf32>,
    %get3A_2292 = vector.shape_cast %get3A_2291 : vector<1x16xf32> to vector<16xf32>
    %gt3A_2293 = arith.cmpf ogt, %get3A_2292, %select_n3A_2287 : vector<16xf32>
    %jit3A_2294 = arith.constant 6 : i32
    %broadcast_in_dim3A_2295 = vector.broadcast %jit3A_2294 : i32 to vector<16xi32>
    %select_n3A_2296 = arith.select %gt3A_2293, %broadcast_in_dim3A_2295, %select_n3A_2286 : vector<16xi1>, vector<16xi32>
    %select_n3A_2297 = arith.select %gt3A_2293, %get3A_2292, %select_n3A_2287 : vector<16xi1>, vector<16xf32>
    %get3A_2298 = arith.constant 7 : i32
    %get3A_2299 = arith.index_cast %get3A_2298 : i32 to index
    %get3A_2300 = arith.constant 160 : index
    %get3A_2301 = tpu.vector_load %arg7[%get3A_2299, %get3A_2300] {strides = array<i32>} : memref<8x256xf32, #tpu.memory_space<vmem>>, vector<1x16xf32>,
    %get3A_2302 = vector.shape_cast %get3A_2301 : vector<1x16xf32> to vector<16xf32>
    %gt3A_2303 = arith.cmpf ogt, %get3A_2302, %select_n3A_2297 : vector<16xf32>
    %jit3A_2304 = arith.constant 7 : i32
    %broadcast_in_dim3A_2305 = vector.broadcast %jit3A_2304 : i32 to vector<16xi32>
    %select_n3A_2306 = arith.select %gt3A_2303, %broadcast_in_dim3A_2305, %select_n3A_2296 : vector<16xi1>, vector<16xi32>
    %select_n3A_2307 = arith.select %gt3A_2303, %get3A_2302, %select_n3A_2297 : vector<16xi1>, vector<16xf32>
    %mul3A_2308 = arith.constant 131072 : i32
    %mul3A_2309 = arith.muli %select_n3A, %mul3A_2308 : i32
    %add3A_2310 = arith.constant 160 : i32
    %add3A_2311 = arith.addi %mul3A_34, %add3A_2310 : i32
    %add3A_2312 = vector.broadcast %add3A_2311 : i32 to vector<16xi32>
    %add3A_2313 = arith.addi %add3A_2312, %iota3A : vector<16xi32>
    %mul3A_2314 = arith.constant 64 : i32
    %mul3A_2315 = vector.broadcast %mul3A_2314 : i32 to vector<16xi32>
    %mul3A_2316 = arith.muli %add3A_2313, %mul3A_2315 : vector<16xi32>
    %add3A_2317 = vector.broadcast %mul3A_2309 : i32 to vector<16xi32>
    %add3A_2318 = arith.addi %add3A_2317, %mul3A_2316 : vector<16xi32>
    %add3A_2319 = arith.addi %add3A_2318, %select_n3A_2306 : vector<16xi32>
    %broadcast_in_dim3A_2320 = vector.shape_cast %and3A_37 : vector<16xi32> to vector<16x1xi32>
    %gather3A_2321 = vector.shape_cast %broadcast_in_dim3A_2320 : vector<16x1xi32> to vector<16xi32>
    %gather3A_2322 = tpu.dynamic_gather %add3A_2319[%gather3A_2321] in [0] : vector<16xi32>, vector<16xi32> -> vector<16xi32>
    %broadcast_in_dim3A_2323 = vector.shape_cast %add3A_40 : vector<16xi32> to vector<16x1xi32>
    %gather3A_2324 = vector.shape_cast %broadcast_in_dim3A_2323 : vector<16x1xi32> to vector<16xi32>
    %gather3A_2325 = tpu.dynamic_gather %add3A_2319[%gather3A_2324] in [0] : vector<16xi32>, vector<16xi32> -> vector<16xi32>
    %add3A_2326 = arith.constant 0 : i32
    %add3A_2327 = vector.broadcast %add3A_2326 : i32 to vector<16xi32>
    %add3A_2328 = arith.addi %add3A_2327, %mul3A_45 : vector<16xi32>
    %add3A_2329 = arith.addi %gather3A_2322, %add3A_2328 : vector<16xi32>
    %swap3A_2330 = arith.constant 2 : i32
    %swap3A_2331 = arith.index_cast %swap3A_2330 : i32 to index
    %swap3A_2332 = arith.constant 0 : index
    %swap3A_2333 = tpu.vector_load %arg5[%swap3A_2331, %swap3A_2332] {strides = array<i32>} : memref<4x128xi32, #tpu.memory_space<vmem>>, vector<1x16xi32>,
    %swap3A_2334 = vector.shape_cast %swap3A_2333 : vector<1x16xi32> to vector<16xi32>
    %swap3A_2335 = vector.shape_cast %add3A_2329 : vector<16xi32> to vector<1x16xi32>
    tpu.vector_store %arg5[%swap3A_2331, %swap3A_2332], %swap3A_2335 {strides = array<i32>} : memref<4x128xi32, #tpu.memory_space<vmem>>, vector<1x16xi32>,
    %add3A_2336 = arith.constant 16 : i32
    %add3A_2337 = vector.broadcast %add3A_2336 : i32 to vector<16xi32>
    %add3A_2338 = arith.addi %add3A_2337, %mul3A_45 : vector<16xi32>
    %add3A_2339 = arith.addi %gather3A_2322, %add3A_2338 : vector<16xi32>
    %swap3A_2340 = arith.constant 2 : i32
    %swap3A_2341 = arith.index_cast %swap3A_2340 : i32 to index
    %swap3A_2342 = arith.constant 16 : index
    %swap3A_2343 = tpu.vector_load %arg5[%swap3A_2341, %swap3A_2342] {strides = array<i32>} : memref<4x128xi32, #tpu.memory_space<vmem>>, vector<1x16xi32>,
    %swap3A_2344 = vector.shape_cast %swap3A_2343 : vector<1x16xi32> to vector<16xi32>
    %swap3A_2345 = vector.shape_cast %add3A_2339 : vector<16xi32> to vector<1x16xi32>
    tpu.vector_store %arg5[%swap3A_2341, %swap3A_2342], %swap3A_2345 {strides = array<i32>} : memref<4x128xi32, #tpu.memory_space<vmem>>, vector<1x16xi32>,
    %add3A_2346 = arith.constant 32 : i32
    %add3A_2347 = vector.broadcast %add3A_2346 : i32 to vector<16xi32>
    %add3A_2348 = arith.addi %add3A_2347, %mul3A_45 : vector<16xi32>
    %add3A_2349 = arith.addi %gather3A_2322, %add3A_2348 : vector<16xi32>
    %swap3A_2350 = arith.constant 2 : i32
    %swap3A_2351 = arith.index_cast %swap3A_2350 : i32 to index
    %swap3A_2352 = arith.constant 32 : index
    %swap3A_2353 = tpu.vector_load %arg5[%swap3A_2351, %swap3A_2352] {strides = array<i32>} : memref<4x128xi32, #tpu.memory_space<vmem>>, vector<1x16xi32>,
    %swap3A_2354 = vector.shape_cast %swap3A_2353 : vector<1x16xi32> to vector<16xi32>
    %swap3A_2355 = vector.shape_cast %add3A_2349 : vector<16xi32> to vector<1x16xi32>
    tpu.vector_store %arg5[%swap3A_2351, %swap3A_2352], %swap3A_2355 {strides = array<i32>} : memref<4x128xi32, #tpu.memory_space<vmem>>, vector<1x16xi32>,
    %add3A_2356 = arith.constant 48 : i32
    %add3A_2357 = vector.broadcast %add3A_2356 : i32 to vector<16xi32>
    %add3A_2358 = arith.addi %add3A_2357, %mul3A_45 : vector<16xi32>
    %add3A_2359 = arith.addi %gather3A_2322, %add3A_2358 : vector<16xi32>
    %swap3A_2360 = arith.constant 2 : i32
    %swap3A_2361 = arith.index_cast %swap3A_2360 : i32 to index
    %swap3A_2362 = arith.constant 48 : index
    %swap3A_2363 = tpu.vector_load %arg5[%swap3A_2361, %swap3A_2362] {strides = array<i32>} : memref<4x128xi32, #tpu.memory_space<vmem>>, vector<1x16xi32>,
    %swap3A_2364 = vector.shape_cast %swap3A_2363 : vector<1x16xi32> to vector<16xi32>
    %swap3A_2365 = vector.shape_cast %add3A_2359 : vector<16xi32> to vector<1x16xi32>
    tpu.vector_store %arg5[%swap3A_2361, %swap3A_2362], %swap3A_2365 {strides = array<i32>} : memref<4x128xi32, #tpu.memory_space<vmem>>, vector<1x16xi32>,
    %add3A_2366 = arith.constant 0 : i32
    %add3A_2367 = vector.broadcast %add3A_2366 : i32 to vector<16xi32>
    %add3A_2368 = arith.addi %add3A_2367, %mul3A_45 : vector<16xi32>
    %add3A_2369 = arith.addi %gather3A_2325, %add3A_2368 : vector<16xi32>
    %swap3A_2370 = arith.constant 2 : i32
    %swap3A_2371 = arith.index_cast %swap3A_2370 : i32 to index
    %swap3A_2372 = arith.constant 64 : index
    %swap3A_2373 = tpu.vector_load %arg5[%swap3A_2371, %swap3A_2372] {strides = array<i32>} : memref<4x128xi32, #tpu.memory_space<vmem>>, vector<1x16xi32>,
    %swap3A_2374 = vector.shape_cast %swap3A_2373 : vector<1x16xi32> to vector<16xi32>
    %swap3A_2375 = vector.shape_cast %add3A_2369 : vector<16xi32> to vector<1x16xi32>
    tpu.vector_store %arg5[%swap3A_2371, %swap3A_2372], %swap3A_2375 {strides = array<i32>} : memref<4x128xi32, #tpu.memory_space<vmem>>, vector<1x16xi32>,
    %add3A_2376 = arith.constant 16 : i32
    %add3A_2377 = vector.broadcast %add3A_2376 : i32 to vector<16xi32>
    %add3A_2378 = arith.addi %add3A_2377, %mul3A_45 : vector<16xi32>
    %add3A_2379 = arith.addi %gather3A_2325, %add3A_2378 : vector<16xi32>
    %swap3A_2380 = arith.constant 2 : i32
    %swap3A_2381 = arith.index_cast %swap3A_2380 : i32 to index
    %swap3A_2382 = arith.constant 80 : index
    %swap3A_2383 = tpu.vector_load %arg5[%swap3A_2381, %swap3A_2382] {strides = array<i32>} : memref<4x128xi32, #tpu.memory_space<vmem>>, vector<1x16xi32>,
    %swap3A_2384 = vector.shape_cast %swap3A_2383 : vector<1x16xi32> to vector<16xi32>
    %swap3A_2385 = vector.shape_cast %add3A_2379 : vector<16xi32> to vector<1x16xi32>
    tpu.vector_store %arg5[%swap3A_2381, %swap3A_2382], %swap3A_2385 {strides = array<i32>} : memref<4x128xi32, #tpu.memory_space<vmem>>, vector<1x16xi32>,
    %add3A_2386 = arith.constant 32 : i32
    %add3A_2387 = vector.broadcast %add3A_2386 : i32 to vector<16xi32>
    %add3A_2388 = arith.addi %add3A_2387, %mul3A_45 : vector<16xi32>
    %add3A_2389 = arith.addi %gather3A_2325, %add3A_2388 : vector<16xi32>
    %swap3A_2390 = arith.constant 2 : i32
    %swap3A_2391 = arith.index_cast %swap3A_2390 : i32 to index
    %swap3A_2392 = arith.constant 96 : index
    %swap3A_2393 = tpu.vector_load %arg5[%swap3A_2391, %swap3A_2392] {strides = array<i32>} : memref<4x128xi32, #tpu.memory_space<vmem>>, vector<1x16xi32>,
    %swap3A_2394 = vector.shape_cast %swap3A_2393 : vector<1x16xi32> to vector<16xi32>
    %swap3A_2395 = vector.shape_cast %add3A_2389 : vector<16xi32> to vector<1x16xi32>
    tpu.vector_store %arg5[%swap3A_2391, %swap3A_2392], %swap3A_2395 {strides = array<i32>} : memref<4x128xi32, #tpu.memory_space<vmem>>, vector<1x16xi32>,
    %add3A_2396 = arith.constant 48 : i32
    %add3A_2397 = vector.broadcast %add3A_2396 : i32 to vector<16xi32>
    %add3A_2398 = arith.addi %add3A_2397, %mul3A_45 : vector<16xi32>
    %add3A_2399 = arith.addi %gather3A_2325, %add3A_2398 : vector<16xi32>
    %swap3A_2400 = arith.constant 2 : i32
    %swap3A_2401 = arith.index_cast %swap3A_2400 : i32 to index
    %swap3A_2402 = arith.constant 112 : index
    %swap3A_2403 = tpu.vector_load %arg5[%swap3A_2401, %swap3A_2402] {strides = array<i32>} : memref<4x128xi32, #tpu.memory_space<vmem>>, vector<1x16xi32>,
    %swap3A_2404 = vector.shape_cast %swap3A_2403 : vector<1x16xi32> to vector<16xi32>
    %swap3A_2405 = vector.shape_cast %add3A_2399 : vector<16xi32> to vector<1x16xi32>
    tpu.vector_store %arg5[%swap3A_2401, %swap3A_2402], %swap3A_2405 {strides = array<i32>} : memref<4x128xi32, #tpu.memory_space<vmem>>, vector<1x16xi32>,
    %dma_start3A_2406 = arith.constant 2 : i32
    %dma_start3A_2407 = arith.constant 2 : i32
    %dma_start3A_2408 = arith.constant 0 : i32
    %dma_start3A_2409 = arith.constant 0 : i32
    %dma_start3A_2410 = tpu.memref_slice %arg6[%dma_start3A_2407, %dma_start3A_2408, %dma_start3A_2409] : memref<4x128x128xf32, #tpu.memory_space<vmem>> -> memref<1x128x128xf32, #tpu.memory_space<vmem>>
    %dma_start3A_2411 = tpu.memref_squeeze %dma_start3A_2410 : memref<1x128x128xf32, #tpu.memory_space<vmem>> -> memref<128x128xf32, #tpu.memory_space<vmem>>
    %dma_start3A_2412 = arith.constant 0 : i32
    %dma_start3A_2413 = tpu.memref_slice %arg5[%dma_start3A_2406, %dma_start3A_2412] : memref<4x128xi32, #tpu.memory_space<vmem>> -> memref<1x128xi32, #tpu.memory_space<vmem>>
    %dma_start3A_2414 = tpu.memref_squeeze %dma_start3A_2413 : memref<1x128xi32, #tpu.memory_space<vmem>> -> memref<128xi32, #tpu.memory_space<vmem>>
    %dma_start3A_2415 = arith.constant 0 : i32
    %dma_start3A_2416 = arith.constant 0 : i32
    %dma_start3A_2417 = tpu.memref_slice %arg2[%dma_start3A_2415, %dma_start3A_2416] : memref<524288x128xf32, #tpu.memory_space<hbm>> -> memref<524288x128xf32, #tpu.memory_space<hbm>>
    tpu.enqueue_indirect_dma source(%dma_start3A_2417 : memref<524288x128xf32, #tpu.memory_space<hbm>>) target(%dma_start3A_2411 : memref<128x128xf32, #tpu.memory_space<vmem>>) offsets(%dma_start3A_2414 : memref<128xi32, #tpu.memory_space<vmem>>) semaphore(%arg8 : memref<!tpu.dma_semaphore, #tpu.memory_space<semaphore_mem>>)
    %dma_wait3A_2418 = arith.constant 3 : i32
    %dma_wait3A_2419 = arith.constant 3 : i32
    %dma_wait3A_2420 = arith.constant 0 : i32
    %dma_wait3A_2421 = arith.constant 0 : i32
    %dma_wait3A_2422 = tpu.memref_slice %arg6[%dma_wait3A_2419, %dma_wait3A_2420, %dma_wait3A_2421] : memref<4x128x128xf32, #tpu.memory_space<vmem>> -> memref<1x128x128xf32, #tpu.memory_space<vmem>>
    %dma_wait3A_2423 = tpu.memref_squeeze %dma_wait3A_2422 : memref<1x128x128xf32, #tpu.memory_space<vmem>> -> memref<128x128xf32, #tpu.memory_space<vmem>>
    %dma_wait3A_2424 = arith.constant 0 : i32
    %dma_wait3A_2425 = tpu.memref_slice %arg5[%dma_wait3A_2418, %dma_wait3A_2424] : memref<4x128xi32, #tpu.memory_space<vmem>> -> memref<1x128xi32, #tpu.memory_space<vmem>>
    %dma_wait3A_2426 = tpu.memref_squeeze %dma_wait3A_2425 : memref<1x128xi32, #tpu.memory_space<vmem>> -> memref<128xi32, #tpu.memory_space<vmem>>
    %dma_wait3A_2427 = arith.constant 0 : i32
    %dma_wait3A_2428 = arith.constant 0 : i32
    %dma_wait3A_2429 = tpu.memref_slice %arg2[%dma_wait3A_2427, %dma_wait3A_2428] : memref<524288x128xf32, #tpu.memory_space<hbm>> -> memref<524288x128xf32, #tpu.memory_space<hbm>>
    tpu.wait_indirect_dma semaphore(%arg8 : memref<!tpu.dma_semaphore, #tpu.memory_space<semaphore_mem>>) src(%dma_wait3A_2429 : memref<524288x128xf32, #tpu.memory_space<hbm>>) dst(%dma_wait3A_2423 : memref<128x128xf32, #tpu.memory_space<vmem>>)
    %mul3A_2430 = arith.constant 2048 : i32
    %mul3A_2431 = arith.muli %add3A, %mul3A_2430 : i32
    %add3A_2432 = arith.constant 896 : i32
    %add3A_2433 = arith.addi %mul3A_2431, %add3A_2432 : i32
    %dma_start3A_2434 = arith.constant 3 : i32
    %dma_start3A_2435 = arith.constant 0 : i32
    %dma_start3A_2436 = arith.constant 0 : i32
    %dma_start3A_2437 = tpu.memref_slice %arg6[%dma_start3A_2434, %dma_start3A_2435, %dma_start3A_2436] : memref<4x128x128xf32, #tpu.memory_space<vmem>> -> memref<1x128x128xf32, #tpu.memory_space<vmem>>
    %dma_start3A_2438 = tpu.memref_squeeze %dma_start3A_2437 : memref<1x128x128xf32, #tpu.memory_space<vmem>> -> memref<128x128xf32, #tpu.memory_space<vmem>>
    %dma_start3A_2439 = arith.constant 0 : i32
    %dma_start3A_2440 = tpu.memref_slice %arg4[%add3A_2433, %dma_start3A_2439] : memref<65536x128xf32, #tpu.memory_space<hbm>> -> memref<128x128xf32, #tpu.memory_space<hbm>>
    %dma_start3A_2441 = arith.constant 0 : i32
    %dma_start3A_2442 = tpu.memref_slice %arg4[%add3A_2433, %dma_start3A_2441] : memref<65536x128xf32, #tpu.memory_space<hbm>> -> memref<128x128xf32, #tpu.memory_space<hbm>>
    %dma_start3A_2443 = arith.constant 0 : i32
    %dma_start3A_2444 = arith.constant 0 : i32
    %dma_start3A_2445 = tpu.memref_slice %arg6[%dma_start3A_2434, %dma_start3A_2443, %dma_start3A_2444] : memref<4x128x128xf32, #tpu.memory_space<vmem>> -> memref<1x128x128xf32, #tpu.memory_space<vmem>>
    %dma_start3A_2446 = tpu.memref_squeeze %dma_start3A_2445 : memref<1x128x128xf32, #tpu.memory_space<vmem>> -> memref<128x128xf32, #tpu.memory_space<vmem>>
    tpu.enqueue_dma source(%dma_start3A_2446 : memref<128x128xf32, #tpu.memory_space<vmem>>) target(%dma_start3A_2442 : memref<128x128xf32, #tpu.memory_space<hbm>>) target_semaphore(%arg9 : memref<!tpu.dma_semaphore, #tpu.memory_space<semaphore_mem>>)
    %mul3A_2447 = arith.constant 2048 : i32
    %mul3A_2448 = arith.muli %add3A, %mul3A_2447 : i32
    %add3A_2449 = arith.constant 896 : i32
    %add3A_2450 = arith.addi %mul3A_2448, %add3A_2449 : i32
    %dma_wait3A_2451 = arith.constant 3 : i32
    %dma_wait3A_2452 = arith.constant 0 : i32
    %dma_wait3A_2453 = arith.constant 0 : i32
    %dma_wait3A_2454 = tpu.memref_slice %arg6[%dma_wait3A_2451, %dma_wait3A_2452, %dma_wait3A_2453] : memref<4x128x128xf32, #tpu.memory_space<vmem>> -> memref<1x128x128xf32, #tpu.memory_space<vmem>>
    %dma_wait3A_2455 = tpu.memref_squeeze %dma_wait3A_2454 : memref<1x128x128xf32, #tpu.memory_space<vmem>> -> memref<128x128xf32, #tpu.memory_space<vmem>>
    %dma_wait3A_2456 = arith.constant 0 : i32
    %dma_wait3A_2457 = tpu.memref_slice %arg4[%add3A_2450, %dma_wait3A_2456] : memref<65536x128xf32, #tpu.memory_space<hbm>> -> memref<128x128xf32, #tpu.memory_space<hbm>>
    %dma_wait3A_2458 = arith.constant 0 : i32
    %dma_wait3A_2459 = tpu.memref_slice %arg4[%add3A_2450, %dma_wait3A_2458] : memref<65536x128xf32, #tpu.memory_space<hbm>> -> memref<128x128xf32, #tpu.memory_space<hbm>>
    %dma_wait3A_2460 = arith.constant 0 : i32
    %dma_wait3A_2461 = arith.constant 0 : i32
    %dma_wait3A_2462 = tpu.memref_slice %arg6[%dma_wait3A_2451, %dma_wait3A_2460, %dma_wait3A_2461] : memref<4x128x128xf32, #tpu.memory_space<vmem>> -> memref<1x128x128xf32, #tpu.memory_space<vmem>>
    %dma_wait3A_2463 = tpu.memref_squeeze %dma_wait3A_2462 : memref<1x128x128xf32, #tpu.memory_space<vmem>> -> memref<128x128xf32, #tpu.memory_space<vmem>>
    tpu.wait_dma2 semaphore(%arg9 : memref<!tpu.dma_semaphore, #tpu.memory_space<semaphore_mem>>) src(%dma_wait3A_2463 : memref<128x128xf32, #tpu.memory_space<vmem>>) dst(%dma_wait3A_2459 : memref<128x128xf32, #tpu.memory_space<hbm>>)
    %get3A_2464 = arith.constant 0 : i32
    %get3A_2465 = arith.index_cast %get3A_2464 : i32 to index
    %get3A_2466 = arith.constant 176 : index
    %get3A_2467 = tpu.vector_load %arg7[%get3A_2465, %get3A_2466] {strides = array<i32>} : memref<8x256xf32, #tpu.memory_space<vmem>>, vector<1x16xf32>,
    %get3A_2468 = vector.shape_cast %get3A_2467 : vector<1x16xf32> to vector<16xf32>
    %broadcast_in_dim3A_2469 = arith.constant 0 : i32
    %broadcast_in_dim3A_2470 = vector.broadcast %broadcast_in_dim3A_2469 : i32 to vector<16xi32>
    %get3A_2471 = arith.constant 1 : i32
    %get3A_2472 = arith.index_cast %get3A_2471 : i32 to index
    %get3A_2473 = arith.constant 176 : index
    %get3A_2474 = tpu.vector_load %arg7[%get3A_2472, %get3A_2473] {strides = array<i32>} : memref<8x256xf32, #tpu.memory_space<vmem>>, vector<1x16xf32>,
    %get3A_2475 = vector.shape_cast %get3A_2474 : vector<1x16xf32> to vector<16xf32>
    %gt3A_2476 = arith.cmpf ogt, %get3A_2475, %get3A_2468 : vector<16xf32>
    %jit3A_2477 = arith.constant 1 : i32
    %broadcast_in_dim3A_2478 = vector.broadcast %jit3A_2477 : i32 to vector<16xi32>
    %select_n3A_2479 = arith.select %gt3A_2476, %broadcast_in_dim3A_2478, %broadcast_in_dim3A_2470 : vector<16xi1>, vector<16xi32>
    %select_n3A_2480 = arith.select %gt3A_2476, %get3A_2475, %get3A_2468 : vector<16xi1>, vector<16xf32>
    %get3A_2481 = arith.constant 2 : i32
    %get3A_2482 = arith.index_cast %get3A_2481 : i32 to index
    %get3A_2483 = arith.constant 176 : index
    %get3A_2484 = tpu.vector_load %arg7[%get3A_2482, %get3A_2483] {strides = array<i32>} : memref<8x256xf32, #tpu.memory_space<vmem>>, vector<1x16xf32>,
    %get3A_2485 = vector.shape_cast %get3A_2484 : vector<1x16xf32> to vector<16xf32>
    %gt3A_2486 = arith.cmpf ogt, %get3A_2485, %select_n3A_2480 : vector<16xf32>
    %jit3A_2487 = arith.constant 2 : i32
    %broadcast_in_dim3A_2488 = vector.broadcast %jit3A_2487 : i32 to vector<16xi32>
    %select_n3A_2489 = arith.select %gt3A_2486, %broadcast_in_dim3A_2488, %select_n3A_2479 : vector<16xi1>, vector<16xi32>
    %select_n3A_2490 = arith.select %gt3A_2486, %get3A_2485, %select_n3A_2480 : vector<16xi1>, vector<16xf32>
    %get3A_2491 = arith.constant 3 : i32
    %get3A_2492 = arith.index_cast %get3A_2491 : i32 to index
    %get3A_2493 = arith.constant 176 : index
    %get3A_2494 = tpu.vector_load %arg7[%get3A_2492, %get3A_2493] {strides = array<i32>} : memref<8x256xf32, #tpu.memory_space<vmem>>, vector<1x16xf32>,
    %get3A_2495 = vector.shape_cast %get3A_2494 : vector<1x16xf32> to vector<16xf32>
    %gt3A_2496 = arith.cmpf ogt, %get3A_2495, %select_n3A_2490 : vector<16xf32>
    %jit3A_2497 = arith.constant 3 : i32
    %broadcast_in_dim3A_2498 = vector.broadcast %jit3A_2497 : i32 to vector<16xi32>
    %select_n3A_2499 = arith.select %gt3A_2496, %broadcast_in_dim3A_2498, %select_n3A_2489 : vector<16xi1>, vector<16xi32>
    %select_n3A_2500 = arith.select %gt3A_2496, %get3A_2495, %select_n3A_2490 : vector<16xi1>, vector<16xf32>
    %get3A_2501 = arith.constant 4 : i32
    %get3A_2502 = arith.index_cast %get3A_2501 : i32 to index
    %get3A_2503 = arith.constant 176 : index
    %get3A_2504 = tpu.vector_load %arg7[%get3A_2502, %get3A_2503] {strides = array<i32>} : memref<8x256xf32, #tpu.memory_space<vmem>>, vector<1x16xf32>,
    %get3A_2505 = vector.shape_cast %get3A_2504 : vector<1x16xf32> to vector<16xf32>
    %gt3A_2506 = arith.cmpf ogt, %get3A_2505, %select_n3A_2500 : vector<16xf32>
    %jit3A_2507 = arith.constant 4 : i32
    %broadcast_in_dim3A_2508 = vector.broadcast %jit3A_2507 : i32 to vector<16xi32>
    %select_n3A_2509 = arith.select %gt3A_2506, %broadcast_in_dim3A_2508, %select_n3A_2499 : vector<16xi1>, vector<16xi32>
    %select_n3A_2510 = arith.select %gt3A_2506, %get3A_2505, %select_n3A_2500 : vector<16xi1>, vector<16xf32>
    %get3A_2511 = arith.constant 5 : i32
    %get3A_2512 = arith.index_cast %get3A_2511 : i32 to index
    %get3A_2513 = arith.constant 176 : index
    %get3A_2514 = tpu.vector_load %arg7[%get3A_2512, %get3A_2513] {strides = array<i32>} : memref<8x256xf32, #tpu.memory_space<vmem>>, vector<1x16xf32>,
    %get3A_2515 = vector.shape_cast %get3A_2514 : vector<1x16xf32> to vector<16xf32>
    %gt3A_2516 = arith.cmpf ogt, %get3A_2515, %select_n3A_2510 : vector<16xf32>
    %jit3A_2517 = arith.constant 5 : i32
    %broadcast_in_dim3A_2518 = vector.broadcast %jit3A_2517 : i32 to vector<16xi32>
    %select_n3A_2519 = arith.select %gt3A_2516, %broadcast_in_dim3A_2518, %select_n3A_2509 : vector<16xi1>, vector<16xi32>
    %select_n3A_2520 = arith.select %gt3A_2516, %get3A_2515, %select_n3A_2510 : vector<16xi1>, vector<16xf32>
    %get3A_2521 = arith.constant 6 : i32
    %get3A_2522 = arith.index_cast %get3A_2521 : i32 to index
    %get3A_2523 = arith.constant 176 : index
    %get3A_2524 = tpu.vector_load %arg7[%get3A_2522, %get3A_2523] {strides = array<i32>} : memref<8x256xf32, #tpu.memory_space<vmem>>, vector<1x16xf32>,
    %get3A_2525 = vector.shape_cast %get3A_2524 : vector<1x16xf32> to vector<16xf32>
    %gt3A_2526 = arith.cmpf ogt, %get3A_2525, %select_n3A_2520 : vector<16xf32>
    %jit3A_2527 = arith.constant 6 : i32
    %broadcast_in_dim3A_2528 = vector.broadcast %jit3A_2527 : i32 to vector<16xi32>
    %select_n3A_2529 = arith.select %gt3A_2526, %broadcast_in_dim3A_2528, %select_n3A_2519 : vector<16xi1>, vector<16xi32>
    %select_n3A_2530 = arith.select %gt3A_2526, %get3A_2525, %select_n3A_2520 : vector<16xi1>, vector<16xf32>
    %get3A_2531 = arith.constant 7 : i32
    %get3A_2532 = arith.index_cast %get3A_2531 : i32 to index
    %get3A_2533 = arith.constant 176 : index
    %get3A_2534 = tpu.vector_load %arg7[%get3A_2532, %get3A_2533] {strides = array<i32>} : memref<8x256xf32, #tpu.memory_space<vmem>>, vector<1x16xf32>,
    %get3A_2535 = vector.shape_cast %get3A_2534 : vector<1x16xf32> to vector<16xf32>
    %gt3A_2536 = arith.cmpf ogt, %get3A_2535, %select_n3A_2530 : vector<16xf32>
    %jit3A_2537 = arith.constant 7 : i32
    %broadcast_in_dim3A_2538 = vector.broadcast %jit3A_2537 : i32 to vector<16xi32>
    %select_n3A_2539 = arith.select %gt3A_2536, %broadcast_in_dim3A_2538, %select_n3A_2529 : vector<16xi1>, vector<16xi32>
    %select_n3A_2540 = arith.select %gt3A_2536, %get3A_2535, %select_n3A_2530 : vector<16xi1>, vector<16xf32>
    %mul3A_2541 = arith.constant 131072 : i32
    %mul3A_2542 = arith.muli %select_n3A, %mul3A_2541 : i32
    %add3A_2543 = arith.constant 176 : i32
    %add3A_2544 = arith.addi %mul3A_34, %add3A_2543 : i32
    %add3A_2545 = vector.broadcast %add3A_2544 : i32 to vector<16xi32>
    %add3A_2546 = arith.addi %add3A_2545, %iota3A : vector<16xi32>
    %mul3A_2547 = arith.constant 64 : i32
    %mul3A_2548 = vector.broadcast %mul3A_2547 : i32 to vector<16xi32>
    %mul3A_2549 = arith.muli %add3A_2546, %mul3A_2548 : vector<16xi32>
    %add3A_2550 = vector.broadcast %mul3A_2542 : i32 to vector<16xi32>
    %add3A_2551 = arith.addi %add3A_2550, %mul3A_2549 : vector<16xi32>
    %add3A_2552 = arith.addi %add3A_2551, %select_n3A_2539 : vector<16xi32>
    %broadcast_in_dim3A_2553 = vector.shape_cast %and3A_37 : vector<16xi32> to vector<16x1xi32>
    %gather3A_2554 = vector.shape_cast %broadcast_in_dim3A_2553 : vector<16x1xi32> to vector<16xi32>
    %gather3A_2555 = tpu.dynamic_gather %add3A_2552[%gather3A_2554] in [0] : vector<16xi32>, vector<16xi32> -> vector<16xi32>
    %broadcast_in_dim3A_2556 = vector.shape_cast %add3A_40 : vector<16xi32> to vector<16x1xi32>
    %gather3A_2557 = vector.shape_cast %broadcast_in_dim3A_2556 : vector<16x1xi32> to vector<16xi32>
    %gather3A_2558 = tpu.dynamic_gather %add3A_2552[%gather3A_2557] in [0] : vector<16xi32>, vector<16xi32> -> vector<16xi32>
    %add3A_2559 = arith.constant 0 : i32
    %add3A_2560 = vector.broadcast %add3A_2559 : i32 to vector<16xi32>
    %add3A_2561 = arith.addi %add3A_2560, %mul3A_45 : vector<16xi32>
    %add3A_2562 = arith.addi %gather3A_2555, %add3A_2561 : vector<16xi32>
    %swap3A_2563 = arith.constant 3 : i32
    %swap3A_2564 = arith.index_cast %swap3A_2563 : i32 to index
    %swap3A_2565 = arith.constant 0 : index
    %swap3A_2566 = tpu.vector_load %arg5[%swap3A_2564, %swap3A_2565] {strides = array<i32>} : memref<4x128xi32, #tpu.memory_space<vmem>>, vector<1x16xi32>,
    %swap3A_2567 = vector.shape_cast %swap3A_2566 : vector<1x16xi32> to vector<16xi32>
    %swap3A_2568 = vector.shape_cast %add3A_2562 : vector<16xi32> to vector<1x16xi32>
    tpu.vector_store %arg5[%swap3A_2564, %swap3A_2565], %swap3A_2568 {strides = array<i32>} : memref<4x128xi32, #tpu.memory_space<vmem>>, vector<1x16xi32>,
    %add3A_2569 = arith.constant 16 : i32
    %add3A_2570 = vector.broadcast %add3A_2569 : i32 to vector<16xi32>
    %add3A_2571 = arith.addi %add3A_2570, %mul3A_45 : vector<16xi32>
    %add3A_2572 = arith.addi %gather3A_2555, %add3A_2571 : vector<16xi32>
    %swap3A_2573 = arith.constant 3 : i32
    %swap3A_2574 = arith.index_cast %swap3A_2573 : i32 to index
    %swap3A_2575 = arith.constant 16 : index
    %swap3A_2576 = tpu.vector_load %arg5[%swap3A_2574, %swap3A_2575] {strides = array<i32>} : memref<4x128xi32, #tpu.memory_space<vmem>>, vector<1x16xi32>,
    %swap3A_2577 = vector.shape_cast %swap3A_2576 : vector<1x16xi32> to vector<16xi32>
    %swap3A_2578 = vector.shape_cast %add3A_2572 : vector<16xi32> to vector<1x16xi32>
    tpu.vector_store %arg5[%swap3A_2574, %swap3A_2575], %swap3A_2578 {strides = array<i32>} : memref<4x128xi32, #tpu.memory_space<vmem>>, vector<1x16xi32>,
    %add3A_2579 = arith.constant 32 : i32
    %add3A_2580 = vector.broadcast %add3A_2579 : i32 to vector<16xi32>
    %add3A_2581 = arith.addi %add3A_2580, %mul3A_45 : vector<16xi32>
    %add3A_2582 = arith.addi %gather3A_2555, %add3A_2581 : vector<16xi32>
    %swap3A_2583 = arith.constant 3 : i32
    %swap3A_2584 = arith.index_cast %swap3A_2583 : i32 to index
    %swap3A_2585 = arith.constant 32 : index
    %swap3A_2586 = tpu.vector_load %arg5[%swap3A_2584, %swap3A_2585] {strides = array<i32>} : memref<4x128xi32, #tpu.memory_space<vmem>>, vector<1x16xi32>,
    %swap3A_2587 = vector.shape_cast %swap3A_2586 : vector<1x16xi32> to vector<16xi32>
    %swap3A_2588 = vector.shape_cast %add3A_2582 : vector<16xi32> to vector<1x16xi32>
    tpu.vector_store %arg5[%swap3A_2584, %swap3A_2585], %swap3A_2588 {strides = array<i32>} : memref<4x128xi32, #tpu.memory_space<vmem>>, vector<1x16xi32>,
    %add3A_2589 = arith.constant 48 : i32
    %add3A_2590 = vector.broadcast %add3A_2589 : i32 to vector<16xi32>
    %add3A_2591 = arith.addi %add3A_2590, %mul3A_45 : vector<16xi32>
    %add3A_2592 = arith.addi %gather3A_2555, %add3A_2591 : vector<16xi32>
    %swap3A_2593 = arith.constant 3 : i32
    %swap3A_2594 = arith.index_cast %swap3A_2593 : i32 to index
    %swap3A_2595 = arith.constant 48 : index
    %swap3A_2596 = tpu.vector_load %arg5[%swap3A_2594, %swap3A_2595] {strides = array<i32>} : memref<4x128xi32, #tpu.memory_space<vmem>>, vector<1x16xi32>,
    %swap3A_2597 = vector.shape_cast %swap3A_2596 : vector<1x16xi32> to vector<16xi32>
    %swap3A_2598 = vector.shape_cast %add3A_2592 : vector<16xi32> to vector<1x16xi32>
    tpu.vector_store %arg5[%swap3A_2594, %swap3A_2595], %swap3A_2598 {strides = array<i32>} : memref<4x128xi32, #tpu.memory_space<vmem>>, vector<1x16xi32>,
    %add3A_2599 = arith.constant 0 : i32
    %add3A_2600 = vector.broadcast %add3A_2599 : i32 to vector<16xi32>
    %add3A_2601 = arith.addi %add3A_2600, %mul3A_45 : vector<16xi32>
    %add3A_2602 = arith.addi %gather3A_2558, %add3A_2601 : vector<16xi32>
    %swap3A_2603 = arith.constant 3 : i32
    %swap3A_2604 = arith.index_cast %swap3A_2603 : i32 to index
    %swap3A_2605 = arith.constant 64 : index
    %swap3A_2606 = tpu.vector_load %arg5[%swap3A_2604, %swap3A_2605] {strides = array<i32>} : memref<4x128xi32, #tpu.memory_space<vmem>>, vector<1x16xi32>,
    %swap3A_2607 = vector.shape_cast %swap3A_2606 : vector<1x16xi32> to vector<16xi32>
    %swap3A_2608 = vector.shape_cast %add3A_2602 : vector<16xi32> to vector<1x16xi32>
    tpu.vector_store %arg5[%swap3A_2604, %swap3A_2605], %swap3A_2608 {strides = array<i32>} : memref<4x128xi32, #tpu.memory_space<vmem>>, vector<1x16xi32>,
    %add3A_2609 = arith.constant 16 : i32
    %add3A_2610 = vector.broadcast %add3A_2609 : i32 to vector<16xi32>
    %add3A_2611 = arith.addi %add3A_2610, %mul3A_45 : vector<16xi32>
    %add3A_2612 = arith.addi %gather3A_2558, %add3A_2611 : vector<16xi32>
    %swap3A_2613 = arith.constant 3 : i32
    %swap3A_2614 = arith.index_cast %swap3A_2613 : i32 to index
    %swap3A_2615 = arith.constant 80 : index
    %swap3A_2616 = tpu.vector_load %arg5[%swap3A_2614, %swap3A_2615] {strides = array<i32>} : memref<4x128xi32, #tpu.memory_space<vmem>>, vector<1x16xi32>,
    %swap3A_2617 = vector.shape_cast %swap3A_2616 : vector<1x16xi32> to vector<16xi32>
    %swap3A_2618 = vector.shape_cast %add3A_2612 : vector<16xi32> to vector<1x16xi32>
    tpu.vector_store %arg5[%swap3A_2614, %swap3A_2615], %swap3A_2618 {strides = array<i32>} : memref<4x128xi32, #tpu.memory_space<vmem>>, vector<1x16xi32>,
    %add3A_2619 = arith.constant 32 : i32
    %add3A_2620 = vector.broadcast %add3A_2619 : i32 to vector<16xi32>
    %add3A_2621 = arith.addi %add3A_2620, %mul3A_45 : vector<16xi32>
    %add3A_2622 = arith.addi %gather3A_2558, %add3A_2621 : vector<16xi32>
    %swap3A_2623 = arith.constant 3 : i32
    %swap3A_2624 = arith.index_cast %swap3A_2623 : i32 to index
    %swap3A_2625 = arith.constant 96 : index
    %swap3A_2626 = tpu.vector_load %arg5[%swap3A_2624, %swap3A_2625] {strides = array<i32>} : memref<4x128xi32, #tpu.memory_space<vmem>>, vector<1x16xi32>,
    %swap3A_2627 = vector.shape_cast %swap3A_2626 : vector<1x16xi32> to vector<16xi32>
    %swap3A_2628 = vector.shape_cast %add3A_2622 : vector<16xi32> to vector<1x16xi32>
    tpu.vector_store %arg5[%swap3A_2624, %swap3A_2625], %swap3A_2628 {strides = array<i32>} : memref<4x128xi32, #tpu.memory_space<vmem>>, vector<1x16xi32>,
    %add3A_2629 = arith.constant 48 : i32
    %add3A_2630 = vector.broadcast %add3A_2629 : i32 to vector<16xi32>
    %add3A_2631 = arith.addi %add3A_2630, %mul3A_45 : vector<16xi32>
    %add3A_2632 = arith.addi %gather3A_2558, %add3A_2631 : vector<16xi32>
    %swap3A_2633 = arith.constant 3 : i32
    %swap3A_2634 = arith.index_cast %swap3A_2633 : i32 to index
    %swap3A_2635 = arith.constant 112 : index
    %swap3A_2636 = tpu.vector_load %arg5[%swap3A_2634, %swap3A_2635] {strides = array<i32>} : memref<4x128xi32, #tpu.memory_space<vmem>>, vector<1x16xi32>,
    %swap3A_2637 = vector.shape_cast %swap3A_2636 : vector<1x16xi32> to vector<16xi32>
    %swap3A_2638 = vector.shape_cast %add3A_2632 : vector<16xi32> to vector<1x16xi32>
    tpu.vector_store %arg5[%swap3A_2634, %swap3A_2635], %swap3A_2638 {strides = array<i32>} : memref<4x128xi32, #tpu.memory_space<vmem>>, vector<1x16xi32>,
    %dma_start3A_2639 = arith.constant 3 : i32
    %dma_start3A_2640 = arith.constant 3 : i32
    %dma_start3A_2641 = arith.constant 0 : i32
    %dma_start3A_2642 = arith.constant 0 : i32
    %dma_start3A_2643 = tpu.memref_slice %arg6[%dma_start3A_2640, %dma_start3A_2641, %dma_start3A_2642] : memref<4x128x128xf32, #tpu.memory_space<vmem>> -> memref<1x128x128xf32, #tpu.memory_space<vmem>>
    %dma_start3A_2644 = tpu.memref_squeeze %dma_start3A_2643 : memref<1x128x128xf32, #tpu.memory_space<vmem>> -> memref<128x128xf32, #tpu.memory_space<vmem>>
    %dma_start3A_2645 = arith.constant 0 : i32
    %dma_start3A_2646 = tpu.memref_slice %arg5[%dma_start3A_2639, %dma_start3A_2645] : memref<4x128xi32, #tpu.memory_space<vmem>> -> memref<1x128xi32, #tpu.memory_space<vmem>>
    %dma_start3A_2647 = tpu.memref_squeeze %dma_start3A_2646 : memref<1x128xi32, #tpu.memory_space<vmem>> -> memref<128xi32, #tpu.memory_space<vmem>>
    %dma_start3A_2648 = arith.constant 0 : i32
    %dma_start3A_2649 = arith.constant 0 : i32
    %dma_start3A_2650 = tpu.memref_slice %arg2[%dma_start3A_2648, %dma_start3A_2649] : memref<524288x128xf32, #tpu.memory_space<hbm>> -> memref<524288x128xf32, #tpu.memory_space<hbm>>
    tpu.enqueue_indirect_dma source(%dma_start3A_2650 : memref<524288x128xf32, #tpu.memory_space<hbm>>) target(%dma_start3A_2644 : memref<128x128xf32, #tpu.memory_space<vmem>>) offsets(%dma_start3A_2647 : memref<128xi32, #tpu.memory_space<vmem>>) semaphore(%arg8 : memref<!tpu.dma_semaphore, #tpu.memory_space<semaphore_mem>>)
    %dma_wait3A_2651 = arith.constant 0 : i32
    %dma_wait3A_2652 = arith.constant 0 : i32
    %dma_wait3A_2653 = arith.constant 0 : i32
    %dma_wait3A_2654 = arith.constant 0 : i32
    %dma_wait3A_2655 = tpu.memref_slice %arg6[%dma_wait3A_2652, %dma_wait3A_2653, %dma_wait3A_2654] : memref<4x128x128xf32, #tpu.memory_space<vmem>> -> memref<1x128x128xf32, #tpu.memory_space<vmem>>
    %dma_wait3A_2656 = tpu.memref_squeeze %dma_wait3A_2655 : memref<1x128x128xf32, #tpu.memory_space<vmem>> -> memref<128x128xf32, #tpu.memory_space<vmem>>
    %dma_wait3A_2657 = arith.constant 0 : i32
    %dma_wait3A_2658 = tpu.memref_slice %arg5[%dma_wait3A_2651, %dma_wait3A_2657] : memref<4x128xi32, #tpu.memory_space<vmem>> -> memref<1x128xi32, #tpu.memory_space<vmem>>
    %dma_wait3A_2659 = tpu.memref_squeeze %dma_wait3A_2658 : memref<1x128xi32, #tpu.memory_space<vmem>> -> memref<128xi32, #tpu.memory_space<vmem>>
    %dma_wait3A_2660 = arith.constant 0 : i32
    %dma_wait3A_2661 = arith.constant 0 : i32
    %dma_wait3A_2662 = tpu.memref_slice %arg2[%dma_wait3A_2660, %dma_wait3A_2661] : memref<524288x128xf32, #tpu.memory_space<hbm>> -> memref<524288x128xf32, #tpu.memory_space<hbm>>
    tpu.wait_indirect_dma semaphore(%arg8 : memref<!tpu.dma_semaphore, #tpu.memory_space<semaphore_mem>>) src(%dma_wait3A_2662 : memref<524288x128xf32, #tpu.memory_space<hbm>>) dst(%dma_wait3A_2656 : memref<128x128xf32, #tpu.memory_space<vmem>>)
    %mul3A_2663 = arith.constant 2048 : i32
    %mul3A_2664 = arith.muli %add3A, %mul3A_2663 : i32
    %add3A_2665 = arith.constant 1024 : i32
    %add3A_2666 = arith.addi %mul3A_2664, %add3A_2665 : i32
    %dma_start3A_2667 = arith.constant 0 : i32
    %dma_start3A_2668 = arith.constant 0 : i32
    %dma_start3A_2669 = arith.constant 0 : i32
    %dma_start3A_2670 = tpu.memref_slice %arg6[%dma_start3A_2667, %dma_start3A_2668, %dma_start3A_2669] : memref<4x128x128xf32, #tpu.memory_space<vmem>> -> memref<1x128x128xf32, #tpu.memory_space<vmem>>
    %dma_start3A_2671 = tpu.memref_squeeze %dma_start3A_2670 : memref<1x128x128xf32, #tpu.memory_space<vmem>> -> memref<128x128xf32, #tpu.memory_space<vmem>>
    %dma_start3A_2672 = arith.constant 0 : i32
    %dma_start3A_2673 = tpu.memref_slice %arg4[%add3A_2666, %dma_start3A_2672] : memref<65536x128xf32, #tpu.memory_space<hbm>> -> memref<128x128xf32, #tpu.memory_space<hbm>>
    %dma_start3A_2674 = arith.constant 0 : i32
    %dma_start3A_2675 = tpu.memref_slice %arg4[%add3A_2666, %dma_start3A_2674] : memref<65536x128xf32, #tpu.memory_space<hbm>> -> memref<128x128xf32, #tpu.memory_space<hbm>>
    %dma_start3A_2676 = arith.constant 0 : i32
    %dma_start3A_2677 = arith.constant 0 : i32
    %dma_start3A_2678 = tpu.memref_slice %arg6[%dma_start3A_2667, %dma_start3A_2676, %dma_start3A_2677] : memref<4x128x128xf32, #tpu.memory_space<vmem>> -> memref<1x128x128xf32, #tpu.memory_space<vmem>>
    %dma_start3A_2679 = tpu.memref_squeeze %dma_start3A_2678 : memref<1x128x128xf32, #tpu.memory_space<vmem>> -> memref<128x128xf32, #tpu.memory_space<vmem>>
    tpu.enqueue_dma source(%dma_start3A_2679 : memref<128x128xf32, #tpu.memory_space<vmem>>) target(%dma_start3A_2675 : memref<128x128xf32, #tpu.memory_space<hbm>>) target_semaphore(%arg9 : memref<!tpu.dma_semaphore, #tpu.memory_space<semaphore_mem>>)
    %mul3A_2680 = arith.constant 2048 : i32
    %mul3A_2681 = arith.muli %add3A, %mul3A_2680 : i32
    %add3A_2682 = arith.constant 1024 : i32
    %add3A_2683 = arith.addi %mul3A_2681, %add3A_2682 : i32
    %dma_wait3A_2684 = arith.constant 0 : i32
    %dma_wait3A_2685 = arith.constant 0 : i32
    %dma_wait3A_2686 = arith.constant 0 : i32
    %dma_wait3A_2687 = tpu.memref_slice %arg6[%dma_wait3A_2684, %dma_wait3A_2685, %dma_wait3A_2686] : memref<4x128x128xf32, #tpu.memory_space<vmem>> -> memref<1x128x128xf32, #tpu.memory_space<vmem>>
    %dma_wait3A_2688 = tpu.memref_squeeze %dma_wait3A_2687 : memref<1x128x128xf32, #tpu.memory_space<vmem>> -> memref<128x128xf32, #tpu.memory_space<vmem>>
    %dma_wait3A_2689 = arith.constant 0 : i32
    %dma_wait3A_2690 = tpu.memref_slice %arg4[%add3A_2683, %dma_wait3A_2689] : memref<65536x128xf32, #tpu.memory_space<hbm>> -> memref<128x128xf32, #tpu.memory_space<hbm>>
    %dma_wait3A_2691 = arith.constant 0 : i32
    %dma_wait3A_2692 = tpu.memref_slice %arg4[%add3A_2683, %dma_wait3A_2691] : memref<65536x128xf32, #tpu.memory_space<hbm>> -> memref<128x128xf32, #tpu.memory_space<hbm>>
    %dma_wait3A_2693 = arith.constant 0 : i32
    %dma_wait3A_2694 = arith.constant 0 : i32
    %dma_wait3A_2695 = tpu.memref_slice %arg6[%dma_wait3A_2684, %dma_wait3A_2693, %dma_wait3A_2694] : memref<4x128x128xf32, #tpu.memory_space<vmem>> -> memref<1x128x128xf32, #tpu.memory_space<vmem>>
    %dma_wait3A_2696 = tpu.memref_squeeze %dma_wait3A_2695 : memref<1x128x128xf32, #tpu.memory_space<vmem>> -> memref<128x128xf32, #tpu.memory_space<vmem>>
    tpu.wait_dma2 semaphore(%arg9 : memref<!tpu.dma_semaphore, #tpu.memory_space<semaphore_mem>>) src(%dma_wait3A_2696 : memref<128x128xf32, #tpu.memory_space<vmem>>) dst(%dma_wait3A_2692 : memref<128x128xf32, #tpu.memory_space<hbm>>)
    %get3A_2697 = arith.constant 0 : i32
    %get3A_2698 = arith.index_cast %get3A_2697 : i32 to index
    %get3A_2699 = arith.constant 192 : index
    %get3A_2700 = tpu.vector_load %arg7[%get3A_2698, %get3A_2699] {strides = array<i32>} : memref<8x256xf32, #tpu.memory_space<vmem>>, vector<1x16xf32>,
    %get3A_2701 = vector.shape_cast %get3A_2700 : vector<1x16xf32> to vector<16xf32>
    %broadcast_in_dim3A_2702 = arith.constant 0 : i32
    %broadcast_in_dim3A_2703 = vector.broadcast %broadcast_in_dim3A_2702 : i32 to vector<16xi32>
    %get3A_2704 = arith.constant 1 : i32
    %get3A_2705 = arith.index_cast %get3A_2704 : i32 to index
    %get3A_2706 = arith.constant 192 : index
    %get3A_2707 = tpu.vector_load %arg7[%get3A_2705, %get3A_2706] {strides = array<i32>} : memref<8x256xf32, #tpu.memory_space<vmem>>, vector<1x16xf32>,
    %get3A_2708 = vector.shape_cast %get3A_2707 : vector<1x16xf32> to vector<16xf32>
    %gt3A_2709 = arith.cmpf ogt, %get3A_2708, %get3A_2701 : vector<16xf32>
    %jit3A_2710 = arith.constant 1 : i32
    %broadcast_in_dim3A_2711 = vector.broadcast %jit3A_2710 : i32 to vector<16xi32>
    %select_n3A_2712 = arith.select %gt3A_2709, %broadcast_in_dim3A_2711, %broadcast_in_dim3A_2703 : vector<16xi1>, vector<16xi32>
    %select_n3A_2713 = arith.select %gt3A_2709, %get3A_2708, %get3A_2701 : vector<16xi1>, vector<16xf32>
    %get3A_2714 = arith.constant 2 : i32
    %get3A_2715 = arith.index_cast %get3A_2714 : i32 to index
    %get3A_2716 = arith.constant 192 : index
    %get3A_2717 = tpu.vector_load %arg7[%get3A_2715, %get3A_2716] {strides = array<i32>} : memref<8x256xf32, #tpu.memory_space<vmem>>, vector<1x16xf32>,
    %get3A_2718 = vector.shape_cast %get3A_2717 : vector<1x16xf32> to vector<16xf32>
    %gt3A_2719 = arith.cmpf ogt, %get3A_2718, %select_n3A_2713 : vector<16xf32>
    %jit3A_2720 = arith.constant 2 : i32
    %broadcast_in_dim3A_2721 = vector.broadcast %jit3A_2720 : i32 to vector<16xi32>
    %select_n3A_2722 = arith.select %gt3A_2719, %broadcast_in_dim3A_2721, %select_n3A_2712 : vector<16xi1>, vector<16xi32>
    %select_n3A_2723 = arith.select %gt3A_2719, %get3A_2718, %select_n3A_2713 : vector<16xi1>, vector<16xf32>
    %get3A_2724 = arith.constant 3 : i32
    %get3A_2725 = arith.index_cast %get3A_2724 : i32 to index
    %get3A_2726 = arith.constant 192 : index
    %get3A_2727 = tpu.vector_load %arg7[%get3A_2725, %get3A_2726] {strides = array<i32>} : memref<8x256xf32, #tpu.memory_space<vmem>>, vector<1x16xf32>,
    %get3A_2728 = vector.shape_cast %get3A_2727 : vector<1x16xf32> to vector<16xf32>
    %gt3A_2729 = arith.cmpf ogt, %get3A_2728, %select_n3A_2723 : vector<16xf32>
    %jit3A_2730 = arith.constant 3 : i32
    %broadcast_in_dim3A_2731 = vector.broadcast %jit3A_2730 : i32 to vector<16xi32>
    %select_n3A_2732 = arith.select %gt3A_2729, %broadcast_in_dim3A_2731, %select_n3A_2722 : vector<16xi1>, vector<16xi32>
    %select_n3A_2733 = arith.select %gt3A_2729, %get3A_2728, %select_n3A_2723 : vector<16xi1>, vector<16xf32>
    %get3A_2734 = arith.constant 4 : i32
    %get3A_2735 = arith.index_cast %get3A_2734 : i32 to index
    %get3A_2736 = arith.constant 192 : index
    %get3A_2737 = tpu.vector_load %arg7[%get3A_2735, %get3A_2736] {strides = array<i32>} : memref<8x256xf32, #tpu.memory_space<vmem>>, vector<1x16xf32>,
    %get3A_2738 = vector.shape_cast %get3A_2737 : vector<1x16xf32> to vector<16xf32>
    %gt3A_2739 = arith.cmpf ogt, %get3A_2738, %select_n3A_2733 : vector<16xf32>
    %jit3A_2740 = arith.constant 4 : i32
    %broadcast_in_dim3A_2741 = vector.broadcast %jit3A_2740 : i32 to vector<16xi32>
    %select_n3A_2742 = arith.select %gt3A_2739, %broadcast_in_dim3A_2741, %select_n3A_2732 : vector<16xi1>, vector<16xi32>
    %select_n3A_2743 = arith.select %gt3A_2739, %get3A_2738, %select_n3A_2733 : vector<16xi1>, vector<16xf32>
    %get3A_2744 = arith.constant 5 : i32
    %get3A_2745 = arith.index_cast %get3A_2744 : i32 to index
    %get3A_2746 = arith.constant 192 : index
    %get3A_2747 = tpu.vector_load %arg7[%get3A_2745, %get3A_2746] {strides = array<i32>} : memref<8x256xf32, #tpu.memory_space<vmem>>, vector<1x16xf32>,
    %get3A_2748 = vector.shape_cast %get3A_2747 : vector<1x16xf32> to vector<16xf32>
    %gt3A_2749 = arith.cmpf ogt, %get3A_2748, %select_n3A_2743 : vector<16xf32>
    %jit3A_2750 = arith.constant 5 : i32
    %broadcast_in_dim3A_2751 = vector.broadcast %jit3A_2750 : i32 to vector<16xi32>
    %select_n3A_2752 = arith.select %gt3A_2749, %broadcast_in_dim3A_2751, %select_n3A_2742 : vector<16xi1>, vector<16xi32>
    %select_n3A_2753 = arith.select %gt3A_2749, %get3A_2748, %select_n3A_2743 : vector<16xi1>, vector<16xf32>
    %get3A_2754 = arith.constant 6 : i32
    %get3A_2755 = arith.index_cast %get3A_2754 : i32 to index
    %get3A_2756 = arith.constant 192 : index
    %get3A_2757 = tpu.vector_load %arg7[%get3A_2755, %get3A_2756] {strides = array<i32>} : memref<8x256xf32, #tpu.memory_space<vmem>>, vector<1x16xf32>,
    %get3A_2758 = vector.shape_cast %get3A_2757 : vector<1x16xf32> to vector<16xf32>
    %gt3A_2759 = arith.cmpf ogt, %get3A_2758, %select_n3A_2753 : vector<16xf32>
    %jit3A_2760 = arith.constant 6 : i32
    %broadcast_in_dim3A_2761 = vector.broadcast %jit3A_2760 : i32 to vector<16xi32>
    %select_n3A_2762 = arith.select %gt3A_2759, %broadcast_in_dim3A_2761, %select_n3A_2752 : vector<16xi1>, vector<16xi32>
    %select_n3A_2763 = arith.select %gt3A_2759, %get3A_2758, %select_n3A_2753 : vector<16xi1>, vector<16xf32>
    %get3A_2764 = arith.constant 7 : i32
    %get3A_2765 = arith.index_cast %get3A_2764 : i32 to index
    %get3A_2766 = arith.constant 192 : index
    %get3A_2767 = tpu.vector_load %arg7[%get3A_2765, %get3A_2766] {strides = array<i32>} : memref<8x256xf32, #tpu.memory_space<vmem>>, vector<1x16xf32>,
    %get3A_2768 = vector.shape_cast %get3A_2767 : vector<1x16xf32> to vector<16xf32>
    %gt3A_2769 = arith.cmpf ogt, %get3A_2768, %select_n3A_2763 : vector<16xf32>
    %jit3A_2770 = arith.constant 7 : i32
    %broadcast_in_dim3A_2771 = vector.broadcast %jit3A_2770 : i32 to vector<16xi32>
    %select_n3A_2772 = arith.select %gt3A_2769, %broadcast_in_dim3A_2771, %select_n3A_2762 : vector<16xi1>, vector<16xi32>
    %select_n3A_2773 = arith.select %gt3A_2769, %get3A_2768, %select_n3A_2763 : vector<16xi1>, vector<16xf32>
    %mul3A_2774 = arith.constant 131072 : i32
    %mul3A_2775 = arith.muli %select_n3A, %mul3A_2774 : i32
    %add3A_2776 = arith.constant 192 : i32
    %add3A_2777 = arith.addi %mul3A_34, %add3A_2776 : i32
    %add3A_2778 = vector.broadcast %add3A_2777 : i32 to vector<16xi32>
    %add3A_2779 = arith.addi %add3A_2778, %iota3A : vector<16xi32>
    %mul3A_2780 = arith.constant 64 : i32
    %mul3A_2781 = vector.broadcast %mul3A_2780 : i32 to vector<16xi32>
    %mul3A_2782 = arith.muli %add3A_2779, %mul3A_2781 : vector<16xi32>
    %add3A_2783 = vector.broadcast %mul3A_2775 : i32 to vector<16xi32>
    %add3A_2784 = arith.addi %add3A_2783, %mul3A_2782 : vector<16xi32>
    %add3A_2785 = arith.addi %add3A_2784, %select_n3A_2772 : vector<16xi32>
    %broadcast_in_dim3A_2786 = vector.shape_cast %and3A_37 : vector<16xi32> to vector<16x1xi32>
    %gather3A_2787 = vector.shape_cast %broadcast_in_dim3A_2786 : vector<16x1xi32> to vector<16xi32>
    %gather3A_2788 = tpu.dynamic_gather %add3A_2785[%gather3A_2787] in [0] : vector<16xi32>, vector<16xi32> -> vector<16xi32>
    %broadcast_in_dim3A_2789 = vector.shape_cast %add3A_40 : vector<16xi32> to vector<16x1xi32>
    %gather3A_2790 = vector.shape_cast %broadcast_in_dim3A_2789 : vector<16x1xi32> to vector<16xi32>
    %gather3A_2791 = tpu.dynamic_gather %add3A_2785[%gather3A_2790] in [0] : vector<16xi32>, vector<16xi32> -> vector<16xi32>
    %add3A_2792 = arith.constant 0 : i32
    %add3A_2793 = vector.broadcast %add3A_2792 : i32 to vector<16xi32>
    %add3A_2794 = arith.addi %add3A_2793, %mul3A_45 : vector<16xi32>
    %add3A_2795 = arith.addi %gather3A_2788, %add3A_2794 : vector<16xi32>
    %swap3A_2796 = arith.constant 0 : i32
    %swap3A_2797 = arith.index_cast %swap3A_2796 : i32 to index
    %swap3A_2798 = arith.constant 0 : index
    %swap3A_2799 = tpu.vector_load %arg5[%swap3A_2797, %swap3A_2798] {strides = array<i32>} : memref<4x128xi32, #tpu.memory_space<vmem>>, vector<1x16xi32>,
    %swap3A_2800 = vector.shape_cast %swap3A_2799 : vector<1x16xi32> to vector<16xi32>
    %swap3A_2801 = vector.shape_cast %add3A_2795 : vector<16xi32> to vector<1x16xi32>
    tpu.vector_store %arg5[%swap3A_2797, %swap3A_2798], %swap3A_2801 {strides = array<i32>} : memref<4x128xi32, #tpu.memory_space<vmem>>, vector<1x16xi32>,
    %add3A_2802 = arith.constant 16 : i32
    %add3A_2803 = vector.broadcast %add3A_2802 : i32 to vector<16xi32>
    %add3A_2804 = arith.addi %add3A_2803, %mul3A_45 : vector<16xi32>
    %add3A_2805 = arith.addi %gather3A_2788, %add3A_2804 : vector<16xi32>
    %swap3A_2806 = arith.constant 0 : i32
    %swap3A_2807 = arith.index_cast %swap3A_2806 : i32 to index
    %swap3A_2808 = arith.constant 16 : index
    %swap3A_2809 = tpu.vector_load %arg5[%swap3A_2807, %swap3A_2808] {strides = array<i32>} : memref<4x128xi32, #tpu.memory_space<vmem>>, vector<1x16xi32>,
    %swap3A_2810 = vector.shape_cast %swap3A_2809 : vector<1x16xi32> to vector<16xi32>
    %swap3A_2811 = vector.shape_cast %add3A_2805 : vector<16xi32> to vector<1x16xi32>
    tpu.vector_store %arg5[%swap3A_2807, %swap3A_2808], %swap3A_2811 {strides = array<i32>} : memref<4x128xi32, #tpu.memory_space<vmem>>, vector<1x16xi32>,
    %add3A_2812 = arith.constant 32 : i32
    %add3A_2813 = vector.broadcast %add3A_2812 : i32 to vector<16xi32>
    %add3A_2814 = arith.addi %add3A_2813, %mul3A_45 : vector<16xi32>
    %add3A_2815 = arith.addi %gather3A_2788, %add3A_2814 : vector<16xi32>
    %swap3A_2816 = arith.constant 0 : i32
    %swap3A_2817 = arith.index_cast %swap3A_2816 : i32 to index
    %swap3A_2818 = arith.constant 32 : index
    %swap3A_2819 = tpu.vector_load %arg5[%swap3A_2817, %swap3A_2818] {strides = array<i32>} : memref<4x128xi32, #tpu.memory_space<vmem>>, vector<1x16xi32>,
    %swap3A_2820 = vector.shape_cast %swap3A_2819 : vector<1x16xi32> to vector<16xi32>
    %swap3A_2821 = vector.shape_cast %add3A_2815 : vector<16xi32> to vector<1x16xi32>
    tpu.vector_store %arg5[%swap3A_2817, %swap3A_2818], %swap3A_2821 {strides = array<i32>} : memref<4x128xi32, #tpu.memory_space<vmem>>, vector<1x16xi32>,
    %add3A_2822 = arith.constant 48 : i32
    %add3A_2823 = vector.broadcast %add3A_2822 : i32 to vector<16xi32>
    %add3A_2824 = arith.addi %add3A_2823, %mul3A_45 : vector<16xi32>
    %add3A_2825 = arith.addi %gather3A_2788, %add3A_2824 : vector<16xi32>
    %swap3A_2826 = arith.constant 0 : i32
    %swap3A_2827 = arith.index_cast %swap3A_2826 : i32 to index
    %swap3A_2828 = arith.constant 48 : index
    %swap3A_2829 = tpu.vector_load %arg5[%swap3A_2827, %swap3A_2828] {strides = array<i32>} : memref<4x128xi32, #tpu.memory_space<vmem>>, vector<1x16xi32>,
    %swap3A_2830 = vector.shape_cast %swap3A_2829 : vector<1x16xi32> to vector<16xi32>
    %swap3A_2831 = vector.shape_cast %add3A_2825 : vector<16xi32> to vector<1x16xi32>
    tpu.vector_store %arg5[%swap3A_2827, %swap3A_2828], %swap3A_2831 {strides = array<i32>} : memref<4x128xi32, #tpu.memory_space<vmem>>, vector<1x16xi32>,
    %add3A_2832 = arith.constant 0 : i32
    %add3A_2833 = vector.broadcast %add3A_2832 : i32 to vector<16xi32>
    %add3A_2834 = arith.addi %add3A_2833, %mul3A_45 : vector<16xi32>
    %add3A_2835 = arith.addi %gather3A_2791, %add3A_2834 : vector<16xi32>
    %swap3A_2836 = arith.constant 0 : i32
    %swap3A_2837 = arith.index_cast %swap3A_2836 : i32 to index
    %swap3A_2838 = arith.constant 64 : index
    %swap3A_2839 = tpu.vector_load %arg5[%swap3A_2837, %swap3A_2838] {strides = array<i32>} : memref<4x128xi32, #tpu.memory_space<vmem>>, vector<1x16xi32>,
    %swap3A_2840 = vector.shape_cast %swap3A_2839 : vector<1x16xi32> to vector<16xi32>
    %swap3A_2841 = vector.shape_cast %add3A_2835 : vector<16xi32> to vector<1x16xi32>
    tpu.vector_store %arg5[%swap3A_2837, %swap3A_2838], %swap3A_2841 {strides = array<i32>} : memref<4x128xi32, #tpu.memory_space<vmem>>, vector<1x16xi32>,
    %add3A_2842 = arith.constant 16 : i32
    %add3A_2843 = vector.broadcast %add3A_2842 : i32 to vector<16xi32>
    %add3A_2844 = arith.addi %add3A_2843, %mul3A_45 : vector<16xi32>
    %add3A_2845 = arith.addi %gather3A_2791, %add3A_2844 : vector<16xi32>
    %swap3A_2846 = arith.constant 0 : i32
    %swap3A_2847 = arith.index_cast %swap3A_2846 : i32 to index
    %swap3A_2848 = arith.constant 80 : index
    %swap3A_2849 = tpu.vector_load %arg5[%swap3A_2847, %swap3A_2848] {strides = array<i32>} : memref<4x128xi32, #tpu.memory_space<vmem>>, vector<1x16xi32>,
    %swap3A_2850 = vector.shape_cast %swap3A_2849 : vector<1x16xi32> to vector<16xi32>
    %swap3A_2851 = vector.shape_cast %add3A_2845 : vector<16xi32> to vector<1x16xi32>
    tpu.vector_store %arg5[%swap3A_2847, %swap3A_2848], %swap3A_2851 {strides = array<i32>} : memref<4x128xi32, #tpu.memory_space<vmem>>, vector<1x16xi32>,
    %add3A_2852 = arith.constant 32 : i32
    %add3A_2853 = vector.broadcast %add3A_2852 : i32 to vector<16xi32>
    %add3A_2854 = arith.addi %add3A_2853, %mul3A_45 : vector<16xi32>
    %add3A_2855 = arith.addi %gather3A_2791, %add3A_2854 : vector<16xi32>
    %swap3A_2856 = arith.constant 0 : i32
    %swap3A_2857 = arith.index_cast %swap3A_2856 : i32 to index
    %swap3A_2858 = arith.constant 96 : index
    %swap3A_2859 = tpu.vector_load %arg5[%swap3A_2857, %swap3A_2858] {strides = array<i32>} : memref<4x128xi32, #tpu.memory_space<vmem>>, vector<1x16xi32>,
    %swap3A_2860 = vector.shape_cast %swap3A_2859 : vector<1x16xi32> to vector<16xi32>
    %swap3A_2861 = vector.shape_cast %add3A_2855 : vector<16xi32> to vector<1x16xi32>
    tpu.vector_store %arg5[%swap3A_2857, %swap3A_2858], %swap3A_2861 {strides = array<i32>} : memref<4x128xi32, #tpu.memory_space<vmem>>, vector<1x16xi32>,
    %add3A_2862 = arith.constant 48 : i32
    %add3A_2863 = vector.broadcast %add3A_2862 : i32 to vector<16xi32>
    %add3A_2864 = arith.addi %add3A_2863, %mul3A_45 : vector<16xi32>
    %add3A_2865 = arith.addi %gather3A_2791, %add3A_2864 : vector<16xi32>
    %swap3A_2866 = arith.constant 0 : i32
    %swap3A_2867 = arith.index_cast %swap3A_2866 : i32 to index
    %swap3A_2868 = arith.constant 112 : index
    %swap3A_2869 = tpu.vector_load %arg5[%swap3A_2867, %swap3A_2868] {strides = array<i32>} : memref<4x128xi32, #tpu.memory_space<vmem>>, vector<1x16xi32>,
    %swap3A_2870 = vector.shape_cast %swap3A_2869 : vector<1x16xi32> to vector<16xi32>
    %swap3A_2871 = vector.shape_cast %add3A_2865 : vector<16xi32> to vector<1x16xi32>
    tpu.vector_store %arg5[%swap3A_2867, %swap3A_2868], %swap3A_2871 {strides = array<i32>} : memref<4x128xi32, #tpu.memory_space<vmem>>, vector<1x16xi32>,
    %dma_start3A_2872 = arith.constant 0 : i32
    %dma_start3A_2873 = arith.constant 0 : i32
    %dma_start3A_2874 = arith.constant 0 : i32
    %dma_start3A_2875 = arith.constant 0 : i32
    %dma_start3A_2876 = tpu.memref_slice %arg6[%dma_start3A_2873, %dma_start3A_2874, %dma_start3A_2875] : memref<4x128x128xf32, #tpu.memory_space<vmem>> -> memref<1x128x128xf32, #tpu.memory_space<vmem>>
    %dma_start3A_2877 = tpu.memref_squeeze %dma_start3A_2876 : memref<1x128x128xf32, #tpu.memory_space<vmem>> -> memref<128x128xf32, #tpu.memory_space<vmem>>
    %dma_start3A_2878 = arith.constant 0 : i32
    %dma_start3A_2879 = tpu.memref_slice %arg5[%dma_start3A_2872, %dma_start3A_2878] : memref<4x128xi32, #tpu.memory_space<vmem>> -> memref<1x128xi32, #tpu.memory_space<vmem>>
    %dma_start3A_2880 = tpu.memref_squeeze %dma_start3A_2879 : memref<1x128xi32, #tpu.memory_space<vmem>> -> memref<128xi32, #tpu.memory_space<vmem>>
    %dma_start3A_2881 = arith.constant 0 : i32
    %dma_start3A_2882 = arith.constant 0 : i32
    %dma_start3A_2883 = tpu.memref_slice %arg2[%dma_start3A_2881, %dma_start3A_2882] : memref<524288x128xf32, #tpu.memory_space<hbm>> -> memref<524288x128xf32, #tpu.memory_space<hbm>>
    tpu.enqueue_indirect_dma source(%dma_start3A_2883 : memref<524288x128xf32, #tpu.memory_space<hbm>>) target(%dma_start3A_2877 : memref<128x128xf32, #tpu.memory_space<vmem>>) offsets(%dma_start3A_2880 : memref<128xi32, #tpu.memory_space<vmem>>) semaphore(%arg8 : memref<!tpu.dma_semaphore, #tpu.memory_space<semaphore_mem>>)
    %dma_wait3A_2884 = arith.constant 1 : i32
    %dma_wait3A_2885 = arith.constant 1 : i32
    %dma_wait3A_2886 = arith.constant 0 : i32
    %dma_wait3A_2887 = arith.constant 0 : i32
    %dma_wait3A_2888 = tpu.memref_slice %arg6[%dma_wait3A_2885, %dma_wait3A_2886, %dma_wait3A_2887] : memref<4x128x128xf32, #tpu.memory_space<vmem>> -> memref<1x128x128xf32, #tpu.memory_space<vmem>>
    %dma_wait3A_2889 = tpu.memref_squeeze %dma_wait3A_2888 : memref<1x128x128xf32, #tpu.memory_space<vmem>> -> memref<128x128xf32, #tpu.memory_space<vmem>>
    %dma_wait3A_2890 = arith.constant 0 : i32
    %dma_wait3A_2891 = tpu.memref_slice %arg5[%dma_wait3A_2884, %dma_wait3A_2890] : memref<4x128xi32, #tpu.memory_space<vmem>> -> memref<1x128xi32, #tpu.memory_space<vmem>>
    %dma_wait3A_2892 = tpu.memref_squeeze %dma_wait3A_2891 : memref<1x128xi32, #tpu.memory_space<vmem>> -> memref<128xi32, #tpu.memory_space<vmem>>
    %dma_wait3A_2893 = arith.constant 0 : i32
    %dma_wait3A_2894 = arith.constant 0 : i32
    %dma_wait3A_2895 = tpu.memref_slice %arg2[%dma_wait3A_2893, %dma_wait3A_2894] : memref<524288x128xf32, #tpu.memory_space<hbm>> -> memref<524288x128xf32, #tpu.memory_space<hbm>>
    tpu.wait_indirect_dma semaphore(%arg8 : memref<!tpu.dma_semaphore, #tpu.memory_space<semaphore_mem>>) src(%dma_wait3A_2895 : memref<524288x128xf32, #tpu.memory_space<hbm>>) dst(%dma_wait3A_2889 : memref<128x128xf32, #tpu.memory_space<vmem>>)
    %mul3A_2896 = arith.constant 2048 : i32
    %mul3A_2897 = arith.muli %add3A, %mul3A_2896 : i32
    %add3A_2898 = arith.constant 1152 : i32
    %add3A_2899 = arith.addi %mul3A_2897, %add3A_2898 : i32
    %dma_start3A_2900 = arith.constant 1 : i32
    %dma_start3A_2901 = arith.constant 0 : i32
    %dma_start3A_2902 = arith.constant 0 : i32
    %dma_start3A_2903 = tpu.memref_slice %arg6[%dma_start3A_2900, %dma_start3A_2901, %dma_start3A_2902] : memref<4x128x128xf32, #tpu.memory_space<vmem>> -> memref<1x128x128xf32, #tpu.memory_space<vmem>>
    %dma_start3A_2904 = tpu.memref_squeeze %dma_start3A_2903 : memref<1x128x128xf32, #tpu.memory_space<vmem>> -> memref<128x128xf32, #tpu.memory_space<vmem>>
    %dma_start3A_2905 = arith.constant 0 : i32
    %dma_start3A_2906 = tpu.memref_slice %arg4[%add3A_2899, %dma_start3A_2905] : memref<65536x128xf32, #tpu.memory_space<hbm>> -> memref<128x128xf32, #tpu.memory_space<hbm>>
    %dma_start3A_2907 = arith.constant 0 : i32
    %dma_start3A_2908 = tpu.memref_slice %arg4[%add3A_2899, %dma_start3A_2907] : memref<65536x128xf32, #tpu.memory_space<hbm>> -> memref<128x128xf32, #tpu.memory_space<hbm>>
    %dma_start3A_2909 = arith.constant 0 : i32
    %dma_start3A_2910 = arith.constant 0 : i32
    %dma_start3A_2911 = tpu.memref_slice %arg6[%dma_start3A_2900, %dma_start3A_2909, %dma_start3A_2910] : memref<4x128x128xf32, #tpu.memory_space<vmem>> -> memref<1x128x128xf32, #tpu.memory_space<vmem>>
    %dma_start3A_2912 = tpu.memref_squeeze %dma_start3A_2911 : memref<1x128x128xf32, #tpu.memory_space<vmem>> -> memref<128x128xf32, #tpu.memory_space<vmem>>
    tpu.enqueue_dma source(%dma_start3A_2912 : memref<128x128xf32, #tpu.memory_space<vmem>>) target(%dma_start3A_2908 : memref<128x128xf32, #tpu.memory_space<hbm>>) target_semaphore(%arg9 : memref<!tpu.dma_semaphore, #tpu.memory_space<semaphore_mem>>)
    %mul3A_2913 = arith.constant 2048 : i32
    %mul3A_2914 = arith.muli %add3A, %mul3A_2913 : i32
    %add3A_2915 = arith.constant 1152 : i32
    %add3A_2916 = arith.addi %mul3A_2914, %add3A_2915 : i32
    %dma_wait3A_2917 = arith.constant 1 : i32
    %dma_wait3A_2918 = arith.constant 0 : i32
    %dma_wait3A_2919 = arith.constant 0 : i32
    %dma_wait3A_2920 = tpu.memref_slice %arg6[%dma_wait3A_2917, %dma_wait3A_2918, %dma_wait3A_2919] : memref<4x128x128xf32, #tpu.memory_space<vmem>> -> memref<1x128x128xf32, #tpu.memory_space<vmem>>
    %dma_wait3A_2921 = tpu.memref_squeeze %dma_wait3A_2920 : memref<1x128x128xf32, #tpu.memory_space<vmem>> -> memref<128x128xf32, #tpu.memory_space<vmem>>
    %dma_wait3A_2922 = arith.constant 0 : i32
    %dma_wait3A_2923 = tpu.memref_slice %arg4[%add3A_2916, %dma_wait3A_2922] : memref<65536x128xf32, #tpu.memory_space<hbm>> -> memref<128x128xf32, #tpu.memory_space<hbm>>
    %dma_wait3A_2924 = arith.constant 0 : i32
    %dma_wait3A_2925 = tpu.memref_slice %arg4[%add3A_2916, %dma_wait3A_2924] : memref<65536x128xf32, #tpu.memory_space<hbm>> -> memref<128x128xf32, #tpu.memory_space<hbm>>
    %dma_wait3A_2926 = arith.constant 0 : i32
    %dma_wait3A_2927 = arith.constant 0 : i32
    %dma_wait3A_2928 = tpu.memref_slice %arg6[%dma_wait3A_2917, %dma_wait3A_2926, %dma_wait3A_2927] : memref<4x128x128xf32, #tpu.memory_space<vmem>> -> memref<1x128x128xf32, #tpu.memory_space<vmem>>
    %dma_wait3A_2929 = tpu.memref_squeeze %dma_wait3A_2928 : memref<1x128x128xf32, #tpu.memory_space<vmem>> -> memref<128x128xf32, #tpu.memory_space<vmem>>
    tpu.wait_dma2 semaphore(%arg9 : memref<!tpu.dma_semaphore, #tpu.memory_space<semaphore_mem>>) src(%dma_wait3A_2929 : memref<128x128xf32, #tpu.memory_space<vmem>>) dst(%dma_wait3A_2925 : memref<128x128xf32, #tpu.memory_space<hbm>>)
    %get3A_2930 = arith.constant 0 : i32
    %get3A_2931 = arith.index_cast %get3A_2930 : i32 to index
    %get3A_2932 = arith.constant 208 : index
    %get3A_2933 = tpu.vector_load %arg7[%get3A_2931, %get3A_2932] {strides = array<i32>} : memref<8x256xf32, #tpu.memory_space<vmem>>, vector<1x16xf32>,
    %get3A_2934 = vector.shape_cast %get3A_2933 : vector<1x16xf32> to vector<16xf32>
    %broadcast_in_dim3A_2935 = arith.constant 0 : i32
    %broadcast_in_dim3A_2936 = vector.broadcast %broadcast_in_dim3A_2935 : i32 to vector<16xi32>
    %get3A_2937 = arith.constant 1 : i32
    %get3A_2938 = arith.index_cast %get3A_2937 : i32 to index
    %get3A_2939 = arith.constant 208 : index
    %get3A_2940 = tpu.vector_load %arg7[%get3A_2938, %get3A_2939] {strides = array<i32>} : memref<8x256xf32, #tpu.memory_space<vmem>>, vector<1x16xf32>,
    %get3A_2941 = vector.shape_cast %get3A_2940 : vector<1x16xf32> to vector<16xf32>
    %gt3A_2942 = arith.cmpf ogt, %get3A_2941, %get3A_2934 : vector<16xf32>
    %jit3A_2943 = arith.constant 1 : i32
    %broadcast_in_dim3A_2944 = vector.broadcast %jit3A_2943 : i32 to vector<16xi32>
    %select_n3A_2945 = arith.select %gt3A_2942, %broadcast_in_dim3A_2944, %broadcast_in_dim3A_2936 : vector<16xi1>, vector<16xi32>
    %select_n3A_2946 = arith.select %gt3A_2942, %get3A_2941, %get3A_2934 : vector<16xi1>, vector<16xf32>
    %get3A_2947 = arith.constant 2 : i32
    %get3A_2948 = arith.index_cast %get3A_2947 : i32 to index
    %get3A_2949 = arith.constant 208 : index
    %get3A_2950 = tpu.vector_load %arg7[%get3A_2948, %get3A_2949] {strides = array<i32>} : memref<8x256xf32, #tpu.memory_space<vmem>>, vector<1x16xf32>,
    %get3A_2951 = vector.shape_cast %get3A_2950 : vector<1x16xf32> to vector<16xf32>
    %gt3A_2952 = arith.cmpf ogt, %get3A_2951, %select_n3A_2946 : vector<16xf32>
    %jit3A_2953 = arith.constant 2 : i32
    %broadcast_in_dim3A_2954 = vector.broadcast %jit3A_2953 : i32 to vector<16xi32>
    %select_n3A_2955 = arith.select %gt3A_2952, %broadcast_in_dim3A_2954, %select_n3A_2945 : vector<16xi1>, vector<16xi32>
    %select_n3A_2956 = arith.select %gt3A_2952, %get3A_2951, %select_n3A_2946 : vector<16xi1>, vector<16xf32>
    %get3A_2957 = arith.constant 3 : i32
    %get3A_2958 = arith.index_cast %get3A_2957 : i32 to index
    %get3A_2959 = arith.constant 208 : index
    %get3A_2960 = tpu.vector_load %arg7[%get3A_2958, %get3A_2959] {strides = array<i32>} : memref<8x256xf32, #tpu.memory_space<vmem>>, vector<1x16xf32>,
    %get3A_2961 = vector.shape_cast %get3A_2960 : vector<1x16xf32> to vector<16xf32>
    %gt3A_2962 = arith.cmpf ogt, %get3A_2961, %select_n3A_2956 : vector<16xf32>
    %jit3A_2963 = arith.constant 3 : i32
    %broadcast_in_dim3A_2964 = vector.broadcast %jit3A_2963 : i32 to vector<16xi32>
    %select_n3A_2965 = arith.select %gt3A_2962, %broadcast_in_dim3A_2964, %select_n3A_2955 : vector<16xi1>, vector<16xi32>
    %select_n3A_2966 = arith.select %gt3A_2962, %get3A_2961, %select_n3A_2956 : vector<16xi1>, vector<16xf32>
    %get3A_2967 = arith.constant 4 : i32
    %get3A_2968 = arith.index_cast %get3A_2967 : i32 to index
    %get3A_2969 = arith.constant 208 : index
    %get3A_2970 = tpu.vector_load %arg7[%get3A_2968, %get3A_2969] {strides = array<i32>} : memref<8x256xf32, #tpu.memory_space<vmem>>, vector<1x16xf32>,
    %get3A_2971 = vector.shape_cast %get3A_2970 : vector<1x16xf32> to vector<16xf32>
    %gt3A_2972 = arith.cmpf ogt, %get3A_2971, %select_n3A_2966 : vector<16xf32>
    %jit3A_2973 = arith.constant 4 : i32
    %broadcast_in_dim3A_2974 = vector.broadcast %jit3A_2973 : i32 to vector<16xi32>
    %select_n3A_2975 = arith.select %gt3A_2972, %broadcast_in_dim3A_2974, %select_n3A_2965 : vector<16xi1>, vector<16xi32>
    %select_n3A_2976 = arith.select %gt3A_2972, %get3A_2971, %select_n3A_2966 : vector<16xi1>, vector<16xf32>
    %get3A_2977 = arith.constant 5 : i32
    %get3A_2978 = arith.index_cast %get3A_2977 : i32 to index
    %get3A_2979 = arith.constant 208 : index
    %get3A_2980 = tpu.vector_load %arg7[%get3A_2978, %get3A_2979] {strides = array<i32>} : memref<8x256xf32, #tpu.memory_space<vmem>>, vector<1x16xf32>,
    %get3A_2981 = vector.shape_cast %get3A_2980 : vector<1x16xf32> to vector<16xf32>
    %gt3A_2982 = arith.cmpf ogt, %get3A_2981, %select_n3A_2976 : vector<16xf32>
    %jit3A_2983 = arith.constant 5 : i32
    %broadcast_in_dim3A_2984 = vector.broadcast %jit3A_2983 : i32 to vector<16xi32>
    %select_n3A_2985 = arith.select %gt3A_2982, %broadcast_in_dim3A_2984, %select_n3A_2975 : vector<16xi1>, vector<16xi32>
    %select_n3A_2986 = arith.select %gt3A_2982, %get3A_2981, %select_n3A_2976 : vector<16xi1>, vector<16xf32>
    %get3A_2987 = arith.constant 6 : i32
    %get3A_2988 = arith.index_cast %get3A_2987 : i32 to index
    %get3A_2989 = arith.constant 208 : index
    %get3A_2990 = tpu.vector_load %arg7[%get3A_2988, %get3A_2989] {strides = array<i32>} : memref<8x256xf32, #tpu.memory_space<vmem>>, vector<1x16xf32>,
    %get3A_2991 = vector.shape_cast %get3A_2990 : vector<1x16xf32> to vector<16xf32>
    %gt3A_2992 = arith.cmpf ogt, %get3A_2991, %select_n3A_2986 : vector<16xf32>
    %jit3A_2993 = arith.constant 6 : i32
    %broadcast_in_dim3A_2994 = vector.broadcast %jit3A_2993 : i32 to vector<16xi32>
    %select_n3A_2995 = arith.select %gt3A_2992, %broadcast_in_dim3A_2994, %select_n3A_2985 : vector<16xi1>, vector<16xi32>
    %select_n3A_2996 = arith.select %gt3A_2992, %get3A_2991, %select_n3A_2986 : vector<16xi1>, vector<16xf32>
    %get3A_2997 = arith.constant 7 : i32
    %get3A_2998 = arith.index_cast %get3A_2997 : i32 to index
    %get3A_2999 = arith.constant 208 : index
    %get3A_3000 = tpu.vector_load %arg7[%get3A_2998, %get3A_2999] {strides = array<i32>} : memref<8x256xf32, #tpu.memory_space<vmem>>, vector<1x16xf32>,
    %get3A_3001 = vector.shape_cast %get3A_3000 : vector<1x16xf32> to vector<16xf32>
    %gt3A_3002 = arith.cmpf ogt, %get3A_3001, %select_n3A_2996 : vector<16xf32>
    %jit3A_3003 = arith.constant 7 : i32
    %broadcast_in_dim3A_3004 = vector.broadcast %jit3A_3003 : i32 to vector<16xi32>
    %select_n3A_3005 = arith.select %gt3A_3002, %broadcast_in_dim3A_3004, %select_n3A_2995 : vector<16xi1>, vector<16xi32>
    %select_n3A_3006 = arith.select %gt3A_3002, %get3A_3001, %select_n3A_2996 : vector<16xi1>, vector<16xf32>
    %mul3A_3007 = arith.constant 131072 : i32
    %mul3A_3008 = arith.muli %select_n3A, %mul3A_3007 : i32
    %add3A_3009 = arith.constant 208 : i32
    %add3A_3010 = arith.addi %mul3A_34, %add3A_3009 : i32
    %add3A_3011 = vector.broadcast %add3A_3010 : i32 to vector<16xi32>
    %add3A_3012 = arith.addi %add3A_3011, %iota3A : vector<16xi32>
    %mul3A_3013 = arith.constant 64 : i32
    %mul3A_3014 = vector.broadcast %mul3A_3013 : i32 to vector<16xi32>
    %mul3A_3015 = arith.muli %add3A_3012, %mul3A_3014 : vector<16xi32>
    %add3A_3016 = vector.broadcast %mul3A_3008 : i32 to vector<16xi32>
    %add3A_3017 = arith.addi %add3A_3016, %mul3A_3015 : vector<16xi32>
    %add3A_3018 = arith.addi %add3A_3017, %select_n3A_3005 : vector<16xi32>
    %broadcast_in_dim3A_3019 = vector.shape_cast %and3A_37 : vector<16xi32> to vector<16x1xi32>
    %gather3A_3020 = vector.shape_cast %broadcast_in_dim3A_3019 : vector<16x1xi32> to vector<16xi32>
    %gather3A_3021 = tpu.dynamic_gather %add3A_3018[%gather3A_3020] in [0] : vector<16xi32>, vector<16xi32> -> vector<16xi32>
    %broadcast_in_dim3A_3022 = vector.shape_cast %add3A_40 : vector<16xi32> to vector<16x1xi32>
    %gather3A_3023 = vector.shape_cast %broadcast_in_dim3A_3022 : vector<16x1xi32> to vector<16xi32>
    %gather3A_3024 = tpu.dynamic_gather %add3A_3018[%gather3A_3023] in [0] : vector<16xi32>, vector<16xi32> -> vector<16xi32>
    %add3A_3025 = arith.constant 0 : i32
    %add3A_3026 = vector.broadcast %add3A_3025 : i32 to vector<16xi32>
    %add3A_3027 = arith.addi %add3A_3026, %mul3A_45 : vector<16xi32>
    %add3A_3028 = arith.addi %gather3A_3021, %add3A_3027 : vector<16xi32>
    %swap3A_3029 = arith.constant 1 : i32
    %swap3A_3030 = arith.index_cast %swap3A_3029 : i32 to index
    %swap3A_3031 = arith.constant 0 : index
    %swap3A_3032 = tpu.vector_load %arg5[%swap3A_3030, %swap3A_3031] {strides = array<i32>} : memref<4x128xi32, #tpu.memory_space<vmem>>, vector<1x16xi32>,
    %swap3A_3033 = vector.shape_cast %swap3A_3032 : vector<1x16xi32> to vector<16xi32>
    %swap3A_3034 = vector.shape_cast %add3A_3028 : vector<16xi32> to vector<1x16xi32>
    tpu.vector_store %arg5[%swap3A_3030, %swap3A_3031], %swap3A_3034 {strides = array<i32>} : memref<4x128xi32, #tpu.memory_space<vmem>>, vector<1x16xi32>,
    %add3A_3035 = arith.constant 16 : i32
    %add3A_3036 = vector.broadcast %add3A_3035 : i32 to vector<16xi32>
    %add3A_3037 = arith.addi %add3A_3036, %mul3A_45 : vector<16xi32>
    %add3A_3038 = arith.addi %gather3A_3021, %add3A_3037 : vector<16xi32>
    %swap3A_3039 = arith.constant 1 : i32
    %swap3A_3040 = arith.index_cast %swap3A_3039 : i32 to index
    %swap3A_3041 = arith.constant 16 : index
    %swap3A_3042 = tpu.vector_load %arg5[%swap3A_3040, %swap3A_3041] {strides = array<i32>} : memref<4x128xi32, #tpu.memory_space<vmem>>, vector<1x16xi32>,
    %swap3A_3043 = vector.shape_cast %swap3A_3042 : vector<1x16xi32> to vector<16xi32>
    %swap3A_3044 = vector.shape_cast %add3A_3038 : vector<16xi32> to vector<1x16xi32>
    tpu.vector_store %arg5[%swap3A_3040, %swap3A_3041], %swap3A_3044 {strides = array<i32>} : memref<4x128xi32, #tpu.memory_space<vmem>>, vector<1x16xi32>,
    %add3A_3045 = arith.constant 32 : i32
    %add3A_3046 = vector.broadcast %add3A_3045 : i32 to vector<16xi32>
    %add3A_3047 = arith.addi %add3A_3046, %mul3A_45 : vector<16xi32>
    %add3A_3048 = arith.addi %gather3A_3021, %add3A_3047 : vector<16xi32>
    %swap3A_3049 = arith.constant 1 : i32
    %swap3A_3050 = arith.index_cast %swap3A_3049 : i32 to index
    %swap3A_3051 = arith.constant 32 : index
    %swap3A_3052 = tpu.vector_load %arg5[%swap3A_3050, %swap3A_3051] {strides = array<i32>} : memref<4x128xi32, #tpu.memory_space<vmem>>, vector<1x16xi32>,
    %swap3A_3053 = vector.shape_cast %swap3A_3052 : vector<1x16xi32> to vector<16xi32>
    %swap3A_3054 = vector.shape_cast %add3A_3048 : vector<16xi32> to vector<1x16xi32>
    tpu.vector_store %arg5[%swap3A_3050, %swap3A_3051], %swap3A_3054 {strides = array<i32>} : memref<4x128xi32, #tpu.memory_space<vmem>>, vector<1x16xi32>,
    %add3A_3055 = arith.constant 48 : i32
    %add3A_3056 = vector.broadcast %add3A_3055 : i32 to vector<16xi32>
    %add3A_3057 = arith.addi %add3A_3056, %mul3A_45 : vector<16xi32>
    %add3A_3058 = arith.addi %gather3A_3021, %add3A_3057 : vector<16xi32>
    %swap3A_3059 = arith.constant 1 : i32
    %swap3A_3060 = arith.index_cast %swap3A_3059 : i32 to index
    %swap3A_3061 = arith.constant 48 : index
    %swap3A_3062 = tpu.vector_load %arg5[%swap3A_3060, %swap3A_3061] {strides = array<i32>} : memref<4x128xi32, #tpu.memory_space<vmem>>, vector<1x16xi32>,
    %swap3A_3063 = vector.shape_cast %swap3A_3062 : vector<1x16xi32> to vector<16xi32>
    %swap3A_3064 = vector.shape_cast %add3A_3058 : vector<16xi32> to vector<1x16xi32>
    tpu.vector_store %arg5[%swap3A_3060, %swap3A_3061], %swap3A_3064 {strides = array<i32>} : memref<4x128xi32, #tpu.memory_space<vmem>>, vector<1x16xi32>,
    %add3A_3065 = arith.constant 0 : i32
    %add3A_3066 = vector.broadcast %add3A_3065 : i32 to vector<16xi32>
    %add3A_3067 = arith.addi %add3A_3066, %mul3A_45 : vector<16xi32>
    %add3A_3068 = arith.addi %gather3A_3024, %add3A_3067 : vector<16xi32>
    %swap3A_3069 = arith.constant 1 : i32
    %swap3A_3070 = arith.index_cast %swap3A_3069 : i32 to index
    %swap3A_3071 = arith.constant 64 : index
    %swap3A_3072 = tpu.vector_load %arg5[%swap3A_3070, %swap3A_3071] {strides = array<i32>} : memref<4x128xi32, #tpu.memory_space<vmem>>, vector<1x16xi32>,
    %swap3A_3073 = vector.shape_cast %swap3A_3072 : vector<1x16xi32> to vector<16xi32>
    %swap3A_3074 = vector.shape_cast %add3A_3068 : vector<16xi32> to vector<1x16xi32>
    tpu.vector_store %arg5[%swap3A_3070, %swap3A_3071], %swap3A_3074 {strides = array<i32>} : memref<4x128xi32, #tpu.memory_space<vmem>>, vector<1x16xi32>,
    %add3A_3075 = arith.constant 16 : i32
    %add3A_3076 = vector.broadcast %add3A_3075 : i32 to vector<16xi32>
    %add3A_3077 = arith.addi %add3A_3076, %mul3A_45 : vector<16xi32>
    %add3A_3078 = arith.addi %gather3A_3024, %add3A_3077 : vector<16xi32>
    %swap3A_3079 = arith.constant 1 : i32
    %swap3A_3080 = arith.index_cast %swap3A_3079 : i32 to index
    %swap3A_3081 = arith.constant 80 : index
    %swap3A_3082 = tpu.vector_load %arg5[%swap3A_3080, %swap3A_3081] {strides = array<i32>} : memref<4x128xi32, #tpu.memory_space<vmem>>, vector<1x16xi32>,
    %swap3A_3083 = vector.shape_cast %swap3A_3082 : vector<1x16xi32> to vector<16xi32>
    %swap3A_3084 = vector.shape_cast %add3A_3078 : vector<16xi32> to vector<1x16xi32>
    tpu.vector_store %arg5[%swap3A_3080, %swap3A_3081], %swap3A_3084 {strides = array<i32>} : memref<4x128xi32, #tpu.memory_space<vmem>>, vector<1x16xi32>,
    %add3A_3085 = arith.constant 32 : i32
    %add3A_3086 = vector.broadcast %add3A_3085 : i32 to vector<16xi32>
    %add3A_3087 = arith.addi %add3A_3086, %mul3A_45 : vector<16xi32>
    %add3A_3088 = arith.addi %gather3A_3024, %add3A_3087 : vector<16xi32>
    %swap3A_3089 = arith.constant 1 : i32
    %swap3A_3090 = arith.index_cast %swap3A_3089 : i32 to index
    %swap3A_3091 = arith.constant 96 : index
    %swap3A_3092 = tpu.vector_load %arg5[%swap3A_3090, %swap3A_3091] {strides = array<i32>} : memref<4x128xi32, #tpu.memory_space<vmem>>, vector<1x16xi32>,
    %swap3A_3093 = vector.shape_cast %swap3A_3092 : vector<1x16xi32> to vector<16xi32>
    %swap3A_3094 = vector.shape_cast %add3A_3088 : vector<16xi32> to vector<1x16xi32>
    tpu.vector_store %arg5[%swap3A_3090, %swap3A_3091], %swap3A_3094 {strides = array<i32>} : memref<4x128xi32, #tpu.memory_space<vmem>>, vector<1x16xi32>,
    %add3A_3095 = arith.constant 48 : i32
    %add3A_3096 = vector.broadcast %add3A_3095 : i32 to vector<16xi32>
    %add3A_3097 = arith.addi %add3A_3096, %mul3A_45 : vector<16xi32>
    %add3A_3098 = arith.addi %gather3A_3024, %add3A_3097 : vector<16xi32>
    %swap3A_3099 = arith.constant 1 : i32
    %swap3A_3100 = arith.index_cast %swap3A_3099 : i32 to index
    %swap3A_3101 = arith.constant 112 : index
    %swap3A_3102 = tpu.vector_load %arg5[%swap3A_3100, %swap3A_3101] {strides = array<i32>} : memref<4x128xi32, #tpu.memory_space<vmem>>, vector<1x16xi32>,
    %swap3A_3103 = vector.shape_cast %swap3A_3102 : vector<1x16xi32> to vector<16xi32>
    %swap3A_3104 = vector.shape_cast %add3A_3098 : vector<16xi32> to vector<1x16xi32>
    tpu.vector_store %arg5[%swap3A_3100, %swap3A_3101], %swap3A_3104 {strides = array<i32>} : memref<4x128xi32, #tpu.memory_space<vmem>>, vector<1x16xi32>,
    %dma_start3A_3105 = arith.constant 1 : i32
    %dma_start3A_3106 = arith.constant 1 : i32
    %dma_start3A_3107 = arith.constant 0 : i32
    %dma_start3A_3108 = arith.constant 0 : i32
    %dma_start3A_3109 = tpu.memref_slice %arg6[%dma_start3A_3106, %dma_start3A_3107, %dma_start3A_3108] : memref<4x128x128xf32, #tpu.memory_space<vmem>> -> memref<1x128x128xf32, #tpu.memory_space<vmem>>
    %dma_start3A_3110 = tpu.memref_squeeze %dma_start3A_3109 : memref<1x128x128xf32, #tpu.memory_space<vmem>> -> memref<128x128xf32, #tpu.memory_space<vmem>>
    %dma_start3A_3111 = arith.constant 0 : i32
    %dma_start3A_3112 = tpu.memref_slice %arg5[%dma_start3A_3105, %dma_start3A_3111] : memref<4x128xi32, #tpu.memory_space<vmem>> -> memref<1x128xi32, #tpu.memory_space<vmem>>
    %dma_start3A_3113 = tpu.memref_squeeze %dma_start3A_3112 : memref<1x128xi32, #tpu.memory_space<vmem>> -> memref<128xi32, #tpu.memory_space<vmem>>
    %dma_start3A_3114 = arith.constant 0 : i32
    %dma_start3A_3115 = arith.constant 0 : i32
    %dma_start3A_3116 = tpu.memref_slice %arg2[%dma_start3A_3114, %dma_start3A_3115] : memref<524288x128xf32, #tpu.memory_space<hbm>> -> memref<524288x128xf32, #tpu.memory_space<hbm>>
    tpu.enqueue_indirect_dma source(%dma_start3A_3116 : memref<524288x128xf32, #tpu.memory_space<hbm>>) target(%dma_start3A_3110 : memref<128x128xf32, #tpu.memory_space<vmem>>) offsets(%dma_start3A_3113 : memref<128xi32, #tpu.memory_space<vmem>>) semaphore(%arg8 : memref<!tpu.dma_semaphore, #tpu.memory_space<semaphore_mem>>)
    %dma_wait3A_3117 = arith.constant 2 : i32
    %dma_wait3A_3118 = arith.constant 2 : i32
    %dma_wait3A_3119 = arith.constant 0 : i32
    %dma_wait3A_3120 = arith.constant 0 : i32
    %dma_wait3A_3121 = tpu.memref_slice %arg6[%dma_wait3A_3118, %dma_wait3A_3119, %dma_wait3A_3120] : memref<4x128x128xf32, #tpu.memory_space<vmem>> -> memref<1x128x128xf32, #tpu.memory_space<vmem>>
    %dma_wait3A_3122 = tpu.memref_squeeze %dma_wait3A_3121 : memref<1x128x128xf32, #tpu.memory_space<vmem>> -> memref<128x128xf32, #tpu.memory_space<vmem>>
    %dma_wait3A_3123 = arith.constant 0 : i32
    %dma_wait3A_3124 = tpu.memref_slice %arg5[%dma_wait3A_3117, %dma_wait3A_3123] : memref<4x128xi32, #tpu.memory_space<vmem>> -> memref<1x128xi32, #tpu.memory_space<vmem>>
    %dma_wait3A_3125 = tpu.memref_squeeze %dma_wait3A_3124 : memref<1x128xi32, #tpu.memory_space<vmem>> -> memref<128xi32, #tpu.memory_space<vmem>>
    %dma_wait3A_3126 = arith.constant 0 : i32
    %dma_wait3A_3127 = arith.constant 0 : i32
    %dma_wait3A_3128 = tpu.memref_slice %arg2[%dma_wait3A_3126, %dma_wait3A_3127] : memref<524288x128xf32, #tpu.memory_space<hbm>> -> memref<524288x128xf32, #tpu.memory_space<hbm>>
    tpu.wait_indirect_dma semaphore(%arg8 : memref<!tpu.dma_semaphore, #tpu.memory_space<semaphore_mem>>) src(%dma_wait3A_3128 : memref<524288x128xf32, #tpu.memory_space<hbm>>) dst(%dma_wait3A_3122 : memref<128x128xf32, #tpu.memory_space<vmem>>)
    %mul3A_3129 = arith.constant 2048 : i32
    %mul3A_3130 = arith.muli %add3A, %mul3A_3129 : i32
    %add3A_3131 = arith.constant 1280 : i32
    %add3A_3132 = arith.addi %mul3A_3130, %add3A_3131 : i32
    %dma_start3A_3133 = arith.constant 2 : i32
    %dma_start3A_3134 = arith.constant 0 : i32
    %dma_start3A_3135 = arith.constant 0 : i32
    %dma_start3A_3136 = tpu.memref_slice %arg6[%dma_start3A_3133, %dma_start3A_3134, %dma_start3A_3135] : memref<4x128x128xf32, #tpu.memory_space<vmem>> -> memref<1x128x128xf32, #tpu.memory_space<vmem>>
    %dma_start3A_3137 = tpu.memref_squeeze %dma_start3A_3136 : memref<1x128x128xf32, #tpu.memory_space<vmem>> -> memref<128x128xf32, #tpu.memory_space<vmem>>
    %dma_start3A_3138 = arith.constant 0 : i32
    %dma_start3A_3139 = tpu.memref_slice %arg4[%add3A_3132, %dma_start3A_3138] : memref<65536x128xf32, #tpu.memory_space<hbm>> -> memref<128x128xf32, #tpu.memory_space<hbm>>
    %dma_start3A_3140 = arith.constant 0 : i32
    %dma_start3A_3141 = tpu.memref_slice %arg4[%add3A_3132, %dma_start3A_3140] : memref<65536x128xf32, #tpu.memory_space<hbm>> -> memref<128x128xf32, #tpu.memory_space<hbm>>
    %dma_start3A_3142 = arith.constant 0 : i32
    %dma_start3A_3143 = arith.constant 0 : i32
    %dma_start3A_3144 = tpu.memref_slice %arg6[%dma_start3A_3133, %dma_start3A_3142, %dma_start3A_3143] : memref<4x128x128xf32, #tpu.memory_space<vmem>> -> memref<1x128x128xf32, #tpu.memory_space<vmem>>
    %dma_start3A_3145 = tpu.memref_squeeze %dma_start3A_3144 : memref<1x128x128xf32, #tpu.memory_space<vmem>> -> memref<128x128xf32, #tpu.memory_space<vmem>>
    tpu.enqueue_dma source(%dma_start3A_3145 : memref<128x128xf32, #tpu.memory_space<vmem>>) target(%dma_start3A_3141 : memref<128x128xf32, #tpu.memory_space<hbm>>) target_semaphore(%arg9 : memref<!tpu.dma_semaphore, #tpu.memory_space<semaphore_mem>>)
    %mul3A_3146 = arith.constant 2048 : i32
    %mul3A_3147 = arith.muli %add3A, %mul3A_3146 : i32
    %add3A_3148 = arith.constant 1280 : i32
    %add3A_3149 = arith.addi %mul3A_3147, %add3A_3148 : i32
    %dma_wait3A_3150 = arith.constant 2 : i32
    %dma_wait3A_3151 = arith.constant 0 : i32
    %dma_wait3A_3152 = arith.constant 0 : i32
    %dma_wait3A_3153 = tpu.memref_slice %arg6[%dma_wait3A_3150, %dma_wait3A_3151, %dma_wait3A_3152] : memref<4x128x128xf32, #tpu.memory_space<vmem>> -> memref<1x128x128xf32, #tpu.memory_space<vmem>>
    %dma_wait3A_3154 = tpu.memref_squeeze %dma_wait3A_3153 : memref<1x128x128xf32, #tpu.memory_space<vmem>> -> memref<128x128xf32, #tpu.memory_space<vmem>>
    %dma_wait3A_3155 = arith.constant 0 : i32
    %dma_wait3A_3156 = tpu.memref_slice %arg4[%add3A_3149, %dma_wait3A_3155] : memref<65536x128xf32, #tpu.memory_space<hbm>> -> memref<128x128xf32, #tpu.memory_space<hbm>>
    %dma_wait3A_3157 = arith.constant 0 : i32
    %dma_wait3A_3158 = tpu.memref_slice %arg4[%add3A_3149, %dma_wait3A_3157] : memref<65536x128xf32, #tpu.memory_space<hbm>> -> memref<128x128xf32, #tpu.memory_space<hbm>>
    %dma_wait3A_3159 = arith.constant 0 : i32
    %dma_wait3A_3160 = arith.constant 0 : i32
    %dma_wait3A_3161 = tpu.memref_slice %arg6[%dma_wait3A_3150, %dma_wait3A_3159, %dma_wait3A_3160] : memref<4x128x128xf32, #tpu.memory_space<vmem>> -> memref<1x128x128xf32, #tpu.memory_space<vmem>>
    %dma_wait3A_3162 = tpu.memref_squeeze %dma_wait3A_3161 : memref<1x128x128xf32, #tpu.memory_space<vmem>> -> memref<128x128xf32, #tpu.memory_space<vmem>>
    tpu.wait_dma2 semaphore(%arg9 : memref<!tpu.dma_semaphore, #tpu.memory_space<semaphore_mem>>) src(%dma_wait3A_3162 : memref<128x128xf32, #tpu.memory_space<vmem>>) dst(%dma_wait3A_3158 : memref<128x128xf32, #tpu.memory_space<hbm>>)
    %get3A_3163 = arith.constant 0 : i32
    %get3A_3164 = arith.index_cast %get3A_3163 : i32 to index
    %get3A_3165 = arith.constant 224 : index
    %get3A_3166 = tpu.vector_load %arg7[%get3A_3164, %get3A_3165] {strides = array<i32>} : memref<8x256xf32, #tpu.memory_space<vmem>>, vector<1x16xf32>,
    %get3A_3167 = vector.shape_cast %get3A_3166 : vector<1x16xf32> to vector<16xf32>
    %broadcast_in_dim3A_3168 = arith.constant 0 : i32
    %broadcast_in_dim3A_3169 = vector.broadcast %broadcast_in_dim3A_3168 : i32 to vector<16xi32>
    %get3A_3170 = arith.constant 1 : i32
    %get3A_3171 = arith.index_cast %get3A_3170 : i32 to index
    %get3A_3172 = arith.constant 224 : index
    %get3A_3173 = tpu.vector_load %arg7[%get3A_3171, %get3A_3172] {strides = array<i32>} : memref<8x256xf32, #tpu.memory_space<vmem>>, vector<1x16xf32>,
    %get3A_3174 = vector.shape_cast %get3A_3173 : vector<1x16xf32> to vector<16xf32>
    %gt3A_3175 = arith.cmpf ogt, %get3A_3174, %get3A_3167 : vector<16xf32>
    %jit3A_3176 = arith.constant 1 : i32
    %broadcast_in_dim3A_3177 = vector.broadcast %jit3A_3176 : i32 to vector<16xi32>
    %select_n3A_3178 = arith.select %gt3A_3175, %broadcast_in_dim3A_3177, %broadcast_in_dim3A_3169 : vector<16xi1>, vector<16xi32>
    %select_n3A_3179 = arith.select %gt3A_3175, %get3A_3174, %get3A_3167 : vector<16xi1>, vector<16xf32>
    %get3A_3180 = arith.constant 2 : i32
    %get3A_3181 = arith.index_cast %get3A_3180 : i32 to index
    %get3A_3182 = arith.constant 224 : index
    %get3A_3183 = tpu.vector_load %arg7[%get3A_3181, %get3A_3182] {strides = array<i32>} : memref<8x256xf32, #tpu.memory_space<vmem>>, vector<1x16xf32>,
    %get3A_3184 = vector.shape_cast %get3A_3183 : vector<1x16xf32> to vector<16xf32>
    %gt3A_3185 = arith.cmpf ogt, %get3A_3184, %select_n3A_3179 : vector<16xf32>
    %jit3A_3186 = arith.constant 2 : i32
    %broadcast_in_dim3A_3187 = vector.broadcast %jit3A_3186 : i32 to vector<16xi32>
    %select_n3A_3188 = arith.select %gt3A_3185, %broadcast_in_dim3A_3187, %select_n3A_3178 : vector<16xi1>, vector<16xi32>
    %select_n3A_3189 = arith.select %gt3A_3185, %get3A_3184, %select_n3A_3179 : vector<16xi1>, vector<16xf32>
    %get3A_3190 = arith.constant 3 : i32
    %get3A_3191 = arith.index_cast %get3A_3190 : i32 to index
    %get3A_3192 = arith.constant 224 : index
    %get3A_3193 = tpu.vector_load %arg7[%get3A_3191, %get3A_3192] {strides = array<i32>} : memref<8x256xf32, #tpu.memory_space<vmem>>, vector<1x16xf32>,
    %get3A_3194 = vector.shape_cast %get3A_3193 : vector<1x16xf32> to vector<16xf32>
    %gt3A_3195 = arith.cmpf ogt, %get3A_3194, %select_n3A_3189 : vector<16xf32>
    %jit3A_3196 = arith.constant 3 : i32
    %broadcast_in_dim3A_3197 = vector.broadcast %jit3A_3196 : i32 to vector<16xi32>
    %select_n3A_3198 = arith.select %gt3A_3195, %broadcast_in_dim3A_3197, %select_n3A_3188 : vector<16xi1>, vector<16xi32>
    %select_n3A_3199 = arith.select %gt3A_3195, %get3A_3194, %select_n3A_3189 : vector<16xi1>, vector<16xf32>
    %get3A_3200 = arith.constant 4 : i32
    %get3A_3201 = arith.index_cast %get3A_3200 : i32 to index
    %get3A_3202 = arith.constant 224 : index
    %get3A_3203 = tpu.vector_load %arg7[%get3A_3201, %get3A_3202] {strides = array<i32>} : memref<8x256xf32, #tpu.memory_space<vmem>>, vector<1x16xf32>,
    %get3A_3204 = vector.shape_cast %get3A_3203 : vector<1x16xf32> to vector<16xf32>
    %gt3A_3205 = arith.cmpf ogt, %get3A_3204, %select_n3A_3199 : vector<16xf32>
    %jit3A_3206 = arith.constant 4 : i32
    %broadcast_in_dim3A_3207 = vector.broadcast %jit3A_3206 : i32 to vector<16xi32>
    %select_n3A_3208 = arith.select %gt3A_3205, %broadcast_in_dim3A_3207, %select_n3A_3198 : vector<16xi1>, vector<16xi32>
    %select_n3A_3209 = arith.select %gt3A_3205, %get3A_3204, %select_n3A_3199 : vector<16xi1>, vector<16xf32>
    %get3A_3210 = arith.constant 5 : i32
    %get3A_3211 = arith.index_cast %get3A_3210 : i32 to index
    %get3A_3212 = arith.constant 224 : index
    %get3A_3213 = tpu.vector_load %arg7[%get3A_3211, %get3A_3212] {strides = array<i32>} : memref<8x256xf32, #tpu.memory_space<vmem>>, vector<1x16xf32>,
    %get3A_3214 = vector.shape_cast %get3A_3213 : vector<1x16xf32> to vector<16xf32>
    %gt3A_3215 = arith.cmpf ogt, %get3A_3214, %select_n3A_3209 : vector<16xf32>
    %jit3A_3216 = arith.constant 5 : i32
    %broadcast_in_dim3A_3217 = vector.broadcast %jit3A_3216 : i32 to vector<16xi32>
    %select_n3A_3218 = arith.select %gt3A_3215, %broadcast_in_dim3A_3217, %select_n3A_3208 : vector<16xi1>, vector<16xi32>
    %select_n3A_3219 = arith.select %gt3A_3215, %get3A_3214, %select_n3A_3209 : vector<16xi1>, vector<16xf32>
    %get3A_3220 = arith.constant 6 : i32
    %get3A_3221 = arith.index_cast %get3A_3220 : i32 to index
    %get3A_3222 = arith.constant 224 : index
    %get3A_3223 = tpu.vector_load %arg7[%get3A_3221, %get3A_3222] {strides = array<i32>} : memref<8x256xf32, #tpu.memory_space<vmem>>, vector<1x16xf32>,
    %get3A_3224 = vector.shape_cast %get3A_3223 : vector<1x16xf32> to vector<16xf32>
    %gt3A_3225 = arith.cmpf ogt, %get3A_3224, %select_n3A_3219 : vector<16xf32>
    %jit3A_3226 = arith.constant 6 : i32
    %broadcast_in_dim3A_3227 = vector.broadcast %jit3A_3226 : i32 to vector<16xi32>
    %select_n3A_3228 = arith.select %gt3A_3225, %broadcast_in_dim3A_3227, %select_n3A_3218 : vector<16xi1>, vector<16xi32>
    %select_n3A_3229 = arith.select %gt3A_3225, %get3A_3224, %select_n3A_3219 : vector<16xi1>, vector<16xf32>
    %get3A_3230 = arith.constant 7 : i32
    %get3A_3231 = arith.index_cast %get3A_3230 : i32 to index
    %get3A_3232 = arith.constant 224 : index
    %get3A_3233 = tpu.vector_load %arg7[%get3A_3231, %get3A_3232] {strides = array<i32>} : memref<8x256xf32, #tpu.memory_space<vmem>>, vector<1x16xf32>,
    %get3A_3234 = vector.shape_cast %get3A_3233 : vector<1x16xf32> to vector<16xf32>
    %gt3A_3235 = arith.cmpf ogt, %get3A_3234, %select_n3A_3229 : vector<16xf32>
    %jit3A_3236 = arith.constant 7 : i32
    %broadcast_in_dim3A_3237 = vector.broadcast %jit3A_3236 : i32 to vector<16xi32>
    %select_n3A_3238 = arith.select %gt3A_3235, %broadcast_in_dim3A_3237, %select_n3A_3228 : vector<16xi1>, vector<16xi32>
    %select_n3A_3239 = arith.select %gt3A_3235, %get3A_3234, %select_n3A_3229 : vector<16xi1>, vector<16xf32>
    %mul3A_3240 = arith.constant 131072 : i32
    %mul3A_3241 = arith.muli %select_n3A, %mul3A_3240 : i32
    %add3A_3242 = arith.constant 224 : i32
    %add3A_3243 = arith.addi %mul3A_34, %add3A_3242 : i32
    %add3A_3244 = vector.broadcast %add3A_3243 : i32 to vector<16xi32>
    %add3A_3245 = arith.addi %add3A_3244, %iota3A : vector<16xi32>
    %mul3A_3246 = arith.constant 64 : i32
    %mul3A_3247 = vector.broadcast %mul3A_3246 : i32 to vector<16xi32>
    %mul3A_3248 = arith.muli %add3A_3245, %mul3A_3247 : vector<16xi32>
    %add3A_3249 = vector.broadcast %mul3A_3241 : i32 to vector<16xi32>
    %add3A_3250 = arith.addi %add3A_3249, %mul3A_3248 : vector<16xi32>
    %add3A_3251 = arith.addi %add3A_3250, %select_n3A_3238 : vector<16xi32>
    %broadcast_in_dim3A_3252 = vector.shape_cast %and3A_37 : vector<16xi32> to vector<16x1xi32>
    %gather3A_3253 = vector.shape_cast %broadcast_in_dim3A_3252 : vector<16x1xi32> to vector<16xi32>
    %gather3A_3254 = tpu.dynamic_gather %add3A_3251[%gather3A_3253] in [0] : vector<16xi32>, vector<16xi32> -> vector<16xi32>
    %broadcast_in_dim3A_3255 = vector.shape_cast %add3A_40 : vector<16xi32> to vector<16x1xi32>
    %gather3A_3256 = vector.shape_cast %broadcast_in_dim3A_3255 : vector<16x1xi32> to vector<16xi32>
    %gather3A_3257 = tpu.dynamic_gather %add3A_3251[%gather3A_3256] in [0] : vector<16xi32>, vector<16xi32> -> vector<16xi32>
    %add3A_3258 = arith.constant 0 : i32
    %add3A_3259 = vector.broadcast %add3A_3258 : i32 to vector<16xi32>
    %add3A_3260 = arith.addi %add3A_3259, %mul3A_45 : vector<16xi32>
    %add3A_3261 = arith.addi %gather3A_3254, %add3A_3260 : vector<16xi32>
    %swap3A_3262 = arith.constant 2 : i32
    %swap3A_3263 = arith.index_cast %swap3A_3262 : i32 to index
    %swap3A_3264 = arith.constant 0 : index
    %swap3A_3265 = tpu.vector_load %arg5[%swap3A_3263, %swap3A_3264] {strides = array<i32>} : memref<4x128xi32, #tpu.memory_space<vmem>>, vector<1x16xi32>,
    %swap3A_3266 = vector.shape_cast %swap3A_3265 : vector<1x16xi32> to vector<16xi32>
    %swap3A_3267 = vector.shape_cast %add3A_3261 : vector<16xi32> to vector<1x16xi32>
    tpu.vector_store %arg5[%swap3A_3263, %swap3A_3264], %swap3A_3267 {strides = array<i32>} : memref<4x128xi32, #tpu.memory_space<vmem>>, vector<1x16xi32>,
    %add3A_3268 = arith.constant 16 : i32
    %add3A_3269 = vector.broadcast %add3A_3268 : i32 to vector<16xi32>
    %add3A_3270 = arith.addi %add3A_3269, %mul3A_45 : vector<16xi32>
    %add3A_3271 = arith.addi %gather3A_3254, %add3A_3270 : vector<16xi32>
    %swap3A_3272 = arith.constant 2 : i32
    %swap3A_3273 = arith.index_cast %swap3A_3272 : i32 to index
    %swap3A_3274 = arith.constant 16 : index
    %swap3A_3275 = tpu.vector_load %arg5[%swap3A_3273, %swap3A_3274] {strides = array<i32>} : memref<4x128xi32, #tpu.memory_space<vmem>>, vector<1x16xi32>,
    %swap3A_3276 = vector.shape_cast %swap3A_3275 : vector<1x16xi32> to vector<16xi32>
    %swap3A_3277 = vector.shape_cast %add3A_3271 : vector<16xi32> to vector<1x16xi32>
    tpu.vector_store %arg5[%swap3A_3273, %swap3A_3274], %swap3A_3277 {strides = array<i32>} : memref<4x128xi32, #tpu.memory_space<vmem>>, vector<1x16xi32>,
    %add3A_3278 = arith.constant 32 : i32
    %add3A_3279 = vector.broadcast %add3A_3278 : i32 to vector<16xi32>
    %add3A_3280 = arith.addi %add3A_3279, %mul3A_45 : vector<16xi32>
    %add3A_3281 = arith.addi %gather3A_3254, %add3A_3280 : vector<16xi32>
    %swap3A_3282 = arith.constant 2 : i32
    %swap3A_3283 = arith.index_cast %swap3A_3282 : i32 to index
    %swap3A_3284 = arith.constant 32 : index
    %swap3A_3285 = tpu.vector_load %arg5[%swap3A_3283, %swap3A_3284] {strides = array<i32>} : memref<4x128xi32, #tpu.memory_space<vmem>>, vector<1x16xi32>,
    %swap3A_3286 = vector.shape_cast %swap3A_3285 : vector<1x16xi32> to vector<16xi32>
    %swap3A_3287 = vector.shape_cast %add3A_3281 : vector<16xi32> to vector<1x16xi32>
    tpu.vector_store %arg5[%swap3A_3283, %swap3A_3284], %swap3A_3287 {strides = array<i32>} : memref<4x128xi32, #tpu.memory_space<vmem>>, vector<1x16xi32>,
    %add3A_3288 = arith.constant 48 : i32
    %add3A_3289 = vector.broadcast %add3A_3288 : i32 to vector<16xi32>
    %add3A_3290 = arith.addi %add3A_3289, %mul3A_45 : vector<16xi32>
    %add3A_3291 = arith.addi %gather3A_3254, %add3A_3290 : vector<16xi32>
    %swap3A_3292 = arith.constant 2 : i32
    %swap3A_3293 = arith.index_cast %swap3A_3292 : i32 to index
    %swap3A_3294 = arith.constant 48 : index
    %swap3A_3295 = tpu.vector_load %arg5[%swap3A_3293, %swap3A_3294] {strides = array<i32>} : memref<4x128xi32, #tpu.memory_space<vmem>>, vector<1x16xi32>,
    %swap3A_3296 = vector.shape_cast %swap3A_3295 : vector<1x16xi32> to vector<16xi32>
    %swap3A_3297 = vector.shape_cast %add3A_3291 : vector<16xi32> to vector<1x16xi32>
    tpu.vector_store %arg5[%swap3A_3293, %swap3A_3294], %swap3A_3297 {strides = array<i32>} : memref<4x128xi32, #tpu.memory_space<vmem>>, vector<1x16xi32>,
    %add3A_3298 = arith.constant 0 : i32
    %add3A_3299 = vector.broadcast %add3A_3298 : i32 to vector<16xi32>
    %add3A_3300 = arith.addi %add3A_3299, %mul3A_45 : vector<16xi32>
    %add3A_3301 = arith.addi %gather3A_3257, %add3A_3300 : vector<16xi32>
    %swap3A_3302 = arith.constant 2 : i32
    %swap3A_3303 = arith.index_cast %swap3A_3302 : i32 to index
    %swap3A_3304 = arith.constant 64 : index
    %swap3A_3305 = tpu.vector_load %arg5[%swap3A_3303, %swap3A_3304] {strides = array<i32>} : memref<4x128xi32, #tpu.memory_space<vmem>>, vector<1x16xi32>,
    %swap3A_3306 = vector.shape_cast %swap3A_3305 : vector<1x16xi32> to vector<16xi32>
    %swap3A_3307 = vector.shape_cast %add3A_3301 : vector<16xi32> to vector<1x16xi32>
    tpu.vector_store %arg5[%swap3A_3303, %swap3A_3304], %swap3A_3307 {strides = array<i32>} : memref<4x128xi32, #tpu.memory_space<vmem>>, vector<1x16xi32>,
    %add3A_3308 = arith.constant 16 : i32
    %add3A_3309 = vector.broadcast %add3A_3308 : i32 to vector<16xi32>
    %add3A_3310 = arith.addi %add3A_3309, %mul3A_45 : vector<16xi32>
    %add3A_3311 = arith.addi %gather3A_3257, %add3A_3310 : vector<16xi32>
    %swap3A_3312 = arith.constant 2 : i32
    %swap3A_3313 = arith.index_cast %swap3A_3312 : i32 to index
    %swap3A_3314 = arith.constant 80 : index
    %swap3A_3315 = tpu.vector_load %arg5[%swap3A_3313, %swap3A_3314] {strides = array<i32>} : memref<4x128xi32, #tpu.memory_space<vmem>>, vector<1x16xi32>,
    %swap3A_3316 = vector.shape_cast %swap3A_3315 : vector<1x16xi32> to vector<16xi32>
    %swap3A_3317 = vector.shape_cast %add3A_3311 : vector<16xi32> to vector<1x16xi32>
    tpu.vector_store %arg5[%swap3A_3313, %swap3A_3314], %swap3A_3317 {strides = array<i32>} : memref<4x128xi32, #tpu.memory_space<vmem>>, vector<1x16xi32>,
    %add3A_3318 = arith.constant 32 : i32
    %add3A_3319 = vector.broadcast %add3A_3318 : i32 to vector<16xi32>
    %add3A_3320 = arith.addi %add3A_3319, %mul3A_45 : vector<16xi32>
    %add3A_3321 = arith.addi %gather3A_3257, %add3A_3320 : vector<16xi32>
    %swap3A_3322 = arith.constant 2 : i32
    %swap3A_3323 = arith.index_cast %swap3A_3322 : i32 to index
    %swap3A_3324 = arith.constant 96 : index
    %swap3A_3325 = tpu.vector_load %arg5[%swap3A_3323, %swap3A_3324] {strides = array<i32>} : memref<4x128xi32, #tpu.memory_space<vmem>>, vector<1x16xi32>,
    %swap3A_3326 = vector.shape_cast %swap3A_3325 : vector<1x16xi32> to vector<16xi32>
    %swap3A_3327 = vector.shape_cast %add3A_3321 : vector<16xi32> to vector<1x16xi32>
    tpu.vector_store %arg5[%swap3A_3323, %swap3A_3324], %swap3A_3327 {strides = array<i32>} : memref<4x128xi32, #tpu.memory_space<vmem>>, vector<1x16xi32>,
    %add3A_3328 = arith.constant 48 : i32
    %add3A_3329 = vector.broadcast %add3A_3328 : i32 to vector<16xi32>
    %add3A_3330 = arith.addi %add3A_3329, %mul3A_45 : vector<16xi32>
    %add3A_3331 = arith.addi %gather3A_3257, %add3A_3330 : vector<16xi32>
    %swap3A_3332 = arith.constant 2 : i32
    %swap3A_3333 = arith.index_cast %swap3A_3332 : i32 to index
    %swap3A_3334 = arith.constant 112 : index
    %swap3A_3335 = tpu.vector_load %arg5[%swap3A_3333, %swap3A_3334] {strides = array<i32>} : memref<4x128xi32, #tpu.memory_space<vmem>>, vector<1x16xi32>,
    %swap3A_3336 = vector.shape_cast %swap3A_3335 : vector<1x16xi32> to vector<16xi32>
    %swap3A_3337 = vector.shape_cast %add3A_3331 : vector<16xi32> to vector<1x16xi32>
    tpu.vector_store %arg5[%swap3A_3333, %swap3A_3334], %swap3A_3337 {strides = array<i32>} : memref<4x128xi32, #tpu.memory_space<vmem>>, vector<1x16xi32>,
    %dma_start3A_3338 = arith.constant 2 : i32
    %dma_start3A_3339 = arith.constant 2 : i32
    %dma_start3A_3340 = arith.constant 0 : i32
    %dma_start3A_3341 = arith.constant 0 : i32
    %dma_start3A_3342 = tpu.memref_slice %arg6[%dma_start3A_3339, %dma_start3A_3340, %dma_start3A_3341] : memref<4x128x128xf32, #tpu.memory_space<vmem>> -> memref<1x128x128xf32, #tpu.memory_space<vmem>>
    %dma_start3A_3343 = tpu.memref_squeeze %dma_start3A_3342 : memref<1x128x128xf32, #tpu.memory_space<vmem>> -> memref<128x128xf32, #tpu.memory_space<vmem>>
    %dma_start3A_3344 = arith.constant 0 : i32
    %dma_start3A_3345 = tpu.memref_slice %arg5[%dma_start3A_3338, %dma_start3A_3344] : memref<4x128xi32, #tpu.memory_space<vmem>> -> memref<1x128xi32, #tpu.memory_space<vmem>>
    %dma_start3A_3346 = tpu.memref_squeeze %dma_start3A_3345 : memref<1x128xi32, #tpu.memory_space<vmem>> -> memref<128xi32, #tpu.memory_space<vmem>>
    %dma_start3A_3347 = arith.constant 0 : i32
    %dma_start3A_3348 = arith.constant 0 : i32
    %dma_start3A_3349 = tpu.memref_slice %arg2[%dma_start3A_3347, %dma_start3A_3348] : memref<524288x128xf32, #tpu.memory_space<hbm>> -> memref<524288x128xf32, #tpu.memory_space<hbm>>
    tpu.enqueue_indirect_dma source(%dma_start3A_3349 : memref<524288x128xf32, #tpu.memory_space<hbm>>) target(%dma_start3A_3343 : memref<128x128xf32, #tpu.memory_space<vmem>>) offsets(%dma_start3A_3346 : memref<128xi32, #tpu.memory_space<vmem>>) semaphore(%arg8 : memref<!tpu.dma_semaphore, #tpu.memory_space<semaphore_mem>>)
    %dma_wait3A_3350 = arith.constant 3 : i32
    %dma_wait3A_3351 = arith.constant 3 : i32
    %dma_wait3A_3352 = arith.constant 0 : i32
    %dma_wait3A_3353 = arith.constant 0 : i32
    %dma_wait3A_3354 = tpu.memref_slice %arg6[%dma_wait3A_3351, %dma_wait3A_3352, %dma_wait3A_3353] : memref<4x128x128xf32, #tpu.memory_space<vmem>> -> memref<1x128x128xf32, #tpu.memory_space<vmem>>
    %dma_wait3A_3355 = tpu.memref_squeeze %dma_wait3A_3354 : memref<1x128x128xf32, #tpu.memory_space<vmem>> -> memref<128x128xf32, #tpu.memory_space<vmem>>
    %dma_wait3A_3356 = arith.constant 0 : i32
    %dma_wait3A_3357 = tpu.memref_slice %arg5[%dma_wait3A_3350, %dma_wait3A_3356] : memref<4x128xi32, #tpu.memory_space<vmem>> -> memref<1x128xi32, #tpu.memory_space<vmem>>
    %dma_wait3A_3358 = tpu.memref_squeeze %dma_wait3A_3357 : memref<1x128xi32, #tpu.memory_space<vmem>> -> memref<128xi32, #tpu.memory_space<vmem>>
    %dma_wait3A_3359 = arith.constant 0 : i32
    %dma_wait3A_3360 = arith.constant 0 : i32
    %dma_wait3A_3361 = tpu.memref_slice %arg2[%dma_wait3A_3359, %dma_wait3A_3360] : memref<524288x128xf32, #tpu.memory_space<hbm>> -> memref<524288x128xf32, #tpu.memory_space<hbm>>
    tpu.wait_indirect_dma semaphore(%arg8 : memref<!tpu.dma_semaphore, #tpu.memory_space<semaphore_mem>>) src(%dma_wait3A_3361 : memref<524288x128xf32, #tpu.memory_space<hbm>>) dst(%dma_wait3A_3355 : memref<128x128xf32, #tpu.memory_space<vmem>>)
    %mul3A_3362 = arith.constant 2048 : i32
    %mul3A_3363 = arith.muli %add3A, %mul3A_3362 : i32
    %add3A_3364 = arith.constant 1408 : i32
    %add3A_3365 = arith.addi %mul3A_3363, %add3A_3364 : i32
    %dma_start3A_3366 = arith.constant 3 : i32
    %dma_start3A_3367 = arith.constant 0 : i32
    %dma_start3A_3368 = arith.constant 0 : i32
    %dma_start3A_3369 = tpu.memref_slice %arg6[%dma_start3A_3366, %dma_start3A_3367, %dma_start3A_3368] : memref<4x128x128xf32, #tpu.memory_space<vmem>> -> memref<1x128x128xf32, #tpu.memory_space<vmem>>
    %dma_start3A_3370 = tpu.memref_squeeze %dma_start3A_3369 : memref<1x128x128xf32, #tpu.memory_space<vmem>> -> memref<128x128xf32, #tpu.memory_space<vmem>>
    %dma_start3A_3371 = arith.constant 0 : i32
    %dma_start3A_3372 = tpu.memref_slice %arg4[%add3A_3365, %dma_start3A_3371] : memref<65536x128xf32, #tpu.memory_space<hbm>> -> memref<128x128xf32, #tpu.memory_space<hbm>>
    %dma_start3A_3373 = arith.constant 0 : i32
    %dma_start3A_3374 = tpu.memref_slice %arg4[%add3A_3365, %dma_start3A_3373] : memref<65536x128xf32, #tpu.memory_space<hbm>> -> memref<128x128xf32, #tpu.memory_space<hbm>>
    %dma_start3A_3375 = arith.constant 0 : i32
    %dma_start3A_3376 = arith.constant 0 : i32
    %dma_start3A_3377 = tpu.memref_slice %arg6[%dma_start3A_3366, %dma_start3A_3375, %dma_start3A_3376] : memref<4x128x128xf32, #tpu.memory_space<vmem>> -> memref<1x128x128xf32, #tpu.memory_space<vmem>>
    %dma_start3A_3378 = tpu.memref_squeeze %dma_start3A_3377 : memref<1x128x128xf32, #tpu.memory_space<vmem>> -> memref<128x128xf32, #tpu.memory_space<vmem>>
    tpu.enqueue_dma source(%dma_start3A_3378 : memref<128x128xf32, #tpu.memory_space<vmem>>) target(%dma_start3A_3374 : memref<128x128xf32, #tpu.memory_space<hbm>>) target_semaphore(%arg9 : memref<!tpu.dma_semaphore, #tpu.memory_space<semaphore_mem>>)
    %mul3A_3379 = arith.constant 2048 : i32
    %mul3A_3380 = arith.muli %add3A, %mul3A_3379 : i32
    %add3A_3381 = arith.constant 1408 : i32
    %add3A_3382 = arith.addi %mul3A_3380, %add3A_3381 : i32
    %dma_wait3A_3383 = arith.constant 3 : i32
    %dma_wait3A_3384 = arith.constant 0 : i32
    %dma_wait3A_3385 = arith.constant 0 : i32
    %dma_wait3A_3386 = tpu.memref_slice %arg6[%dma_wait3A_3383, %dma_wait3A_3384, %dma_wait3A_3385] : memref<4x128x128xf32, #tpu.memory_space<vmem>> -> memref<1x128x128xf32, #tpu.memory_space<vmem>>
    %dma_wait3A_3387 = tpu.memref_squeeze %dma_wait3A_3386 : memref<1x128x128xf32, #tpu.memory_space<vmem>> -> memref<128x128xf32, #tpu.memory_space<vmem>>
    %dma_wait3A_3388 = arith.constant 0 : i32
    %dma_wait3A_3389 = tpu.memref_slice %arg4[%add3A_3382, %dma_wait3A_3388] : memref<65536x128xf32, #tpu.memory_space<hbm>> -> memref<128x128xf32, #tpu.memory_space<hbm>>
    %dma_wait3A_3390 = arith.constant 0 : i32
    %dma_wait3A_3391 = tpu.memref_slice %arg4[%add3A_3382, %dma_wait3A_3390] : memref<65536x128xf32, #tpu.memory_space<hbm>> -> memref<128x128xf32, #tpu.memory_space<hbm>>
    %dma_wait3A_3392 = arith.constant 0 : i32
    %dma_wait3A_3393 = arith.constant 0 : i32
    %dma_wait3A_3394 = tpu.memref_slice %arg6[%dma_wait3A_3383, %dma_wait3A_3392, %dma_wait3A_3393] : memref<4x128x128xf32, #tpu.memory_space<vmem>> -> memref<1x128x128xf32, #tpu.memory_space<vmem>>
    %dma_wait3A_3395 = tpu.memref_squeeze %dma_wait3A_3394 : memref<1x128x128xf32, #tpu.memory_space<vmem>> -> memref<128x128xf32, #tpu.memory_space<vmem>>
    tpu.wait_dma2 semaphore(%arg9 : memref<!tpu.dma_semaphore, #tpu.memory_space<semaphore_mem>>) src(%dma_wait3A_3395 : memref<128x128xf32, #tpu.memory_space<vmem>>) dst(%dma_wait3A_3391 : memref<128x128xf32, #tpu.memory_space<hbm>>)
    %get3A_3396 = arith.constant 0 : i32
    %get3A_3397 = arith.index_cast %get3A_3396 : i32 to index
    %get3A_3398 = arith.constant 240 : index
    %get3A_3399 = tpu.vector_load %arg7[%get3A_3397, %get3A_3398] {strides = array<i32>} : memref<8x256xf32, #tpu.memory_space<vmem>>, vector<1x16xf32>,
    %get3A_3400 = vector.shape_cast %get3A_3399 : vector<1x16xf32> to vector<16xf32>
    %broadcast_in_dim3A_3401 = arith.constant 0 : i32
    %broadcast_in_dim3A_3402 = vector.broadcast %broadcast_in_dim3A_3401 : i32 to vector<16xi32>
    %get3A_3403 = arith.constant 1 : i32
    %get3A_3404 = arith.index_cast %get3A_3403 : i32 to index
    %get3A_3405 = arith.constant 240 : index
    %get3A_3406 = tpu.vector_load %arg7[%get3A_3404, %get3A_3405] {strides = array<i32>} : memref<8x256xf32, #tpu.memory_space<vmem>>, vector<1x16xf32>,
    %get3A_3407 = vector.shape_cast %get3A_3406 : vector<1x16xf32> to vector<16xf32>
    %gt3A_3408 = arith.cmpf ogt, %get3A_3407, %get3A_3400 : vector<16xf32>
    %jit3A_3409 = arith.constant 1 : i32
    %broadcast_in_dim3A_3410 = vector.broadcast %jit3A_3409 : i32 to vector<16xi32>
    %select_n3A_3411 = arith.select %gt3A_3408, %broadcast_in_dim3A_3410, %broadcast_in_dim3A_3402 : vector<16xi1>, vector<16xi32>
    %select_n3A_3412 = arith.select %gt3A_3408, %get3A_3407, %get3A_3400 : vector<16xi1>, vector<16xf32>
    %get3A_3413 = arith.constant 2 : i32
    %get3A_3414 = arith.index_cast %get3A_3413 : i32 to index
    %get3A_3415 = arith.constant 240 : index
    %get3A_3416 = tpu.vector_load %arg7[%get3A_3414, %get3A_3415] {strides = array<i32>} : memref<8x256xf32, #tpu.memory_space<vmem>>, vector<1x16xf32>,
    %get3A_3417 = vector.shape_cast %get3A_3416 : vector<1x16xf32> to vector<16xf32>
    %gt3A_3418 = arith.cmpf ogt, %get3A_3417, %select_n3A_3412 : vector<16xf32>
    %jit3A_3419 = arith.constant 2 : i32
    %broadcast_in_dim3A_3420 = vector.broadcast %jit3A_3419 : i32 to vector<16xi32>
    %select_n3A_3421 = arith.select %gt3A_3418, %broadcast_in_dim3A_3420, %select_n3A_3411 : vector<16xi1>, vector<16xi32>
    %select_n3A_3422 = arith.select %gt3A_3418, %get3A_3417, %select_n3A_3412 : vector<16xi1>, vector<16xf32>
    %get3A_3423 = arith.constant 3 : i32
    %get3A_3424 = arith.index_cast %get3A_3423 : i32 to index
    %get3A_3425 = arith.constant 240 : index
    %get3A_3426 = tpu.vector_load %arg7[%get3A_3424, %get3A_3425] {strides = array<i32>} : memref<8x256xf32, #tpu.memory_space<vmem>>, vector<1x16xf32>,
    %get3A_3427 = vector.shape_cast %get3A_3426 : vector<1x16xf32> to vector<16xf32>
    %gt3A_3428 = arith.cmpf ogt, %get3A_3427, %select_n3A_3422 : vector<16xf32>
    %jit3A_3429 = arith.constant 3 : i32
    %broadcast_in_dim3A_3430 = vector.broadcast %jit3A_3429 : i32 to vector<16xi32>
    %select_n3A_3431 = arith.select %gt3A_3428, %broadcast_in_dim3A_3430, %select_n3A_3421 : vector<16xi1>, vector<16xi32>
    %select_n3A_3432 = arith.select %gt3A_3428, %get3A_3427, %select_n3A_3422 : vector<16xi1>, vector<16xf32>
    %get3A_3433 = arith.constant 4 : i32
    %get3A_3434 = arith.index_cast %get3A_3433 : i32 to index
    %get3A_3435 = arith.constant 240 : index
    %get3A_3436 = tpu.vector_load %arg7[%get3A_3434, %get3A_3435] {strides = array<i32>} : memref<8x256xf32, #tpu.memory_space<vmem>>, vector<1x16xf32>,
    %get3A_3437 = vector.shape_cast %get3A_3436 : vector<1x16xf32> to vector<16xf32>
    %gt3A_3438 = arith.cmpf ogt, %get3A_3437, %select_n3A_3432 : vector<16xf32>
    %jit3A_3439 = arith.constant 4 : i32
    %broadcast_in_dim3A_3440 = vector.broadcast %jit3A_3439 : i32 to vector<16xi32>
    %select_n3A_3441 = arith.select %gt3A_3438, %broadcast_in_dim3A_3440, %select_n3A_3431 : vector<16xi1>, vector<16xi32>
    %select_n3A_3442 = arith.select %gt3A_3438, %get3A_3437, %select_n3A_3432 : vector<16xi1>, vector<16xf32>
    %get3A_3443 = arith.constant 5 : i32
    %get3A_3444 = arith.index_cast %get3A_3443 : i32 to index
    %get3A_3445 = arith.constant 240 : index
    %get3A_3446 = tpu.vector_load %arg7[%get3A_3444, %get3A_3445] {strides = array<i32>} : memref<8x256xf32, #tpu.memory_space<vmem>>, vector<1x16xf32>,
    %get3A_3447 = vector.shape_cast %get3A_3446 : vector<1x16xf32> to vector<16xf32>
    %gt3A_3448 = arith.cmpf ogt, %get3A_3447, %select_n3A_3442 : vector<16xf32>
    %jit3A_3449 = arith.constant 5 : i32
    %broadcast_in_dim3A_3450 = vector.broadcast %jit3A_3449 : i32 to vector<16xi32>
    %select_n3A_3451 = arith.select %gt3A_3448, %broadcast_in_dim3A_3450, %select_n3A_3441 : vector<16xi1>, vector<16xi32>
    %select_n3A_3452 = arith.select %gt3A_3448, %get3A_3447, %select_n3A_3442 : vector<16xi1>, vector<16xf32>
    %get3A_3453 = arith.constant 6 : i32
    %get3A_3454 = arith.index_cast %get3A_3453 : i32 to index
    %get3A_3455 = arith.constant 240 : index
    %get3A_3456 = tpu.vector_load %arg7[%get3A_3454, %get3A_3455] {strides = array<i32>} : memref<8x256xf32, #tpu.memory_space<vmem>>, vector<1x16xf32>,
    %get3A_3457 = vector.shape_cast %get3A_3456 : vector<1x16xf32> to vector<16xf32>
    %gt3A_3458 = arith.cmpf ogt, %get3A_3457, %select_n3A_3452 : vector<16xf32>
    %jit3A_3459 = arith.constant 6 : i32
    %broadcast_in_dim3A_3460 = vector.broadcast %jit3A_3459 : i32 to vector<16xi32>
    %select_n3A_3461 = arith.select %gt3A_3458, %broadcast_in_dim3A_3460, %select_n3A_3451 : vector<16xi1>, vector<16xi32>
    %select_n3A_3462 = arith.select %gt3A_3458, %get3A_3457, %select_n3A_3452 : vector<16xi1>, vector<16xf32>
    %get3A_3463 = arith.constant 7 : i32
    %get3A_3464 = arith.index_cast %get3A_3463 : i32 to index
    %get3A_3465 = arith.constant 240 : index
    %get3A_3466 = tpu.vector_load %arg7[%get3A_3464, %get3A_3465] {strides = array<i32>} : memref<8x256xf32, #tpu.memory_space<vmem>>, vector<1x16xf32>,
    %get3A_3467 = vector.shape_cast %get3A_3466 : vector<1x16xf32> to vector<16xf32>
    %gt3A_3468 = arith.cmpf ogt, %get3A_3467, %select_n3A_3462 : vector<16xf32>
    %jit3A_3469 = arith.constant 7 : i32
    %broadcast_in_dim3A_3470 = vector.broadcast %jit3A_3469 : i32 to vector<16xi32>
    %select_n3A_3471 = arith.select %gt3A_3468, %broadcast_in_dim3A_3470, %select_n3A_3461 : vector<16xi1>, vector<16xi32>
    %select_n3A_3472 = arith.select %gt3A_3468, %get3A_3467, %select_n3A_3462 : vector<16xi1>, vector<16xf32>
    %mul3A_3473 = arith.constant 131072 : i32
    %mul3A_3474 = arith.muli %select_n3A, %mul3A_3473 : i32
    %add3A_3475 = arith.constant 240 : i32
    %add3A_3476 = arith.addi %mul3A_34, %add3A_3475 : i32
    %add3A_3477 = vector.broadcast %add3A_3476 : i32 to vector<16xi32>
    %add3A_3478 = arith.addi %add3A_3477, %iota3A : vector<16xi32>
    %mul3A_3479 = arith.constant 64 : i32
    %mul3A_3480 = vector.broadcast %mul3A_3479 : i32 to vector<16xi32>
    %mul3A_3481 = arith.muli %add3A_3478, %mul3A_3480 : vector<16xi32>
    %add3A_3482 = vector.broadcast %mul3A_3474 : i32 to vector<16xi32>
    %add3A_3483 = arith.addi %add3A_3482, %mul3A_3481 : vector<16xi32>
    %add3A_3484 = arith.addi %add3A_3483, %select_n3A_3471 : vector<16xi32>
    %broadcast_in_dim3A_3485 = vector.shape_cast %and3A_37 : vector<16xi32> to vector<16x1xi32>
    %gather3A_3486 = vector.shape_cast %broadcast_in_dim3A_3485 : vector<16x1xi32> to vector<16xi32>
    %gather3A_3487 = tpu.dynamic_gather %add3A_3484[%gather3A_3486] in [0] : vector<16xi32>, vector<16xi32> -> vector<16xi32>
    %broadcast_in_dim3A_3488 = vector.shape_cast %add3A_40 : vector<16xi32> to vector<16x1xi32>
    %gather3A_3489 = vector.shape_cast %broadcast_in_dim3A_3488 : vector<16x1xi32> to vector<16xi32>
    %gather3A_3490 = tpu.dynamic_gather %add3A_3484[%gather3A_3489] in [0] : vector<16xi32>, vector<16xi32> -> vector<16xi32>
    %add3A_3491 = arith.constant 0 : i32
    %add3A_3492 = vector.broadcast %add3A_3491 : i32 to vector<16xi32>
    %add3A_3493 = arith.addi %add3A_3492, %mul3A_45 : vector<16xi32>
    %add3A_3494 = arith.addi %gather3A_3487, %add3A_3493 : vector<16xi32>
    %swap3A_3495 = arith.constant 3 : i32
    %swap3A_3496 = arith.index_cast %swap3A_3495 : i32 to index
    %swap3A_3497 = arith.constant 0 : index
    %swap3A_3498 = tpu.vector_load %arg5[%swap3A_3496, %swap3A_3497] {strides = array<i32>} : memref<4x128xi32, #tpu.memory_space<vmem>>, vector<1x16xi32>,
    %swap3A_3499 = vector.shape_cast %swap3A_3498 : vector<1x16xi32> to vector<16xi32>
    %swap3A_3500 = vector.shape_cast %add3A_3494 : vector<16xi32> to vector<1x16xi32>
    tpu.vector_store %arg5[%swap3A_3496, %swap3A_3497], %swap3A_3500 {strides = array<i32>} : memref<4x128xi32, #tpu.memory_space<vmem>>, vector<1x16xi32>,
    %add3A_3501 = arith.constant 16 : i32
    %add3A_3502 = vector.broadcast %add3A_3501 : i32 to vector<16xi32>
    %add3A_3503 = arith.addi %add3A_3502, %mul3A_45 : vector<16xi32>
    %add3A_3504 = arith.addi %gather3A_3487, %add3A_3503 : vector<16xi32>
    %swap3A_3505 = arith.constant 3 : i32
    %swap3A_3506 = arith.index_cast %swap3A_3505 : i32 to index
    %swap3A_3507 = arith.constant 16 : index
    %swap3A_3508 = tpu.vector_load %arg5[%swap3A_3506, %swap3A_3507] {strides = array<i32>} : memref<4x128xi32, #tpu.memory_space<vmem>>, vector<1x16xi32>,
    %swap3A_3509 = vector.shape_cast %swap3A_3508 : vector<1x16xi32> to vector<16xi32>
    %swap3A_3510 = vector.shape_cast %add3A_3504 : vector<16xi32> to vector<1x16xi32>
    tpu.vector_store %arg5[%swap3A_3506, %swap3A_3507], %swap3A_3510 {strides = array<i32>} : memref<4x128xi32, #tpu.memory_space<vmem>>, vector<1x16xi32>,
    %add3A_3511 = arith.constant 32 : i32
    %add3A_3512 = vector.broadcast %add3A_3511 : i32 to vector<16xi32>
    %add3A_3513 = arith.addi %add3A_3512, %mul3A_45 : vector<16xi32>
    %add3A_3514 = arith.addi %gather3A_3487, %add3A_3513 : vector<16xi32>
    %swap3A_3515 = arith.constant 3 : i32
    %swap3A_3516 = arith.index_cast %swap3A_3515 : i32 to index
    %swap3A_3517 = arith.constant 32 : index
    %swap3A_3518 = tpu.vector_load %arg5[%swap3A_3516, %swap3A_3517] {strides = array<i32>} : memref<4x128xi32, #tpu.memory_space<vmem>>, vector<1x16xi32>,
    %swap3A_3519 = vector.shape_cast %swap3A_3518 : vector<1x16xi32> to vector<16xi32>
    %swap3A_3520 = vector.shape_cast %add3A_3514 : vector<16xi32> to vector<1x16xi32>
    tpu.vector_store %arg5[%swap3A_3516, %swap3A_3517], %swap3A_3520 {strides = array<i32>} : memref<4x128xi32, #tpu.memory_space<vmem>>, vector<1x16xi32>,
    %add3A_3521 = arith.constant 48 : i32
    %add3A_3522 = vector.broadcast %add3A_3521 : i32 to vector<16xi32>
    %add3A_3523 = arith.addi %add3A_3522, %mul3A_45 : vector<16xi32>
    %add3A_3524 = arith.addi %gather3A_3487, %add3A_3523 : vector<16xi32>
    %swap3A_3525 = arith.constant 3 : i32
    %swap3A_3526 = arith.index_cast %swap3A_3525 : i32 to index
    %swap3A_3527 = arith.constant 48 : index
    %swap3A_3528 = tpu.vector_load %arg5[%swap3A_3526, %swap3A_3527] {strides = array<i32>} : memref<4x128xi32, #tpu.memory_space<vmem>>, vector<1x16xi32>,
    %swap3A_3529 = vector.shape_cast %swap3A_3528 : vector<1x16xi32> to vector<16xi32>
    %swap3A_3530 = vector.shape_cast %add3A_3524 : vector<16xi32> to vector<1x16xi32>
    tpu.vector_store %arg5[%swap3A_3526, %swap3A_3527], %swap3A_3530 {strides = array<i32>} : memref<4x128xi32, #tpu.memory_space<vmem>>, vector<1x16xi32>,
    %add3A_3531 = arith.constant 0 : i32
    %add3A_3532 = vector.broadcast %add3A_3531 : i32 to vector<16xi32>
    %add3A_3533 = arith.addi %add3A_3532, %mul3A_45 : vector<16xi32>
    %add3A_3534 = arith.addi %gather3A_3490, %add3A_3533 : vector<16xi32>
    %swap3A_3535 = arith.constant 3 : i32
    %swap3A_3536 = arith.index_cast %swap3A_3535 : i32 to index
    %swap3A_3537 = arith.constant 64 : index
    %swap3A_3538 = tpu.vector_load %arg5[%swap3A_3536, %swap3A_3537] {strides = array<i32>} : memref<4x128xi32, #tpu.memory_space<vmem>>, vector<1x16xi32>,
    %swap3A_3539 = vector.shape_cast %swap3A_3538 : vector<1x16xi32> to vector<16xi32>
    %swap3A_3540 = vector.shape_cast %add3A_3534 : vector<16xi32> to vector<1x16xi32>
    tpu.vector_store %arg5[%swap3A_3536, %swap3A_3537], %swap3A_3540 {strides = array<i32>} : memref<4x128xi32, #tpu.memory_space<vmem>>, vector<1x16xi32>,
    %add3A_3541 = arith.constant 16 : i32
    %add3A_3542 = vector.broadcast %add3A_3541 : i32 to vector<16xi32>
    %add3A_3543 = arith.addi %add3A_3542, %mul3A_45 : vector<16xi32>
    %add3A_3544 = arith.addi %gather3A_3490, %add3A_3543 : vector<16xi32>
    %swap3A_3545 = arith.constant 3 : i32
    %swap3A_3546 = arith.index_cast %swap3A_3545 : i32 to index
    %swap3A_3547 = arith.constant 80 : index
    %swap3A_3548 = tpu.vector_load %arg5[%swap3A_3546, %swap3A_3547] {strides = array<i32>} : memref<4x128xi32, #tpu.memory_space<vmem>>, vector<1x16xi32>,
    %swap3A_3549 = vector.shape_cast %swap3A_3548 : vector<1x16xi32> to vector<16xi32>
    %swap3A_3550 = vector.shape_cast %add3A_3544 : vector<16xi32> to vector<1x16xi32>
    tpu.vector_store %arg5[%swap3A_3546, %swap3A_3547], %swap3A_3550 {strides = array<i32>} : memref<4x128xi32, #tpu.memory_space<vmem>>, vector<1x16xi32>,
    %add3A_3551 = arith.constant 32 : i32
    %add3A_3552 = vector.broadcast %add3A_3551 : i32 to vector<16xi32>
    %add3A_3553 = arith.addi %add3A_3552, %mul3A_45 : vector<16xi32>
    %add3A_3554 = arith.addi %gather3A_3490, %add3A_3553 : vector<16xi32>
    %swap3A_3555 = arith.constant 3 : i32
    %swap3A_3556 = arith.index_cast %swap3A_3555 : i32 to index
    %swap3A_3557 = arith.constant 96 : index
    %swap3A_3558 = tpu.vector_load %arg5[%swap3A_3556, %swap3A_3557] {strides = array<i32>} : memref<4x128xi32, #tpu.memory_space<vmem>>, vector<1x16xi32>,
    %swap3A_3559 = vector.shape_cast %swap3A_3558 : vector<1x16xi32> to vector<16xi32>
    %swap3A_3560 = vector.shape_cast %add3A_3554 : vector<16xi32> to vector<1x16xi32>
    tpu.vector_store %arg5[%swap3A_3556, %swap3A_3557], %swap3A_3560 {strides = array<i32>} : memref<4x128xi32, #tpu.memory_space<vmem>>, vector<1x16xi32>,
    %add3A_3561 = arith.constant 48 : i32
    %add3A_3562 = vector.broadcast %add3A_3561 : i32 to vector<16xi32>
    %add3A_3563 = arith.addi %add3A_3562, %mul3A_45 : vector<16xi32>
    %add3A_3564 = arith.addi %gather3A_3490, %add3A_3563 : vector<16xi32>
    %swap3A_3565 = arith.constant 3 : i32
    %swap3A_3566 = arith.index_cast %swap3A_3565 : i32 to index
    %swap3A_3567 = arith.constant 112 : index
    %swap3A_3568 = tpu.vector_load %arg5[%swap3A_3566, %swap3A_3567] {strides = array<i32>} : memref<4x128xi32, #tpu.memory_space<vmem>>, vector<1x16xi32>,
    %swap3A_3569 = vector.shape_cast %swap3A_3568 : vector<1x16xi32> to vector<16xi32>
    %swap3A_3570 = vector.shape_cast %add3A_3564 : vector<16xi32> to vector<1x16xi32>
    tpu.vector_store %arg5[%swap3A_3566, %swap3A_3567], %swap3A_3570 {strides = array<i32>} : memref<4x128xi32, #tpu.memory_space<vmem>>, vector<1x16xi32>,
    %dma_start3A_3571 = arith.constant 3 : i32
    %dma_start3A_3572 = arith.constant 3 : i32
    %dma_start3A_3573 = arith.constant 0 : i32
    %dma_start3A_3574 = arith.constant 0 : i32
    %dma_start3A_3575 = tpu.memref_slice %arg6[%dma_start3A_3572, %dma_start3A_3573, %dma_start3A_3574] : memref<4x128x128xf32, #tpu.memory_space<vmem>> -> memref<1x128x128xf32, #tpu.memory_space<vmem>>
    %dma_start3A_3576 = tpu.memref_squeeze %dma_start3A_3575 : memref<1x128x128xf32, #tpu.memory_space<vmem>> -> memref<128x128xf32, #tpu.memory_space<vmem>>
    %dma_start3A_3577 = arith.constant 0 : i32
    %dma_start3A_3578 = tpu.memref_slice %arg5[%dma_start3A_3571, %dma_start3A_3577] : memref<4x128xi32, #tpu.memory_space<vmem>> -> memref<1x128xi32, #tpu.memory_space<vmem>>
    %dma_start3A_3579 = tpu.memref_squeeze %dma_start3A_3578 : memref<1x128xi32, #tpu.memory_space<vmem>> -> memref<128xi32, #tpu.memory_space<vmem>>
    %dma_start3A_3580 = arith.constant 0 : i32
    %dma_start3A_3581 = arith.constant 0 : i32
    %dma_start3A_3582 = tpu.memref_slice %arg2[%dma_start3A_3580, %dma_start3A_3581] : memref<524288x128xf32, #tpu.memory_space<hbm>> -> memref<524288x128xf32, #tpu.memory_space<hbm>>
    tpu.enqueue_indirect_dma source(%dma_start3A_3582 : memref<524288x128xf32, #tpu.memory_space<hbm>>) target(%dma_start3A_3576 : memref<128x128xf32, #tpu.memory_space<vmem>>) offsets(%dma_start3A_3579 : memref<128xi32, #tpu.memory_space<vmem>>) semaphore(%arg8 : memref<!tpu.dma_semaphore, #tpu.memory_space<semaphore_mem>>)
    %dma_wait3A_3583 = arith.constant 0 : i32
    %dma_wait3A_3584 = arith.constant 0 : i32
    %dma_wait3A_3585 = arith.constant 0 : i32
    %dma_wait3A_3586 = arith.constant 0 : i32
    %dma_wait3A_3587 = tpu.memref_slice %arg6[%dma_wait3A_3584, %dma_wait3A_3585, %dma_wait3A_3586] : memref<4x128x128xf32, #tpu.memory_space<vmem>> -> memref<1x128x128xf32, #tpu.memory_space<vmem>>
    %dma_wait3A_3588 = tpu.memref_squeeze %dma_wait3A_3587 : memref<1x128x128xf32, #tpu.memory_space<vmem>> -> memref<128x128xf32, #tpu.memory_space<vmem>>
    %dma_wait3A_3589 = arith.constant 0 : i32
    %dma_wait3A_3590 = tpu.memref_slice %arg5[%dma_wait3A_3583, %dma_wait3A_3589] : memref<4x128xi32, #tpu.memory_space<vmem>> -> memref<1x128xi32, #tpu.memory_space<vmem>>
    %dma_wait3A_3591 = tpu.memref_squeeze %dma_wait3A_3590 : memref<1x128xi32, #tpu.memory_space<vmem>> -> memref<128xi32, #tpu.memory_space<vmem>>
    %dma_wait3A_3592 = arith.constant 0 : i32
    %dma_wait3A_3593 = arith.constant 0 : i32
    %dma_wait3A_3594 = tpu.memref_slice %arg2[%dma_wait3A_3592, %dma_wait3A_3593] : memref<524288x128xf32, #tpu.memory_space<hbm>> -> memref<524288x128xf32, #tpu.memory_space<hbm>>
    tpu.wait_indirect_dma semaphore(%arg8 : memref<!tpu.dma_semaphore, #tpu.memory_space<semaphore_mem>>) src(%dma_wait3A_3594 : memref<524288x128xf32, #tpu.memory_space<hbm>>) dst(%dma_wait3A_3588 : memref<128x128xf32, #tpu.memory_space<vmem>>)
    %mul3A_3595 = arith.constant 2048 : i32
    %mul3A_3596 = arith.muli %add3A, %mul3A_3595 : i32
    %add3A_3597 = arith.constant 1536 : i32
    %add3A_3598 = arith.addi %mul3A_3596, %add3A_3597 : i32
    %dma_start3A_3599 = arith.constant 0 : i32
    %dma_start3A_3600 = arith.constant 0 : i32
    %dma_start3A_3601 = arith.constant 0 : i32
    %dma_start3A_3602 = tpu.memref_slice %arg6[%dma_start3A_3599, %dma_start3A_3600, %dma_start3A_3601] : memref<4x128x128xf32, #tpu.memory_space<vmem>> -> memref<1x128x128xf32, #tpu.memory_space<vmem>>
    %dma_start3A_3603 = tpu.memref_squeeze %dma_start3A_3602 : memref<1x128x128xf32, #tpu.memory_space<vmem>> -> memref<128x128xf32, #tpu.memory_space<vmem>>
    %dma_start3A_3604 = arith.constant 0 : i32
    %dma_start3A_3605 = tpu.memref_slice %arg4[%add3A_3598, %dma_start3A_3604] : memref<65536x128xf32, #tpu.memory_space<hbm>> -> memref<128x128xf32, #tpu.memory_space<hbm>>
    %dma_start3A_3606 = arith.constant 0 : i32
    %dma_start3A_3607 = tpu.memref_slice %arg4[%add3A_3598, %dma_start3A_3606] : memref<65536x128xf32, #tpu.memory_space<hbm>> -> memref<128x128xf32, #tpu.memory_space<hbm>>
    %dma_start3A_3608 = arith.constant 0 : i32
    %dma_start3A_3609 = arith.constant 0 : i32
    %dma_start3A_3610 = tpu.memref_slice %arg6[%dma_start3A_3599, %dma_start3A_3608, %dma_start3A_3609] : memref<4x128x128xf32, #tpu.memory_space<vmem>> -> memref<1x128x128xf32, #tpu.memory_space<vmem>>
    %dma_start3A_3611 = tpu.memref_squeeze %dma_start3A_3610 : memref<1x128x128xf32, #tpu.memory_space<vmem>> -> memref<128x128xf32, #tpu.memory_space<vmem>>
    tpu.enqueue_dma source(%dma_start3A_3611 : memref<128x128xf32, #tpu.memory_space<vmem>>) target(%dma_start3A_3607 : memref<128x128xf32, #tpu.memory_space<hbm>>) target_semaphore(%arg9 : memref<!tpu.dma_semaphore, #tpu.memory_space<semaphore_mem>>)
    %dma_wait3A_3612 = arith.constant 1 : i32
    %dma_wait3A_3613 = arith.constant 1 : i32
    %dma_wait3A_3614 = arith.constant 0 : i32
    %dma_wait3A_3615 = arith.constant 0 : i32
    %dma_wait3A_3616 = tpu.memref_slice %arg6[%dma_wait3A_3613, %dma_wait3A_3614, %dma_wait3A_3615] : memref<4x128x128xf32, #tpu.memory_space<vmem>> -> memref<1x128x128xf32, #tpu.memory_space<vmem>>
    %dma_wait3A_3617 = tpu.memref_squeeze %dma_wait3A_3616 : memref<1x128x128xf32, #tpu.memory_space<vmem>> -> memref<128x128xf32, #tpu.memory_space<vmem>>
    %dma_wait3A_3618 = arith.constant 0 : i32
    %dma_wait3A_3619 = tpu.memref_slice %arg5[%dma_wait3A_3612, %dma_wait3A_3618] : memref<4x128xi32, #tpu.memory_space<vmem>> -> memref<1x128xi32, #tpu.memory_space<vmem>>
    %dma_wait3A_3620 = tpu.memref_squeeze %dma_wait3A_3619 : memref<1x128xi32, #tpu.memory_space<vmem>> -> memref<128xi32, #tpu.memory_space<vmem>>
    %dma_wait3A_3621 = arith.constant 0 : i32
    %dma_wait3A_3622 = arith.constant 0 : i32
    %dma_wait3A_3623 = tpu.memref_slice %arg2[%dma_wait3A_3621, %dma_wait3A_3622] : memref<524288x128xf32, #tpu.memory_space<hbm>> -> memref<524288x128xf32, #tpu.memory_space<hbm>>
    tpu.wait_indirect_dma semaphore(%arg8 : memref<!tpu.dma_semaphore, #tpu.memory_space<semaphore_mem>>) src(%dma_wait3A_3623 : memref<524288x128xf32, #tpu.memory_space<hbm>>) dst(%dma_wait3A_3617 : memref<128x128xf32, #tpu.memory_space<vmem>>)
    %mul3A_3624 = arith.constant 2048 : i32
    %mul3A_3625 = arith.muli %add3A, %mul3A_3624 : i32
    %add3A_3626 = arith.constant 1664 : i32
    %add3A_3627 = arith.addi %mul3A_3625, %add3A_3626 : i32
    %dma_start3A_3628 = arith.constant 1 : i32
    %dma_start3A_3629 = arith.constant 0 : i32
    %dma_start3A_3630 = arith.constant 0 : i32
    %dma_start3A_3631 = tpu.memref_slice %arg6[%dma_start3A_3628, %dma_start3A_3629, %dma_start3A_3630] : memref<4x128x128xf32, #tpu.memory_space<vmem>> -> memref<1x128x128xf32, #tpu.memory_space<vmem>>
    %dma_start3A_3632 = tpu.memref_squeeze %dma_start3A_3631 : memref<1x128x128xf32, #tpu.memory_space<vmem>> -> memref<128x128xf32, #tpu.memory_space<vmem>>
    %dma_start3A_3633 = arith.constant 0 : i32
    %dma_start3A_3634 = tpu.memref_slice %arg4[%add3A_3627, %dma_start3A_3633] : memref<65536x128xf32, #tpu.memory_space<hbm>> -> memref<128x128xf32, #tpu.memory_space<hbm>>
    %dma_start3A_3635 = arith.constant 0 : i32
    %dma_start3A_3636 = tpu.memref_slice %arg4[%add3A_3627, %dma_start3A_3635] : memref<65536x128xf32, #tpu.memory_space<hbm>> -> memref<128x128xf32, #tpu.memory_space<hbm>>
    %dma_start3A_3637 = arith.constant 0 : i32
    %dma_start3A_3638 = arith.constant 0 : i32
    %dma_start3A_3639 = tpu.memref_slice %arg6[%dma_start3A_3628, %dma_start3A_3637, %dma_start3A_3638] : memref<4x128x128xf32, #tpu.memory_space<vmem>> -> memref<1x128x128xf32, #tpu.memory_space<vmem>>
    %dma_start3A_3640 = tpu.memref_squeeze %dma_start3A_3639 : memref<1x128x128xf32, #tpu.memory_space<vmem>> -> memref<128x128xf32, #tpu.memory_space<vmem>>
    tpu.enqueue_dma source(%dma_start3A_3640 : memref<128x128xf32, #tpu.memory_space<vmem>>) target(%dma_start3A_3636 : memref<128x128xf32, #tpu.memory_space<hbm>>) target_semaphore(%arg9 : memref<!tpu.dma_semaphore, #tpu.memory_space<semaphore_mem>>)
    %dma_wait3A_3641 = arith.constant 2 : i32
    %dma_wait3A_3642 = arith.constant 2 : i32
    %dma_wait3A_3643 = arith.constant 0 : i32
    %dma_wait3A_3644 = arith.constant 0 : i32
    %dma_wait3A_3645 = tpu.memref_slice %arg6[%dma_wait3A_3642, %dma_wait3A_3643, %dma_wait3A_3644] : memref<4x128x128xf32, #tpu.memory_space<vmem>> -> memref<1x128x128xf32, #tpu.memory_space<vmem>>
    %dma_wait3A_3646 = tpu.memref_squeeze %dma_wait3A_3645 : memref<1x128x128xf32, #tpu.memory_space<vmem>> -> memref<128x128xf32, #tpu.memory_space<vmem>>
    %dma_wait3A_3647 = arith.constant 0 : i32
    %dma_wait3A_3648 = tpu.memref_slice %arg5[%dma_wait3A_3641, %dma_wait3A_3647] : memref<4x128xi32, #tpu.memory_space<vmem>> -> memref<1x128xi32, #tpu.memory_space<vmem>>
    %dma_wait3A_3649 = tpu.memref_squeeze %dma_wait3A_3648 : memref<1x128xi32, #tpu.memory_space<vmem>> -> memref<128xi32, #tpu.memory_space<vmem>>
    %dma_wait3A_3650 = arith.constant 0 : i32
    %dma_wait3A_3651 = arith.constant 0 : i32
    %dma_wait3A_3652 = tpu.memref_slice %arg2[%dma_wait3A_3650, %dma_wait3A_3651] : memref<524288x128xf32, #tpu.memory_space<hbm>> -> memref<524288x128xf32, #tpu.memory_space<hbm>>
    tpu.wait_indirect_dma semaphore(%arg8 : memref<!tpu.dma_semaphore, #tpu.memory_space<semaphore_mem>>) src(%dma_wait3A_3652 : memref<524288x128xf32, #tpu.memory_space<hbm>>) dst(%dma_wait3A_3646 : memref<128x128xf32, #tpu.memory_space<vmem>>)
    %mul3A_3653 = arith.constant 2048 : i32
    %mul3A_3654 = arith.muli %add3A, %mul3A_3653 : i32
    %add3A_3655 = arith.constant 1792 : i32
    %add3A_3656 = arith.addi %mul3A_3654, %add3A_3655 : i32
    %dma_start3A_3657 = arith.constant 2 : i32
    %dma_start3A_3658 = arith.constant 0 : i32
    %dma_start3A_3659 = arith.constant 0 : i32
    %dma_start3A_3660 = tpu.memref_slice %arg6[%dma_start3A_3657, %dma_start3A_3658, %dma_start3A_3659] : memref<4x128x128xf32, #tpu.memory_space<vmem>> -> memref<1x128x128xf32, #tpu.memory_space<vmem>>
    %dma_start3A_3661 = tpu.memref_squeeze %dma_start3A_3660 : memref<1x128x128xf32, #tpu.memory_space<vmem>> -> memref<128x128xf32, #tpu.memory_space<vmem>>
    %dma_start3A_3662 = arith.constant 0 : i32
    %dma_start3A_3663 = tpu.memref_slice %arg4[%add3A_3656, %dma_start3A_3662] : memref<65536x128xf32, #tpu.memory_space<hbm>> -> memref<128x128xf32, #tpu.memory_space<hbm>>
    %dma_start3A_3664 = arith.constant 0 : i32
    %dma_start3A_3665 = tpu.memref_slice %arg4[%add3A_3656, %dma_start3A_3664] : memref<65536x128xf32, #tpu.memory_space<hbm>> -> memref<128x128xf32, #tpu.memory_space<hbm>>
    %dma_start3A_3666 = arith.constant 0 : i32
    %dma_start3A_3667 = arith.constant 0 : i32
    %dma_start3A_3668 = tpu.memref_slice %arg6[%dma_start3A_3657, %dma_start3A_3666, %dma_start3A_3667] : memref<4x128x128xf32, #tpu.memory_space<vmem>> -> memref<1x128x128xf32, #tpu.memory_space<vmem>>
    %dma_start3A_3669 = tpu.memref_squeeze %dma_start3A_3668 : memref<1x128x128xf32, #tpu.memory_space<vmem>> -> memref<128x128xf32, #tpu.memory_space<vmem>>
    tpu.enqueue_dma source(%dma_start3A_3669 : memref<128x128xf32, #tpu.memory_space<vmem>>) target(%dma_start3A_3665 : memref<128x128xf32, #tpu.memory_space<hbm>>) target_semaphore(%arg9 : memref<!tpu.dma_semaphore, #tpu.memory_space<semaphore_mem>>)
    %dma_wait3A_3670 = arith.constant 3 : i32
    %dma_wait3A_3671 = arith.constant 3 : i32
    %dma_wait3A_3672 = arith.constant 0 : i32
    %dma_wait3A_3673 = arith.constant 0 : i32
    %dma_wait3A_3674 = tpu.memref_slice %arg6[%dma_wait3A_3671, %dma_wait3A_3672, %dma_wait3A_3673] : memref<4x128x128xf32, #tpu.memory_space<vmem>> -> memref<1x128x128xf32, #tpu.memory_space<vmem>>
    %dma_wait3A_3675 = tpu.memref_squeeze %dma_wait3A_3674 : memref<1x128x128xf32, #tpu.memory_space<vmem>> -> memref<128x128xf32, #tpu.memory_space<vmem>>
    %dma_wait3A_3676 = arith.constant 0 : i32
    %dma_wait3A_3677 = tpu.memref_slice %arg5[%dma_wait3A_3670, %dma_wait3A_3676] : memref<4x128xi32, #tpu.memory_space<vmem>> -> memref<1x128xi32, #tpu.memory_space<vmem>>
    %dma_wait3A_3678 = tpu.memref_squeeze %dma_wait3A_3677 : memref<1x128xi32, #tpu.memory_space<vmem>> -> memref<128xi32, #tpu.memory_space<vmem>>
    %dma_wait3A_3679 = arith.constant 0 : i32
    %dma_wait3A_3680 = arith.constant 0 : i32
    %dma_wait3A_3681 = tpu.memref_slice %arg2[%dma_wait3A_3679, %dma_wait3A_3680] : memref<524288x128xf32, #tpu.memory_space<hbm>> -> memref<524288x128xf32, #tpu.memory_space<hbm>>
    tpu.wait_indirect_dma semaphore(%arg8 : memref<!tpu.dma_semaphore, #tpu.memory_space<semaphore_mem>>) src(%dma_wait3A_3681 : memref<524288x128xf32, #tpu.memory_space<hbm>>) dst(%dma_wait3A_3675 : memref<128x128xf32, #tpu.memory_space<vmem>>)
    %mul3A_3682 = arith.constant 2048 : i32
    %mul3A_3683 = arith.muli %add3A, %mul3A_3682 : i32
    %add3A_3684 = arith.constant 1920 : i32
    %add3A_3685 = arith.addi %mul3A_3683, %add3A_3684 : i32
    %dma_start3A_3686 = arith.constant 3 : i32
    %dma_start3A_3687 = arith.constant 0 : i32
    %dma_start3A_3688 = arith.constant 0 : i32
    %dma_start3A_3689 = tpu.memref_slice %arg6[%dma_start3A_3686, %dma_start3A_3687, %dma_start3A_3688] : memref<4x128x128xf32, #tpu.memory_space<vmem>> -> memref<1x128x128xf32, #tpu.memory_space<vmem>>
    %dma_start3A_3690 = tpu.memref_squeeze %dma_start3A_3689 : memref<1x128x128xf32, #tpu.memory_space<vmem>> -> memref<128x128xf32, #tpu.memory_space<vmem>>
    %dma_start3A_3691 = arith.constant 0 : i32
    %dma_start3A_3692 = tpu.memref_slice %arg4[%add3A_3685, %dma_start3A_3691] : memref<65536x128xf32, #tpu.memory_space<hbm>> -> memref<128x128xf32, #tpu.memory_space<hbm>>
    %dma_start3A_3693 = arith.constant 0 : i32
    %dma_start3A_3694 = tpu.memref_slice %arg4[%add3A_3685, %dma_start3A_3693] : memref<65536x128xf32, #tpu.memory_space<hbm>> -> memref<128x128xf32, #tpu.memory_space<hbm>>
    %dma_start3A_3695 = arith.constant 0 : i32
    %dma_start3A_3696 = arith.constant 0 : i32
    %dma_start3A_3697 = tpu.memref_slice %arg6[%dma_start3A_3686, %dma_start3A_3695, %dma_start3A_3696] : memref<4x128x128xf32, #tpu.memory_space<vmem>> -> memref<1x128x128xf32, #tpu.memory_space<vmem>>
    %dma_start3A_3698 = tpu.memref_squeeze %dma_start3A_3697 : memref<1x128x128xf32, #tpu.memory_space<vmem>> -> memref<128x128xf32, #tpu.memory_space<vmem>>
    tpu.enqueue_dma source(%dma_start3A_3698 : memref<128x128xf32, #tpu.memory_space<vmem>>) target(%dma_start3A_3694 : memref<128x128xf32, #tpu.memory_space<hbm>>) target_semaphore(%arg9 : memref<!tpu.dma_semaphore, #tpu.memory_space<semaphore_mem>>)
    %mul3A_3699 = arith.constant 2048 : i32
    %mul3A_3700 = arith.muli %add3A, %mul3A_3699 : i32
    %add3A_3701 = arith.constant 1536 : i32
    %add3A_3702 = arith.addi %mul3A_3700, %add3A_3701 : i32
    %dma_wait3A_3703 = arith.constant 0 : i32
    %dma_wait3A_3704 = arith.constant 0 : i32
    %dma_wait3A_3705 = arith.constant 0 : i32
    %dma_wait3A_3706 = tpu.memref_slice %arg6[%dma_wait3A_3703, %dma_wait3A_3704, %dma_wait3A_3705] : memref<4x128x128xf32, #tpu.memory_space<vmem>> -> memref<1x128x128xf32, #tpu.memory_space<vmem>>
    %dma_wait3A_3707 = tpu.memref_squeeze %dma_wait3A_3706 : memref<1x128x128xf32, #tpu.memory_space<vmem>> -> memref<128x128xf32, #tpu.memory_space<vmem>>
    %dma_wait3A_3708 = arith.constant 0 : i32
    %dma_wait3A_3709 = tpu.memref_slice %arg4[%add3A_3702, %dma_wait3A_3708] : memref<65536x128xf32, #tpu.memory_space<hbm>> -> memref<128x128xf32, #tpu.memory_space<hbm>>
    %dma_wait3A_3710 = arith.constant 0 : i32
    %dma_wait3A_3711 = tpu.memref_slice %arg4[%add3A_3702, %dma_wait3A_3710] : memref<65536x128xf32, #tpu.memory_space<hbm>> -> memref<128x128xf32, #tpu.memory_space<hbm>>
    %dma_wait3A_3712 = arith.constant 0 : i32
    %dma_wait3A_3713 = arith.constant 0 : i32
    %dma_wait3A_3714 = tpu.memref_slice %arg6[%dma_wait3A_3703, %dma_wait3A_3712, %dma_wait3A_3713] : memref<4x128x128xf32, #tpu.memory_space<vmem>> -> memref<1x128x128xf32, #tpu.memory_space<vmem>>
    %dma_wait3A_3715 = tpu.memref_squeeze %dma_wait3A_3714 : memref<1x128x128xf32, #tpu.memory_space<vmem>> -> memref<128x128xf32, #tpu.memory_space<vmem>>
    tpu.wait_dma2 semaphore(%arg9 : memref<!tpu.dma_semaphore, #tpu.memory_space<semaphore_mem>>) src(%dma_wait3A_3715 : memref<128x128xf32, #tpu.memory_space<vmem>>) dst(%dma_wait3A_3711 : memref<128x128xf32, #tpu.memory_space<hbm>>)
    %mul3A_3716 = arith.constant 2048 : i32
    %mul3A_3717 = arith.muli %add3A, %mul3A_3716 : i32
    %add3A_3718 = arith.constant 1664 : i32
    %add3A_3719 = arith.addi %mul3A_3717, %add3A_3718 : i32
    %dma_wait3A_3720 = arith.constant 1 : i32
    %dma_wait3A_3721 = arith.constant 0 : i32
    %dma_wait3A_3722 = arith.constant 0 : i32
    %dma_wait3A_3723 = tpu.memref_slice %arg6[%dma_wait3A_3720, %dma_wait3A_3721, %dma_wait3A_3722] : memref<4x128x128xf32, #tpu.memory_space<vmem>> -> memref<1x128x128xf32, #tpu.memory_space<vmem>>
    %dma_wait3A_3724 = tpu.memref_squeeze %dma_wait3A_3723 : memref<1x128x128xf32, #tpu.memory_space<vmem>> -> memref<128x128xf32, #tpu.memory_space<vmem>>
    %dma_wait3A_3725 = arith.constant 0 : i32
    %dma_wait3A_3726 = tpu.memref_slice %arg4[%add3A_3719, %dma_wait3A_3725] : memref<65536x128xf32, #tpu.memory_space<hbm>> -> memref<128x128xf32, #tpu.memory_space<hbm>>
    %dma_wait3A_3727 = arith.constant 0 : i32
    %dma_wait3A_3728 = tpu.memref_slice %arg4[%add3A_3719, %dma_wait3A_3727] : memref<65536x128xf32, #tpu.memory_space<hbm>> -> memref<128x128xf32, #tpu.memory_space<hbm>>
    %dma_wait3A_3729 = arith.constant 0 : i32
    %dma_wait3A_3730 = arith.constant 0 : i32
    %dma_wait3A_3731 = tpu.memref_slice %arg6[%dma_wait3A_3720, %dma_wait3A_3729, %dma_wait3A_3730] : memref<4x128x128xf32, #tpu.memory_space<vmem>> -> memref<1x128x128xf32, #tpu.memory_space<vmem>>
    %dma_wait3A_3732 = tpu.memref_squeeze %dma_wait3A_3731 : memref<1x128x128xf32, #tpu.memory_space<vmem>> -> memref<128x128xf32, #tpu.memory_space<vmem>>
    tpu.wait_dma2 semaphore(%arg9 : memref<!tpu.dma_semaphore, #tpu.memory_space<semaphore_mem>>) src(%dma_wait3A_3732 : memref<128x128xf32, #tpu.memory_space<vmem>>) dst(%dma_wait3A_3728 : memref<128x128xf32, #tpu.memory_space<hbm>>)
    %mul3A_3733 = arith.constant 2048 : i32
    %mul3A_3734 = arith.muli %add3A, %mul3A_3733 : i32
    %add3A_3735 = arith.constant 1792 : i32
    %add3A_3736 = arith.addi %mul3A_3734, %add3A_3735 : i32
    %dma_wait3A_3737 = arith.constant 2 : i32
    %dma_wait3A_3738 = arith.constant 0 : i32
    %dma_wait3A_3739 = arith.constant 0 : i32
    %dma_wait3A_3740 = tpu.memref_slice %arg6[%dma_wait3A_3737, %dma_wait3A_3738, %dma_wait3A_3739] : memref<4x128x128xf32, #tpu.memory_space<vmem>> -> memref<1x128x128xf32, #tpu.memory_space<vmem>>
    %dma_wait3A_3741 = tpu.memref_squeeze %dma_wait3A_3740 : memref<1x128x128xf32, #tpu.memory_space<vmem>> -> memref<128x128xf32, #tpu.memory_space<vmem>>
    %dma_wait3A_3742 = arith.constant 0 : i32
    %dma_wait3A_3743 = tpu.memref_slice %arg4[%add3A_3736, %dma_wait3A_3742] : memref<65536x128xf32, #tpu.memory_space<hbm>> -> memref<128x128xf32, #tpu.memory_space<hbm>>
    %dma_wait3A_3744 = arith.constant 0 : i32
    %dma_wait3A_3745 = tpu.memref_slice %arg4[%add3A_3736, %dma_wait3A_3744] : memref<65536x128xf32, #tpu.memory_space<hbm>> -> memref<128x128xf32, #tpu.memory_space<hbm>>
    %dma_wait3A_3746 = arith.constant 0 : i32
    %dma_wait3A_3747 = arith.constant 0 : i32
    %dma_wait3A_3748 = tpu.memref_slice %arg6[%dma_wait3A_3737, %dma_wait3A_3746, %dma_wait3A_3747] : memref<4x128x128xf32, #tpu.memory_space<vmem>> -> memref<1x128x128xf32, #tpu.memory_space<vmem>>
    %dma_wait3A_3749 = tpu.memref_squeeze %dma_wait3A_3748 : memref<1x128x128xf32, #tpu.memory_space<vmem>> -> memref<128x128xf32, #tpu.memory_space<vmem>>
    tpu.wait_dma2 semaphore(%arg9 : memref<!tpu.dma_semaphore, #tpu.memory_space<semaphore_mem>>) src(%dma_wait3A_3749 : memref<128x128xf32, #tpu.memory_space<vmem>>) dst(%dma_wait3A_3745 : memref<128x128xf32, #tpu.memory_space<hbm>>)
    %mul3A_3750 = arith.constant 2048 : i32
    %mul3A_3751 = arith.muli %add3A, %mul3A_3750 : i32
    %add3A_3752 = arith.constant 1920 : i32
    %add3A_3753 = arith.addi %mul3A_3751, %add3A_3752 : i32
    %dma_wait3A_3754 = arith.constant 3 : i32
    %dma_wait3A_3755 = arith.constant 0 : i32
    %dma_wait3A_3756 = arith.constant 0 : i32
    %dma_wait3A_3757 = tpu.memref_slice %arg6[%dma_wait3A_3754, %dma_wait3A_3755, %dma_wait3A_3756] : memref<4x128x128xf32, #tpu.memory_space<vmem>> -> memref<1x128x128xf32, #tpu.memory_space<vmem>>
    %dma_wait3A_3758 = tpu.memref_squeeze %dma_wait3A_3757 : memref<1x128x128xf32, #tpu.memory_space<vmem>> -> memref<128x128xf32, #tpu.memory_space<vmem>>
    %dma_wait3A_3759 = arith.constant 0 : i32
    %dma_wait3A_3760 = tpu.memref_slice %arg4[%add3A_3753, %dma_wait3A_3759] : memref<65536x128xf32, #tpu.memory_space<hbm>> -> memref<128x128xf32, #tpu.memory_space<hbm>>
    %dma_wait3A_3761 = arith.constant 0 : i32
    %dma_wait3A_3762 = tpu.memref_slice %arg4[%add3A_3753, %dma_wait3A_3761] : memref<65536x128xf32, #tpu.memory_space<hbm>> -> memref<128x128xf32, #tpu.memory_space<hbm>>
    %dma_wait3A_3763 = arith.constant 0 : i32
    %dma_wait3A_3764 = arith.constant 0 : i32
    %dma_wait3A_3765 = tpu.memref_slice %arg6[%dma_wait3A_3754, %dma_wait3A_3763, %dma_wait3A_3764] : memref<4x128x128xf32, #tpu.memory_space<vmem>> -> memref<1x128x128xf32, #tpu.memory_space<vmem>>
    %dma_wait3A_3766 = tpu.memref_squeeze %dma_wait3A_3765 : memref<1x128x128xf32, #tpu.memory_space<vmem>> -> memref<128x128xf32, #tpu.memory_space<vmem>>
    tpu.wait_dma2 semaphore(%arg9 : memref<!tpu.dma_semaphore, #tpu.memory_space<semaphore_mem>>) src(%dma_wait3A_3766 : memref<128x128xf32, #tpu.memory_space<vmem>>) dst(%dma_wait3A_3762 : memref<128x128xf32, #tpu.memory_space<hbm>>)
    return
  }
}

</mosaic_0001>

<sc_bundles>
// kernel: kernel.3.cloned.1.call-start
scs
__scs_entry_jumppad:
0x0: {  	(pc) =	sbr.rel $0x88, $3  }
0x1: {  	(tag) =	ssettag $0x0;
	lr =	simm.s32 $0x1  }
0x2: {  	[smem:$0x3F9F] =	sst lr;
	_ =	strace $0xD0000000  }
0x3: {  	_ = 	snop  }
0x4: {  	_ = 	snop  }
0x5: {  	_ = 	snop  }
0x6: {  	_ = 	snop  }
0x7: {  	_ = 	snop  }
__scs_overlays_trampoline_lowered:
0x8: {  	[smem:$0x3FAE] =	sst s0  }
0x9: {  	[smem:$0x3FAF] =	sst s1  }
0xa: {  	[smem:$0x3FB0] =	sst s2  }
0xb: {  	[smem:$0x3FB1] =	sst s3  }
0xc: {  	[smem:$0x3FB2] =	sst s4  }
0xd: {  	[smem:$0x3FB3] =	sst s5  }
0xe: {  	[smem:$0x3FB4] =	sst s6  }
0xf: {  	[smem:$0x3FB5] =	sst s7  }
0x10: {  	[smem:$0x3FB6] =	sst s8  }
0x11: {  	[smem:$0x3FB7] =	sst s9;
	s0 =	simm.s32 @!p0 $0x0  }
0x12: {  	s1 =	sld [smem:$0x3F9D];
	s0 =	simm.s32 @p0 $0x1  }
0x13: {  	[smem:$0x3FB8] =	sst s0;
	s0 =	simm.s32 @!p1 $0x0  }
0x14: {  	s2 =	sld [smem:$0x3F9C];
	s0 =	simm.s32 @p1 $0x1  }
0x15: {  	[smem:$0x3FB9] =	sst s0;
	s0 =	simm.s32 @!p2 $0x0  }
0x16: {  	s3 =	sld [smem:$0x3FDB];
	s0 =	simm.s32 @p2 $0x1  }
0x17: {  	s4 =	simm.s32 $0x1BF5;
	[smem:$0x3FBB] =	sst s0  }
0x18: {  	s0 =	sld [smem:$0x3F9E];
	_ =	swait.ge [sflag:s4], $0x0  }
0x19: {  	s7 =	sld [smem:$0x3F9F]  }
0x1a: {  	s8 =	sadd.s32 $0xFFFFE003, lr  }
0x1b: {  	s9 =	sadd.s32 $0xFFFFFEF7, lr;
	s5 =	simm.s32 $0xFFFFFFFF;
	p2 =	slt.u32 s8, $0xFFFFF086  }
0x1c: {  	p1 =	slt.u32 s9, $0xF7A;
	s5 =	simm.s32 @!p2 $0x0  }
0x1d: {  	s5 =	simm.s32 @p1 $0x1;
	p0 =	seq.s32 s7, s2  }
0x1e: {  	s7 =	smul.u32 @!p0 $0xF7A, s2;
	p2 =	seq.s32 @!p0 s5, $0x0  }
0x1f: {  	s9 =	smul.u32 $0xF7A, s1;
	s8 =	simm.s32 @!p0 $0x1BF5;
	p2 =	por !p2, p0  }
0x20: {  	[sflag:s8] =	ssyncset.s32 @!p0 $0xFFFFF086;
	s6 =	sadd.s32 @!p0 s3, s7;
	s7 =	simm.s32 @!p0 $0x108  }
0x21: {  	s3 =	sadd.s32 s3, s9;
	s6 =	sadd.s32 @!p0 $0x88, s6;
	s7 =	simm.s32 @p2 $0x1082  }
0x22: {  	[simem:s7], [sflag:s8] =	dma.local @!p0 [hbm:s6], $0xF7A  }
0x23: {  	s9 =	sor.u32 $0xD0000000, s2;
	s6 =	simm.s32 $0x108;
	_ =	swait.ge @!p0 [sflag:s8], $0x0  }
0x24: {  	s3 =	sadd.s32 $0x88, s3;
	s6 =	simm.s32 @!p1 $0x1082;
	[sflag:s4] =	ssyncset.s32 $0xFFFFF086  }
0x25: {  	[simem:s6], [sflag:s4] =	dma.local [hbm:s3], $0xF7A  }
0x26: {  	[smem:$0x3F9F] =	sst s1;
	(tag) =	ssettag s2;
	_ =	strace s9  }
0x27: {  	s1 =	sld [smem:$0x3FAF]  }
0x28: {  	s2 =	sld [smem:$0x3FB0]  }
0x29: {  	s4 =	sld [smem:$0x3FB2]  }
0x2a: {  	p0 =	seq.s32 s5, $0x0;
	s5 =	sld [smem:$0x3FB3]  }
0x2b: {  	s6 =	sld [smem:$0x3FB4]  }
0x2c: {  	s7 =	sld [smem:$0x3FB5]  }
0x2d: {  	s3 =	simm.s32 $0x108;
	s8 =	sld [smem:$0x3FB6]  }
0x2e: {  	s3 =	simm.s32 @!p0 $0x1082;
	s9 =	sld [smem:$0x3FB7]  }
0x2f: {  	lr =	sadd.s32 s0, s3;
	s0 =	sld [smem:$0x3FAE]  }
0x30: {  	s3 =	sld [smem:$0x3FB1]  }
0x31: {  	[smem:$0x3FBA] =	sst s10  }
0x32: {  	s10 =	sld [smem:$0x3FB8];
	_ =	sdelay $0x3  }
0x33: {  	p0 =	seq.s32 s10, $0x1;
	s10 =	sld [smem:$0x3FBA];
	_ =	sdelay $0x3  }
0x34: {  	[smem:$0x3FBA] =	sst s10  }
0x35: {  	s10 =	sld [smem:$0x3FB9];
	_ =	sdelay $0x3  }
0x36: {  	p1 =	seq.s32 s10, $0x1;
	s10 =	sld [smem:$0x3FBA];
	_ =	sdelay $0x3  }
0x37: {  	[smem:$0x3FBA] =	sst s10  }
0x38: {  	s10 =	sld [smem:$0x3FBB]  }
0x39: {  	_ = 	snop;
	(pc) =	sbr.ind lr, $3  }
0x3a: {  	_ = 	snop  }
0x3b: {  	_ = 	snop  }
0x3c: {  	p2 =	seq.s32 s10, $0x1;
	s10 =	sld [smem:$0x3FBA]  }
0x3d: {  	_ =	shalt  }
0x3e: {  	_ =	shalt  }
0x3f: {  	_ =	shalt  }
0x40: {  	_ =	shalt  }
0x41: {  	_ =	shalt  }
0x42: {  	_ =	shalt  }
0x43: {  	_ =	shalt  }
0x44: {  	_ =	shalt  }
0x45: {  	_ =	shalt  }
0x46: {  	_ =	shalt  }
0x47: {  	_ =	shalt  }
0x48: {  	_ =	shalt  }
0x49: {  	_ =	shalt  }
0x4a: {  	_ =	shalt  }
0x4b: {  	_ =	shalt  }
0x4c: {  	_ =	shalt  }
0x4d: {  	_ =	shalt  }
0x4e: {  	_ =	shalt  }
0x4f: {  	_ =	shalt  }
0x50: {  	_ =	shalt  }
0x51: {  	_ =	shalt  }
0x52: {  	_ =	shalt  }
0x53: {  	_ =	shalt  }
0x54: {  	_ =	shalt  }
0x55: {  	_ =	shalt  }
0x56: {  	_ =	shalt  }
0x57: {  	_ =	shalt  }
0x58: {  	_ =	shalt  }
0x59: {  	_ =	shalt  }
0x5a: {  	_ =	shalt  }
0x5b: {  	_ =	shalt  }
0x5c: {  	_ =	shalt  }
0x5d: {  	_ =	shalt  }
0x5e: {  	_ =	shalt  }
0x5f: {  	_ =	shalt  }
0x60: {  	_ =	shalt  }
0x61: {  	_ =	shalt  }
0x62: {  	_ =	shalt  }
0x63: {  	_ =	shalt  }
0x64: {  	_ =	shalt  }
0x65: {  	_ =	shalt  }
0x66: {  	_ =	shalt  }
0x67: {  	_ =	shalt  }
0x68: {  	_ =	shalt  }
0x69: {  	_ =	shalt  }
0x6a: {  	_ =	shalt  }
0x6b: {  	_ =	shalt  }
0x6c: {  	_ =	shalt  }
0x6d: {  	_ =	shalt  }
0x6e: {  	_ =	shalt  }
0x6f: {  	_ =	shalt  }
0x70: {  	_ =	shalt  }
0x71: {  	_ =	shalt  }
0x72: {  	_ =	shalt  }
0x73: {  	_ =	shalt  }
0x74: {  	_ =	shalt  }
0x75: {  	_ =	shalt  }
0x76: {  	_ =	shalt  }
0x77: {  	_ =	shalt  }
0x78: {  	_ =	shalt  }
0x79: {  	_ =	shalt  }
0x7a: {  	_ =	shalt  }
0x7b: {  	_ =	shalt  }
0x7c: {  	_ =	shalt  }
0x7d: {  	_ =	shalt  }
0x7e: {  	_ =	shalt  }
0x7f: {  	_ =	shalt  }
0x80: {  	_ =	shalt  }
0x81: {  	_ =	shalt  }
0x82: {  	_ =	shalt  }
0x83: {  	_ =	shalt  }
0x84: {  	_ =	shalt  }
0x85: {  	_ =	shalt  }
0x86: {  	_ =	shalt  }
0x87: {  	_ =	shalt  }
.Lfunc_end0:
.L_simem_size_0:
called_computation_lowered:
.L_overlay_start_0:
0x88: {  	s2 =	sld [smem:$0x3FD9]  }
0x89: {  	s3 =	sld [smem:$0x3FFE];
	_ =	sdelay $0x1  }
0x8a: {  	s1 =	srdreg.scid  }
0x8b: {  	s0 =	sand.u32 $0x1, s1  }
0x8c: {  	s18 =	sshll.u32 s0, $0xA;
	s2 =	sadd.s32 s3, s2  }
0x8d: {  	s2 =	sadd.s32 s2, s18  }
0x8e: {  	[smem:$0x3FC6] =	sst s2  }
0x8f: {  	_ = 	snop  }
0x90: {  	s2 =	sld [smem:$0x3FC9]  }
0x91: {  	s19 =	sld [smem:$0x3FC8]  }
0x92: {  	s4 =	sld [smem:$0x3FD0];
	(tm) =	ssettm $0x1  }
0x93: {  	s5 =	sld [smem:$0x3FFB];
	_ =	sdelay $0x3  }
0x94: {  	_ =	strace s5  }
0x95: {  	s5 =	sld [smem:$0x3FFC];
	_ =	sdelay $0x3  }
0x96: {  	_ =	strace s5  }
0x97: {  	s5 =	sld [smem:$0x3FFD];
	_ =	sdelay $0x3  }
0x98: {  	_ =	strace s5  }
0x99: {  	_ =	strace $0x8FFFFFFF  }
0x9a: {  	s20 =	sld [smem:$0x3FDB];
	_ =	sdelay $0x1  }
0x9b: {  	s6 =	simm.s32 $_scs_section_size  }
0x9c: {  	s7 =	simm.s32 $_size__tile_overlayer_lowered;
	s8 =	simm.s32 $_tile_overlayer_lowered  }
0x9d: {  	s23 =	simm.s32 $0x1BFF;
	s22 =	sshll.u32 s8, $0x1;
	s5 =	sadd.s32 s6, s20  }
0x9e: {  	s9 =	simm.s32 $0x0;
	s21 =	sshll.u32 s7, $0x1;
	s7 =	sadd.s32 s22, s5  }
0x9f: {  	[timem:s9], [sflag:s23] =	dma.local [hbm:s7], s21  }
0xa0: {  	_ =	swait.ge [sflag:s23], s21  }
0xa1: {  	s6 =	ssub.s32 $0x0, s21;
	[sflag:s23] =	ssyncset.done $0x0  }
0xa2: {  	[sflag:s23] =	ssyncadd.s32 s6;
	_ =	sdelay $0x1  }
0xa3: {  	s24 =	simm.s32 $0x1B8B  }
0xa4: {  	_ =	swait.ge [sflag:s24], $0x1  }
0xa5: {  	[sflag:s24] =	ssyncset.done $0x0  }
0xa6: {  	s25 =	simm.s32 $0x1B8E;
	[sflag:s24] =	ssyncadd.s32 $0xFFFFFFFF  }
0xa7: {  	s26 =	simm.s32 $execute0_lowered;
	[smem:$0x3FD2] =	sst s25  }
0xa8: {  	s6 =	sshll.u32 s26, $0x1;
	_ =	strace $0x80000046;
	[dreg:$0x1] =	wrdreg $0xFFFFFFFF  }
0xa9: {  	s28 =	simm.s32 $_size_execute0_lowered;
	s5 =	sadd.s32 s5, s6;
	[dreg:$0x0] =	wrdreg $0x0  }
0xaa: {  	s6 =	sshll.u32 s28, $0x1;
	[dreg:$0x2] =	wrdreg s5  }
0xab: {  	[dreg:$0x3] =	wrdreg s6  }
0xac: {  	[dreg:$0x4] =	wrdreg $0xC0  }
0xad: {  	_ =	task [dreg:s9], $0x5FFFF  }
0xae: {  	[dreg:$0x1] =	wrdreg $0xFFFFFFFF  }
0xaf: {  	[dreg:$0x0] =	wrdreg $0x60  }
0xb0: {  	[dreg:$0x2] =	wrdreg s2  }
0xb1: {  	[dreg:$0x3] =	wrdreg s19  }
0xb2: {  	[dreg:$0x4] =	wrdreg s4  }
0xb3: {  	[dreg:$0x5] =	wrdreg $0x9  }
0xb4: {  	_ =	task.clear_ibuf [dreg:s9], $0x6FFFF;
	_ =	strace $0x90000046  }
0xb5: {  	s29 =	simm.s32 $0x9;
	_ =	strace $0x80000048  }
0xb6: {  	_ =	swait.ge [sflag:s29], $0x1  }
0xb7: {  	[sflag:s29] =	ssyncadd.s32 $0xFFFFFFFF  }
0xb8: {  	_ =	strace $0x90000048  }
0xb9: {  	_ =	sfence  }
0xba: {  	s30 =	sld [smem:$0x0];
	_ =	sdelay $0x2  }
0xbb: {  	s31 =	sshll.u32 s1, $0xD;
	s1 =	sshrl.u32 s1, $0x2  }
0xbc: {  	s3 =	sand.u32 $0x4000, s31;
	s1 =	sadd.s32 s1, s30  }
0xbd: {  	s0 =	sor.u32 s3, s0;
	s1 =	sshll.u32 s1, $0x11  }
0xbe: {  	s0 =	sor.u32 s1, s0  }
0xbf: {  	s0 =	sadd.s32 $0x8F2B, s0  }
0xc0: {  	[sflag:s0] =	ssyncadd.remote.s32 $0x1  }
0xc1: {  	_ =	sfence.sel $0xFFFF  }
0xc2: {  	[dreg:$0x0] =	wrdreg $0xFFFFFFFF;
	(pc) =	sbr.abs _section_cstart, $3  }
0xc3: {  	[dreg:$0x1] =	wrdreg $0xFFFFFFFF  }
0xc4: {  	_ =	task.clear_ibuf [dreg:s9], $0x2FFFF;
	_ =	strace $0x9FFFFFFF  }
0xc5: {  	(tm) =	ssettm $0x7FFFFFFF  }
tec
execute0_lowered:
.L_overlay_start_1:
0x0: {  	(tag) =	ssettag $0x1  }
0x1: {  	s1 =	srdreg.scid;
	s0 =	stileid.u32  }
0x2: {  	s5 =	sand.u32 $0x1, s1;
	s17 =	sshll.u32 s0, $0x1  }
0x3: {  	s4 =	sor.u32 s5, s17  }
0x4: {  	v19 =	vlaneseq.u32;
	s1 =	sshll.u32 s4, $0x8  }
0x5: {  	v14 =	vmul.u32 $0x40, v19;
	s14 =	sand.u32 $0x700, s1  }
0x6: {  	v17 =	vshrl.u32 v19, $0x3;
	v18 =	vand.u32 $0x7, v19;
	v0 =	vmov s14;
	s1 =	sor.u32 $0x10, s14  }
0x7: {  	v19 =	vor.u32 $0x8, v19;
	s18 =	sor.u32 $0x20, s14;
	s3 =	sor.u32 $0x30, s14;
	s19 =	sor.u32 $0x40, s14;
	v0 =	vshll.u32 v0, $0x6;
	v1 =	vmov s1  }
0x8: {  	s20 =	sor.u32 $0x50, s14;
	s8 =	sor.u32 $0x60, s14;
	s21 =	sor.u32 $0x70, s14;
	v2 =	vmov s18;
	v3 =	vmov s3;
	v4 =	vmov s19  }
0x9: {  	s22 =	sor.u32 $0x80, s14;
	s10 =	sor.u32 $0x90, s14;
	s24 =	sor.u32 $0xA0, s14;
	v5 =	vmov s20;
	v6 =	vmov s8;
	v7 =	vmov s21  }
0xa: {  	s25 =	sor.u32 $0xB0, s14;
	s26 =	sor.u32 $0xC0, s14;
	s13 =	sor.u32 $0xD0, s14;
	v8 =	vmov s22;
	v9 =	vmov s10;
	v10 =	vmov s24  }
0xb: {  	s15 =	sor.u32 $0xE0, s14;
	s16 =	sor.u32 $0xF0, s14;
	v11 =	vmov s25;
	v12 =	vmov s26;
	v13 =	vmov s13  }
0xc: {  	v15 =	vmov s15;
	v16 =	vmov s16;
	v0 =	vor.u32 v14, v0  }
0xd: {  	v1 =	vshll.u32 v1, $0x6;
	v2 =	vshll.u32 v2, $0x6;
	v3 =	vshll.u32 v3, $0x6  }
0xe: {  	s7 =	rddreg [dreg:$0x1];
	v4 =	vshll.u32 v4, $0x6;
	v5 =	vshll.u32 v5, $0x6;
	v6 =	vshll.u32 v6, $0x6  }
0xf: {  	s9 =	rddreg [dreg:$0x2];
	v7 =	vshll.u32 v7, $0x6;
	v8 =	vshll.u32 v8, $0x6;
	v9 =	vshll.u32 v9, $0x6  }
0x10: {  	s28 =	simm.s32 $0x8200;
	s29 =	simm.s32 $0x180;
	s6 =	sshrl.u32 s0, $0x2;
	v10 =	vshll.u32 v10, $0x6;
	v11 =	vshll.u32 v11, $0x6;
	v12 =	vshll.u32 v12, $0x6  }
0x11: {  	s30 =	simm.s32 $0xC200;
	s31 =	simm.s32 $0x1;
	s2 =	sshll.u32 s6, $0x11;
	v13 =	vshll.u32 v13, $0x6;
	v15 =	vshll.u32 v15, $0x6;
	v16 =	vshll.u32 v16, $0x6  }
0x12: {  	s6 =	sshll.u32 s6, $0xB;
	s5 =	ssub.s32 $0x2, s5;
	s4 =	sshll.u32 s4, $0xF;
	v0 =	vor.u32 s2, v0;
	v1 =	vor.u32 v14, v1;
	v2 =	vor.u32 v14, v2  }
0x13: {  	s6 =	sadd.s32 s7, s6;
	s23 =	sshrl.u32 s5, $0x1;
	s4 =	sadd.s32 s9, s4;
	v3 =	vor.u32 v14, v3;
	v4 =	vor.u32 v14, v4;
	v5 =	vor.u32 v14, v5  }
0x14: {  	s6 =	sadd.s32 s14, s6;
	s7 =	sadd.s32 $0x1800, s4;
	s9 =	sadd.s32 $0x2800, s4;
	v6 =	vor.u32 v14, v6;
	v7 =	vor.u32 v14, v7;
	v8 =	vor.u32 v14, v8  }
0x15: {  	s11 =	sadd.s32 $0x3800, s4;
	s12 =	sadd.s32 $0x4000, s4;
	s14 =	sadd.s32 $0x5000, s4;
	v9 =	vor.u32 v14, v9;
	v10 =	vor.u32 v14, v10;
	v11 =	vor.u32 v14, v11  }
0x16: {  	s17 =	sadd.s32 $0x6800, s4;
	s1 =	rddreg [dreg:$0x0];
	s3 =	simm.s32 $0x0;
	v12 =	vor.u32 v14, v12;
	v13 =	vor.u32 v14, v13;
	v15 =	vor.u32 v14, v15  }
0x17: {  	s20 =	ssub.s32 s5, s23;
	s5 =	sadd.s32 $0x800, s4;
	s8 =	sadd.s32 $0x2000, s4;
	v16 =	vor.u32 v14, v16;
	v1 =	vor.u32 s2, v1;
	v2 =	vor.u32 s2, v2  }
0x18: {  	s10 =	sadd.s32 $0x3000, s4;
	s13 =	sadd.s32 $0x4800, s4;
	s15 =	sadd.s32 $0x5800, s4;
	v3 =	vor.u32 s2, v3;
	v4 =	vor.u32 s2, v4;
	v5 =	vor.u32 s2, v5  }
0x19: {  	s16 =	sadd.s32 $0x6000, s4;
	s18 =	sadd.s32 $0x7000, s4;
	s19 =	sadd.s32 $0x7800, s4;
	v6 =	vor.u32 s2, v6;
	v7 =	vor.u32 s2, v7;
	v8 =	vor.u32 s2, v8  }
0x1a: {  	s21 =	simm.s32 $0x10200;
	s22 =	simm.s32 $0x3;
	s23 =	simm.s32 $0x80;
	v9 =	vor.u32 s2, v9;
	v10 =	vor.u32 s2, v10;
	v11 =	vor.u32 s2, v11  }
0x1b: {  	s24 =	simm.s32 $0x200;
	s25 =	simm.s32 $0x4200;
	[smem:$0x7FF] =	sst s3;
	v14 =	vor.u32 s2, v15;
	v15 =	vor.u32 s2, v16;
	v16 =	vmul.u32 $0x8, v17  }
0x1c: {  	s26 =	simm.s32 $0x100;
	s20 =	smax.u32 s20, $0x1;
	_ =	strace $0x80000047;
	v12 =	vor.u32 s2, v12;
	v13 =	vor.u32 s2, v13;
	v17 =	vimm.s32 $0x0  }
0x1d: {  	[dreg:$0x4] =	wrdreg s6;
	s6 =	sadd.s32 $0x1000, s4;
	s2 =	simm.s32 $0x2;
	v20 =	vor.u32 $0x10, v16;
	v21 =	vor.u32 $0x20, v16;
	v22 =	vor.u32 $0x30, v16  }
.LBB2_1:
0x1e: {  	s0 =	rddreg [dreg:$0x4]  }
0x1f: {  	[tilespmem:s21], [sflag:$0x3] =	stream.linear.gather [hbm4b:s0+s3], $0x800, $0x38;
	[tilespmem:$0x10A00] =	vst v63  }
0x20: {  	_ =	swait.ge [sflag:s22], $0x800  }
0x21: {  	[sflag:s22] =	ssyncset.done $0x0  }
0x22: {  	[sflag:s22] =	ssyncadd.s32 $0xFFFFF800  }
0x23: {  	v23 =	vld [tilespmem:$0x10200]  }
0x24: {  	v24 =	vld [tilespmem:$0x10280];
	_ =	sdelay $0x1  }
0x25: {  	v25 =	vld [tilespmem:$0x10300];
	_ =	sdelay $0x1  }
0x26: {  	v26 =	vld [tilespmem:$0x10380]  }
0x27: {  	vm0 =	vgt.f32 v24, v23  }
0x28: {  	v60 =	vld [tilespmem:$0x10400];
	v23 =	vsel vm0, v24, v23  }
0x29: {  	vm1 =	vgt.f32 v25, v23  }
0x2a: {  	v61 =	vld [tilespmem:$0x10480];
	v23 =	vsel vm1, v25, v23  }
0x2b: {  	vm2 =	vgt.f32 v26, v23  }
0x2c: {  	v62 =	vld [tilespmem:$0x10500];
	v23 =	vsel vm2, v26, v23  }
0x2d: {  	vm3 =	vgt.f32 v60, v23  }
0x2e: {  	v63 =	vld [tilespmem:$0x10580];
	v27 =	vsel vm0, $0x1, v17;
	v23 =	vsel vm3, v60, v23  }
0x2f: {  	v27 =	vsel vm1, $0x2, v27;
	vm12 =	vgt.f32 v61, v23  }
0x30: {  	v27 =	vsel vm2, $0x3, v27;
	v23 =	vsel vm12, v61, v23  }
0x31: {  	v28 =	vsel vm3, $0x4, v27;
	vm13 =	vgt.f32 v62, v23  }
0x32: {  	v25 =	vsel vm12, $0x5, v28;
	v23 =	vsel vm13, v62, v23  }
0x33: {  	v25 =	vsel vm13, $0x6, v25;
	vm14 =	vgt.f32 v63, v23  }
0x34: {  	v23 =	vsel vm14, $0x7, v25  }
0x35: {  	v23 =	vadd.s32 v23, v0  }
0x36: {  	v29 =	vperm.xlane v23, v18;
	_ =	sdelay $0x1  }
0x37: {  	v30 =	vadd.s32 v16, v29  }
0x38: {  	v31 =	vadd.s32 v20, v29;
	[tilespmem:$0x0] =	vst v30  }
0x39: {  	v23 =	vperm.xlane v23, v19;
	v32 =	vadd.s32 v21, v29;
	[tilespmem:$0x10] =	vst v31  }
0x3a: {  	v24 =	vadd.s32 v22, v29;
	[tilespmem:$0x20] =	vst v32  }
0x3b: {  	v33 =	vadd.s32 v16, v23;
	[tilespmem:$0x30] =	vst v24  }
0x3c: {  	v34 =	vadd.s32 v20, v23;
	[tilespmem:$0x40] =	vst v33  }
0x3d: {  	v35 =	vadd.s32 v21, v23;
	[tilespmem:$0x50] =	vst v34  }
0x3e: {  	v23 =	vadd.s32 v22, v23;
	[tilespmem:$0x60] =	vst v35  }
0x3f: {  	[tilespmem:$0x70] =	vst v23  }
0x40: {  	[tilespmem:s24], [sflag:$0x1] =	stream.indirect.gather [hbm4b:s1+s23], $0x80, s3, s23, $0xb8;
	[tilespmem:$0x10A00] =	vst v63  }
0x41: {  	v23 =	vld [tilespmem:$0x10210]  }
0x42: {  	v36 =	vld [tilespmem:$0x10290];
	_ =	sdelay $0x1  }
0x43: {  	v37 =	vld [tilespmem:$0x10310];
	_ =	sdelay $0x1  }
0x44: {  	v38 =	vld [tilespmem:$0x10390]  }
0x45: {  	vm15 =	vgt.f32 v36, v23  }
0x46: {  	v39 =	vld [tilespmem:$0x10410];
	v23 =	vsel vm15, v36, v23  }
0x47: {  	vm6 =	vgt.f32 v37, v23  }
0x48: {  	v40 =	vld [tilespmem:$0x10490];
	v23 =	vsel vm6, v37, v23  }
0x49: {  	vm7 =	vgt.f32 v38, v23  }
0x4a: {  	v41 =	vld [tilespmem:$0x10510];
	v23 =	vsel vm7, v38, v23  }
0x4b: {  	vm8 =	vgt.f32 v39, v23  }
0x4c: {  	v43 =	vld [tilespmem:$0x10590];
	v42 =	vsel vm15, $0x1, v17;
	v23 =	vsel vm8, v39, v23  }
0x4d: {  	v27 =	vsel vm6, $0x2, v42;
	vm9 =	vgt.f32 v40, v23  }
0x4e: {  	v27 =	vsel vm7, $0x3, v27;
	v23 =	vsel vm9, v40, v23  }
0x4f: {  	v44 =	vsel vm8, $0x4, v27;
	vm10 =	vgt.f32 v41, v23  }
0x50: {  	v25 =	vsel vm9, $0x5, v44;
	v23 =	vsel vm10, v41, v23  }
0x51: {  	v25 =	vsel vm10, $0x6, v25;
	vm11 =	vgt.f32 v43, v23  }
0x52: {  	v23 =	vsel vm11, $0x7, v25  }
0x53: {  	v23 =	vadd.s32 v23, v1  }
0x54: {  	v45 =	vperm.xlane v23, v18;
	_ =	sdelay $0x1  }
0x55: {  	v46 =	vadd.s32 v16, v45  }
0x56: {  	v47 =	vadd.s32 v20, v45;
	[tilespmem:$0x80] =	vst v46  }
0x57: {  	v23 =	vperm.xlane v23, v19;
	v48 =	vadd.s32 v21, v45;
	[tilespmem:$0x90] =	vst v47  }
0x58: {  	v24 =	vadd.s32 v22, v45;
	[tilespmem:$0xA0] =	vst v48  }
0x59: {  	v49 =	vadd.s32 v16, v23;
	[tilespmem:$0xB0] =	vst v24  }
0x5a: {  	v50 =	vadd.s32 v20, v23;
	[tilespmem:$0xC0] =	vst v49  }
0x5b: {  	v51 =	vadd.s32 v21, v23;
	[tilespmem:$0xD0] =	vst v50  }
0x5c: {  	v23 =	vadd.s32 v22, v23;
	[tilespmem:$0xE0] =	vst v51  }
0x5d: {  	[tilespmem:$0xF0] =	vst v23  }
0x5e: {  	[tilespmem:s25], [sflag:$0x1] =	stream.indirect.gather [hbm4b:s1+s23], $0x80, s23, s23, $0xb8;
	[tilespmem:$0x10A00] =	vst v63  }
0x5f: {  	v23 =	vld [tilespmem:$0x10220]  }
0x60: {  	v52 =	vld [tilespmem:$0x102A0];
	_ =	sdelay $0x1  }
0x61: {  	v53 =	vld [tilespmem:$0x10320];
	_ =	sdelay $0x1  }
0x62: {  	v54 =	vld [tilespmem:$0x103A0]  }
0x63: {  	vm12 =	vgt.f32 v52, v23  }
0x64: {  	v55 =	vld [tilespmem:$0x10420];
	v23 =	vsel vm12, v52, v23  }
0x65: {  	vm13 =	vgt.f32 v53, v23  }
0x66: {  	v56 =	vld [tilespmem:$0x104A0];
	v23 =	vsel vm13, v53, v23  }
0x67: {  	vm14 =	vgt.f32 v54, v23  }
0x68: {  	v57 =	vld [tilespmem:$0x10520];
	v23 =	vsel vm14, v54, v23  }
0x69: {  	vm15 =	vgt.f32 v55, v23  }
0x6a: {  	v59 =	vld [tilespmem:$0x105A0];
	v58 =	vsel vm12, $0x1, v17;
	v23 =	vsel vm15, v55, v23  }
0x6b: {  	v27 =	vsel vm13, $0x2, v58;
	vm5 =	vgt.f32 v56, v23  }
0x6c: {  	v27 =	vsel vm14, $0x3, v27;
	v23 =	vsel vm5, v56, v23  }
0x6d: {  	v60 =	vsel vm15, $0x4, v27;
	vm6 =	vgt.f32 v57, v23  }
0x6e: {  	v25 =	vsel vm5, $0x5, v60;
	v23 =	vsel vm6, v57, v23  }
0x6f: {  	v25 =	vsel vm6, $0x6, v25;
	vm7 =	vgt.f32 v59, v23  }
0x70: {  	v23 =	vsel vm7, $0x7, v25  }
0x71: {  	v23 =	vadd.s32 v23, v2  }
0x72: {  	v61 =	vperm.xlane v23, v18;
	_ =	sdelay $0x1  }
0x73: {  	v62 =	vadd.s32 v16, v61  }
0x74: {  	v63 =	vadd.s32 v20, v61;
	[tilespmem:$0x100] =	vst v62  }
0x75: {  	v23 =	vperm.xlane v23, v19;
	v28 =	vadd.s32 v21, v61;
	[tilespmem:$0x110] =	vst v63  }
0x76: {  	v24 =	vadd.s32 v22, v61;
	[tilespmem:$0x120] =	vst v28  }
0x77: {  	v29 =	vadd.s32 v16, v23;
	[tilespmem:$0x130] =	vst v24  }
0x78: {  	v30 =	vadd.s32 v20, v23;
	[tilespmem:$0x140] =	vst v29  }
0x79: {  	v31 =	vadd.s32 v21, v23;
	[tilespmem:$0x150] =	vst v30  }
0x7a: {  	v23 =	vadd.s32 v22, v23;
	[tilespmem:$0x160] =	vst v31  }
0x7b: {  	[tilespmem:$0x170] =	vst v23  }
0x7c: {  	[tilespmem:s28], [sflag:$0x1] =	stream.indirect.gather [hbm4b:s1+s23], $0x80, s26, s23, $0xb8;
	[tilespmem:$0x10A00] =	vst v63  }
0x7d: {  	v23 =	vld [tilespmem:$0x10230]  }
0x7e: {  	v32 =	vld [tilespmem:$0x102B0];
	_ =	sdelay $0x1  }
0x7f: {  	v33 =	vld [tilespmem:$0x10330];
	_ =	sdelay $0x1  }
0x80: {  	v34 =	vld [tilespmem:$0x103B0]  }
0x81: {  	vm8 =	vgt.f32 v32, v23  }
0x82: {  	v35 =	vld [tilespmem:$0x10430];
	v23 =	vsel vm8, v32, v23  }
0x83: {  	vm9 =	vgt.f32 v33, v23  }
0x84: {  	v36 =	vld [tilespmem:$0x104B0];
	v23 =	vsel vm9, v33, v23  }
0x85: {  	vm10 =	vgt.f32 v34, v23  }
0x86: {  	v37 =	vld [tilespmem:$0x10530];
	v23 =	vsel vm10, v34, v23  }
0x87: {  	vm11 =	vgt.f32 v35, v23  }
0x88: {  	v39 =	vld [tilespmem:$0x105B0];
	v38 =	vsel vm8, $0x1, v17;
	v23 =	vsel vm11, v35, v23  }
0x89: {  	v27 =	vsel vm9, $0x2, v38;
	vm12 =	vgt.f32 v36, v23  }
0x8a: {  	v27 =	vsel vm10, $0x3, v27;
	v23 =	vsel vm12, v36, v23  }
0x8b: {  	v40 =	vsel vm11, $0x4, v27;
	vm13 =	vgt.f32 v37, v23  }
0x8c: {  	v25 =	vsel vm12, $0x5, v40;
	v23 =	vsel vm13, v37, v23  }
0x8d: {  	v25 =	vsel vm13, $0x6, v25;
	vm14 =	vgt.f32 v39, v23  }
0x8e: {  	v23 =	vsel vm14, $0x7, v25  }
0x8f: {  	v23 =	vadd.s32 v23, v3  }
0x90: {  	v41 =	vperm.xlane v23, v18;
	_ =	sdelay $0x1  }
0x91: {  	v42 =	vadd.s32 v16, v41  }
0x92: {  	v43 =	vadd.s32 v20, v41;
	[tilespmem:$0x180] =	vst v42  }
0x93: {  	v23 =	vperm.xlane v23, v19;
	v44 =	vadd.s32 v21, v41;
	[tilespmem:$0x190] =	vst v43  }
0x94: {  	v24 =	vadd.s32 v22, v41;
	[tilespmem:$0x1A0] =	vst v44  }
0x95: {  	v45 =	vadd.s32 v16, v23;
	[tilespmem:$0x1B0] =	vst v24  }
0x96: {  	v46 =	vadd.s32 v20, v23;
	[tilespmem:$0x1C0] =	vst v45  }
0x97: {  	v47 =	vadd.s32 v21, v23;
	[tilespmem:$0x1D0] =	vst v46  }
0x98: {  	v23 =	vadd.s32 v22, v23;
	[tilespmem:$0x1E0] =	vst v47  }
0x99: {  	[tilespmem:$0x1F0] =	vst v23  }
0x9a: {  	[tilespmem:s30], [sflag:$0x1] =	stream.indirect.gather [hbm4b:s1+s23], $0x80, s29, s23, $0xb8;
	[tilespmem:$0x10A00] =	vst v63  }
0x9b: {  	_ =	swait.ge [sflag:s31], $0x4000  }
0x9c: {  	[sflag:s31] =	ssyncset.done $0x0  }
0x9d: {  	[sflag:s31] =	ssyncadd.s32 $0xFFFFC000  }
0x9e: {  	[hbm4b:s4+s3] =	stream.linear.scatter [tilespmem:s24], [sflag:$0x2], $0x4000, $0x38;
	[tilespmem:$0x10A00] =	vst v63  }
0x9f: {  	_ =	swait.ge [sflag:s2], $0x4000  }
0xa0: {  	[sflag:s2] =	ssyncset.done $0x0  }
0xa1: {  	[sflag:s2] =	ssyncadd.s32 $0xFFFFC000  }
0xa2: {  	v23 =	vld [tilespmem:$0x10240]  }
0xa3: {  	v48 =	vld [tilespmem:$0x102C0];
	_ =	sdelay $0x1  }
0xa4: {  	v49 =	vld [tilespmem:$0x10340];
	_ =	sdelay $0x1  }
0xa5: {  	v50 =	vld [tilespmem:$0x103C0]  }
0xa6: {  	vm15 =	vgt.f32 v48, v23  }
0xa7: {  	v51 =	vld [tilespmem:$0x10440];
	v23 =	vsel vm15, v48, v23  }
0xa8: {  	vm6 =	vgt.f32 v49, v23  }
0xa9: {  	v52 =	vld [tilespmem:$0x104C0];
	v23 =	vsel vm6, v49, v23  }
0xaa: {  	vm7 =	vgt.f32 v50, v23  }
0xab: {  	v53 =	vld [tilespmem:$0x10540];
	v23 =	vsel vm7, v50, v23  }
0xac: {  	vm8 =	vgt.f32 v51, v23  }
0xad: {  	v55 =	vld [tilespmem:$0x105C0];
	v54 =	vsel vm15, $0x1, v17;
	v23 =	vsel vm8, v51, v23  }
0xae: {  	v27 =	vsel vm6, $0x2, v54;
	vm9 =	vgt.f32 v52, v23  }
0xaf: {  	v27 =	vsel vm7, $0x3, v27;
	v23 =	vsel vm9, v52, v23  }
0xb0: {  	v56 =	vsel vm8, $0x4, v27;
	vm10 =	vgt.f32 v53, v23  }
0xb1: {  	v25 =	vsel vm9, $0x5, v56;
	v23 =	vsel vm10, v53, v23  }
0xb2: {  	v25 =	vsel vm10, $0x6, v25;
	vm11 =	vgt.f32 v55, v23  }
0xb3: {  	v23 =	vsel vm11, $0x7, v25  }
0xb4: {  	v23 =	vadd.s32 v23, v4  }
0xb5: {  	v57 =	vperm.xlane v23, v18;
	_ =	sdelay $0x1  }
0xb6: {  	v58 =	vadd.s32 v16, v57  }
0xb7: {  	v59 =	vadd.s32 v20, v57;
	[tilespmem:$0x0] =	vst v58  }
0xb8: {  	v23 =	vperm.xlane v23, v19;
	v60 =	vadd.s32 v21, v57;
	[tilespmem:$0x10] =	vst v59  }
0xb9: {  	v24 =	vadd.s32 v22, v57;
	[tilespmem:$0x20] =	vst v60  }
0xba: {  	v61 =	vadd.s32 v16, v23;
	[tilespmem:$0x30] =	vst v24  }
0xbb: {  	v62 =	vadd.s32 v20, v23;
	[tilespmem:$0x40] =	vst v61  }
0xbc: {  	v63 =	vadd.s32 v21, v23;
	[tilespmem:$0x50] =	vst v62  }
0xbd: {  	v23 =	vadd.s32 v22, v23;
	[tilespmem:$0x60] =	vst v63  }
0xbe: {  	[tilespmem:$0x70] =	vst v23  }
0xbf: {  	[tilespmem:s24], [sflag:$0x1] =	stream.indirect.gather [hbm4b:s1+s23], $0x80, s3, s23, $0xb8;
	[tilespmem:$0x10A00] =	vst v63  }
0xc0: {  	_ =	swait.ge [sflag:s31], $0x4000  }
0xc1: {  	[sflag:s31] =	ssyncset.done $0x0  }
0xc2: {  	[sflag:s31] =	ssyncadd.s32 $0xFFFFC000  }
0xc3: {  	[hbm4b:s5+s3] =	stream.linear.scatter [tilespmem:s25], [sflag:$0x2], $0x4000, $0x38;
	[tilespmem:$0x10A00] =	vst v63  }
0xc4: {  	_ =	swait.ge [sflag:s2], $0x4000  }
0xc5: {  	[sflag:s2] =	ssyncset.done $0x0  }
0xc6: {  	[sflag:s2] =	ssyncadd.s32 $0xFFFFC000  }
0xc7: {  	v23 =	vld [tilespmem:$0x10250]  }
0xc8: {  	v28 =	vld [tilespmem:$0x102D0];
	_ =	sdelay $0x1  }
0xc9: {  	v29 =	vld [tilespmem:$0x10350];
	_ =	sdelay $0x1  }
0xca: {  	v30 =	vld [tilespmem:$0x103D0]  }
0xcb: {  	vm12 =	vgt.f32 v28, v23  }
0xcc: {  	v31 =	vld [tilespmem:$0x10450];
	v23 =	vsel vm12, v28, v23  }
0xcd: {  	vm13 =	vgt.f32 v29, v23  }
0xce: {  	v32 =	vld [tilespmem:$0x104D0];
	v23 =	vsel vm13, v29, v23  }
0xcf: {  	vm14 =	vgt.f32 v30, v23  }
0xd0: {  	v33 =	vld [tilespmem:$0x10550];
	v23 =	vsel vm14, v30, v23  }
0xd1: {  	vm15 =	vgt.f32 v31, v23  }
0xd2: {  	v35 =	vld [tilespmem:$0x105D0];
	v34 =	vsel vm12, $0x1, v17;
	v23 =	vsel vm15, v31, v23  }
0xd3: {  	v27 =	vsel vm13, $0x2, v34;
	vm5 =	vgt.f32 v32, v23  }
0xd4: {  	v27 =	vsel vm14, $0x3, v27;
	v23 =	vsel vm5, v32, v23  }
0xd5: {  	v36 =	vsel vm15, $0x4, v27;
	vm6 =	vgt.f32 v33, v23  }
0xd6: {  	v25 =	vsel vm5, $0x5, v36;
	v23 =	vsel vm6, v33, v23  }
0xd7: {  	v25 =	vsel vm6, $0x6, v25;
	vm7 =	vgt.f32 v35, v23  }
0xd8: {  	v23 =	vsel vm7, $0x7, v25  }
0xd9: {  	v23 =	vadd.s32 v23, v5  }
0xda: {  	v37 =	vperm.xlane v23, v18;
	_ =	sdelay $0x1  }
0xdb: {  	v38 =	vadd.s32 v16, v37  }
0xdc: {  	v39 =	vadd.s32 v20, v37;
	[tilespmem:$0x80] =	vst v38  }
0xdd: {  	v23 =	vperm.xlane v23, v19;
	v40 =	vadd.s32 v21, v37;
	[tilespmem:$0x90] =	vst v39  }
0xde: {  	v24 =	vadd.s32 v22, v37;
	[tilespmem:$0xA0] =	vst v40  }
0xdf: {  	v41 =	vadd.s32 v16, v23;
	[tilespmem:$0xB0] =	vst v24  }
0xe0: {  	v42 =	vadd.s32 v20, v23;
	[tilespmem:$0xC0] =	vst v41  }
0xe1: {  	v43 =	vadd.s32 v21, v23;
	[tilespmem:$0xD0] =	vst v42  }
0xe2: {  	v23 =	vadd.s32 v22, v23;
	[tilespmem:$0xE0] =	vst v43  }
0xe3: {  	[tilespmem:$0xF0] =	vst v23  }
0xe4: {  	[tilespmem:s25], [sflag:$0x1] =	stream.indirect.gather [hbm4b:s1+s23], $0x80, s23, s23, $0xb8;
	[tilespmem:$0x10A00] =	vst v63  }
0xe5: {  	_ =	swait.ge [sflag:s31], $0x4000  }
0xe6: {  	[sflag:s31] =	ssyncset.done $0x0  }
0xe7: {  	[sflag:s31] =	ssyncadd.s32 $0xFFFFC000  }
0xe8: {  	[hbm4b:s6+s3] =	stream.linear.scatter [tilespmem:s28], [sflag:$0x2], $0x4000, $0x38;
	[tilespmem:$0x10A00] =	vst v63  }
0xe9: {  	_ =	swait.ge [sflag:s2], $0x4000  }
0xea: {  	[sflag:s2] =	ssyncset.done $0x0  }
0xeb: {  	[sflag:s2] =	ssyncadd.s32 $0xFFFFC000  }
0xec: {  	v23 =	vld [tilespmem:$0x10260]  }
0xed: {  	v44 =	vld [tilespmem:$0x102E0];
	_ =	sdelay $0x1  }
0xee: {  	v45 =	vld [tilespmem:$0x10360];
	_ =	sdelay $0x1  }
0xef: {  	v46 =	vld [tilespmem:$0x103E0]  }
0xf0: {  	vm8 =	vgt.f32 v44, v23  }
0xf1: {  	v47 =	vld [tilespmem:$0x10460];
	v23 =	vsel vm8, v44, v23  }
0xf2: {  	vm9 =	vgt.f32 v45, v23  }
0xf3: {  	v48 =	vld [tilespmem:$0x104E0];
	v23 =	vsel vm9, v45, v23  }
0xf4: {  	vm10 =	vgt.f32 v46, v23  }
0xf5: {  	v49 =	vld [tilespmem:$0x10560];
	v23 =	vsel vm10, v46, v23  }
0xf6: {  	vm11 =	vgt.f32 v47, v23  }
0xf7: {  	v51 =	vld [tilespmem:$0x105E0];
	v50 =	vsel vm8, $0x1, v17;
	v23 =	vsel vm11, v47, v23  }
0xf8: {  	v27 =	vsel vm9, $0x2, v50;
	vm12 =	vgt.f32 v48, v23  }
0xf9: {  	v27 =	vsel vm10, $0x3, v27;
	v23 =	vsel vm12, v48, v23  }
0xfa: {  	v52 =	vsel vm11, $0x4, v27;
	vm13 =	vgt.f32 v49, v23  }
0xfb: {  	v25 =	vsel vm12, $0x5, v52;
	v23 =	vsel vm13, v49, v23  }
0xfc: {  	v25 =	vsel vm13, $0x6, v25;
	vm14 =	vgt.f32 v51, v23  }
0xfd: {  	v23 =	vsel vm14, $0x7, v25  }
0xfe: {  	v23 =	vadd.s32 v23, v6  }
0xff: {  	v53 =	vperm.xlane v23, v18;
	_ =	sdelay $0x1  }
0x100: {  	v54 =	vadd.s32 v16, v53  }
0x101: {  	v55 =	vadd.s32 v20, v53;
	[tilespmem:$0x100] =	vst v54  }
0x102: {  	v23 =	vperm.xlane v23, v19;
	v56 =	vadd.s32 v21, v53;
	[tilespmem:$0x110] =	vst v55  }
0x103: {  	v24 =	vadd.s32 v22, v53;
	[tilespmem:$0x120] =	vst v56  }
0x104: {  	v57 =	vadd.s32 v16, v23;
	[tilespmem:$0x130] =	vst v24  }
0x105: {  	v58 =	vadd.s32 v20, v23;
	[tilespmem:$0x140] =	vst v57  }
0x106: {  	v59 =	vadd.s32 v21, v23;
	[tilespmem:$0x150] =	vst v58  }
0x107: {  	v23 =	vadd.s32 v22, v23;
	[tilespmem:$0x160] =	vst v59  }
0x108: {  	[tilespmem:$0x170] =	vst v23  }
0x109: {  	[tilespmem:s28], [sflag:$0x1] =	stream.indirect.gather [hbm4b:s1+s23], $0x80, s26, s23, $0xb8;
	[tilespmem:$0x10A00] =	vst v63  }
0x10a: {  	_ =	swait.ge [sflag:s31], $0x4000  }
0x10b: {  	[sflag:s31] =	ssyncset.done $0x0  }
0x10c: {  	[sflag:s31] =	ssyncadd.s32 $0xFFFFC000  }
0x10d: {  	[hbm4b:s7+s3] =	stream.linear.scatter [tilespmem:s30], [sflag:$0x2], $0x4000, $0x38;
	[tilespmem:$0x10A00] =	vst v63  }
0x10e: {  	_ =	swait.ge [sflag:s2], $0x4000  }
0x10f: {  	[sflag:s2] =	ssyncset.done $0x0  }
0x110: {  	[sflag:s2] =	ssyncadd.s32 $0xFFFFC000  }
0x111: {  	v23 =	vld [tilespmem:$0x10270]  }
0x112: {  	v60 =	vld [tilespmem:$0x102F0];
	_ =	sdelay $0x1  }
0x113: {  	v61 =	vld [tilespmem:$0x10370];
	_ =	sdelay $0x1  }
0x114: {  	v62 =	vld [tilespmem:$0x103F0]  }
0x115: {  	vm15 =	vgt.f32 v60, v23  }
0x116: {  	v63 =	vld [tilespmem:$0x10470];
	v23 =	vsel vm15, v60, v23  }
0x117: {  	vm6 =	vgt.f32 v61, v23  }
0x118: {  	v30 =	vld [tilespmem:$0x104F0];
	v23 =	vsel vm6, v61, v23  }
0x119: {  	vm7 =	vgt.f32 v62, v23  }
0x11a: {  	v31 =	vld [tilespmem:$0x10570];
	v23 =	vsel vm7, v62, v23  }
0x11b: {  	vm8 =	vgt.f32 v63, v23  }
0x11c: {  	v33 =	vld [tilespmem:$0x105F0];
	v32 =	vsel vm15, $0x1, v17;
	v23 =	vsel vm8, v63, v23  }
0x11d: {  	v27 =	vsel vm6, $0x2, v32;
	vm9 =	vgt.f32 v30, v23  }
0x11e: {  	v27 =	vsel vm7, $0x3, v27;
	v23 =	vsel vm9, v30, v23  }
0x11f: {  	v34 =	vsel vm8, $0x4, v27;
	vm10 =	vgt.f32 v31, v23  }
0x120: {  	v25 =	vsel vm9, $0x5, v34;
	v23 =	vsel vm10, v31, v23  }
0x121: {  	v25 =	vsel vm10, $0x6, v25;
	vm11 =	vgt.f32 v33, v23  }
0x122: {  	v23 =	vsel vm11, $0x7, v25  }
0x123: {  	v23 =	vadd.s32 v23, v7  }
0x124: {  	v35 =	vperm.xlane v23, v18;
	_ =	sdelay $0x1  }
0x125: {  	v36 =	vadd.s32 v16, v35  }
0x126: {  	v37 =	vadd.s32 v20, v35;
	[tilespmem:$0x180] =	vst v36  }
0x127: {  	v23 =	vperm.xlane v23, v19;
	v38 =	vadd.s32 v21, v35;
	[tilespmem:$0x190] =	vst v37  }
0x128: {  	v24 =	vadd.s32 v22, v35;
	[tilespmem:$0x1A0] =	vst v38  }
0x129: {  	v39 =	vadd.s32 v16, v23;
	[tilespmem:$0x1B0] =	vst v24  }
0x12a: {  	v40 =	vadd.s32 v20, v23;
	[tilespmem:$0x1C0] =	vst v39  }
0x12b: {  	v41 =	vadd.s32 v21, v23;
	[tilespmem:$0x1D0] =	vst v40  }
0x12c: {  	v23 =	vadd.s32 v22, v23;
	[tilespmem:$0x1E0] =	vst v41  }
0x12d: {  	[tilespmem:$0x1F0] =	vst v23  }
0x12e: {  	[tilespmem:s30], [sflag:$0x1] =	stream.indirect.gather [hbm4b:s1+s23], $0x80, s29, s23, $0xb8;
	[tilespmem:$0x10A00] =	vst v63  }
0x12f: {  	_ =	swait.ge [sflag:s31], $0x4000  }
0x130: {  	[sflag:s31] =	ssyncset.done $0x0  }
0x131: {  	[sflag:s31] =	ssyncadd.s32 $0xFFFFC000  }
0x132: {  	[hbm4b:s8+s3] =	stream.linear.scatter [tilespmem:s24], [sflag:$0x2], $0x4000, $0x38;
	[tilespmem:$0x10A00] =	vst v63  }
0x133: {  	_ =	swait.ge [sflag:s2], $0x4000  }
0x134: {  	[sflag:s2] =	ssyncset.done $0x0  }
0x135: {  	[sflag:s2] =	ssyncadd.s32 $0xFFFFC000  }
0x136: {  	v23 =	vld [tilespmem:$0x10600]  }
0x137: {  	v42 =	vld [tilespmem:$0x10680];
	_ =	sdelay $0x1  }
0x138: {  	v43 =	vld [tilespmem:$0x10700];
	_ =	sdelay $0x1  }
0x139: {  	v44 =	vld [tilespmem:$0x10780]  }
0x13a: {  	vm12 =	vgt.f32 v42, v23  }
0x13b: {  	v45 =	vld [tilespmem:$0x10800];
	v23 =	vsel vm12, v42, v23  }
0x13c: {  	vm13 =	vgt.f32 v43, v23  }
0x13d: {  	v46 =	vld [tilespmem:$0x10880];
	v23 =	vsel vm13, v43, v23  }
0x13e: {  	vm14 =	vgt.f32 v44, v23  }
0x13f: {  	v47 =	vld [tilespmem:$0x10900];
	v23 =	vsel vm14, v44, v23  }
0x140: {  	vm15 =	vgt.f32 v45, v23  }
0x141: {  	v49 =	vld [tilespmem:$0x10980];
	v48 =	vsel vm12, $0x1, v17;
	v23 =	vsel vm15, v45, v23  }
0x142: {  	v27 =	vsel vm13, $0x2, v48;
	vm5 =	vgt.f32 v46, v23  }
0x143: {  	v27 =	vsel vm14, $0x3, v27;
	v23 =	vsel vm5, v46, v23  }
0x144: {  	v50 =	vsel vm15, $0x4, v27;
	vm6 =	vgt.f32 v47, v23  }
0x145: {  	v25 =	vsel vm5, $0x5, v50;
	v23 =	vsel vm6, v47, v23  }
0x146: {  	v25 =	vsel vm6, $0x6, v25;
	vm7 =	vgt.f32 v49, v23  }
0x147: {  	v23 =	vsel vm7, $0x7, v25  }
0x148: {  	v23 =	vadd.s32 v23, v8  }
0x149: {  	v51 =	vperm.xlane v23, v18;
	_ =	sdelay $0x1  }
0x14a: {  	v52 =	vadd.s32 v16, v51  }
0x14b: {  	v53 =	vadd.s32 v20, v51;
	[tilespmem:$0x0] =	vst v52  }
0x14c: {  	v23 =	vperm.xlane v23, v19;
	v54 =	vadd.s32 v21, v51;
	[tilespmem:$0x10] =	vst v53  }
0x14d: {  	v24 =	vadd.s32 v22, v51;
	[tilespmem:$0x20] =	vst v54  }
0x14e: {  	v55 =	vadd.s32 v16, v23;
	[tilespmem:$0x30] =	vst v24  }
0x14f: {  	v56 =	vadd.s32 v20, v23;
	[tilespmem:$0x40] =	vst v55  }
0x150: {  	v57 =	vadd.s32 v21, v23;
	[tilespmem:$0x50] =	vst v56  }
0x151: {  	v23 =	vadd.s32 v22, v23;
	[tilespmem:$0x60] =	vst v57  }
0x152: {  	[tilespmem:$0x70] =	vst v23  }
0x153: {  	[tilespmem:s24], [sflag:$0x1] =	stream.indirect.gather [hbm4b:s1+s23], $0x80, s3, s23, $0xb8;
	[tilespmem:$0x10A00] =	vst v63  }
0x154: {  	_ =	swait.ge [sflag:s31], $0x4000  }
0x155: {  	[sflag:s31] =	ssyncset.done $0x0  }
0x156: {  	[sflag:s31] =	ssyncadd.s32 $0xFFFFC000  }
0x157: {  	[hbm4b:s9+s3] =	stream.linear.scatter [tilespmem:s25], [sflag:$0x2], $0x4000, $0x38;
	[tilespmem:$0x10A00] =	vst v63  }
0x158: {  	_ =	swait.ge [sflag:s2], $0x4000  }
0x159: {  	[sflag:s2] =	ssyncset.done $0x0  }
0x15a: {  	[sflag:s2] =	ssyncadd.s32 $0xFFFFC000  }
0x15b: {  	v23 =	vld [tilespmem:$0x10610]  }
0x15c: {  	v58 =	vld [tilespmem:$0x10690];
	_ =	sdelay $0x1  }
0x15d: {  	v59 =	vld [tilespmem:$0x10710];
	_ =	sdelay $0x1  }
0x15e: {  	v60 =	vld [tilespmem:$0x10790]  }
0x15f: {  	vm8 =	vgt.f32 v58, v23  }
0x160: {  	v61 =	vld [tilespmem:$0x10810];
	v23 =	vsel vm8, v58, v23  }
0x161: {  	vm9 =	vgt.f32 v59, v23  }
0x162: {  	v62 =	vld [tilespmem:$0x10890];
	v23 =	vsel vm9, v59, v23  }
0x163: {  	vm10 =	vgt.f32 v60, v23  }
0x164: {  	v63 =	vld [tilespmem:$0x10910];
	v23 =	vsel vm10, v60, v23  }
0x165: {  	vm11 =	vgt.f32 v61, v23  }
0x166: {  	v31 =	vld [tilespmem:$0x10990];
	v30 =	vsel vm8, $0x1, v17;
	v23 =	vsel vm11, v61, v23  }
0x167: {  	v27 =	vsel vm9, $0x2, v30;
	vm12 =	vgt.f32 v62, v23  }
0x168: {  	v27 =	vsel vm10, $0x3, v27;
	v23 =	vsel vm12, v62, v23  }
0x169: {  	v32 =	vsel vm11, $0x4, v27;
	vm13 =	vgt.f32 v63, v23  }
0x16a: {  	v25 =	vsel vm12, $0x5, v32;
	v23 =	vsel vm13, v63, v23  }
0x16b: {  	v25 =	vsel vm13, $0x6, v25;
	vm14 =	vgt.f32 v31, v23  }
0x16c: {  	v23 =	vsel vm14, $0x7, v25  }
0x16d: {  	v23 =	vadd.s32 v23, v9  }
0x16e: {  	v33 =	vperm.xlane v23, v18;
	_ =	sdelay $0x1  }
0x16f: {  	v34 =	vadd.s32 v16, v33  }
0x170: {  	v35 =	vadd.s32 v20, v33;
	[tilespmem:$0x80] =	vst v34  }
0x171: {  	v23 =	vperm.xlane v23, v19;
	v36 =	vadd.s32 v21, v33;
	[tilespmem:$0x90] =	vst v35  }
0x172: {  	v24 =	vadd.s32 v22, v33;
	[tilespmem:$0xA0] =	vst v36  }
0x173: {  	v37 =	vadd.s32 v16, v23;
	[tilespmem:$0xB0] =	vst v24  }
0x174: {  	v38 =	vadd.s32 v20, v23;
	[tilespmem:$0xC0] =	vst v37  }
0x175: {  	v39 =	vadd.s32 v21, v23;
	[tilespmem:$0xD0] =	vst v38  }
0x176: {  	v23 =	vadd.s32 v22, v23;
	[tilespmem:$0xE0] =	vst v39  }
0x177: {  	[tilespmem:$0xF0] =	vst v23  }
0x178: {  	[tilespmem:s25], [sflag:$0x1] =	stream.indirect.gather [hbm4b:s1+s23], $0x80, s23, s23, $0xb8;
	[tilespmem:$0x10A00] =	vst v63  }
0x179: {  	_ =	swait.ge [sflag:s31], $0x4000  }
0x17a: {  	[sflag:s31] =	ssyncset.done $0x0  }
0x17b: {  	[sflag:s31] =	ssyncadd.s32 $0xFFFFC000  }
0x17c: {  	[hbm4b:s10+s3] =	stream.linear.scatter [tilespmem:s28], [sflag:$0x2], $0x4000, $0x38;
	[tilespmem:$0x10A00] =	vst v63  }
0x17d: {  	_ =	swait.ge [sflag:s2], $0x4000  }
0x17e: {  	[sflag:s2] =	ssyncset.done $0x0  }
0x17f: {  	[sflag:s2] =	ssyncadd.s32 $0xFFFFC000  }
0x180: {  	v23 =	vld [tilespmem:$0x10620]  }
0x181: {  	v40 =	vld [tilespmem:$0x106A0];
	_ =	sdelay $0x1  }
0x182: {  	v41 =	vld [tilespmem:$0x10720];
	_ =	sdelay $0x1  }
0x183: {  	v42 =	vld [tilespmem:$0x107A0]  }
0x184: {  	vm15 =	vgt.f32 v40, v23  }
0x185: {  	v43 =	vld [tilespmem:$0x10820];
	v23 =	vsel vm15, v40, v23  }
0x186: {  	vm6 =	vgt.f32 v41, v23  }
0x187: {  	v44 =	vld [tilespmem:$0x108A0];
	v23 =	vsel vm6, v41, v23  }
0x188: {  	vm7 =	vgt.f32 v42, v23  }
0x189: {  	v45 =	vld [tilespmem:$0x10920];
	v23 =	vsel vm7, v42, v23  }
0x18a: {  	vm8 =	vgt.f32 v43, v23  }
0x18b: {  	v47 =	vld [tilespmem:$0x109A0];
	v46 =	vsel vm15, $0x1, v17;
	v23 =	vsel vm8, v43, v23  }
0x18c: {  	v27 =	vsel vm6, $0x2, v46;
	vm9 =	vgt.f32 v44, v23  }
0x18d: {  	v27 =	vsel vm7, $0x3, v27;
	v23 =	vsel vm9, v44, v23  }
0x18e: {  	v48 =	vsel vm8, $0x4, v27;
	vm10 =	vgt.f32 v45, v23  }
0x18f: {  	v25 =	vsel vm9, $0x5, v48;
	v23 =	vsel vm10, v45, v23  }
0x190: {  	v25 =	vsel vm10, $0x6, v25;
	vm11 =	vgt.f32 v47, v23  }
0x191: {  	v23 =	vsel vm11, $0x7, v25  }
0x192: {  	v23 =	vadd.s32 v23, v10  }
0x193: {  	v49 =	vperm.xlane v23, v18;
	_ =	sdelay $0x1  }
0x194: {  	v50 =	vadd.s32 v16, v49  }
0x195: {  	v51 =	vadd.s32 v20, v49;
	[tilespmem:$0x100] =	vst v50  }
0x196: {  	v23 =	vperm.xlane v23, v19;
	v52 =	vadd.s32 v21, v49;
	[tilespmem:$0x110] =	vst v51  }
0x197: {  	v24 =	vadd.s32 v22, v49;
	[tilespmem:$0x120] =	vst v52  }
0x198: {  	v53 =	vadd.s32 v16, v23;
	[tilespmem:$0x130] =	vst v24  }
0x199: {  	v54 =	vadd.s32 v20, v23;
	[tilespmem:$0x140] =	vst v53  }
0x19a: {  	v55 =	vadd.s32 v21, v23;
	[tilespmem:$0x150] =	vst v54  }
0x19b: {  	v23 =	vadd.s32 v22, v23;
	[tilespmem:$0x160] =	vst v55  }
0x19c: {  	[tilespmem:$0x170] =	vst v23  }
0x19d: {  	[tilespmem:s28], [sflag:$0x1] =	stream.indirect.gather [hbm4b:s1+s23], $0x80, s26, s23, $0xb8;
	[tilespmem:$0x10A00] =	vst v63  }
0x19e: {  	_ =	swait.ge [sflag:s31], $0x4000  }
0x19f: {  	[sflag:s31] =	ssyncset.done $0x0  }
0x1a0: {  	[sflag:s31] =	ssyncadd.s32 $0xFFFFC000  }
0x1a1: {  	[hbm4b:s11+s3] =	stream.linear.scatter [tilespmem:s30], [sflag:$0x2], $0x4000, $0x38;
	[tilespmem:$0x10A00] =	vst v63  }
0x1a2: {  	_ =	swait.ge [sflag:s2], $0x4000  }
0x1a3: {  	[sflag:s2] =	ssyncset.done $0x0  }
0x1a4: {  	[sflag:s2] =	ssyncadd.s32 $0xFFFFC000  }
0x1a5: {  	v23 =	vld [tilespmem:$0x10630]  }
0x1a6: {  	v56 =	vld [tilespmem:$0x106B0];
	_ =	sdelay $0x1  }
0x1a7: {  	v57 =	vld [tilespmem:$0x10730];
	_ =	sdelay $0x1  }
0x1a8: {  	v58 =	vld [tilespmem:$0x107B0]  }
0x1a9: {  	vm12 =	vgt.f32 v56, v23  }
0x1aa: {  	v59 =	vld [tilespmem:$0x10830];
	v23 =	vsel vm12, v56, v23  }
0x1ab: {  	vm13 =	vgt.f32 v57, v23  }
0x1ac: {  	v60 =	vld [tilespmem:$0x108B0];
	v23 =	vsel vm13, v57, v23  }
0x1ad: {  	vm14 =	vgt.f32 v58, v23  }
0x1ae: {  	v61 =	vld [tilespmem:$0x10930];
	v23 =	vsel vm14, v58, v23  }
0x1af: {  	vm15 =	vgt.f32 v59, v23  }
0x1b0: {  	v63 =	vld [tilespmem:$0x109B0];
	v62 =	vsel vm12, $0x1, v17;
	v23 =	vsel vm15, v59, v23  }
0x1b1: {  	v27 =	vsel vm13, $0x2, v62;
	vm5 =	vgt.f32 v60, v23  }
0x1b2: {  	v27 =	vsel vm14, $0x3, v27;
	v23 =	vsel vm5, v60, v23  }
0x1b3: {  	v28 =	vsel vm15, $0x4, v27;
	vm6 =	vgt.f32 v61, v23  }
0x1b4: {  	v25 =	vsel vm5, $0x5, v28;
	v23 =	vsel vm6, v61, v23  }
0x1b5: {  	v25 =	vsel vm6, $0x6, v25;
	vm7 =	vgt.f32 v63, v23  }
0x1b6: {  	v23 =	vsel vm7, $0x7, v25  }
0x1b7: {  	v23 =	vadd.s32 v23, v11  }
0x1b8: {  	v29 =	vperm.xlane v23, v18;
	_ =	sdelay $0x1  }
0x1b9: {  	v30 =	vadd.s32 v16, v29  }
0x1ba: {  	v31 =	vadd.s32 v20, v29;
	[tilespmem:$0x180] =	vst v30  }
0x1bb: {  	v23 =	vperm.xlane v23, v19;
	v32 =	vadd.s32 v21, v29;
	[tilespmem:$0x190] =	vst v31  }
0x1bc: {  	v24 =	vadd.s32 v22, v29;
	[tilespmem:$0x1A0] =	vst v32  }
0x1bd: {  	v33 =	vadd.s32 v16, v23;
	[tilespmem:$0x1B0] =	vst v24  }
0x1be: {  	v34 =	vadd.s32 v20, v23;
	[tilespmem:$0x1C0] =	vst v33  }
0x1bf: {  	v35 =	vadd.s32 v21, v23;
	[tilespmem:$0x1D0] =	vst v34  }
0x1c0: {  	v23 =	vadd.s32 v22, v23;
	[tilespmem:$0x1E0] =	vst v35  }
0x1c1: {  	[tilespmem:$0x1F0] =	vst v23  }
0x1c2: {  	[tilespmem:s30], [sflag:$0x1] =	stream.indirect.gather [hbm4b:s1+s23], $0x80, s29, s23, $0xb8;
	[tilespmem:$0x10A00] =	vst v63  }
0x1c3: {  	_ =	swait.ge [sflag:s31], $0x4000  }
0x1c4: {  	[sflag:s31] =	ssyncset.done $0x0  }
0x1c5: {  	[sflag:s31] =	ssyncadd.s32 $0xFFFFC000  }
0x1c6: {  	[hbm4b:s12+s3] =	stream.linear.scatter [tilespmem:s24], [sflag:$0x2], $0x4000, $0x38;
	[tilespmem:$0x10A00] =	vst v63  }
0x1c7: {  	_ =	swait.ge [sflag:s2], $0x4000  }
0x1c8: {  	[sflag:s2] =	ssyncset.done $0x0  }
0x1c9: {  	[sflag:s2] =	ssyncadd.s32 $0xFFFFC000  }
0x1ca: {  	v23 =	vld [tilespmem:$0x10640]  }
0x1cb: {  	v36 =	vld [tilespmem:$0x106C0];
	_ =	sdelay $0x1  }
0x1cc: {  	v37 =	vld [tilespmem:$0x10740];
	_ =	sdelay $0x1  }
0x1cd: {  	v38 =	vld [tilespmem:$0x107C0]  }
0x1ce: {  	vm8 =	vgt.f32 v36, v23  }
0x1cf: {  	v39 =	vld [tilespmem:$0x10840];
	v23 =	vsel vm8, v36, v23  }
0x1d0: {  	vm9 =	vgt.f32 v37, v23  }
0x1d1: {  	v40 =	vld [tilespmem:$0x108C0];
	v23 =	vsel vm9, v37, v23  }
0x1d2: {  	vm10 =	vgt.f32 v38, v23  }
0x1d3: {  	v41 =	vld [tilespmem:$0x10940];
	v23 =	vsel vm10, v38, v23  }
0x1d4: {  	vm11 =	vgt.f32 v39, v23  }
0x1d5: {  	v43 =	vld [tilespmem:$0x109C0];
	v42 =	vsel vm8, $0x1, v17;
	v23 =	vsel vm11, v39, v23  }
0x1d6: {  	v27 =	vsel vm9, $0x2, v42;
	vm12 =	vgt.f32 v40, v23  }
0x1d7: {  	v27 =	vsel vm10, $0x3, v27;
	v23 =	vsel vm12, v40, v23  }
0x1d8: {  	v44 =	vsel vm11, $0x4, v27;
	vm13 =	vgt.f32 v41, v23  }
0x1d9: {  	v25 =	vsel vm12, $0x5, v44;
	v23 =	vsel vm13, v41, v23  }
0x1da: {  	v25 =	vsel vm13, $0x6, v25;
	vm14 =	vgt.f32 v43, v23  }
0x1db: {  	v23 =	vsel vm14, $0x7, v25  }
0x1dc: {  	v23 =	vadd.s32 v23, v12  }
0x1dd: {  	v45 =	vperm.xlane v23, v18;
	_ =	sdelay $0x1  }
0x1de: {  	v46 =	vadd.s32 v16, v45  }
0x1df: {  	v47 =	vadd.s32 v20, v45;
	[tilespmem:$0x0] =	vst v46  }
0x1e0: {  	v23 =	vperm.xlane v23, v19;
	v48 =	vadd.s32 v21, v45;
	[tilespmem:$0x10] =	vst v47  }
0x1e1: {  	v24 =	vadd.s32 v22, v45;
	[tilespmem:$0x20] =	vst v48  }
0x1e2: {  	v49 =	vadd.s32 v16, v23;
	[tilespmem:$0x30] =	vst v24  }
0x1e3: {  	v50 =	vadd.s32 v20, v23;
	[tilespmem:$0x40] =	vst v49  }
0x1e4: {  	v51 =	vadd.s32 v21, v23;
	[tilespmem:$0x50] =	vst v50  }
0x1e5: {  	v23 =	vadd.s32 v22, v23;
	[tilespmem:$0x60] =	vst v51  }
0x1e6: {  	[tilespmem:$0x70] =	vst v23  }
0x1e7: {  	[tilespmem:s24], [sflag:$0x1] =	stream.indirect.gather [hbm4b:s1+s23], $0x80, s3, s23, $0xb8;
	[tilespmem:$0x10A00] =	vst v63  }
0x1e8: {  	_ =	swait.ge [sflag:s31], $0x4000  }
0x1e9: {  	[sflag:s31] =	ssyncset.done $0x0  }
0x1ea: {  	[sflag:s31] =	ssyncadd.s32 $0xFFFFC000  }
0x1eb: {  	[hbm4b:s13+s3] =	stream.linear.scatter [tilespmem:s25], [sflag:$0x2], $0x4000, $0x38;
	[tilespmem:$0x10A00] =	vst v63  }
0x1ec: {  	_ =	swait.ge [sflag:s2], $0x4000  }
0x1ed: {  	[sflag:s2] =	ssyncset.done $0x0  }
0x1ee: {  	[sflag:s2] =	ssyncadd.s32 $0xFFFFC000  }
0x1ef: {  	v23 =	vld [tilespmem:$0x10650]  }
0x1f0: {  	v52 =	vld [tilespmem:$0x106D0];
	_ =	sdelay $0x1  }
0x1f1: {  	v53 =	vld [tilespmem:$0x10750];
	_ =	sdelay $0x1  }
0x1f2: {  	v54 =	vld [tilespmem:$0x107D0]  }
0x1f3: {  	vm15 =	vgt.f32 v52, v23  }
0x1f4: {  	v55 =	vld [tilespmem:$0x10850];
	v23 =	vsel vm15, v52, v23  }
0x1f5: {  	vm6 =	vgt.f32 v53, v23  }
0x1f6: {  	v56 =	vld [tilespmem:$0x108D0];
	v23 =	vsel vm6, v53, v23  }
0x1f7: {  	vm7 =	vgt.f32 v54, v23  }
0x1f8: {  	v57 =	vld [tilespmem:$0x10950];
	v23 =	vsel vm7, v54, v23  }
0x1f9: {  	vm8 =	vgt.f32 v55, v23  }
0x1fa: {  	v59 =	vld [tilespmem:$0x109D0];
	v58 =	vsel vm15, $0x1, v17;
	v23 =	vsel vm8, v55, v23  }
0x1fb: {  	v27 =	vsel vm6, $0x2, v58;
	vm9 =	vgt.f32 v56, v23  }
0x1fc: {  	v27 =	vsel vm7, $0x3, v27;
	v23 =	vsel vm9, v56, v23  }
0x1fd: {  	v60 =	vsel vm8, $0x4, v27;
	vm10 =	vgt.f32 v57, v23  }
0x1fe: {  	v25 =	vsel vm9, $0x5, v60;
	v23 =	vsel vm10, v57, v23  }
0x1ff: {  	v25 =	vsel vm10, $0x6, v25;
	vm11 =	vgt.f32 v59, v23  }
0x200: {  	v23 =	vsel vm11, $0x7, v25  }
0x201: {  	v23 =	vadd.s32 v23, v13  }
0x202: {  	v61 =	vperm.xlane v23, v18;
	_ =	sdelay $0x1  }
0x203: {  	v62 =	vadd.s32 v16, v61  }
0x204: {  	v63 =	vadd.s32 v20, v61;
	[tilespmem:$0x80] =	vst v62  }
0x205: {  	v23 =	vperm.xlane v23, v19;
	v28 =	vadd.s32 v21, v61;
	[tilespmem:$0x90] =	vst v63  }
0x206: {  	v24 =	vadd.s32 v22, v61;
	[tilespmem:$0xA0] =	vst v28  }
0x207: {  	v29 =	vadd.s32 v16, v23;
	[tilespmem:$0xB0] =	vst v24  }
0x208: {  	v30 =	vadd.s32 v20, v23;
	[tilespmem:$0xC0] =	vst v29  }
0x209: {  	v31 =	vadd.s32 v21, v23;
	[tilespmem:$0xD0] =	vst v30  }
0x20a: {  	v23 =	vadd.s32 v22, v23;
	[tilespmem:$0xE0] =	vst v31  }
0x20b: {  	[tilespmem:$0xF0] =	vst v23  }
0x20c: {  	[tilespmem:s25], [sflag:$0x1] =	stream.indirect.gather [hbm4b:s1+s23], $0x80, s23, s23, $0xb8;
	[tilespmem:$0x10A00] =	vst v63  }
0x20d: {  	_ =	swait.ge [sflag:s31], $0x4000  }
0x20e: {  	[sflag:s31] =	ssyncset.done $0x0  }
0x20f: {  	[sflag:s31] =	ssyncadd.s32 $0xFFFFC000  }
0x210: {  	[hbm4b:s14+s3] =	stream.linear.scatter [tilespmem:s28], [sflag:$0x2], $0x4000, $0x38;
	[tilespmem:$0x10A00] =	vst v63  }
0x211: {  	_ =	swait.ge [sflag:s2], $0x4000  }
0x212: {  	[sflag:s2] =	ssyncset.done $0x0  }
0x213: {  	[sflag:s2] =	ssyncadd.s32 $0xFFFFC000  }
0x214: {  	v23 =	vld [tilespmem:$0x10660]  }
0x215: {  	v32 =	vld [tilespmem:$0x106E0];
	_ =	sdelay $0x1  }
0x216: {  	v33 =	vld [tilespmem:$0x10760];
	_ =	sdelay $0x1  }
0x217: {  	v34 =	vld [tilespmem:$0x107E0]  }
0x218: {  	vm12 =	vgt.f32 v32, v23  }
0x219: {  	v35 =	vld [tilespmem:$0x10860];
	v23 =	vsel vm12, v32, v23  }
0x21a: {  	vm13 =	vgt.f32 v33, v23  }
0x21b: {  	v36 =	vld [tilespmem:$0x108E0];
	v23 =	vsel vm13, v33, v23  }
0x21c: {  	vm14 =	vgt.f32 v34, v23  }
0x21d: {  	v37 =	vld [tilespmem:$0x10960];
	v23 =	vsel vm14, v34, v23  }
0x21e: {  	vm15 =	vgt.f32 v35, v23  }
0x21f: {  	v39 =	vld [tilespmem:$0x109E0];
	v38 =	vsel vm12, $0x1, v17;
	v23 =	vsel vm15, v35, v23  }
0x220: {  	v27 =	vsel vm13, $0x2, v38;
	vm6 =	vgt.f32 v36, v23  }
0x221: {  	v27 =	vsel vm14, $0x3, v27;
	v23 =	vsel vm6, v36, v23  }
0x222: {  	v40 =	vsel vm15, $0x4, v27;
	vm7 =	vgt.f32 v37, v23  }
0x223: {  	v25 =	vsel vm6, $0x5, v40;
	v23 =	vsel vm7, v37, v23  }
0x224: {  	v25 =	vsel vm7, $0x6, v25;
	vm8 =	vgt.f32 v39, v23  }
0x225: {  	v23 =	vsel vm8, $0x7, v25  }
0x226: {  	v23 =	vadd.s32 v23, v14  }
0x227: {  	v41 =	vperm.xlane v23, v18;
	_ =	sdelay $0x1  }
0x228: {  	v42 =	vadd.s32 v16, v41  }
0x229: {  	v43 =	vadd.s32 v20, v41;
	[tilespmem:$0x100] =	vst v42  }
0x22a: {  	v23 =	vperm.xlane v23, v19;
	v44 =	vadd.s32 v21, v41;
	[tilespmem:$0x110] =	vst v43  }
0x22b: {  	v24 =	vadd.s32 v22, v41;
	[tilespmem:$0x120] =	vst v44  }
0x22c: {  	v45 =	vadd.s32 v16, v23;
	[tilespmem:$0x130] =	vst v24  }
0x22d: {  	v46 =	vadd.s32 v20, v23;
	[tilespmem:$0x140] =	vst v45  }
0x22e: {  	v47 =	vadd.s32 v21, v23;
	[tilespmem:$0x150] =	vst v46  }
0x22f: {  	v23 =	vadd.s32 v22, v23;
	[tilespmem:$0x160] =	vst v47  }
0x230: {  	[tilespmem:$0x170] =	vst v23  }
0x231: {  	[tilespmem:s28], [sflag:$0x1] =	stream.indirect.gather [hbm4b:s1+s23], $0x80, s26, s23, $0xb8;
	[tilespmem:$0x10A00] =	vst v63  }
0x232: {  	_ =	swait.ge [sflag:s31], $0x4000  }
0x233: {  	[sflag:s31] =	ssyncset.done $0x0  }
0x234: {  	[sflag:s31] =	ssyncadd.s32 $0xFFFFC000  }
0x235: {  	[hbm4b:s15+s3] =	stream.linear.scatter [tilespmem:s30], [sflag:$0x2], $0x4000, $0x38;
	[tilespmem:$0x10A00] =	vst v63  }
0x236: {  	_ =	swait.ge [sflag:s2], $0x4000  }
0x237: {  	[sflag:s2] =	ssyncset.done $0x0  }
0x238: {  	[sflag:s2] =	ssyncadd.s32 $0xFFFFC000  }
0x239: {  	v23 =	vld [tilespmem:$0x10670]  }
0x23a: {  	v48 =	vld [tilespmem:$0x106F0];
	_ =	sdelay $0x1  }
0x23b: {  	v49 =	vld [tilespmem:$0x10770];
	_ =	sdelay $0x1  }
0x23c: {  	v50 =	vld [tilespmem:$0x107F0]  }
0x23d: {  	vm9 =	vgt.f32 v48, v23  }
0x23e: {  	v51 =	vld [tilespmem:$0x10870];
	v23 =	vsel vm9, v48, v23  }
0x23f: {  	vm10 =	vgt.f32 v49, v23  }
0x240: {  	v52 =	vld [tilespmem:$0x108F0];
	v23 =	vsel vm10, v49, v23  }
0x241: {  	vm11 =	vgt.f32 v50, v23  }
0x242: {  	v53 =	vld [tilespmem:$0x10970];
	v23 =	vsel vm11, v50, v23  }
0x243: {  	vm12 =	vgt.f32 v51, v23  }
0x244: {  	v55 =	vld [tilespmem:$0x109F0];
	v54 =	vsel vm9, $0x1, v17;
	v23 =	vsel vm12, v51, v23  }
0x245: {  	v27 =	vsel vm10, $0x2, v54;
	vm13 =	vgt.f32 v52, v23  }
0x246: {  	v27 =	vsel vm11, $0x3, v27;
	v23 =	vsel vm13, v52, v23  }
0x247: {  	v56 =	vsel vm12, $0x4, v27;
	vm14 =	vgt.f32 v53, v23  }
0x248: {  	v25 =	vsel vm13, $0x5, v56;
	v23 =	vsel vm14, v53, v23  }
0x249: {  	v25 =	vsel vm14, $0x6, v25;
	vm15 =	vgt.f32 v55, v23  }
0x24a: {  	v23 =	vsel vm15, $0x7, v25  }
0x24b: {  	v23 =	vadd.s32 v23, v15  }
0x24c: {  	v57 =	vperm.xlane v23, v18;
	_ =	sdelay $0x1  }
0x24d: {  	v58 =	vadd.s32 v16, v57  }
0x24e: {  	v59 =	vadd.s32 v20, v57;
	[tilespmem:$0x180] =	vst v58  }
0x24f: {  	v23 =	vperm.xlane v23, v19;
	v60 =	vadd.s32 v21, v57;
	[tilespmem:$0x190] =	vst v59  }
0x250: {  	v24 =	vadd.s32 v22, v57;
	[tilespmem:$0x1A0] =	vst v60  }
0x251: {  	v61 =	vadd.s32 v16, v23;
	[tilespmem:$0x1B0] =	vst v24  }
0x252: {  	v62 =	vadd.s32 v20, v23;
	[tilespmem:$0x1C0] =	vst v61  }
0x253: {  	v63 =	vadd.s32 v21, v23;
	[tilespmem:$0x1D0] =	vst v62  }
0x254: {  	v23 =	vadd.s32 v22, v23;
	[tilespmem:$0x1E0] =	vst v63  }
0x255: {  	[tilespmem:$0x1F0] =	vst v23  }
0x256: {  	[tilespmem:s30], [sflag:$0x1] =	stream.indirect.gather [hbm4b:s1+s23], $0x80, s29, s23, $0xb8;
	[tilespmem:$0x10A00] =	vst v63  }
0x257: {  	_ =	swait.ge [sflag:s31], $0x4000  }
0x258: {  	[sflag:s31] =	ssyncset.done $0x0  }
0x259: {  	[sflag:s31] =	ssyncadd.s32 $0xFFFFC000  }
0x25a: {  	[hbm4b:s16+s3] =	stream.linear.scatter [tilespmem:s24], [sflag:$0x2], $0x4000, $0x38;
	[tilespmem:$0x10A00] =	vst v63  }
0x25b: {  	_ =	swait.ge [sflag:s31], $0x4000  }
0x25c: {  	[sflag:s31] =	ssyncset.done $0x0  }
0x25d: {  	[sflag:s31] =	ssyncadd.s32 $0xFFFFC000  }
0x25e: {  	[hbm4b:s17+s3] =	stream.linear.scatter [tilespmem:s25], [sflag:$0x2], $0x4000, $0x38;
	[tilespmem:$0x10A00] =	vst v63  }
0x25f: {  	_ =	swait.ge [sflag:s31], $0x4000  }
0x260: {  	[sflag:s31] =	ssyncset.done $0x0  }
0x261: {  	[sflag:s31] =	ssyncadd.s32 $0xFFFFC000  }
0x262: {  	[hbm4b:s18+s3] =	stream.linear.scatter [tilespmem:s28], [sflag:$0x2], $0x4000, $0x38;
	[tilespmem:$0x10A00] =	vst v63  }
0x263: {  	_ =	swait.ge [sflag:s31], $0x4000  }
0x264: {  	[sflag:s31] =	ssyncset.done $0x0  }
0x265: {  	[sflag:s31] =	ssyncadd.s32 $0xFFFFC000  }
0x266: {  	[hbm4b:s19+s3] =	stream.linear.scatter [tilespmem:s30], [sflag:$0x2], $0x4000, $0x38;
	[tilespmem:$0x10A00] =	vst v63  }
0x267: {  	_ =	swait.ge [sflag:s2], $0x4000  }
0x268: {  	[sflag:s2] =	ssyncset.done $0x0  }
0x269: {  	[sflag:s2] =	ssyncadd.s32 $0xFFFFC000  }
0x26a: {  	_ =	swait.ge [sflag:s2], $0x4000  }
0x26b: {  	[sflag:s2] =	ssyncset.done $0x0  }
0x26c: {  	[sflag:s2] =	ssyncadd.s32 $0xFFFFC000  }
0x26d: {  	p0 =	sne.s32 s20, $0x1;
	_ =	swait.ge [sflag:s2], $0x4000  }
.Ltmp0:
0x26e: {  	[sflag:s2] =	ssyncset.done $0x0;
	(pc) =	sbr.rel @p0 .LBB2_1-.Ltmp0, $4  }
0x26f: {  	[sflag:s2] =	ssyncadd.s32 $0xFFFFC000  }
0x270: {  	_ =	swait.ge [sflag:s2], $0x4000  }
0x271: {  	[sflag:s2] =	ssyncset.done $0x0  }
0x272: {  	s20 =	sadd.s32 $0xFFFFFFFF, s20;
	[sflag:s2] =	ssyncadd.s32 $0xFFFFC000  }
0x273: {  	_ =	sfence.sel $0x180000  }
0x274: {  	[bflag:$0x0] =	sbarrier.arrive $0xFFFF  }
0x275: {  	_ =	strace $0x90000047  }
0x276: {  	s0 =	stileid.u32;
	[bflag:$0x2] =	sbarrier.arrive $0xFFFF  }
0x277: {  	p0 =	sne.s32 s0, $0x0;
	s0 =	rddreg [dreg:$0x3]  }
0x278: {  	s0 =	sadd.s32 @!p0 $0x100000, s0  }
0x279: {  	[sflag:s0] =	ssyncadd.tile.s32 @!p0 $0x1;
	_ =	shalt  }
.Lfunc_end2:
_tile_overlayer_lowered:
.L_overlay_start_2:
0x27a: {  	(tag) =	ssettag $0x2  }
0x27b: {  	s0 =	rddreg [dreg:$0x0];
	s2 =	stileid.u32  }
0x27c: {  	s1 =	rddreg [dreg:$0x1];
	p0 =	sne.s32 s2, $0x0  }
0x27d: {  	s3 =	rddreg [dreg:$0x2];
	[bflag:$0x3] =	sbarrier.arrive $0xFFFF;
	s2 =	simm.s32 @!p0 $0x1C03  }
0x27e: {  	[timem:s3], [sflag:s2] =	dma.local @!p0 [hbm:s0], s1  }
0x27f: {  	s0 =	simm.s32 @!p0 $0x3  }
0x280: {  	_ =	swait.ge @!p0 [sflag:s0], s1  }
0x281: {  	s1 =	ssub.s32 @!p0 $0x0, s1;
	[sflag:s0] =	ssyncset.done @!p0 $0x0  }
0x282: {  	[sflag:s0] =	ssyncadd.s32 @!p0 s1  }
0x283: {  	[bflag:$0x3] =	sbarrier.arrive $0xFFFF  }
0x284: {  	_ =	shalt  }

</sc_bundles>
